<compile_context>
chip_gen: v7x
topology: tpu7x:2x2x1
jax: 0.10.2.dev20260603
libtpu: 0.0.44.dev20260713+nightly
codegen_flags: <defaults>
</compile_context>

<pallas_src>
import jax
import jax.numpy as jnp
from jax import lax
from jax.experimental import pallas as pl
from jax.experimental.pallas import tpu as pltpu
from jax.experimental.pallas import tpu_sc as plsc

VOCAB = 1000000
D = 32
BATCH = 16384
FIELDS = 26
B = BATCH * FIELDS

NC = 2
NS = 16
NW = NC * NS
PER_W = B // NW
G = 128
K = 13
SC_ROWS = G * K
NSC = PER_W // SC_ROWS
NCH = PER_W // G
MAIN_COLS = 61 * 32 * 512


def _repack_body(tableT_hbm, tail_hbm, packed_hbm, a_v, b_v, sem_in, sem_out):
    wid = lax.axis_index("s") * NC + lax.axis_index("c")
    lane = lax.iota(jnp.int32, 16)
    lane32 = lane * 32
    rots = [(lane + j) % 16 for j in range(16)]

    def transpose_group(pin, p, nq):
        pvec = jnp.full((16,), pin, jnp.int32)
        pbase = lane32 + p * 16384

        def qbody(q, c2):
            k = jnp.full((16,), q // 8, jnp.int32)
            col = (q % 8) * 16 + lane
            for h in range(2):
                base = pbase + (q * 512 + h * 16)
                for j in range(16):
                    row = rots[j] + (h * 16)
                    vec = plsc.load_gather(a_v, [pvec, k, row, col])
                    plsc.store_scatter(b_v, [base + rots[j]], vec)
            return c2
        lax.fori_loop(0, nq, qbody, 0)

    def in_copies(i, p):
        grp = i * 32 + wid
        c0 = grp * 512
        return [pltpu.make_async_copy(
            tableT_hbm.at[:, pl.ds(c0 + kk * 128, 128)],
            a_v.at[p, kk], sem_in.at[p]) for kk in range(4)]

    def out_copy(i, p):
        grp = i * 32 + wid
        c0 = grp * 512
        return pltpu.make_async_copy(
            b_v.at[pl.ds(p * 16384, 16384)],
            packed_hbm.at[pl.ds(c0 * 32, 16384)], sem_out.at[p])

    for c in in_copies(0, 0):
        c.start()

    def grp_body(i, carry):
        p = lax.rem(i, 2)
        for c in in_copies(i, p):
            c.wait()

        @pl.when(i + 1 < 61)
        def _prefetch():
            for c in in_copies(i + 1, 1 - p):
                c.start()

        @pl.when(i >= 2)
        def _drain():
            out_copy(i - 2, p).wait()
        transpose_group(p, p, 32)
        out_copy(i, p).start()
        return carry
    lax.fori_loop(0, 61, grp_body, 0)
    out_copy(59, 1).wait()
    out_copy(60, 0).wait()

    @pl.when(wid < 4)
    def _tail():
        off = wid * 4608
        pltpu.sync_copy(tail_hbm.at[pl.ds(off, 4608)],
                        b_v.at[pl.ds(0, 4608)])
        pltpu.sync_copy(b_v.at[pl.ds(0, 4608)],
                        packed_hbm.at[pl.ds(MAIN_COLS * D + off, 4608)])


def _gather_body(table_hbm, idsT_hbm, valsT_hbm, out_hbm,
                 ids_v, vals_v, rows_v, stage_v, sem_g, sem_o):
    wid = lax.axis_index("s") * NC + lax.axis_index("c")
    b0 = wid * 512
    lane = lax.iota(jnp.int32, 16)
    lane32 = lane * 32
    rots = [(lane + j) % 16 for j in range(16)]
    dparts = [(r >> 3) * 4096 + (r & 7) * 128 for r in rots]

    pltpu.sync_copy(idsT_hbm.at[:, pl.ds(b0, 512)], ids_v)
    pltpu.sync_copy(valsT_hbm.at[:, pl.ds(b0, 512)], vals_v)

    def g_copies(f, p):
        return [pltpu.make_async_copy(
            table_hbm.at[ids_v.at[f, pl.ds(c * 128, 128)]],
            rows_v.at[p, pl.ds(c * 128, 128)], sem_g.at[p])
            for c in range(4)]

    def out_copies(f, p):
        cps = []
        for dt in range(4):
            off = f * 524288 + dt * 131072 + wid * 4096
            cps.append(pltpu.make_async_copy(
                stage_v.at[pl.ds(p * 16384 + dt * 4096, 4096)],
                out_hbm.at[pl.ds(off, 4096)], sem_o.at[p]))
        return cps

    def transpose_scale(f, pin, p):
        pvec = jnp.full((16,), pin, jnp.int32)

        def qbody(q, c2):
            vv = vals_v[f, pl.ds(q * 16, 16)]
            bvec = q * 16 + lane
            sbase = (p * 16384 + (q >> 3) * 1024 + (q & 7) * 16) + lane
            for h in range(2):
                sb2 = sbase + h * 8192
                for j in range(16):
                    dvec = rots[j] + h * 16
                    vec = plsc.load_gather(rows_v, [pvec, bvec, dvec])
                    plsc.store_scatter(stage_v, [sb2 + dparts[j]], vec * vv)
            return c2
        lax.fori_loop(0, 32, qbody, 0)

    for cp in g_copies(0, 0):
        cp.start()

    def fbody(f, carry):
        p = lax.rem(f, 2)
        for cp in g_copies(f, p):
            cp.wait()

        @pl.when(f + 1 < FIELDS)
        def _prefetch():
            for cp in g_copies(f + 1, 1 - p):
                cp.start()

        @pl.when(f >= 2)
        def _drain():
            for cp in out_copies(f - 2, p):
                cp.wait()
        transpose_scale(f, p, p)
        for cp in out_copies(f, p):
            cp.start()
        return carry
    lax.fori_loop(0, FIELDS, fbody, 0)
    for cp in out_copies(FIELDS - 2, 0):
        cp.wait()
    for cp in out_copies(FIELDS - 1, 1):
        cp.wait()


@jax.jit
def kernel(embedding, inputs_id, inputs_value):
    idsT = inputs_id.astype(jnp.int32).T
    valsT = inputs_value.T
    mesh = plsc.VectorSubcoreMesh(core_axis_name="c", subcore_axis_name="s")
    packed = pl.kernel(
        _repack_body,
        mesh=mesh,
        compiler_params=pltpu.CompilerParams(needs_layout_passes=False),
        out_type=jax.ShapeDtypeStruct((VOCAB * D,), jnp.float32),
        scratch_types=[
            pltpu.VMEM((2, 4, 32, 128), jnp.float32),
            pltpu.VMEM((32768,), jnp.float32),
            pltpu.SemaphoreType.DMA((2,)),
            pltpu.SemaphoreType.DMA((2,)),
        ],
    )(embedding.T, embedding[MAIN_COLS:, :].reshape(-1))
    table_lin = packed.reshape(VOCAB, D)
    out_flat = pl.kernel(
        _gather_body,
        mesh=mesh,
        compiler_params=pltpu.CompilerParams(
            use_tc_tiling_on_sc=False, needs_layout_passes=False),
        out_type=jax.ShapeDtypeStruct((B * D,), jnp.float32),
        scratch_types=[
            pltpu.VMEM((FIELDS, 512), jnp.int32),
            pltpu.VMEM((FIELDS, 512), jnp.float32),
            pltpu.VMEM((2, 512, D), jnp.float32),
            pltpu.VMEM((32768,), jnp.float32),
            pltpu.SemaphoreType.DMA((2,)),
            pltpu.SemaphoreType.DMA((2,)),
        ],
    )(table_lin, idsT, valsT)
    out5 = out_flat.reshape(FIELDS, 4, 128, 8, 128)
    return out5.transpose(2, 4, 0, 1, 3).reshape(BATCH, FIELDS, D)

# --- scband reference (transcript-rebuilt; emitter-appended) ---
"""Pipeline reference for scband-my-embedding-layer-49744311222895 (READ-ONLY COPY).

The authoritative reference and input builder live on the scoring server;
editing this copy changes nothing except your own understanding.
"""

import jax, jax.numpy as jnp
import numpy as np

VOCAB = 1000000
EMBED_DIM = 32
BATCH = 16384
FIELDS = 26

def setup_inputs(seed: int = 0) -> dict:
    key = jax.random.key(seed)
    k_emb, k_id, k_val = jax.random.split(key, 3)
    embedding = jax.random.normal(k_emb, (VOCAB, EMBED_DIM), dtype=jnp.float32)
    inputs_id = jax.random.randint(k_id, (BATCH, FIELDS), 0, VOCAB, dtype=jnp.int64)
    inputs_value = jax.random.uniform(k_val, (BATCH, FIELDS), dtype=jnp.float32)
    return {"embedding": embedding, "inputs_id": inputs_id, "inputs_value": inputs_value}

def reference(embedding, inputs_id, inputs_value):
    # tf.nn.embedding_lookup(self.embedding, inputs_id) * tf.expand_dims(inputs_value, -1)
    gathered = jnp.take(embedding, inputs_id, axis=0)
    return gathered * jnp.expand_dims(inputs_value, -1)

if __name__ == "__main__":
    import jax
    _d = setup_inputs()
    print(jax.jit(kernel)(*tuple(_d.values())))

</pallas_src>

<mosaic_0001>
#map = affine_map<(d0, d1) -> (0, 0)>
#map1 = affine_map<(d0, d1) -> (0)>
module attributes {stable_mosaic.version = 14 : i64} {
  func.func @_repack_body(%arg0: i32, %arg1: i32, %arg2: memref<32x1000000xf32, #tpu.memory_space<hbm>>, %arg3: memref<18432xf32, #tpu.memory_space<hbm>>, %arg4: memref<32000000xf32, #tpu.memory_space<hbm>>, %arg5: memref<2x4x32x128xf32, #tpu.memory_space<vmem>>, %arg6: memref<32768xf32, #tpu.memory_space<vmem>>, %arg7: memref<2x!tpu.dma_semaphore, #tpu.memory_space<semaphore_mem>>, %arg8: memref<2x!tpu.dma_semaphore, #tpu.memory_space<semaphore_mem>>) attributes {dimension_semantics = [#tpu.dimension_semantics<core_parallel>, #tpu.dimension_semantics<subcore_parallel>], iteration_bounds = array<i64: 2, 16>, scalar_prefetch = 0 : i64, scratch_operands = 4 : i64, tpu.core_type = #tpu.core_type<sc_vector_subcore>, window_params = [{transform_indices = #map}, {transform_indices = #map1}, {transform_indices = #map1}]} {
    %mul3A = arith.constant 2 : i32
    %mul3A_0 = arith.muli %arg1, %mul3A : i32
    %add3A = arith.addi %mul3A_0, %arg0 : i32
    %iota3A = tpu.iota {dimensions = array<i32: 0>} : vector<16xi32>
    %mul3A_1 = arith.constant 32 : i32
    %mul3A_2 = vector.broadcast %mul3A_1 : i32 to vector<16xi32>
    %mul3A_3 = arith.muli %iota3A, %mul3A_2 : vector<16xi32>
    %add3A_4 = arith.constant 0 : i32
    %add3A_5 = vector.broadcast %add3A_4 : i32 to vector<16xi32>
    %add3A_6 = arith.addi %iota3A, %add3A_5 : vector<16xi32>
    %jit3A = arith.constant 16 : i32
    %eq3A = arith.constant 0 : i32
    %eq3A_7 = arith.cmpi eq, %jit3A, %eq3A : i32
    %jit3A_8 = arith.constant 1 : i32
    %select_n3A = arith.select %eq3A_7, %jit3A_8, %jit3A : i32
    %rem3A = vector.broadcast %select_n3A : i32 to vector<16xi32>
    %rem3A_9 = arith.remsi %add3A_6, %rem3A : vector<16xi32>
    %ne3A = arith.constant 0 : i32
    %ne3A_10 = vector.broadcast %ne3A : i32 to vector<16xi32>
    %ne3A_11 = arith.cmpi ne, %rem3A_9, %ne3A_10 : vector<16xi32>
    %lt3A = arith.constant 0 : i32
    %lt3A_12 = vector.broadcast %lt3A : i32 to vector<16xi32>
    %lt3A_13 = arith.cmpi slt, %rem3A_9, %lt3A_12 : vector<16xi32>
    %lt3A_14 = arith.constant 0 : i32
    %lt3A_15 = arith.cmpi slt, %select_n3A, %lt3A_14 : i32
    %ne3A_16 = vector.broadcast %lt3A_15 : i1 to vector<16xi1>
    %ne3A_17 = vector.broadcast %ne3A_16 : vector<16xi1> to vector<16xi1>
    %ne3A_18 = arith.xori %lt3A_13, %ne3A_17 : vector<16xi1>
    %and3A = arith.andi %ne3A_18, %ne3A_11 : vector<16xi1>
    %add3A_19 = vector.broadcast %select_n3A : i32 to vector<16xi32>
    %add3A_20 = arith.addi %rem3A_9, %add3A_19 : vector<16xi32>
    %select_n3A_21 = arith.select %and3A, %add3A_20, %rem3A_9 : vector<16xi1>, vector<16xi32>
    %add3A_22 = arith.constant 1 : i32
    %add3A_23 = vector.broadcast %add3A_22 : i32 to vector<16xi32>
    %add3A_24 = arith.addi %iota3A, %add3A_23 : vector<16xi32>
    %jit3A_25 = arith.constant 16 : i32
    %eq3A_26 = arith.constant 0 : i32
    %eq3A_27 = arith.cmpi eq, %jit3A_25, %eq3A_26 : i32
    %jit3A_28 = arith.constant 1 : i32
    %select_n3A_29 = arith.select %eq3A_27, %jit3A_28, %jit3A_25 : i32
    %rem3A_30 = vector.broadcast %select_n3A_29 : i32 to vector<16xi32>
    %rem3A_31 = arith.remsi %add3A_24, %rem3A_30 : vector<16xi32>
    %ne3A_32 = arith.constant 0 : i32
    %ne3A_33 = vector.broadcast %ne3A_32 : i32 to vector<16xi32>
    %ne3A_34 = arith.cmpi ne, %rem3A_31, %ne3A_33 : vector<16xi32>
    %lt3A_35 = arith.constant 0 : i32
    %lt3A_36 = vector.broadcast %lt3A_35 : i32 to vector<16xi32>
    %lt3A_37 = arith.cmpi slt, %rem3A_31, %lt3A_36 : vector<16xi32>
    %lt3A_38 = arith.constant 0 : i32
    %lt3A_39 = arith.cmpi slt, %select_n3A_29, %lt3A_38 : i32
    %ne3A_40 = vector.broadcast %lt3A_39 : i1 to vector<16xi1>
    %ne3A_41 = vector.broadcast %ne3A_40 : vector<16xi1> to vector<16xi1>
    %ne3A_42 = arith.xori %lt3A_37, %ne3A_41 : vector<16xi1>
    %and3A_43 = arith.andi %ne3A_42, %ne3A_34 : vector<16xi1>
    %add3A_44 = vector.broadcast %select_n3A_29 : i32 to vector<16xi32>
    %add3A_45 = arith.addi %rem3A_31, %add3A_44 : vector<16xi32>
    %select_n3A_46 = arith.select %and3A_43, %add3A_45, %rem3A_31 : vector<16xi1>, vector<16xi32>
    %add3A_47 = arith.constant 2 : i32
    %add3A_48 = vector.broadcast %add3A_47 : i32 to vector<16xi32>
    %add3A_49 = arith.addi %iota3A, %add3A_48 : vector<16xi32>
    %jit3A_50 = arith.constant 16 : i32
    %eq3A_51 = arith.constant 0 : i32
    %eq3A_52 = arith.cmpi eq, %jit3A_50, %eq3A_51 : i32
    %jit3A_53 = arith.constant 1 : i32
    %select_n3A_54 = arith.select %eq3A_52, %jit3A_53, %jit3A_50 : i32
    %rem3A_55 = vector.broadcast %select_n3A_54 : i32 to vector<16xi32>
    %rem3A_56 = arith.remsi %add3A_49, %rem3A_55 : vector<16xi32>
    %ne3A_57 = arith.constant 0 : i32
    %ne3A_58 = vector.broadcast %ne3A_57 : i32 to vector<16xi32>
    %ne3A_59 = arith.cmpi ne, %rem3A_56, %ne3A_58 : vector<16xi32>
    %lt3A_60 = arith.constant 0 : i32
    %lt3A_61 = vector.broadcast %lt3A_60 : i32 to vector<16xi32>
    %lt3A_62 = arith.cmpi slt, %rem3A_56, %lt3A_61 : vector<16xi32>
    %lt3A_63 = arith.constant 0 : i32
    %lt3A_64 = arith.cmpi slt, %select_n3A_54, %lt3A_63 : i32
    %ne3A_65 = vector.broadcast %lt3A_64 : i1 to vector<16xi1>
    %ne3A_66 = vector.broadcast %ne3A_65 : vector<16xi1> to vector<16xi1>
    %ne3A_67 = arith.xori %lt3A_62, %ne3A_66 : vector<16xi1>
    %and3A_68 = arith.andi %ne3A_67, %ne3A_59 : vector<16xi1>
    %add3A_69 = vector.broadcast %select_n3A_54 : i32 to vector<16xi32>
    %add3A_70 = arith.addi %rem3A_56, %add3A_69 : vector<16xi32>
    %select_n3A_71 = arith.select %and3A_68, %add3A_70, %rem3A_56 : vector<16xi1>, vector<16xi32>
    %add3A_72 = arith.constant 3 : i32
    %add3A_73 = vector.broadcast %add3A_72 : i32 to vector<16xi32>
    %add3A_74 = arith.addi %iota3A, %add3A_73 : vector<16xi32>
    %jit3A_75 = arith.constant 16 : i32
    %eq3A_76 = arith.constant 0 : i32
    %eq3A_77 = arith.cmpi eq, %jit3A_75, %eq3A_76 : i32
    %jit3A_78 = arith.constant 1 : i32
    %select_n3A_79 = arith.select %eq3A_77, %jit3A_78, %jit3A_75 : i32
    %rem3A_80 = vector.broadcast %select_n3A_79 : i32 to vector<16xi32>
    %rem3A_81 = arith.remsi %add3A_74, %rem3A_80 : vector<16xi32>
    %ne3A_82 = arith.constant 0 : i32
    %ne3A_83 = vector.broadcast %ne3A_82 : i32 to vector<16xi32>
    %ne3A_84 = arith.cmpi ne, %rem3A_81, %ne3A_83 : vector<16xi32>
    %lt3A_85 = arith.constant 0 : i32
    %lt3A_86 = vector.broadcast %lt3A_85 : i32 to vector<16xi32>
    %lt3A_87 = arith.cmpi slt, %rem3A_81, %lt3A_86 : vector<16xi32>
    %lt3A_88 = arith.constant 0 : i32
    %lt3A_89 = arith.cmpi slt, %select_n3A_79, %lt3A_88 : i32
    %ne3A_90 = vector.broadcast %lt3A_89 : i1 to vector<16xi1>
    %ne3A_91 = vector.broadcast %ne3A_90 : vector<16xi1> to vector<16xi1>
    %ne3A_92 = arith.xori %lt3A_87, %ne3A_91 : vector<16xi1>
    %and3A_93 = arith.andi %ne3A_92, %ne3A_84 : vector<16xi1>
    %add3A_94 = vector.broadcast %select_n3A_79 : i32 to vector<16xi32>
    %add3A_95 = arith.addi %rem3A_81, %add3A_94 : vector<16xi32>
    %select_n3A_96 = arith.select %and3A_93, %add3A_95, %rem3A_81 : vector<16xi1>, vector<16xi32>
    %add3A_97 = arith.constant 4 : i32
    %add3A_98 = vector.broadcast %add3A_97 : i32 to vector<16xi32>
    %add3A_99 = arith.addi %iota3A, %add3A_98 : vector<16xi32>
    %jit3A_100 = arith.constant 16 : i32
    %eq3A_101 = arith.constant 0 : i32
    %eq3A_102 = arith.cmpi eq, %jit3A_100, %eq3A_101 : i32
    %jit3A_103 = arith.constant 1 : i32
    %select_n3A_104 = arith.select %eq3A_102, %jit3A_103, %jit3A_100 : i32
    %rem3A_105 = vector.broadcast %select_n3A_104 : i32 to vector<16xi32>
    %rem3A_106 = arith.remsi %add3A_99, %rem3A_105 : vector<16xi32>
    %ne3A_107 = arith.constant 0 : i32
    %ne3A_108 = vector.broadcast %ne3A_107 : i32 to vector<16xi32>
    %ne3A_109 = arith.cmpi ne, %rem3A_106, %ne3A_108 : vector<16xi32>
    %lt3A_110 = arith.constant 0 : i32
    %lt3A_111 = vector.broadcast %lt3A_110 : i32 to vector<16xi32>
    %lt3A_112 = arith.cmpi slt, %rem3A_106, %lt3A_111 : vector<16xi32>
    %lt3A_113 = arith.constant 0 : i32
    %lt3A_114 = arith.cmpi slt, %select_n3A_104, %lt3A_113 : i32
    %ne3A_115 = vector.broadcast %lt3A_114 : i1 to vector<16xi1>
    %ne3A_116 = vector.broadcast %ne3A_115 : vector<16xi1> to vector<16xi1>
    %ne3A_117 = arith.xori %lt3A_112, %ne3A_116 : vector<16xi1>
    %and3A_118 = arith.andi %ne3A_117, %ne3A_109 : vector<16xi1>
    %add3A_119 = vector.broadcast %select_n3A_104 : i32 to vector<16xi32>
    %add3A_120 = arith.addi %rem3A_106, %add3A_119 : vector<16xi32>
    %select_n3A_121 = arith.select %and3A_118, %add3A_120, %rem3A_106 : vector<16xi1>, vector<16xi32>
    %add3A_122 = arith.constant 5 : i32
    %add3A_123 = vector.broadcast %add3A_122 : i32 to vector<16xi32>
    %add3A_124 = arith.addi %iota3A, %add3A_123 : vector<16xi32>
    %jit3A_125 = arith.constant 16 : i32
    %eq3A_126 = arith.constant 0 : i32
    %eq3A_127 = arith.cmpi eq, %jit3A_125, %eq3A_126 : i32
    %jit3A_128 = arith.constant 1 : i32
    %select_n3A_129 = arith.select %eq3A_127, %jit3A_128, %jit3A_125 : i32
    %rem3A_130 = vector.broadcast %select_n3A_129 : i32 to vector<16xi32>
    %rem3A_131 = arith.remsi %add3A_124, %rem3A_130 : vector<16xi32>
    %ne3A_132 = arith.constant 0 : i32
    %ne3A_133 = vector.broadcast %ne3A_132 : i32 to vector<16xi32>
    %ne3A_134 = arith.cmpi ne, %rem3A_131, %ne3A_133 : vector<16xi32>
    %lt3A_135 = arith.constant 0 : i32
    %lt3A_136 = vector.broadcast %lt3A_135 : i32 to vector<16xi32>
    %lt3A_137 = arith.cmpi slt, %rem3A_131, %lt3A_136 : vector<16xi32>
    %lt3A_138 = arith.constant 0 : i32
    %lt3A_139 = arith.cmpi slt, %select_n3A_129, %lt3A_138 : i32
    %ne3A_140 = vector.broadcast %lt3A_139 : i1 to vector<16xi1>
    %ne3A_141 = vector.broadcast %ne3A_140 : vector<16xi1> to vector<16xi1>
    %ne3A_142 = arith.xori %lt3A_137, %ne3A_141 : vector<16xi1>
    %and3A_143 = arith.andi %ne3A_142, %ne3A_134 : vector<16xi1>
    %add3A_144 = vector.broadcast %select_n3A_129 : i32 to vector<16xi32>
    %add3A_145 = arith.addi %rem3A_131, %add3A_144 : vector<16xi32>
    %select_n3A_146 = arith.select %and3A_143, %add3A_145, %rem3A_131 : vector<16xi1>, vector<16xi32>
    %add3A_147 = arith.constant 6 : i32
    %add3A_148 = vector.broadcast %add3A_147 : i32 to vector<16xi32>
    %add3A_149 = arith.addi %iota3A, %add3A_148 : vector<16xi32>
    %jit3A_150 = arith.constant 16 : i32
    %eq3A_151 = arith.constant 0 : i32
    %eq3A_152 = arith.cmpi eq, %jit3A_150, %eq3A_151 : i32
    %jit3A_153 = arith.constant 1 : i32
    %select_n3A_154 = arith.select %eq3A_152, %jit3A_153, %jit3A_150 : i32
    %rem3A_155 = vector.broadcast %select_n3A_154 : i32 to vector<16xi32>
    %rem3A_156 = arith.remsi %add3A_149, %rem3A_155 : vector<16xi32>
    %ne3A_157 = arith.constant 0 : i32
    %ne3A_158 = vector.broadcast %ne3A_157 : i32 to vector<16xi32>
    %ne3A_159 = arith.cmpi ne, %rem3A_156, %ne3A_158 : vector<16xi32>
    %lt3A_160 = arith.constant 0 : i32
    %lt3A_161 = vector.broadcast %lt3A_160 : i32 to vector<16xi32>
    %lt3A_162 = arith.cmpi slt, %rem3A_156, %lt3A_161 : vector<16xi32>
    %lt3A_163 = arith.constant 0 : i32
    %lt3A_164 = arith.cmpi slt, %select_n3A_154, %lt3A_163 : i32
    %ne3A_165 = vector.broadcast %lt3A_164 : i1 to vector<16xi1>
    %ne3A_166 = vector.broadcast %ne3A_165 : vector<16xi1> to vector<16xi1>
    %ne3A_167 = arith.xori %lt3A_162, %ne3A_166 : vector<16xi1>
    %and3A_168 = arith.andi %ne3A_167, %ne3A_159 : vector<16xi1>
    %add3A_169 = vector.broadcast %select_n3A_154 : i32 to vector<16xi32>
    %add3A_170 = arith.addi %rem3A_156, %add3A_169 : vector<16xi32>
    %select_n3A_171 = arith.select %and3A_168, %add3A_170, %rem3A_156 : vector<16xi1>, vector<16xi32>
    %add3A_172 = arith.constant 7 : i32
    %add3A_173 = vector.broadcast %add3A_172 : i32 to vector<16xi32>
    %add3A_174 = arith.addi %iota3A, %add3A_173 : vector<16xi32>
    %jit3A_175 = arith.constant 16 : i32
    %eq3A_176 = arith.constant 0 : i32
    %eq3A_177 = arith.cmpi eq, %jit3A_175, %eq3A_176 : i32
    %jit3A_178 = arith.constant 1 : i32
    %select_n3A_179 = arith.select %eq3A_177, %jit3A_178, %jit3A_175 : i32
    %rem3A_180 = vector.broadcast %select_n3A_179 : i32 to vector<16xi32>
    %rem3A_181 = arith.remsi %add3A_174, %rem3A_180 : vector<16xi32>
    %ne3A_182 = arith.constant 0 : i32
    %ne3A_183 = vector.broadcast %ne3A_182 : i32 to vector<16xi32>
    %ne3A_184 = arith.cmpi ne, %rem3A_181, %ne3A_183 : vector<16xi32>
    %lt3A_185 = arith.constant 0 : i32
    %lt3A_186 = vector.broadcast %lt3A_185 : i32 to vector<16xi32>
    %lt3A_187 = arith.cmpi slt, %rem3A_181, %lt3A_186 : vector<16xi32>
    %lt3A_188 = arith.constant 0 : i32
    %lt3A_189 = arith.cmpi slt, %select_n3A_179, %lt3A_188 : i32
    %ne3A_190 = vector.broadcast %lt3A_189 : i1 to vector<16xi1>
    %ne3A_191 = vector.broadcast %ne3A_190 : vector<16xi1> to vector<16xi1>
    %ne3A_192 = arith.xori %lt3A_187, %ne3A_191 : vector<16xi1>
    %and3A_193 = arith.andi %ne3A_192, %ne3A_184 : vector<16xi1>
    %add3A_194 = vector.broadcast %select_n3A_179 : i32 to vector<16xi32>
    %add3A_195 = arith.addi %rem3A_181, %add3A_194 : vector<16xi32>
    %select_n3A_196 = arith.select %and3A_193, %add3A_195, %rem3A_181 : vector<16xi1>, vector<16xi32>
    %add3A_197 = arith.constant 8 : i32
    %add3A_198 = vector.broadcast %add3A_197 : i32 to vector<16xi32>
    %add3A_199 = arith.addi %iota3A, %add3A_198 : vector<16xi32>
    %jit3A_200 = arith.constant 16 : i32
    %eq3A_201 = arith.constant 0 : i32
    %eq3A_202 = arith.cmpi eq, %jit3A_200, %eq3A_201 : i32
    %jit3A_203 = arith.constant 1 : i32
    %select_n3A_204 = arith.select %eq3A_202, %jit3A_203, %jit3A_200 : i32
    %rem3A_205 = vector.broadcast %select_n3A_204 : i32 to vector<16xi32>
    %rem3A_206 = arith.remsi %add3A_199, %rem3A_205 : vector<16xi32>
    %ne3A_207 = arith.constant 0 : i32
    %ne3A_208 = vector.broadcast %ne3A_207 : i32 to vector<16xi32>
    %ne3A_209 = arith.cmpi ne, %rem3A_206, %ne3A_208 : vector<16xi32>
    %lt3A_210 = arith.constant 0 : i32
    %lt3A_211 = vector.broadcast %lt3A_210 : i32 to vector<16xi32>
    %lt3A_212 = arith.cmpi slt, %rem3A_206, %lt3A_211 : vector<16xi32>
    %lt3A_213 = arith.constant 0 : i32
    %lt3A_214 = arith.cmpi slt, %select_n3A_204, %lt3A_213 : i32
    %ne3A_215 = vector.broadcast %lt3A_214 : i1 to vector<16xi1>
    %ne3A_216 = vector.broadcast %ne3A_215 : vector<16xi1> to vector<16xi1>
    %ne3A_217 = arith.xori %lt3A_212, %ne3A_216 : vector<16xi1>
    %and3A_218 = arith.andi %ne3A_217, %ne3A_209 : vector<16xi1>
    %add3A_219 = vector.broadcast %select_n3A_204 : i32 to vector<16xi32>
    %add3A_220 = arith.addi %rem3A_206, %add3A_219 : vector<16xi32>
    %select_n3A_221 = arith.select %and3A_218, %add3A_220, %rem3A_206 : vector<16xi1>, vector<16xi32>
    %add3A_222 = arith.constant 9 : i32
    %add3A_223 = vector.broadcast %add3A_222 : i32 to vector<16xi32>
    %add3A_224 = arith.addi %iota3A, %add3A_223 : vector<16xi32>
    %jit3A_225 = arith.constant 16 : i32
    %eq3A_226 = arith.constant 0 : i32
    %eq3A_227 = arith.cmpi eq, %jit3A_225, %eq3A_226 : i32
    %jit3A_228 = arith.constant 1 : i32
    %select_n3A_229 = arith.select %eq3A_227, %jit3A_228, %jit3A_225 : i32
    %rem3A_230 = vector.broadcast %select_n3A_229 : i32 to vector<16xi32>
    %rem3A_231 = arith.remsi %add3A_224, %rem3A_230 : vector<16xi32>
    %ne3A_232 = arith.constant 0 : i32
    %ne3A_233 = vector.broadcast %ne3A_232 : i32 to vector<16xi32>
    %ne3A_234 = arith.cmpi ne, %rem3A_231, %ne3A_233 : vector<16xi32>
    %lt3A_235 = arith.constant 0 : i32
    %lt3A_236 = vector.broadcast %lt3A_235 : i32 to vector<16xi32>
    %lt3A_237 = arith.cmpi slt, %rem3A_231, %lt3A_236 : vector<16xi32>
    %lt3A_238 = arith.constant 0 : i32
    %lt3A_239 = arith.cmpi slt, %select_n3A_229, %lt3A_238 : i32
    %ne3A_240 = vector.broadcast %lt3A_239 : i1 to vector<16xi1>
    %ne3A_241 = vector.broadcast %ne3A_240 : vector<16xi1> to vector<16xi1>
    %ne3A_242 = arith.xori %lt3A_237, %ne3A_241 : vector<16xi1>
    %and3A_243 = arith.andi %ne3A_242, %ne3A_234 : vector<16xi1>
    %add3A_244 = vector.broadcast %select_n3A_229 : i32 to vector<16xi32>
    %add3A_245 = arith.addi %rem3A_231, %add3A_244 : vector<16xi32>
    %select_n3A_246 = arith.select %and3A_243, %add3A_245, %rem3A_231 : vector<16xi1>, vector<16xi32>
    %add3A_247 = arith.constant 10 : i32
    %add3A_248 = vector.broadcast %add3A_247 : i32 to vector<16xi32>
    %add3A_249 = arith.addi %iota3A, %add3A_248 : vector<16xi32>
    %jit3A_250 = arith.constant 16 : i32
    %eq3A_251 = arith.constant 0 : i32
    %eq3A_252 = arith.cmpi eq, %jit3A_250, %eq3A_251 : i32
    %jit3A_253 = arith.constant 1 : i32
    %select_n3A_254 = arith.select %eq3A_252, %jit3A_253, %jit3A_250 : i32
    %rem3A_255 = vector.broadcast %select_n3A_254 : i32 to vector<16xi32>
    %rem3A_256 = arith.remsi %add3A_249, %rem3A_255 : vector<16xi32>
    %ne3A_257 = arith.constant 0 : i32
    %ne3A_258 = vector.broadcast %ne3A_257 : i32 to vector<16xi32>
    %ne3A_259 = arith.cmpi ne, %rem3A_256, %ne3A_258 : vector<16xi32>
    %lt3A_260 = arith.constant 0 : i32
    %lt3A_261 = vector.broadcast %lt3A_260 : i32 to vector<16xi32>
    %lt3A_262 = arith.cmpi slt, %rem3A_256, %lt3A_261 : vector<16xi32>
    %lt3A_263 = arith.constant 0 : i32
    %lt3A_264 = arith.cmpi slt, %select_n3A_254, %lt3A_263 : i32
    %ne3A_265 = vector.broadcast %lt3A_264 : i1 to vector<16xi1>
    %ne3A_266 = vector.broadcast %ne3A_265 : vector<16xi1> to vector<16xi1>
    %ne3A_267 = arith.xori %lt3A_262, %ne3A_266 : vector<16xi1>
    %and3A_268 = arith.andi %ne3A_267, %ne3A_259 : vector<16xi1>
    %add3A_269 = vector.broadcast %select_n3A_254 : i32 to vector<16xi32>
    %add3A_270 = arith.addi %rem3A_256, %add3A_269 : vector<16xi32>
    %select_n3A_271 = arith.select %and3A_268, %add3A_270, %rem3A_256 : vector<16xi1>, vector<16xi32>
    %add3A_272 = arith.constant 11 : i32
    %add3A_273 = vector.broadcast %add3A_272 : i32 to vector<16xi32>
    %add3A_274 = arith.addi %iota3A, %add3A_273 : vector<16xi32>
    %jit3A_275 = arith.constant 16 : i32
    %eq3A_276 = arith.constant 0 : i32
    %eq3A_277 = arith.cmpi eq, %jit3A_275, %eq3A_276 : i32
    %jit3A_278 = arith.constant 1 : i32
    %select_n3A_279 = arith.select %eq3A_277, %jit3A_278, %jit3A_275 : i32
    %rem3A_280 = vector.broadcast %select_n3A_279 : i32 to vector<16xi32>
    %rem3A_281 = arith.remsi %add3A_274, %rem3A_280 : vector<16xi32>
    %ne3A_282 = arith.constant 0 : i32
    %ne3A_283 = vector.broadcast %ne3A_282 : i32 to vector<16xi32>
    %ne3A_284 = arith.cmpi ne, %rem3A_281, %ne3A_283 : vector<16xi32>
    %lt3A_285 = arith.constant 0 : i32
    %lt3A_286 = vector.broadcast %lt3A_285 : i32 to vector<16xi32>
    %lt3A_287 = arith.cmpi slt, %rem3A_281, %lt3A_286 : vector<16xi32>
    %lt3A_288 = arith.constant 0 : i32
    %lt3A_289 = arith.cmpi slt, %select_n3A_279, %lt3A_288 : i32
    %ne3A_290 = vector.broadcast %lt3A_289 : i1 to vector<16xi1>
    %ne3A_291 = vector.broadcast %ne3A_290 : vector<16xi1> to vector<16xi1>
    %ne3A_292 = arith.xori %lt3A_287, %ne3A_291 : vector<16xi1>
    %and3A_293 = arith.andi %ne3A_292, %ne3A_284 : vector<16xi1>
    %add3A_294 = vector.broadcast %select_n3A_279 : i32 to vector<16xi32>
    %add3A_295 = arith.addi %rem3A_281, %add3A_294 : vector<16xi32>
    %select_n3A_296 = arith.select %and3A_293, %add3A_295, %rem3A_281 : vector<16xi1>, vector<16xi32>
    %add3A_297 = arith.constant 12 : i32
    %add3A_298 = vector.broadcast %add3A_297 : i32 to vector<16xi32>
    %add3A_299 = arith.addi %iota3A, %add3A_298 : vector<16xi32>
    %jit3A_300 = arith.constant 16 : i32
    %eq3A_301 = arith.constant 0 : i32
    %eq3A_302 = arith.cmpi eq, %jit3A_300, %eq3A_301 : i32
    %jit3A_303 = arith.constant 1 : i32
    %select_n3A_304 = arith.select %eq3A_302, %jit3A_303, %jit3A_300 : i32
    %rem3A_305 = vector.broadcast %select_n3A_304 : i32 to vector<16xi32>
    %rem3A_306 = arith.remsi %add3A_299, %rem3A_305 : vector<16xi32>
    %ne3A_307 = arith.constant 0 : i32
    %ne3A_308 = vector.broadcast %ne3A_307 : i32 to vector<16xi32>
    %ne3A_309 = arith.cmpi ne, %rem3A_306, %ne3A_308 : vector<16xi32>
    %lt3A_310 = arith.constant 0 : i32
    %lt3A_311 = vector.broadcast %lt3A_310 : i32 to vector<16xi32>
    %lt3A_312 = arith.cmpi slt, %rem3A_306, %lt3A_311 : vector<16xi32>
    %lt3A_313 = arith.constant 0 : i32
    %lt3A_314 = arith.cmpi slt, %select_n3A_304, %lt3A_313 : i32
    %ne3A_315 = vector.broadcast %lt3A_314 : i1 to vector<16xi1>
    %ne3A_316 = vector.broadcast %ne3A_315 : vector<16xi1> to vector<16xi1>
    %ne3A_317 = arith.xori %lt3A_312, %ne3A_316 : vector<16xi1>
    %and3A_318 = arith.andi %ne3A_317, %ne3A_309 : vector<16xi1>
    %add3A_319 = vector.broadcast %select_n3A_304 : i32 to vector<16xi32>
    %add3A_320 = arith.addi %rem3A_306, %add3A_319 : vector<16xi32>
    %select_n3A_321 = arith.select %and3A_318, %add3A_320, %rem3A_306 : vector<16xi1>, vector<16xi32>
    %add3A_322 = arith.constant 13 : i32
    %add3A_323 = vector.broadcast %add3A_322 : i32 to vector<16xi32>
    %add3A_324 = arith.addi %iota3A, %add3A_323 : vector<16xi32>
    %jit3A_325 = arith.constant 16 : i32
    %eq3A_326 = arith.constant 0 : i32
    %eq3A_327 = arith.cmpi eq, %jit3A_325, %eq3A_326 : i32
    %jit3A_328 = arith.constant 1 : i32
    %select_n3A_329 = arith.select %eq3A_327, %jit3A_328, %jit3A_325 : i32
    %rem3A_330 = vector.broadcast %select_n3A_329 : i32 to vector<16xi32>
    %rem3A_331 = arith.remsi %add3A_324, %rem3A_330 : vector<16xi32>
    %ne3A_332 = arith.constant 0 : i32
    %ne3A_333 = vector.broadcast %ne3A_332 : i32 to vector<16xi32>
    %ne3A_334 = arith.cmpi ne, %rem3A_331, %ne3A_333 : vector<16xi32>
    %lt3A_335 = arith.constant 0 : i32
    %lt3A_336 = vector.broadcast %lt3A_335 : i32 to vector<16xi32>
    %lt3A_337 = arith.cmpi slt, %rem3A_331, %lt3A_336 : vector<16xi32>
    %lt3A_338 = arith.constant 0 : i32
    %lt3A_339 = arith.cmpi slt, %select_n3A_329, %lt3A_338 : i32
    %ne3A_340 = vector.broadcast %lt3A_339 : i1 to vector<16xi1>
    %ne3A_341 = vector.broadcast %ne3A_340 : vector<16xi1> to vector<16xi1>
    %ne3A_342 = arith.xori %lt3A_337, %ne3A_341 : vector<16xi1>
    %and3A_343 = arith.andi %ne3A_342, %ne3A_334 : vector<16xi1>
    %add3A_344 = vector.broadcast %select_n3A_329 : i32 to vector<16xi32>
    %add3A_345 = arith.addi %rem3A_331, %add3A_344 : vector<16xi32>
    %select_n3A_346 = arith.select %and3A_343, %add3A_345, %rem3A_331 : vector<16xi1>, vector<16xi32>
    %add3A_347 = arith.constant 14 : i32
    %add3A_348 = vector.broadcast %add3A_347 : i32 to vector<16xi32>
    %add3A_349 = arith.addi %iota3A, %add3A_348 : vector<16xi32>
    %jit3A_350 = arith.constant 16 : i32
    %eq3A_351 = arith.constant 0 : i32
    %eq3A_352 = arith.cmpi eq, %jit3A_350, %eq3A_351 : i32
    %jit3A_353 = arith.constant 1 : i32
    %select_n3A_354 = arith.select %eq3A_352, %jit3A_353, %jit3A_350 : i32
    %rem3A_355 = vector.broadcast %select_n3A_354 : i32 to vector<16xi32>
    %rem3A_356 = arith.remsi %add3A_349, %rem3A_355 : vector<16xi32>
    %ne3A_357 = arith.constant 0 : i32
    %ne3A_358 = vector.broadcast %ne3A_357 : i32 to vector<16xi32>
    %ne3A_359 = arith.cmpi ne, %rem3A_356, %ne3A_358 : vector<16xi32>
    %lt3A_360 = arith.constant 0 : i32
    %lt3A_361 = vector.broadcast %lt3A_360 : i32 to vector<16xi32>
    %lt3A_362 = arith.cmpi slt, %rem3A_356, %lt3A_361 : vector<16xi32>
    %lt3A_363 = arith.constant 0 : i32
    %lt3A_364 = arith.cmpi slt, %select_n3A_354, %lt3A_363 : i32
    %ne3A_365 = vector.broadcast %lt3A_364 : i1 to vector<16xi1>
    %ne3A_366 = vector.broadcast %ne3A_365 : vector<16xi1> to vector<16xi1>
    %ne3A_367 = arith.xori %lt3A_362, %ne3A_366 : vector<16xi1>
    %and3A_368 = arith.andi %ne3A_367, %ne3A_359 : vector<16xi1>
    %add3A_369 = vector.broadcast %select_n3A_354 : i32 to vector<16xi32>
    %add3A_370 = arith.addi %rem3A_356, %add3A_369 : vector<16xi32>
    %select_n3A_371 = arith.select %and3A_368, %add3A_370, %rem3A_356 : vector<16xi1>, vector<16xi32>
    %add3A_372 = arith.constant 15 : i32
    %add3A_373 = vector.broadcast %add3A_372 : i32 to vector<16xi32>
    %add3A_374 = arith.addi %iota3A, %add3A_373 : vector<16xi32>
    %jit3A_375 = arith.constant 16 : i32
    %eq3A_376 = arith.constant 0 : i32
    %eq3A_377 = arith.cmpi eq, %jit3A_375, %eq3A_376 : i32
    %jit3A_378 = arith.constant 1 : i32
    %select_n3A_379 = arith.select %eq3A_377, %jit3A_378, %jit3A_375 : i32
    %rem3A_380 = vector.broadcast %select_n3A_379 : i32 to vector<16xi32>
    %rem3A_381 = arith.remsi %add3A_374, %rem3A_380 : vector<16xi32>
    %ne3A_382 = arith.constant 0 : i32
    %ne3A_383 = vector.broadcast %ne3A_382 : i32 to vector<16xi32>
    %ne3A_384 = arith.cmpi ne, %rem3A_381, %ne3A_383 : vector<16xi32>
    %lt3A_385 = arith.constant 0 : i32
    %lt3A_386 = vector.broadcast %lt3A_385 : i32 to vector<16xi32>
    %lt3A_387 = arith.cmpi slt, %rem3A_381, %lt3A_386 : vector<16xi32>
    %lt3A_388 = arith.constant 0 : i32
    %lt3A_389 = arith.cmpi slt, %select_n3A_379, %lt3A_388 : i32
    %ne3A_390 = vector.broadcast %lt3A_389 : i1 to vector<16xi1>
    %ne3A_391 = vector.broadcast %ne3A_390 : vector<16xi1> to vector<16xi1>
    %ne3A_392 = arith.xori %lt3A_387, %ne3A_391 : vector<16xi1>
    %and3A_393 = arith.andi %ne3A_392, %ne3A_384 : vector<16xi1>
    %add3A_394 = vector.broadcast %select_n3A_379 : i32 to vector<16xi32>
    %add3A_395 = arith.addi %rem3A_381, %add3A_394 : vector<16xi32>
    %select_n3A_396 = arith.select %and3A_393, %add3A_395, %rem3A_381 : vector<16xi1>, vector<16xi32>
    %add3A_397 = arith.constant 0 : i32
    %add3A_398 = arith.addi %add3A_397, %add3A : i32
    %mul3A_399 = arith.constant 512 : i32
    %mul3A_400 = arith.muli %add3A_398, %mul3A_399 : i32
    %add3A_401 = arith.constant 0 : i32
    %add3A_402 = arith.addi %mul3A_400, %add3A_401 : i32
    %add3A_403 = arith.constant 128 : i32
    %add3A_404 = arith.addi %mul3A_400, %add3A_403 : i32
    %add3A_405 = arith.constant 256 : i32
    %add3A_406 = arith.addi %mul3A_400, %add3A_405 : i32
    %add3A_407 = arith.constant 384 : i32
    %add3A_408 = arith.addi %mul3A_400, %add3A_407 : i32
    %dma_start3A = arith.constant 0 : i32
    %dma_start3A_409 = arith.constant 0 : i32
    %dma_start3A_410 = arith.constant 0 : i32
    %dma_start3A_411 = arith.constant 0 : i32
    %dma_start3A_412 = arith.constant 0 : i32
    %dma_start3A_413 = tpu.memref_slice %arg5[%dma_start3A, %dma_start3A_409, %dma_start3A_411, %dma_start3A_412] : memref<2x4x32x128xf32, #tpu.memory_space<vmem>> -> memref<1x1x32x128xf32, #tpu.memory_space<vmem>>
    %dma_start3A_414 = tpu.memref_squeeze %dma_start3A_413 : memref<1x1x32x128xf32, #tpu.memory_space<vmem>> -> memref<32x128xf32, #tpu.memory_space<vmem>>
    %dma_start3A_415 = arith.constant 0 : i32
    %dma_start3A_416 = tpu.memref_slice %arg2[%dma_start3A_415, %add3A_402] : memref<32x1000000xf32, #tpu.memory_space<hbm>> -> memref<32x128xf32, #tpu.memory_space<hbm>>
    %dma_start3A_417 = tpu.memref_slice %arg7[%dma_start3A_410] : memref<2x!tpu.dma_semaphore, #tpu.memory_space<semaphore_mem>> -> memref<1x!tpu.dma_semaphore, #tpu.memory_space<semaphore_mem>>
    %dma_start3A_418 = tpu.memref_squeeze %dma_start3A_417 : memref<1x!tpu.dma_semaphore, #tpu.memory_space<semaphore_mem>> -> memref<!tpu.dma_semaphore, #tpu.memory_space<semaphore_mem>>
    %dma_start3A_419 = arith.constant 0 : i32
    %dma_start3A_420 = arith.constant 0 : i32
    %dma_start3A_421 = tpu.memref_slice %arg5[%dma_start3A, %dma_start3A_409, %dma_start3A_419, %dma_start3A_420] : memref<2x4x32x128xf32, #tpu.memory_space<vmem>> -> memref<1x1x32x128xf32, #tpu.memory_space<vmem>>
    %dma_start3A_422 = tpu.memref_squeeze %dma_start3A_421 : memref<1x1x32x128xf32, #tpu.memory_space<vmem>> -> memref<32x128xf32, #tpu.memory_space<vmem>>
    %dma_start3A_423 = arith.constant 0 : i32
    %dma_start3A_424 = tpu.memref_slice %arg2[%dma_start3A_423, %add3A_402] : memref<32x1000000xf32, #tpu.memory_space<hbm>> -> memref<32x128xf32, #tpu.memory_space<hbm>>
    tpu.enqueue_dma source(%dma_start3A_424 : memref<32x128xf32, #tpu.memory_space<hbm>>) target(%dma_start3A_422 : memref<32x128xf32, #tpu.memory_space<vmem>>) target_semaphore(%dma_start3A_418 : memref<!tpu.dma_semaphore, #tpu.memory_space<semaphore_mem>>)
    %dma_start3A_425 = arith.constant 0 : i32
    %dma_start3A_426 = arith.constant 1 : i32
    %dma_start3A_427 = arith.constant 0 : i32
    %dma_start3A_428 = arith.constant 0 : i32
    %dma_start3A_429 = arith.constant 0 : i32
    %dma_start3A_430 = tpu.memref_slice %arg5[%dma_start3A_425, %dma_start3A_426, %dma_start3A_428, %dma_start3A_429] : memref<2x4x32x128xf32, #tpu.memory_space<vmem>> -> memref<1x1x32x128xf32, #tpu.memory_space<vmem>>
    %dma_start3A_431 = tpu.memref_squeeze %dma_start3A_430 : memref<1x1x32x128xf32, #tpu.memory_space<vmem>> -> memref<32x128xf32, #tpu.memory_space<vmem>>
    %dma_start3A_432 = arith.constant 0 : i32
    %dma_start3A_433 = tpu.memref_slice %arg2[%dma_start3A_432, %add3A_404] : memref<32x1000000xf32, #tpu.memory_space<hbm>> -> memref<32x128xf32, #tpu.memory_space<hbm>>
    %dma_start3A_434 = tpu.memref_slice %arg7[%dma_start3A_427] : memref<2x!tpu.dma_semaphore, #tpu.memory_space<semaphore_mem>> -> memref<1x!tpu.dma_semaphore, #tpu.memory_space<semaphore_mem>>
    %dma_start3A_435 = tpu.memref_squeeze %dma_start3A_434 : memref<1x!tpu.dma_semaphore, #tpu.memory_space<semaphore_mem>> -> memref<!tpu.dma_semaphore, #tpu.memory_space<semaphore_mem>>
    %dma_start3A_436 = arith.constant 0 : i32
    %dma_start3A_437 = arith.constant 0 : i32
    %dma_start3A_438 = tpu.memref_slice %arg5[%dma_start3A_425, %dma_start3A_426, %dma_start3A_436, %dma_start3A_437] : memref<2x4x32x128xf32, #tpu.memory_space<vmem>> -> memref<1x1x32x128xf32, #tpu.memory_space<vmem>>
    %dma_start3A_439 = tpu.memref_squeeze %dma_start3A_438 : memref<1x1x32x128xf32, #tpu.memory_space<vmem>> -> memref<32x128xf32, #tpu.memory_space<vmem>>
    %dma_start3A_440 = arith.constant 0 : i32
    %dma_start3A_441 = tpu.memref_slice %arg2[%dma_start3A_440, %add3A_404] : memref<32x1000000xf32, #tpu.memory_space<hbm>> -> memref<32x128xf32, #tpu.memory_space<hbm>>
    tpu.enqueue_dma source(%dma_start3A_441 : memref<32x128xf32, #tpu.memory_space<hbm>>) target(%dma_start3A_439 : memref<32x128xf32, #tpu.memory_space<vmem>>) target_semaphore(%dma_start3A_435 : memref<!tpu.dma_semaphore, #tpu.memory_space<semaphore_mem>>)
    %dma_start3A_442 = arith.constant 0 : i32
    %dma_start3A_443 = arith.constant 2 : i32
    %dma_start3A_444 = arith.constant 0 : i32
    %dma_start3A_445 = arith.constant 0 : i32
    %dma_start3A_446 = arith.constant 0 : i32
    %dma_start3A_447 = tpu.memref_slice %arg5[%dma_start3A_442, %dma_start3A_443, %dma_start3A_445, %dma_start3A_446] : memref<2x4x32x128xf32, #tpu.memory_space<vmem>> -> memref<1x1x32x128xf32, #tpu.memory_space<vmem>>
    %dma_start3A_448 = tpu.memref_squeeze %dma_start3A_447 : memref<1x1x32x128xf32, #tpu.memory_space<vmem>> -> memref<32x128xf32, #tpu.memory_space<vmem>>
    %dma_start3A_449 = arith.constant 0 : i32
    %dma_start3A_450 = tpu.memref_slice %arg2[%dma_start3A_449, %add3A_406] : memref<32x1000000xf32, #tpu.memory_space<hbm>> -> memref<32x128xf32, #tpu.memory_space<hbm>>
    %dma_start3A_451 = tpu.memref_slice %arg7[%dma_start3A_444] : memref<2x!tpu.dma_semaphore, #tpu.memory_space<semaphore_mem>> -> memref<1x!tpu.dma_semaphore, #tpu.memory_space<semaphore_mem>>
    %dma_start3A_452 = tpu.memref_squeeze %dma_start3A_451 : memref<1x!tpu.dma_semaphore, #tpu.memory_space<semaphore_mem>> -> memref<!tpu.dma_semaphore, #tpu.memory_space<semaphore_mem>>
    %dma_start3A_453 = arith.constant 0 : i32
    %dma_start3A_454 = arith.constant 0 : i32
    %dma_start3A_455 = tpu.memref_slice %arg5[%dma_start3A_442, %dma_start3A_443, %dma_start3A_453, %dma_start3A_454] : memref<2x4x32x128xf32, #tpu.memory_space<vmem>> -> memref<1x1x32x128xf32, #tpu.memory_space<vmem>>
    %dma_start3A_456 = tpu.memref_squeeze %dma_start3A_455 : memref<1x1x32x128xf32, #tpu.memory_space<vmem>> -> memref<32x128xf32, #tpu.memory_space<vmem>>
    %dma_start3A_457 = arith.constant 0 : i32
    %dma_start3A_458 = tpu.memref_slice %arg2[%dma_start3A_457, %add3A_406] : memref<32x1000000xf32, #tpu.memory_space<hbm>> -> memref<32x128xf32, #tpu.memory_space<hbm>>
    tpu.enqueue_dma source(%dma_start3A_458 : memref<32x128xf32, #tpu.memory_space<hbm>>) target(%dma_start3A_456 : memref<32x128xf32, #tpu.memory_space<vmem>>) target_semaphore(%dma_start3A_452 : memref<!tpu.dma_semaphore, #tpu.memory_space<semaphore_mem>>)
    %dma_start3A_459 = arith.constant 0 : i32
    %dma_start3A_460 = arith.constant 3 : i32
    %dma_start3A_461 = arith.constant 0 : i32
    %dma_start3A_462 = arith.constant 0 : i32
    %dma_start3A_463 = arith.constant 0 : i32
    %dma_start3A_464 = tpu.memref_slice %arg5[%dma_start3A_459, %dma_start3A_460, %dma_start3A_462, %dma_start3A_463] : memref<2x4x32x128xf32, #tpu.memory_space<vmem>> -> memref<1x1x32x128xf32, #tpu.memory_space<vmem>>
    %dma_start3A_465 = tpu.memref_squeeze %dma_start3A_464 : memref<1x1x32x128xf32, #tpu.memory_space<vmem>> -> memref<32x128xf32, #tpu.memory_space<vmem>>
    %dma_start3A_466 = arith.constant 0 : i32
    %dma_start3A_467 = tpu.memref_slice %arg2[%dma_start3A_466, %add3A_408] : memref<32x1000000xf32, #tpu.memory_space<hbm>> -> memref<32x128xf32, #tpu.memory_space<hbm>>
    %dma_start3A_468 = tpu.memref_slice %arg7[%dma_start3A_461] : memref<2x!tpu.dma_semaphore, #tpu.memory_space<semaphore_mem>> -> memref<1x!tpu.dma_semaphore, #tpu.memory_space<semaphore_mem>>
    %dma_start3A_469 = tpu.memref_squeeze %dma_start3A_468 : memref<1x!tpu.dma_semaphore, #tpu.memory_space<semaphore_mem>> -> memref<!tpu.dma_semaphore, #tpu.memory_space<semaphore_mem>>
    %dma_start3A_470 = arith.constant 0 : i32
    %dma_start3A_471 = arith.constant 0 : i32
    %dma_start3A_472 = tpu.memref_slice %arg5[%dma_start3A_459, %dma_start3A_460, %dma_start3A_470, %dma_start3A_471] : memref<2x4x32x128xf32, #tpu.memory_space<vmem>> -> memref<1x1x32x128xf32, #tpu.memory_space<vmem>>
    %dma_start3A_473 = tpu.memref_squeeze %dma_start3A_472 : memref<1x1x32x128xf32, #tpu.memory_space<vmem>> -> memref<32x128xf32, #tpu.memory_space<vmem>>
    %dma_start3A_474 = arith.constant 0 : i32
    %dma_start3A_475 = tpu.memref_slice %arg2[%dma_start3A_474, %add3A_408] : memref<32x1000000xf32, #tpu.memory_space<hbm>> -> memref<32x128xf32, #tpu.memory_space<hbm>>
    tpu.enqueue_dma source(%dma_start3A_475 : memref<32x128xf32, #tpu.memory_space<hbm>>) target(%dma_start3A_473 : memref<32x128xf32, #tpu.memory_space<vmem>>) target_semaphore(%dma_start3A_469 : memref<!tpu.dma_semaphore, #tpu.memory_space<semaphore_mem>>)
    %scan3A = arith.constant 0 : i32
    %scan3A_476 = arith.constant 0 : i32
    %scan3A_477 = arith.constant 61 : i32
    %scan3A_478 = arith.addi %scan3A_476, %scan3A_477 : i32
    %scan3A_479 = arith.constant 1 : i32
    scf.for %scan3A_513 = %scan3A_476 to %scan3A_478 step %scan3A_479  : i32 {
      %rem3A_514 = arith.constant 2 : i32
      %rem3A_515 = arith.remsi %scan3A_513, %rem3A_514 : i32
      %mul3A_516 = arith.constant 32 : i32
      %mul3A_517 = arith.muli %scan3A_513, %mul3A_516 : i32
      %add3A_518 = arith.addi %mul3A_517, %add3A : i32
      %mul3A_519 = arith.constant 512 : i32
      %mul3A_520 = arith.muli %add3A_518, %mul3A_519 : i32
      %add3A_521 = arith.constant 0 : i32
      %add3A_522 = arith.addi %mul3A_520, %add3A_521 : i32
      %add3A_523 = arith.constant 128 : i32
      %add3A_524 = arith.addi %mul3A_520, %add3A_523 : i32
      %add3A_525 = arith.constant 256 : i32
      %add3A_526 = arith.addi %mul3A_520, %add3A_525 : i32
      %add3A_527 = arith.constant 384 : i32
      %add3A_528 = arith.addi %mul3A_520, %add3A_527 : i32
      %dma_wait3A_529 = arith.constant 0 : i32
      %dma_wait3A_530 = arith.constant 0 : i32
      %dma_wait3A_531 = arith.constant 0 : i32
      %dma_wait3A_532 = tpu.memref_slice %arg5[%rem3A_515, %dma_wait3A_529, %dma_wait3A_530, %dma_wait3A_531] : memref<2x4x32x128xf32, #tpu.memory_space<vmem>> -> memref<1x1x32x128xf32, #tpu.memory_space<vmem>>
      %dma_wait3A_533 = tpu.memref_squeeze %dma_wait3A_532 : memref<1x1x32x128xf32, #tpu.memory_space<vmem>> -> memref<32x128xf32, #tpu.memory_space<vmem>>
      %dma_wait3A_534 = arith.constant 0 : i32
      %dma_wait3A_535 = tpu.memref_slice %arg2[%dma_wait3A_534, %add3A_522] : memref<32x1000000xf32, #tpu.memory_space<hbm>> -> memref<32x128xf32, #tpu.memory_space<hbm>>
      %dma_wait3A_536 = tpu.memref_slice %arg7[%rem3A_515] : memref<2x!tpu.dma_semaphore, #tpu.memory_space<semaphore_mem>> -> memref<1x!tpu.dma_semaphore, #tpu.memory_space<semaphore_mem>>
      %dma_wait3A_537 = tpu.memref_squeeze %dma_wait3A_536 : memref<1x!tpu.dma_semaphore, #tpu.memory_space<semaphore_mem>> -> memref<!tpu.dma_semaphore, #tpu.memory_space<semaphore_mem>>
      %dma_wait3A_538 = arith.constant 0 : i32
      %dma_wait3A_539 = arith.constant 0 : i32
      %dma_wait3A_540 = tpu.memref_slice %arg5[%rem3A_515, %dma_wait3A_529, %dma_wait3A_538, %dma_wait3A_539] : memref<2x4x32x128xf32, #tpu.memory_space<vmem>> -> memref<1x1x32x128xf32, #tpu.memory_space<vmem>>
      %dma_wait3A_541 = tpu.memref_squeeze %dma_wait3A_540 : memref<1x1x32x128xf32, #tpu.memory_space<vmem>> -> memref<32x128xf32, #tpu.memory_space<vmem>>
      %dma_wait3A_542 = arith.constant 0 : i32
      %dma_wait3A_543 = tpu.memref_slice %arg2[%dma_wait3A_542, %add3A_522] : memref<32x1000000xf32, #tpu.memory_space<hbm>> -> memref<32x128xf32, #tpu.memory_space<hbm>>
      tpu.wait_dma2 semaphore(%dma_wait3A_537 : memref<!tpu.dma_semaphore, #tpu.memory_space<semaphore_mem>>) src(%dma_wait3A_543 : memref<32x128xf32, #tpu.memory_space<hbm>>) dst(%dma_wait3A_541 : memref<32x128xf32, #tpu.memory_space<vmem>>)
      %dma_wait3A_544 = arith.constant 1 : i32
      %dma_wait3A_545 = arith.constant 0 : i32
      %dma_wait3A_546 = arith.constant 0 : i32
      %dma_wait3A_547 = tpu.memref_slice %arg5[%rem3A_515, %dma_wait3A_544, %dma_wait3A_545, %dma_wait3A_546] : memref<2x4x32x128xf32, #tpu.memory_space<vmem>> -> memref<1x1x32x128xf32, #tpu.memory_space<vmem>>
      %dma_wait3A_548 = tpu.memref_squeeze %dma_wait3A_547 : memref<1x1x32x128xf32, #tpu.memory_space<vmem>> -> memref<32x128xf32, #tpu.memory_space<vmem>>
      %dma_wait3A_549 = arith.constant 0 : i32
      %dma_wait3A_550 = tpu.memref_slice %arg2[%dma_wait3A_549, %add3A_524] : memref<32x1000000xf32, #tpu.memory_space<hbm>> -> memref<32x128xf32, #tpu.memory_space<hbm>>
      %dma_wait3A_551 = tpu.memref_slice %arg7[%rem3A_515] : memref<2x!tpu.dma_semaphore, #tpu.memory_space<semaphore_mem>> -> memref<1x!tpu.dma_semaphore, #tpu.memory_space<semaphore_mem>>
      %dma_wait3A_552 = tpu.memref_squeeze %dma_wait3A_551 : memref<1x!tpu.dma_semaphore, #tpu.memory_space<semaphore_mem>> -> memref<!tpu.dma_semaphore, #tpu.memory_space<semaphore_mem>>
      %dma_wait3A_553 = arith.constant 0 : i32
      %dma_wait3A_554 = arith.constant 0 : i32
      %dma_wait3A_555 = tpu.memref_slice %arg5[%rem3A_515, %dma_wait3A_544, %dma_wait3A_553, %dma_wait3A_554] : memref<2x4x32x128xf32, #tpu.memory_space<vmem>> -> memref<1x1x32x128xf32, #tpu.memory_space<vmem>>
      %dma_wait3A_556 = tpu.memref_squeeze %dma_wait3A_555 : memref<1x1x32x128xf32, #tpu.memory_space<vmem>> -> memref<32x128xf32, #tpu.memory_space<vmem>>
      %dma_wait3A_557 = arith.constant 0 : i32
      %dma_wait3A_558 = tpu.memref_slice %arg2[%dma_wait3A_557, %add3A_524] : memref<32x1000000xf32, #tpu.memory_space<hbm>> -> memref<32x128xf32, #tpu.memory_space<hbm>>
      tpu.wait_dma2 semaphore(%dma_wait3A_552 : memref<!tpu.dma_semaphore, #tpu.memory_space<semaphore_mem>>) src(%dma_wait3A_558 : memref<32x128xf32, #tpu.memory_space<hbm>>) dst(%dma_wait3A_556 : memref<32x128xf32, #tpu.memory_space<vmem>>)
      %dma_wait3A_559 = arith.constant 2 : i32
      %dma_wait3A_560 = arith.constant 0 : i32
      %dma_wait3A_561 = arith.constant 0 : i32
      %dma_wait3A_562 = tpu.memref_slice %arg5[%rem3A_515, %dma_wait3A_559, %dma_wait3A_560, %dma_wait3A_561] : memref<2x4x32x128xf32, #tpu.memory_space<vmem>> -> memref<1x1x32x128xf32, #tpu.memory_space<vmem>>
      %dma_wait3A_563 = tpu.memref_squeeze %dma_wait3A_562 : memref<1x1x32x128xf32, #tpu.memory_space<vmem>> -> memref<32x128xf32, #tpu.memory_space<vmem>>
      %dma_wait3A_564 = arith.constant 0 : i32
      %dma_wait3A_565 = tpu.memref_slice %arg2[%dma_wait3A_564, %add3A_526] : memref<32x1000000xf32, #tpu.memory_space<hbm>> -> memref<32x128xf32, #tpu.memory_space<hbm>>
      %dma_wait3A_566 = tpu.memref_slice %arg7[%rem3A_515] : memref<2x!tpu.dma_semaphore, #tpu.memory_space<semaphore_mem>> -> memref<1x!tpu.dma_semaphore, #tpu.memory_space<semaphore_mem>>
      %dma_wait3A_567 = tpu.memref_squeeze %dma_wait3A_566 : memref<1x!tpu.dma_semaphore, #tpu.memory_space<semaphore_mem>> -> memref<!tpu.dma_semaphore, #tpu.memory_space<semaphore_mem>>
      %dma_wait3A_568 = arith.constant 0 : i32
      %dma_wait3A_569 = arith.constant 0 : i32
      %dma_wait3A_570 = tpu.memref_slice %arg5[%rem3A_515, %dma_wait3A_559, %dma_wait3A_568, %dma_wait3A_569] : memref<2x4x32x128xf32, #tpu.memory_space<vmem>> -> memref<1x1x32x128xf32, #tpu.memory_space<vmem>>
      %dma_wait3A_571 = tpu.memref_squeeze %dma_wait3A_570 : memref<1x1x32x128xf32, #tpu.memory_space<vmem>> -> memref<32x128xf32, #tpu.memory_space<vmem>>
      %dma_wait3A_572 = arith.constant 0 : i32
      %dma_wait3A_573 = tpu.memref_slice %arg2[%dma_wait3A_572, %add3A_526] : memref<32x1000000xf32, #tpu.memory_space<hbm>> -> memref<32x128xf32, #tpu.memory_space<hbm>>
      tpu.wait_dma2 semaphore(%dma_wait3A_567 : memref<!tpu.dma_semaphore, #tpu.memory_space<semaphore_mem>>) src(%dma_wait3A_573 : memref<32x128xf32, #tpu.memory_space<hbm>>) dst(%dma_wait3A_571 : memref<32x128xf32, #tpu.memory_space<vmem>>)
      %dma_wait3A_574 = arith.constant 3 : i32
      %dma_wait3A_575 = arith.constant 0 : i32
      %dma_wait3A_576 = arith.constant 0 : i32
      %dma_wait3A_577 = tpu.memref_slice %arg5[%rem3A_515, %dma_wait3A_574, %dma_wait3A_575, %dma_wait3A_576] : memref<2x4x32x128xf32, #tpu.memory_space<vmem>> -> memref<1x1x32x128xf32, #tpu.memory_space<vmem>>
      %dma_wait3A_578 = tpu.memref_squeeze %dma_wait3A_577 : memref<1x1x32x128xf32, #tpu.memory_space<vmem>> -> memref<32x128xf32, #tpu.memory_space<vmem>>
      %dma_wait3A_579 = arith.constant 0 : i32
      %dma_wait3A_580 = tpu.memref_slice %arg2[%dma_wait3A_579, %add3A_528] : memref<32x1000000xf32, #tpu.memory_space<hbm>> -> memref<32x128xf32, #tpu.memory_space<hbm>>
      %dma_wait3A_581 = tpu.memref_slice %arg7[%rem3A_515] : memref<2x!tpu.dma_semaphore, #tpu.memory_space<semaphore_mem>> -> memref<1x!tpu.dma_semaphore, #tpu.memory_space<semaphore_mem>>
      %dma_wait3A_582 = tpu.memref_squeeze %dma_wait3A_581 : memref<1x!tpu.dma_semaphore, #tpu.memory_space<semaphore_mem>> -> memref<!tpu.dma_semaphore, #tpu.memory_space<semaphore_mem>>
      %dma_wait3A_583 = arith.constant 0 : i32
      %dma_wait3A_584 = arith.constant 0 : i32
      %dma_wait3A_585 = tpu.memref_slice %arg5[%rem3A_515, %dma_wait3A_574, %dma_wait3A_583, %dma_wait3A_584] : memref<2x4x32x128xf32, #tpu.memory_space<vmem>> -> memref<1x1x32x128xf32, #tpu.memory_space<vmem>>
      %dma_wait3A_586 = tpu.memref_squeeze %dma_wait3A_585 : memref<1x1x32x128xf32, #tpu.memory_space<vmem>> -> memref<32x128xf32, #tpu.memory_space<vmem>>
      %dma_wait3A_587 = arith.constant 0 : i32
      %dma_wait3A_588 = tpu.memref_slice %arg2[%dma_wait3A_587, %add3A_528] : memref<32x1000000xf32, #tpu.memory_space<hbm>> -> memref<32x128xf32, #tpu.memory_space<hbm>>
      tpu.wait_dma2 semaphore(%dma_wait3A_582 : memref<!tpu.dma_semaphore, #tpu.memory_space<semaphore_mem>>) src(%dma_wait3A_588 : memref<32x128xf32, #tpu.memory_space<hbm>>) dst(%dma_wait3A_586 : memref<32x128xf32, #tpu.memory_space<vmem>>)
      %add3A_589 = arith.constant 1 : i32
      %add3A_590 = arith.addi %scan3A_513, %add3A_589 : i32
      %lt3A_591 = arith.constant 61 : i32
      %lt3A_592 = arith.cmpi slt, %add3A_590, %lt3A_591 : i32
      %convert_element_type3A_593 = arith.extui %lt3A_592 : i1 to i32
      %cond3A_594 = arith.constant 0 : i32
      %cond3A_595 = arith.cmpi ne, %convert_element_type3A_593, %cond3A_594 : i32
      scf.if %cond3A_595 {
        %add3A_625 = arith.constant 1 : i32
        %add3A_626 = arith.addi %scan3A_513, %add3A_625 : i32
        %sub3A = arith.constant 1 : i32
        %sub3A_627 = arith.subi %sub3A, %rem3A_515 : i32
        %mul3A_628 = arith.constant 32 : i32
        %mul3A_629 = arith.muli %add3A_626, %mul3A_628 : i32
        %add3A_630 = arith.addi %mul3A_629, %add3A : i32
        %mul3A_631 = arith.constant 512 : i32
        %mul3A_632 = arith.muli %add3A_630, %mul3A_631 : i32
        %add3A_633 = arith.constant 0 : i32
        %add3A_634 = arith.addi %mul3A_632, %add3A_633 : i32
        %add3A_635 = arith.constant 128 : i32
        %add3A_636 = arith.addi %mul3A_632, %add3A_635 : i32
        %add3A_637 = arith.constant 256 : i32
        %add3A_638 = arith.addi %mul3A_632, %add3A_637 : i32
        %add3A_639 = arith.constant 384 : i32
        %add3A_640 = arith.addi %mul3A_632, %add3A_639 : i32
        %dma_start3A_641 = arith.constant 0 : i32
        %dma_start3A_642 = arith.constant 0 : i32
        %dma_start3A_643 = arith.constant 0 : i32
        %dma_start3A_644 = tpu.memref_slice %arg5[%sub3A_627, %dma_start3A_641, %dma_start3A_642, %dma_start3A_643] : memref<2x4x32x128xf32, #tpu.memory_space<vmem>> -> memref<1x1x32x128xf32, #tpu.memory_space<vmem>>
        %dma_start3A_645 = tpu.memref_squeeze %dma_start3A_644 : memref<1x1x32x128xf32, #tpu.memory_space<vmem>> -> memref<32x128xf32, #tpu.memory_space<vmem>>
        %dma_start3A_646 = arith.constant 0 : i32
        %dma_start3A_647 = tpu.memref_slice %arg2[%dma_start3A_646, %add3A_634] : memref<32x1000000xf32, #tpu.memory_space<hbm>> -> memref<32x128xf32, #tpu.memory_space<hbm>>
        %dma_start3A_648 = tpu.memref_slice %arg7[%sub3A_627] : memref<2x!tpu.dma_semaphore, #tpu.memory_space<semaphore_mem>> -> memref<1x!tpu.dma_semaphore, #tpu.memory_space<semaphore_mem>>
        %dma_start3A_649 = tpu.memref_squeeze %dma_start3A_648 : memref<1x!tpu.dma_semaphore, #tpu.memory_space<semaphore_mem>> -> memref<!tpu.dma_semaphore, #tpu.memory_space<semaphore_mem>>
        %dma_start3A_650 = arith.constant 0 : i32
        %dma_start3A_651 = arith.constant 0 : i32
        %dma_start3A_652 = tpu.memref_slice %arg5[%sub3A_627, %dma_start3A_641, %dma_start3A_650, %dma_start3A_651] : memref<2x4x32x128xf32, #tpu.memory_space<vmem>> -> memref<1x1x32x128xf32, #tpu.memory_space<vmem>>
        %dma_start3A_653 = tpu.memref_squeeze %dma_start3A_652 : memref<1x1x32x128xf32, #tpu.memory_space<vmem>> -> memref<32x128xf32, #tpu.memory_space<vmem>>
        %dma_start3A_654 = arith.constant 0 : i32
        %dma_start3A_655 = tpu.memref_slice %arg2[%dma_start3A_654, %add3A_634] : memref<32x1000000xf32, #tpu.memory_space<hbm>> -> memref<32x128xf32, #tpu.memory_space<hbm>>
        tpu.enqueue_dma source(%dma_start3A_655 : memref<32x128xf32, #tpu.memory_space<hbm>>) target(%dma_start3A_653 : memref<32x128xf32, #tpu.memory_space<vmem>>) target_semaphore(%dma_start3A_649 : memref<!tpu.dma_semaphore, #tpu.memory_space<semaphore_mem>>)
        %dma_start3A_656 = arith.constant 1 : i32
        %dma_start3A_657 = arith.constant 0 : i32
        %dma_start3A_658 = arith.constant 0 : i32
        %dma_start3A_659 = tpu.memref_slice %arg5[%sub3A_627, %dma_start3A_656, %dma_start3A_657, %dma_start3A_658] : memref<2x4x32x128xf32, #tpu.memory_space<vmem>> -> memref<1x1x32x128xf32, #tpu.memory_space<vmem>>
        %dma_start3A_660 = tpu.memref_squeeze %dma_start3A_659 : memref<1x1x32x128xf32, #tpu.memory_space<vmem>> -> memref<32x128xf32, #tpu.memory_space<vmem>>
        %dma_start3A_661 = arith.constant 0 : i32
        %dma_start3A_662 = tpu.memref_slice %arg2[%dma_start3A_661, %add3A_636] : memref<32x1000000xf32, #tpu.memory_space<hbm>> -> memref<32x128xf32, #tpu.memory_space<hbm>>
        %dma_start3A_663 = tpu.memref_slice %arg7[%sub3A_627] : memref<2x!tpu.dma_semaphore, #tpu.memory_space<semaphore_mem>> -> memref<1x!tpu.dma_semaphore, #tpu.memory_space<semaphore_mem>>
        %dma_start3A_664 = tpu.memref_squeeze %dma_start3A_663 : memref<1x!tpu.dma_semaphore, #tpu.memory_space<semaphore_mem>> -> memref<!tpu.dma_semaphore, #tpu.memory_space<semaphore_mem>>
        %dma_start3A_665 = arith.constant 0 : i32
        %dma_start3A_666 = arith.constant 0 : i32
        %dma_start3A_667 = tpu.memref_slice %arg5[%sub3A_627, %dma_start3A_656, %dma_start3A_665, %dma_start3A_666] : memref<2x4x32x128xf32, #tpu.memory_space<vmem>> -> memref<1x1x32x128xf32, #tpu.memory_space<vmem>>
        %dma_start3A_668 = tpu.memref_squeeze %dma_start3A_667 : memref<1x1x32x128xf32, #tpu.memory_space<vmem>> -> memref<32x128xf32, #tpu.memory_space<vmem>>
        %dma_start3A_669 = arith.constant 0 : i32
        %dma_start3A_670 = tpu.memref_slice %arg2[%dma_start3A_669, %add3A_636] : memref<32x1000000xf32, #tpu.memory_space<hbm>> -> memref<32x128xf32, #tpu.memory_space<hbm>>
        tpu.enqueue_dma source(%dma_start3A_670 : memref<32x128xf32, #tpu.memory_space<hbm>>) target(%dma_start3A_668 : memref<32x128xf32, #tpu.memory_space<vmem>>) target_semaphore(%dma_start3A_664 : memref<!tpu.dma_semaphore, #tpu.memory_space<semaphore_mem>>)
        %dma_start3A_671 = arith.constant 2 : i32
        %dma_start3A_672 = arith.constant 0 : i32
        %dma_start3A_673 = arith.constant 0 : i32
        %dma_start3A_674 = tpu.memref_slice %arg5[%sub3A_627, %dma_start3A_671, %dma_start3A_672, %dma_start3A_673] : memref<2x4x32x128xf32, #tpu.memory_space<vmem>> -> memref<1x1x32x128xf32, #tpu.memory_space<vmem>>
        %dma_start3A_675 = tpu.memref_squeeze %dma_start3A_674 : memref<1x1x32x128xf32, #tpu.memory_space<vmem>> -> memref<32x128xf32, #tpu.memory_space<vmem>>
        %dma_start3A_676 = arith.constant 0 : i32
        %dma_start3A_677 = tpu.memref_slice %arg2[%dma_start3A_676, %add3A_638] : memref<32x1000000xf32, #tpu.memory_space<hbm>> -> memref<32x128xf32, #tpu.memory_space<hbm>>
        %dma_start3A_678 = tpu.memref_slice %arg7[%sub3A_627] : memref<2x!tpu.dma_semaphore, #tpu.memory_space<semaphore_mem>> -> memref<1x!tpu.dma_semaphore, #tpu.memory_space<semaphore_mem>>
        %dma_start3A_679 = tpu.memref_squeeze %dma_start3A_678 : memref<1x!tpu.dma_semaphore, #tpu.memory_space<semaphore_mem>> -> memref<!tpu.dma_semaphore, #tpu.memory_space<semaphore_mem>>
        %dma_start3A_680 = arith.constant 0 : i32
        %dma_start3A_681 = arith.constant 0 : i32
        %dma_start3A_682 = tpu.memref_slice %arg5[%sub3A_627, %dma_start3A_671, %dma_start3A_680, %dma_start3A_681] : memref<2x4x32x128xf32, #tpu.memory_space<vmem>> -> memref<1x1x32x128xf32, #tpu.memory_space<vmem>>
        %dma_start3A_683 = tpu.memref_squeeze %dma_start3A_682 : memref<1x1x32x128xf32, #tpu.memory_space<vmem>> -> memref<32x128xf32, #tpu.memory_space<vmem>>
        %dma_start3A_684 = arith.constant 0 : i32
        %dma_start3A_685 = tpu.memref_slice %arg2[%dma_start3A_684, %add3A_638] : memref<32x1000000xf32, #tpu.memory_space<hbm>> -> memref<32x128xf32, #tpu.memory_space<hbm>>
        tpu.enqueue_dma source(%dma_start3A_685 : memref<32x128xf32, #tpu.memory_space<hbm>>) target(%dma_start3A_683 : memref<32x128xf32, #tpu.memory_space<vmem>>) target_semaphore(%dma_start3A_679 : memref<!tpu.dma_semaphore, #tpu.memory_space<semaphore_mem>>)
        %dma_start3A_686 = arith.constant 3 : i32
        %dma_start3A_687 = arith.constant 0 : i32
        %dma_start3A_688 = arith.constant 0 : i32
        %dma_start3A_689 = tpu.memref_slice %arg5[%sub3A_627, %dma_start3A_686, %dma_start3A_687, %dma_start3A_688] : memref<2x4x32x128xf32, #tpu.memory_space<vmem>> -> memref<1x1x32x128xf32, #tpu.memory_space<vmem>>
        %dma_start3A_690 = tpu.memref_squeeze %dma_start3A_689 : memref<1x1x32x128xf32, #tpu.memory_space<vmem>> -> memref<32x128xf32, #tpu.memory_space<vmem>>
        %dma_start3A_691 = arith.constant 0 : i32
        %dma_start3A_692 = tpu.memref_slice %arg2[%dma_start3A_691, %add3A_640] : memref<32x1000000xf32, #tpu.memory_space<hbm>> -> memref<32x128xf32, #tpu.memory_space<hbm>>
        %dma_start3A_693 = tpu.memref_slice %arg7[%sub3A_627] : memref<2x!tpu.dma_semaphore, #tpu.memory_space<semaphore_mem>> -> memref<1x!tpu.dma_semaphore, #tpu.memory_space<semaphore_mem>>
        %dma_start3A_694 = tpu.memref_squeeze %dma_start3A_693 : memref<1x!tpu.dma_semaphore, #tpu.memory_space<semaphore_mem>> -> memref<!tpu.dma_semaphore, #tpu.memory_space<semaphore_mem>>
        %dma_start3A_695 = arith.constant 0 : i32
        %dma_start3A_696 = arith.constant 0 : i32
        %dma_start3A_697 = tpu.memref_slice %arg5[%sub3A_627, %dma_start3A_686, %dma_start3A_695, %dma_start3A_696] : memref<2x4x32x128xf32, #tpu.memory_space<vmem>> -> memref<1x1x32x128xf32, #tpu.memory_space<vmem>>
        %dma_start3A_698 = tpu.memref_squeeze %dma_start3A_697 : memref<1x1x32x128xf32, #tpu.memory_space<vmem>> -> memref<32x128xf32, #tpu.memory_space<vmem>>
        %dma_start3A_699 = arith.constant 0 : i32
        %dma_start3A_700 = tpu.memref_slice %arg2[%dma_start3A_699, %add3A_640] : memref<32x1000000xf32, #tpu.memory_space<hbm>> -> memref<32x128xf32, #tpu.memory_space<hbm>>
        tpu.enqueue_dma source(%dma_start3A_700 : memref<32x128xf32, #tpu.memory_space<hbm>>) target(%dma_start3A_698 : memref<32x128xf32, #tpu.memory_space<vmem>>) target_semaphore(%dma_start3A_694 : memref<!tpu.dma_semaphore, #tpu.memory_space<semaphore_mem>>)
      } else {
      }
      %ge3A = arith.constant 2 : i32
      %ge3A_596 = arith.cmpi sge, %scan3A_513, %ge3A : i32
      %convert_element_type3A_597 = arith.extui %ge3A_596 : i1 to i32
      %cond3A_598 = arith.constant 0 : i32
      %cond3A_599 = arith.cmpi ne, %convert_element_type3A_597, %cond3A_598 : i32
      scf.if %cond3A_599 {
        %sub3A = arith.constant 2 : i32
        %sub3A_625 = arith.subi %scan3A_513, %sub3A : i32
        %mul3A_626 = arith.constant 32 : i32
        %mul3A_627 = arith.muli %sub3A_625, %mul3A_626 : i32
        %add3A_628 = arith.addi %mul3A_627, %add3A : i32
        %mul3A_629 = arith.constant 512 : i32
        %mul3A_630 = arith.muli %add3A_628, %mul3A_629 : i32
        %mul3A_631 = arith.constant 16384 : i32
        %mul3A_632 = arith.muli %rem3A_515, %mul3A_631 : i32
        %mul3A_633 = arith.constant 32 : i32
        %mul3A_634 = arith.muli %mul3A_630, %mul3A_633 : i32
        %dma_wait3A_635 = tpu.memref_slice %arg6[%mul3A_632] : memref<32768xf32, #tpu.memory_space<vmem>> -> memref<16384xf32, #tpu.memory_space<vmem>>
        %dma_wait3A_636 = tpu.memref_slice %arg4[%mul3A_634] : memref<32000000xf32, #tpu.memory_space<hbm>> -> memref<16384xf32, #tpu.memory_space<hbm>>
        %dma_wait3A_637 = tpu.memref_slice %arg8[%rem3A_515] : memref<2x!tpu.dma_semaphore, #tpu.memory_space<semaphore_mem>> -> memref<1x!tpu.dma_semaphore, #tpu.memory_space<semaphore_mem>>
        %dma_wait3A_638 = tpu.memref_squeeze %dma_wait3A_637 : memref<1x!tpu.dma_semaphore, #tpu.memory_space<semaphore_mem>> -> memref<!tpu.dma_semaphore, #tpu.memory_space<semaphore_mem>>
        %dma_wait3A_639 = tpu.memref_slice %arg4[%mul3A_634] : memref<32000000xf32, #tpu.memory_space<hbm>> -> memref<16384xf32, #tpu.memory_space<hbm>>
        %dma_wait3A_640 = tpu.memref_slice %arg6[%mul3A_632] : memref<32768xf32, #tpu.memory_space<vmem>> -> memref<16384xf32, #tpu.memory_space<vmem>>
        tpu.wait_dma2 semaphore(%dma_wait3A_638 : memref<!tpu.dma_semaphore, #tpu.memory_space<semaphore_mem>>) src(%dma_wait3A_640 : memref<16384xf32, #tpu.memory_space<vmem>>) dst(%dma_wait3A_639 : memref<16384xf32, #tpu.memory_space<hbm>>)
      } else {
      }
      %broadcast_in_dim3A = vector.broadcast %rem3A_515 : i32 to vector<16xi32>
      %mul3A_600 = arith.constant 16384 : i32
      %mul3A_601 = arith.muli %rem3A_515, %mul3A_600 : i32
      %add3A_602 = vector.broadcast %mul3A_601 : i32 to vector<16xi32>
      %add3A_603 = arith.addi %mul3A_3, %add3A_602 : vector<16xi32>
      %scan3A_604 = arith.constant 0 : i32
      %scan3A_605 = arith.constant 0 : i32
      %scan3A_606 = arith.constant 32 : i32
      %scan3A_607 = arith.addi %scan3A_605, %scan3A_606 : i32
      %scan3A_608 = arith.constant 1 : i32
      scf.for %scan3A_625 = %scan3A_605 to %scan3A_607 step %scan3A_608  : i32 {
        %jit3A_626 = arith.constant 8 : i32
        %div3A = arith.divsi %scan3A_625, %jit3A_626 : i32
        %sign3A = arith.constant 0 : i32
        %sign3A_627 = arith.cmpi sgt, %scan3A_625, %sign3A : i32
        %sign3A_628 = arith.extui %sign3A_627 : i1 to i32
        %sign3A_629 = arith.constant 0 : i32
        %sign3A_630 = arith.cmpi slt, %scan3A_625, %sign3A_629 : i32
        %sign3A_631 = arith.extui %sign3A_630 : i1 to i32
        %sign3A_632 = arith.subi %sign3A_628, %sign3A_631 : i32
        %sign3A_633 = arith.constant 0 : i32
        %sign3A_634 = arith.cmpi sgt, %jit3A_626, %sign3A_633 : i32
        %sign3A_635 = arith.extui %sign3A_634 : i1 to i32
        %sign3A_636 = arith.constant 0 : i32
        %sign3A_637 = arith.cmpi slt, %jit3A_626, %sign3A_636 : i32
        %sign3A_638 = arith.extui %sign3A_637 : i1 to i32
        %sign3A_639 = arith.subi %sign3A_635, %sign3A_638 : i32
        %ne3A_640 = arith.cmpi ne, %sign3A_632, %sign3A_639 : i32
        %rem3A_641 = arith.remsi %scan3A_625, %jit3A_626 : i32
        %ne3A_642 = arith.constant 0 : i32
        %ne3A_643 = arith.cmpi ne, %rem3A_641, %ne3A_642 : i32
        %and3A_644 = arith.andi %ne3A_640, %ne3A_643 : i1
        %sub3A = arith.constant 1 : i32
        %sub3A_645 = arith.subi %div3A, %sub3A : i32
        %select_n3A_646 = arith.select %and3A_644, %sub3A_645, %div3A : i32
        %broadcast_in_dim3A_647 = vector.broadcast %select_n3A_646 : i32 to vector<16xi32>
        %jit3A_648 = arith.constant 8 : i32
        %eq3A_649 = arith.constant 0 : i32
        %eq3A_650 = arith.cmpi eq, %jit3A_648, %eq3A_649 : i32
        %jit3A_651 = arith.constant 1 : i32
        %select_n3A_652 = arith.select %eq3A_650, %jit3A_651, %jit3A_648 : i32
        %rem3A_653 = arith.remsi %scan3A_625, %select_n3A_652 : i32
        %ne3A_654 = arith.constant 0 : i32
        %ne3A_655 = arith.cmpi ne, %rem3A_653, %ne3A_654 : i32
        %lt3A_656 = arith.constant 0 : i32
        %lt3A_657 = arith.cmpi slt, %rem3A_653, %lt3A_656 : i32
        %lt3A_658 = arith.constant 0 : i32
        %lt3A_659 = arith.cmpi slt, %select_n3A_652, %lt3A_658 : i32
        %ne3A_660 = arith.xori %lt3A_657, %lt3A_659 : i1
        %and3A_661 = arith.andi %ne3A_660, %ne3A_655 : i1
        %add3A_662 = arith.addi %rem3A_653, %select_n3A_652 : i32
        %select_n3A_663 = arith.select %and3A_661, %add3A_662, %rem3A_653 : i32
        %mul3A_664 = arith.constant 16 : i32
        %mul3A_665 = arith.muli %select_n3A_663, %mul3A_664 : i32
        %add3A_666 = vector.broadcast %mul3A_665 : i32 to vector<16xi32>
        %add3A_667 = arith.addi %add3A_666, %iota3A : vector<16xi32>
        %mul3A_668 = arith.constant 512 : i32
        %mul3A_669 = arith.muli %scan3A_625, %mul3A_668 : i32
        %add3A_670 = arith.constant 0 : i32
        %add3A_671 = arith.addi %mul3A_669, %add3A_670 : i32
        %add3A_672 = vector.broadcast %add3A_671 : i32 to vector<16xi32>
        %add3A_673 = arith.addi %add3A_603, %add3A_672 : vector<16xi32>
        %add3A_674 = arith.constant 0 : i32
        %add3A_675 = vector.broadcast %add3A_674 : i32 to vector<16xi32>
        %add3A_676 = arith.addi %select_n3A_21, %add3A_675 : vector<16xi32>
        %gather3A = tpu.vector_load_idx %arg5[%broadcast_in_dim3A, %broadcast_in_dim3A_647, %add3A_676, %add3A_667] : memref<2x4x32x128xf32, #tpu.memory_space<vmem>>[vector<16xi32>, vector<16xi32>, vector<16xi32>, vector<16xi32>], vector<16xf32>,
        %add3A_677 = arith.addi %add3A_673, %select_n3A_21 : vector<16xi32>
        tpu.vector_store_idx %arg6[%add3A_677], %gather3A : memref<32768xf32, #tpu.memory_space<vmem>>[vector<16xi32>], vector<16xf32>,
        %add3A_678 = arith.constant 0 : i32
        %add3A_679 = vector.broadcast %add3A_678 : i32 to vector<16xi32>
        %add3A_680 = arith.addi %select_n3A_46, %add3A_679 : vector<16xi32>
        %gather3A_681 = tpu.vector_load_idx %arg5[%broadcast_in_dim3A, %broadcast_in_dim3A_647, %add3A_680, %add3A_667] : memref<2x4x32x128xf32, #tpu.memory_space<vmem>>[vector<16xi32>, vector<16xi32>, vector<16xi32>, vector<16xi32>], vector<16xf32>,
        %add3A_682 = arith.addi %add3A_673, %select_n3A_46 : vector<16xi32>
        tpu.vector_store_idx %arg6[%add3A_682], %gather3A_681 : memref<32768xf32, #tpu.memory_space<vmem>>[vector<16xi32>], vector<16xf32>,
        %add3A_683 = arith.constant 0 : i32
        %add3A_684 = vector.broadcast %add3A_683 : i32 to vector<16xi32>
        %add3A_685 = arith.addi %select_n3A_71, %add3A_684 : vector<16xi32>
        %gather3A_686 = tpu.vector_load_idx %arg5[%broadcast_in_dim3A, %broadcast_in_dim3A_647, %add3A_685, %add3A_667] : memref<2x4x32x128xf32, #tpu.memory_space<vmem>>[vector<16xi32>, vector<16xi32>, vector<16xi32>, vector<16xi32>], vector<16xf32>,
        %add3A_687 = arith.addi %add3A_673, %select_n3A_71 : vector<16xi32>
        tpu.vector_store_idx %arg6[%add3A_687], %gather3A_686 : memref<32768xf32, #tpu.memory_space<vmem>>[vector<16xi32>], vector<16xf32>,
        %add3A_688 = arith.constant 0 : i32
        %add3A_689 = vector.broadcast %add3A_688 : i32 to vector<16xi32>
        %add3A_690 = arith.addi %select_n3A_96, %add3A_689 : vector<16xi32>
        %gather3A_691 = tpu.vector_load_idx %arg5[%broadcast_in_dim3A, %broadcast_in_dim3A_647, %add3A_690, %add3A_667] : memref<2x4x32x128xf32, #tpu.memory_space<vmem>>[vector<16xi32>, vector<16xi32>, vector<16xi32>, vector<16xi32>], vector<16xf32>,
        %add3A_692 = arith.addi %add3A_673, %select_n3A_96 : vector<16xi32>
        tpu.vector_store_idx %arg6[%add3A_692], %gather3A_691 : memref<32768xf32, #tpu.memory_space<vmem>>[vector<16xi32>], vector<16xf32>,
        %add3A_693 = arith.constant 0 : i32
        %add3A_694 = vector.broadcast %add3A_693 : i32 to vector<16xi32>
        %add3A_695 = arith.addi %select_n3A_121, %add3A_694 : vector<16xi32>
        %gather3A_696 = tpu.vector_load_idx %arg5[%broadcast_in_dim3A, %broadcast_in_dim3A_647, %add3A_695, %add3A_667] : memref<2x4x32x128xf32, #tpu.memory_space<vmem>>[vector<16xi32>, vector<16xi32>, vector<16xi32>, vector<16xi32>], vector<16xf32>,
        %add3A_697 = arith.addi %add3A_673, %select_n3A_121 : vector<16xi32>
        tpu.vector_store_idx %arg6[%add3A_697], %gather3A_696 : memref<32768xf32, #tpu.memory_space<vmem>>[vector<16xi32>], vector<16xf32>,
        %add3A_698 = arith.constant 0 : i32
        %add3A_699 = vector.broadcast %add3A_698 : i32 to vector<16xi32>
        %add3A_700 = arith.addi %select_n3A_146, %add3A_699 : vector<16xi32>
        %gather3A_701 = tpu.vector_load_idx %arg5[%broadcast_in_dim3A, %broadcast_in_dim3A_647, %add3A_700, %add3A_667] : memref<2x4x32x128xf32, #tpu.memory_space<vmem>>[vector<16xi32>, vector<16xi32>, vector<16xi32>, vector<16xi32>], vector<16xf32>,
        %add3A_702 = arith.addi %add3A_673, %select_n3A_146 : vector<16xi32>
        tpu.vector_store_idx %arg6[%add3A_702], %gather3A_701 : memref<32768xf32, #tpu.memory_space<vmem>>[vector<16xi32>], vector<16xf32>,
        %add3A_703 = arith.constant 0 : i32
        %add3A_704 = vector.broadcast %add3A_703 : i32 to vector<16xi32>
        %add3A_705 = arith.addi %select_n3A_171, %add3A_704 : vector<16xi32>
        %gather3A_706 = tpu.vector_load_idx %arg5[%broadcast_in_dim3A, %broadcast_in_dim3A_647, %add3A_705, %add3A_667] : memref<2x4x32x128xf32, #tpu.memory_space<vmem>>[vector<16xi32>, vector<16xi32>, vector<16xi32>, vector<16xi32>], vector<16xf32>,
        %add3A_707 = arith.addi %add3A_673, %select_n3A_171 : vector<16xi32>
        tpu.vector_store_idx %arg6[%add3A_707], %gather3A_706 : memref<32768xf32, #tpu.memory_space<vmem>>[vector<16xi32>], vector<16xf32>,
        %add3A_708 = arith.constant 0 : i32
        %add3A_709 = vector.broadcast %add3A_708 : i32 to vector<16xi32>
        %add3A_710 = arith.addi %select_n3A_196, %add3A_709 : vector<16xi32>
        %gather3A_711 = tpu.vector_load_idx %arg5[%broadcast_in_dim3A, %broadcast_in_dim3A_647, %add3A_710, %add3A_667] : memref<2x4x32x128xf32, #tpu.memory_space<vmem>>[vector<16xi32>, vector<16xi32>, vector<16xi32>, vector<16xi32>], vector<16xf32>,
        %add3A_712 = arith.addi %add3A_673, %select_n3A_196 : vector<16xi32>
        tpu.vector_store_idx %arg6[%add3A_712], %gather3A_711 : memref<32768xf32, #tpu.memory_space<vmem>>[vector<16xi32>], vector<16xf32>,
        %add3A_713 = arith.constant 0 : i32
        %add3A_714 = vector.broadcast %add3A_713 : i32 to vector<16xi32>
        %add3A_715 = arith.addi %select_n3A_221, %add3A_714 : vector<16xi32>
        %gather3A_716 = tpu.vector_load_idx %arg5[%broadcast_in_dim3A, %broadcast_in_dim3A_647, %add3A_715, %add3A_667] : memref<2x4x32x128xf32, #tpu.memory_space<vmem>>[vector<16xi32>, vector<16xi32>, vector<16xi32>, vector<16xi32>], vector<16xf32>,
        %add3A_717 = arith.addi %add3A_673, %select_n3A_221 : vector<16xi32>
        tpu.vector_store_idx %arg6[%add3A_717], %gather3A_716 : memref<32768xf32, #tpu.memory_space<vmem>>[vector<16xi32>], vector<16xf32>,
        %add3A_718 = arith.constant 0 : i32
        %add3A_719 = vector.broadcast %add3A_718 : i32 to vector<16xi32>
        %add3A_720 = arith.addi %select_n3A_246, %add3A_719 : vector<16xi32>
        %gather3A_721 = tpu.vector_load_idx %arg5[%broadcast_in_dim3A, %broadcast_in_dim3A_647, %add3A_720, %add3A_667] : memref<2x4x32x128xf32, #tpu.memory_space<vmem>>[vector<16xi32>, vector<16xi32>, vector<16xi32>, vector<16xi32>], vector<16xf32>,
        %add3A_722 = arith.addi %add3A_673, %select_n3A_246 : vector<16xi32>
        tpu.vector_store_idx %arg6[%add3A_722], %gather3A_721 : memref<32768xf32, #tpu.memory_space<vmem>>[vector<16xi32>], vector<16xf32>,
        %add3A_723 = arith.constant 0 : i32
        %add3A_724 = vector.broadcast %add3A_723 : i32 to vector<16xi32>
        %add3A_725 = arith.addi %select_n3A_271, %add3A_724 : vector<16xi32>
        %gather3A_726 = tpu.vector_load_idx %arg5[%broadcast_in_dim3A, %broadcast_in_dim3A_647, %add3A_725, %add3A_667] : memref<2x4x32x128xf32, #tpu.memory_space<vmem>>[vector<16xi32>, vector<16xi32>, vector<16xi32>, vector<16xi32>], vector<16xf32>,
        %add3A_727 = arith.addi %add3A_673, %select_n3A_271 : vector<16xi32>
        tpu.vector_store_idx %arg6[%add3A_727], %gather3A_726 : memref<32768xf32, #tpu.memory_space<vmem>>[vector<16xi32>], vector<16xf32>,
        %add3A_728 = arith.constant 0 : i32
        %add3A_729 = vector.broadcast %add3A_728 : i32 to vector<16xi32>
        %add3A_730 = arith.addi %select_n3A_296, %add3A_729 : vector<16xi32>
        %gather3A_731 = tpu.vector_load_idx %arg5[%broadcast_in_dim3A, %broadcast_in_dim3A_647, %add3A_730, %add3A_667] : memref<2x4x32x128xf32, #tpu.memory_space<vmem>>[vector<16xi32>, vector<16xi32>, vector<16xi32>, vector<16xi32>], vector<16xf32>,
        %add3A_732 = arith.addi %add3A_673, %select_n3A_296 : vector<16xi32>
        tpu.vector_store_idx %arg6[%add3A_732], %gather3A_731 : memref<32768xf32, #tpu.memory_space<vmem>>[vector<16xi32>], vector<16xf32>,
        %add3A_733 = arith.constant 0 : i32
        %add3A_734 = vector.broadcast %add3A_733 : i32 to vector<16xi32>
        %add3A_735 = arith.addi %select_n3A_321, %add3A_734 : vector<16xi32>
        %gather3A_736 = tpu.vector_load_idx %arg5[%broadcast_in_dim3A, %broadcast_in_dim3A_647, %add3A_735, %add3A_667] : memref<2x4x32x128xf32, #tpu.memory_space<vmem>>[vector<16xi32>, vector<16xi32>, vector<16xi32>, vector<16xi32>], vector<16xf32>,
        %add3A_737 = arith.addi %add3A_673, %select_n3A_321 : vector<16xi32>
        tpu.vector_store_idx %arg6[%add3A_737], %gather3A_736 : memref<32768xf32, #tpu.memory_space<vmem>>[vector<16xi32>], vector<16xf32>,
        %add3A_738 = arith.constant 0 : i32
        %add3A_739 = vector.broadcast %add3A_738 : i32 to vector<16xi32>
        %add3A_740 = arith.addi %select_n3A_346, %add3A_739 : vector<16xi32>
        %gather3A_741 = tpu.vector_load_idx %arg5[%broadcast_in_dim3A, %broadcast_in_dim3A_647, %add3A_740, %add3A_667] : memref<2x4x32x128xf32, #tpu.memory_space<vmem>>[vector<16xi32>, vector<16xi32>, vector<16xi32>, vector<16xi32>], vector<16xf32>,
        %add3A_742 = arith.addi %add3A_673, %select_n3A_346 : vector<16xi32>
        tpu.vector_store_idx %arg6[%add3A_742], %gather3A_741 : memref<32768xf32, #tpu.memory_space<vmem>>[vector<16xi32>], vector<16xf32>,
        %add3A_743 = arith.constant 0 : i32
        %add3A_744 = vector.broadcast %add3A_743 : i32 to vector<16xi32>
        %add3A_745 = arith.addi %select_n3A_371, %add3A_744 : vector<16xi32>
        %gather3A_746 = tpu.vector_load_idx %arg5[%broadcast_in_dim3A, %broadcast_in_dim3A_647, %add3A_745, %add3A_667] : memref<2x4x32x128xf32, #tpu.memory_space<vmem>>[vector<16xi32>, vector<16xi32>, vector<16xi32>, vector<16xi32>], vector<16xf32>,
        %add3A_747 = arith.addi %add3A_673, %select_n3A_371 : vector<16xi32>
        tpu.vector_store_idx %arg6[%add3A_747], %gather3A_746 : memref<32768xf32, #tpu.memory_space<vmem>>[vector<16xi32>], vector<16xf32>,
        %add3A_748 = arith.constant 0 : i32
        %add3A_749 = vector.broadcast %add3A_748 : i32 to vector<16xi32>
        %add3A_750 = arith.addi %select_n3A_396, %add3A_749 : vector<16xi32>
        %gather3A_751 = tpu.vector_load_idx %arg5[%broadcast_in_dim3A, %broadcast_in_dim3A_647, %add3A_750, %add3A_667] : memref<2x4x32x128xf32, #tpu.memory_space<vmem>>[vector<16xi32>, vector<16xi32>, vector<16xi32>, vector<16xi32>], vector<16xf32>,
        %add3A_752 = arith.addi %add3A_673, %select_n3A_396 : vector<16xi32>
        tpu.vector_store_idx %arg6[%add3A_752], %gather3A_751 : memref<32768xf32, #tpu.memory_space<vmem>>[vector<16xi32>], vector<16xf32>,
        %mul3A_753 = arith.constant 512 : i32
        %mul3A_754 = arith.muli %scan3A_625, %mul3A_753 : i32
        %add3A_755 = arith.constant 16 : i32
        %add3A_756 = arith.addi %mul3A_754, %add3A_755 : i32
        %add3A_757 = vector.broadcast %add3A_756 : i32 to vector<16xi32>
        %add3A_758 = arith.addi %add3A_603, %add3A_757 : vector<16xi32>
        %add3A_759 = arith.constant 16 : i32
        %add3A_760 = vector.broadcast %add3A_759 : i32 to vector<16xi32>
        %add3A_761 = arith.addi %select_n3A_21, %add3A_760 : vector<16xi32>
        %gather3A_762 = tpu.vector_load_idx %arg5[%broadcast_in_dim3A, %broadcast_in_dim3A_647, %add3A_761, %add3A_667] : memref<2x4x32x128xf32, #tpu.memory_space<vmem>>[vector<16xi32>, vector<16xi32>, vector<16xi32>, vector<16xi32>], vector<16xf32>,
        %add3A_763 = arith.addi %add3A_758, %select_n3A_21 : vector<16xi32>
        tpu.vector_store_idx %arg6[%add3A_763], %gather3A_762 : memref<32768xf32, #tpu.memory_space<vmem>>[vector<16xi32>], vector<16xf32>,
        %add3A_764 = arith.constant 16 : i32
        %add3A_765 = vector.broadcast %add3A_764 : i32 to vector<16xi32>
        %add3A_766 = arith.addi %select_n3A_46, %add3A_765 : vector<16xi32>
        %gather3A_767 = tpu.vector_load_idx %arg5[%broadcast_in_dim3A, %broadcast_in_dim3A_647, %add3A_766, %add3A_667] : memref<2x4x32x128xf32, #tpu.memory_space<vmem>>[vector<16xi32>, vector<16xi32>, vector<16xi32>, vector<16xi32>], vector<16xf32>,
        %add3A_768 = arith.addi %add3A_758, %select_n3A_46 : vector<16xi32>
        tpu.vector_store_idx %arg6[%add3A_768], %gather3A_767 : memref<32768xf32, #tpu.memory_space<vmem>>[vector<16xi32>], vector<16xf32>,
        %add3A_769 = arith.constant 16 : i32
        %add3A_770 = vector.broadcast %add3A_769 : i32 to vector<16xi32>
        %add3A_771 = arith.addi %select_n3A_71, %add3A_770 : vector<16xi32>
        %gather3A_772 = tpu.vector_load_idx %arg5[%broadcast_in_dim3A, %broadcast_in_dim3A_647, %add3A_771, %add3A_667] : memref<2x4x32x128xf32, #tpu.memory_space<vmem>>[vector<16xi32>, vector<16xi32>, vector<16xi32>, vector<16xi32>], vector<16xf32>,
        %add3A_773 = arith.addi %add3A_758, %select_n3A_71 : vector<16xi32>
        tpu.vector_store_idx %arg6[%add3A_773], %gather3A_772 : memref<32768xf32, #tpu.memory_space<vmem>>[vector<16xi32>], vector<16xf32>,
        %add3A_774 = arith.constant 16 : i32
        %add3A_775 = vector.broadcast %add3A_774 : i32 to vector<16xi32>
        %add3A_776 = arith.addi %select_n3A_96, %add3A_775 : vector<16xi32>
        %gather3A_777 = tpu.vector_load_idx %arg5[%broadcast_in_dim3A, %broadcast_in_dim3A_647, %add3A_776, %add3A_667] : memref<2x4x32x128xf32, #tpu.memory_space<vmem>>[vector<16xi32>, vector<16xi32>, vector<16xi32>, vector<16xi32>], vector<16xf32>,
        %add3A_778 = arith.addi %add3A_758, %select_n3A_96 : vector<16xi32>
        tpu.vector_store_idx %arg6[%add3A_778], %gather3A_777 : memref<32768xf32, #tpu.memory_space<vmem>>[vector<16xi32>], vector<16xf32>,
        %add3A_779 = arith.constant 16 : i32
        %add3A_780 = vector.broadcast %add3A_779 : i32 to vector<16xi32>
        %add3A_781 = arith.addi %select_n3A_121, %add3A_780 : vector<16xi32>
        %gather3A_782 = tpu.vector_load_idx %arg5[%broadcast_in_dim3A, %broadcast_in_dim3A_647, %add3A_781, %add3A_667] : memref<2x4x32x128xf32, #tpu.memory_space<vmem>>[vector<16xi32>, vector<16xi32>, vector<16xi32>, vector<16xi32>], vector<16xf32>,
        %add3A_783 = arith.addi %add3A_758, %select_n3A_121 : vector<16xi32>
        tpu.vector_store_idx %arg6[%add3A_783], %gather3A_782 : memref<32768xf32, #tpu.memory_space<vmem>>[vector<16xi32>], vector<16xf32>,
        %add3A_784 = arith.constant 16 : i32
        %add3A_785 = vector.broadcast %add3A_784 : i32 to vector<16xi32>
        %add3A_786 = arith.addi %select_n3A_146, %add3A_785 : vector<16xi32>
        %gather3A_787 = tpu.vector_load_idx %arg5[%broadcast_in_dim3A, %broadcast_in_dim3A_647, %add3A_786, %add3A_667] : memref<2x4x32x128xf32, #tpu.memory_space<vmem>>[vector<16xi32>, vector<16xi32>, vector<16xi32>, vector<16xi32>], vector<16xf32>,
        %add3A_788 = arith.addi %add3A_758, %select_n3A_146 : vector<16xi32>
        tpu.vector_store_idx %arg6[%add3A_788], %gather3A_787 : memref<32768xf32, #tpu.memory_space<vmem>>[vector<16xi32>], vector<16xf32>,
        %add3A_789 = arith.constant 16 : i32
        %add3A_790 = vector.broadcast %add3A_789 : i32 to vector<16xi32>
        %add3A_791 = arith.addi %select_n3A_171, %add3A_790 : vector<16xi32>
        %gather3A_792 = tpu.vector_load_idx %arg5[%broadcast_in_dim3A, %broadcast_in_dim3A_647, %add3A_791, %add3A_667] : memref<2x4x32x128xf32, #tpu.memory_space<vmem>>[vector<16xi32>, vector<16xi32>, vector<16xi32>, vector<16xi32>], vector<16xf32>,
        %add3A_793 = arith.addi %add3A_758, %select_n3A_171 : vector<16xi32>
        tpu.vector_store_idx %arg6[%add3A_793], %gather3A_792 : memref<32768xf32, #tpu.memory_space<vmem>>[vector<16xi32>], vector<16xf32>,
        %add3A_794 = arith.constant 16 : i32
        %add3A_795 = vector.broadcast %add3A_794 : i32 to vector<16xi32>
        %add3A_796 = arith.addi %select_n3A_196, %add3A_795 : vector<16xi32>
        %gather3A_797 = tpu.vector_load_idx %arg5[%broadcast_in_dim3A, %broadcast_in_dim3A_647, %add3A_796, %add3A_667] : memref<2x4x32x128xf32, #tpu.memory_space<vmem>>[vector<16xi32>, vector<16xi32>, vector<16xi32>, vector<16xi32>], vector<16xf32>,
        %add3A_798 = arith.addi %add3A_758, %select_n3A_196 : vector<16xi32>
        tpu.vector_store_idx %arg6[%add3A_798], %gather3A_797 : memref<32768xf32, #tpu.memory_space<vmem>>[vector<16xi32>], vector<16xf32>,
        %add3A_799 = arith.constant 16 : i32
        %add3A_800 = vector.broadcast %add3A_799 : i32 to vector<16xi32>
        %add3A_801 = arith.addi %select_n3A_221, %add3A_800 : vector<16xi32>
        %gather3A_802 = tpu.vector_load_idx %arg5[%broadcast_in_dim3A, %broadcast_in_dim3A_647, %add3A_801, %add3A_667] : memref<2x4x32x128xf32, #tpu.memory_space<vmem>>[vector<16xi32>, vector<16xi32>, vector<16xi32>, vector<16xi32>], vector<16xf32>,
        %add3A_803 = arith.addi %add3A_758, %select_n3A_221 : vector<16xi32>
        tpu.vector_store_idx %arg6[%add3A_803], %gather3A_802 : memref<32768xf32, #tpu.memory_space<vmem>>[vector<16xi32>], vector<16xf32>,
        %add3A_804 = arith.constant 16 : i32
        %add3A_805 = vector.broadcast %add3A_804 : i32 to vector<16xi32>
        %add3A_806 = arith.addi %select_n3A_246, %add3A_805 : vector<16xi32>
        %gather3A_807 = tpu.vector_load_idx %arg5[%broadcast_in_dim3A, %broadcast_in_dim3A_647, %add3A_806, %add3A_667] : memref<2x4x32x128xf32, #tpu.memory_space<vmem>>[vector<16xi32>, vector<16xi32>, vector<16xi32>, vector<16xi32>], vector<16xf32>,
        %add3A_808 = arith.addi %add3A_758, %select_n3A_246 : vector<16xi32>
        tpu.vector_store_idx %arg6[%add3A_808], %gather3A_807 : memref<32768xf32, #tpu.memory_space<vmem>>[vector<16xi32>], vector<16xf32>,
        %add3A_809 = arith.constant 16 : i32
        %add3A_810 = vector.broadcast %add3A_809 : i32 to vector<16xi32>
        %add3A_811 = arith.addi %select_n3A_271, %add3A_810 : vector<16xi32>
        %gather3A_812 = tpu.vector_load_idx %arg5[%broadcast_in_dim3A, %broadcast_in_dim3A_647, %add3A_811, %add3A_667] : memref<2x4x32x128xf32, #tpu.memory_space<vmem>>[vector<16xi32>, vector<16xi32>, vector<16xi32>, vector<16xi32>], vector<16xf32>,
        %add3A_813 = arith.addi %add3A_758, %select_n3A_271 : vector<16xi32>
        tpu.vector_store_idx %arg6[%add3A_813], %gather3A_812 : memref<32768xf32, #tpu.memory_space<vmem>>[vector<16xi32>], vector<16xf32>,
        %add3A_814 = arith.constant 16 : i32
        %add3A_815 = vector.broadcast %add3A_814 : i32 to vector<16xi32>
        %add3A_816 = arith.addi %select_n3A_296, %add3A_815 : vector<16xi32>
        %gather3A_817 = tpu.vector_load_idx %arg5[%broadcast_in_dim3A, %broadcast_in_dim3A_647, %add3A_816, %add3A_667] : memref<2x4x32x128xf32, #tpu.memory_space<vmem>>[vector<16xi32>, vector<16xi32>, vector<16xi32>, vector<16xi32>], vector<16xf32>,
        %add3A_818 = arith.addi %add3A_758, %select_n3A_296 : vector<16xi32>
        tpu.vector_store_idx %arg6[%add3A_818], %gather3A_817 : memref<32768xf32, #tpu.memory_space<vmem>>[vector<16xi32>], vector<16xf32>,
        %add3A_819 = arith.constant 16 : i32
        %add3A_820 = vector.broadcast %add3A_819 : i32 to vector<16xi32>
        %add3A_821 = arith.addi %select_n3A_321, %add3A_820 : vector<16xi32>
        %gather3A_822 = tpu.vector_load_idx %arg5[%broadcast_in_dim3A, %broadcast_in_dim3A_647, %add3A_821, %add3A_667] : memref<2x4x32x128xf32, #tpu.memory_space<vmem>>[vector<16xi32>, vector<16xi32>, vector<16xi32>, vector<16xi32>], vector<16xf32>,
        %add3A_823 = arith.addi %add3A_758, %select_n3A_321 : vector<16xi32>
        tpu.vector_store_idx %arg6[%add3A_823], %gather3A_822 : memref<32768xf32, #tpu.memory_space<vmem>>[vector<16xi32>], vector<16xf32>,
        %add3A_824 = arith.constant 16 : i32
        %add3A_825 = vector.broadcast %add3A_824 : i32 to vector<16xi32>
        %add3A_826 = arith.addi %select_n3A_346, %add3A_825 : vector<16xi32>
        %gather3A_827 = tpu.vector_load_idx %arg5[%broadcast_in_dim3A, %broadcast_in_dim3A_647, %add3A_826, %add3A_667] : memref<2x4x32x128xf32, #tpu.memory_space<vmem>>[vector<16xi32>, vector<16xi32>, vector<16xi32>, vector<16xi32>], vector<16xf32>,
        %add3A_828 = arith.addi %add3A_758, %select_n3A_346 : vector<16xi32>
        tpu.vector_store_idx %arg6[%add3A_828], %gather3A_827 : memref<32768xf32, #tpu.memory_space<vmem>>[vector<16xi32>], vector<16xf32>,
        %add3A_829 = arith.constant 16 : i32
        %add3A_830 = vector.broadcast %add3A_829 : i32 to vector<16xi32>
        %add3A_831 = arith.addi %select_n3A_371, %add3A_830 : vector<16xi32>
        %gather3A_832 = tpu.vector_load_idx %arg5[%broadcast_in_dim3A, %broadcast_in_dim3A_647, %add3A_831, %add3A_667] : memref<2x4x32x128xf32, #tpu.memory_space<vmem>>[vector<16xi32>, vector<16xi32>, vector<16xi32>, vector<16xi32>], vector<16xf32>,
        %add3A_833 = arith.addi %add3A_758, %select_n3A_371 : vector<16xi32>
        tpu.vector_store_idx %arg6[%add3A_833], %gather3A_832 : memref<32768xf32, #tpu.memory_space<vmem>>[vector<16xi32>], vector<16xf32>,
        %add3A_834 = arith.constant 16 : i32
        %add3A_835 = vector.broadcast %add3A_834 : i32 to vector<16xi32>
        %add3A_836 = arith.addi %select_n3A_396, %add3A_835 : vector<16xi32>
        %gather3A_837 = tpu.vector_load_idx %arg5[%broadcast_in_dim3A, %broadcast_in_dim3A_647, %add3A_836, %add3A_667] : memref<2x4x32x128xf32, #tpu.memory_space<vmem>>[vector<16xi32>, vector<16xi32>, vector<16xi32>, vector<16xi32>], vector<16xf32>,
        %add3A_838 = arith.addi %add3A_758, %select_n3A_396 : vector<16xi32>
        tpu.vector_store_idx %arg6[%add3A_838], %gather3A_837 : memref<32768xf32, #tpu.memory_space<vmem>>[vector<16xi32>], vector<16xf32>,
      }
      %scan3A_609 = arith.constant 32 : i32
      %mul3A_610 = arith.constant 32 : i32
      %mul3A_611 = arith.muli %scan3A_513, %mul3A_610 : i32
      %add3A_612 = arith.addi %mul3A_611, %add3A : i32
      %mul3A_613 = arith.constant 512 : i32
      %mul3A_614 = arith.muli %add3A_612, %mul3A_613 : i32
      %mul3A_615 = arith.constant 16384 : i32
      %mul3A_616 = arith.muli %rem3A_515, %mul3A_615 : i32
      %mul3A_617 = arith.constant 32 : i32
      %mul3A_618 = arith.muli %mul3A_614, %mul3A_617 : i32
      %dma_start3A_619 = tpu.memref_slice %arg6[%mul3A_616] : memref<32768xf32, #tpu.memory_space<vmem>> -> memref<16384xf32, #tpu.memory_space<vmem>>
      %dma_start3A_620 = tpu.memref_slice %arg4[%mul3A_618] : memref<32000000xf32, #tpu.memory_space<hbm>> -> memref<16384xf32, #tpu.memory_space<hbm>>
      %dma_start3A_621 = tpu.memref_slice %arg8[%rem3A_515] : memref<2x!tpu.dma_semaphore, #tpu.memory_space<semaphore_mem>> -> memref<1x!tpu.dma_semaphore, #tpu.memory_space<semaphore_mem>>
      %dma_start3A_622 = tpu.memref_squeeze %dma_start3A_621 : memref<1x!tpu.dma_semaphore, #tpu.memory_space<semaphore_mem>> -> memref<!tpu.dma_semaphore, #tpu.memory_space<semaphore_mem>>
      %dma_start3A_623 = tpu.memref_slice %arg4[%mul3A_618] : memref<32000000xf32, #tpu.memory_space<hbm>> -> memref<16384xf32, #tpu.memory_space<hbm>>
      %dma_start3A_624 = tpu.memref_slice %arg6[%mul3A_616] : memref<32768xf32, #tpu.memory_space<vmem>> -> memref<16384xf32, #tpu.memory_space<vmem>>
      tpu.enqueue_dma source(%dma_start3A_624 : memref<16384xf32, #tpu.memory_space<vmem>>) target(%dma_start3A_623 : memref<16384xf32, #tpu.memory_space<hbm>>) target_semaphore(%dma_start3A_622 : memref<!tpu.dma_semaphore, #tpu.memory_space<semaphore_mem>>)
    }
    %scan3A_480 = arith.constant 61 : i32
    %add3A_481 = arith.constant 1888 : i32
    %add3A_482 = arith.addi %add3A_481, %add3A : i32
    %mul3A_483 = arith.constant 512 : i32
    %mul3A_484 = arith.muli %add3A_482, %mul3A_483 : i32
    %mul3A_485 = arith.constant 32 : i32
    %mul3A_486 = arith.muli %mul3A_484, %mul3A_485 : i32
    %dma_wait3A = arith.constant 1 : i32
    %dma_wait3A_487 = arith.constant 16384 : i32
    %dma_wait3A_488 = tpu.memref_slice %arg6[%dma_wait3A_487] : memref<32768xf32, #tpu.memory_space<vmem>> -> memref<16384xf32, #tpu.memory_space<vmem>>
    %dma_wait3A_489 = tpu.memref_slice %arg4[%mul3A_486] : memref<32000000xf32, #tpu.memory_space<hbm>> -> memref<16384xf32, #tpu.memory_space<hbm>>
    %dma_wait3A_490 = tpu.memref_slice %arg8[%dma_wait3A] : memref<2x!tpu.dma_semaphore, #tpu.memory_space<semaphore_mem>> -> memref<1x!tpu.dma_semaphore, #tpu.memory_space<semaphore_mem>>
    %dma_wait3A_491 = tpu.memref_squeeze %dma_wait3A_490 : memref<1x!tpu.dma_semaphore, #tpu.memory_space<semaphore_mem>> -> memref<!tpu.dma_semaphore, #tpu.memory_space<semaphore_mem>>
    %dma_wait3A_492 = tpu.memref_slice %arg4[%mul3A_486] : memref<32000000xf32, #tpu.memory_space<hbm>> -> memref<16384xf32, #tpu.memory_space<hbm>>
    %dma_wait3A_493 = arith.constant 16384 : i32
    %dma_wait3A_494 = tpu.memref_slice %arg6[%dma_wait3A_493] : memref<32768xf32, #tpu.memory_space<vmem>> -> memref<16384xf32, #tpu.memory_space<vmem>>
    tpu.wait_dma2 semaphore(%dma_wait3A_491 : memref<!tpu.dma_semaphore, #tpu.memory_space<semaphore_mem>>) src(%dma_wait3A_494 : memref<16384xf32, #tpu.memory_space<vmem>>) dst(%dma_wait3A_492 : memref<16384xf32, #tpu.memory_space<hbm>>)
    %add3A_495 = arith.constant 1920 : i32
    %add3A_496 = arith.addi %add3A_495, %add3A : i32
    %mul3A_497 = arith.constant 512 : i32
    %mul3A_498 = arith.muli %add3A_496, %mul3A_497 : i32
    %mul3A_499 = arith.constant 32 : i32
    %mul3A_500 = arith.muli %mul3A_498, %mul3A_499 : i32
    %dma_wait3A_501 = arith.constant 0 : i32
    %dma_wait3A_502 = arith.constant 0 : i32
    %dma_wait3A_503 = tpu.memref_slice %arg6[%dma_wait3A_502] : memref<32768xf32, #tpu.memory_space<vmem>> -> memref<16384xf32, #tpu.memory_space<vmem>>
    %dma_wait3A_504 = tpu.memref_slice %arg4[%mul3A_500] : memref<32000000xf32, #tpu.memory_space<hbm>> -> memref<16384xf32, #tpu.memory_space<hbm>>
    %dma_wait3A_505 = tpu.memref_slice %arg8[%dma_wait3A_501] : memref<2x!tpu.dma_semaphore, #tpu.memory_space<semaphore_mem>> -> memref<1x!tpu.dma_semaphore, #tpu.memory_space<semaphore_mem>>
    %dma_wait3A_506 = tpu.memref_squeeze %dma_wait3A_505 : memref<1x!tpu.dma_semaphore, #tpu.memory_space<semaphore_mem>> -> memref<!tpu.dma_semaphore, #tpu.memory_space<semaphore_mem>>
    %dma_wait3A_507 = tpu.memref_slice %arg4[%mul3A_500] : memref<32000000xf32, #tpu.memory_space<hbm>> -> memref<16384xf32, #tpu.memory_space<hbm>>
    %dma_wait3A_508 = arith.constant 0 : i32
    %dma_wait3A_509 = tpu.memref_slice %arg6[%dma_wait3A_508] : memref<32768xf32, #tpu.memory_space<vmem>> -> memref<16384xf32, #tpu.memory_space<vmem>>
    tpu.wait_dma2 semaphore(%dma_wait3A_506 : memref<!tpu.dma_semaphore, #tpu.memory_space<semaphore_mem>>) src(%dma_wait3A_509 : memref<16384xf32, #tpu.memory_space<vmem>>) dst(%dma_wait3A_507 : memref<16384xf32, #tpu.memory_space<hbm>>)
    %lt3A_510 = arith.constant 4 : i32
    %lt3A_511 = arith.cmpi slt, %add3A, %lt3A_510 : i32
    %convert_element_type3A = arith.extui %lt3A_511 : i1 to i32
    %cond3A = arith.constant 0 : i32
    %cond3A_512 = arith.cmpi ne, %convert_element_type3A, %cond3A : i32
    scf.if %cond3A_512 {
      %mul3A_513 = arith.constant 4608 : i32
      %mul3A_514 = arith.muli %add3A, %mul3A_513 : i32
      "tpu.region"() ({
        %run_scoped3A = tpu.sem_alloc : memref<!tpu.dma_semaphore, #tpu.memory_space<semaphore_mem>>
        %dma_start3A_517 = arith.constant 0 : i32
        %dma_start3A_518 = tpu.memref_slice %arg6[%dma_start3A_517] : memref<32768xf32, #tpu.memory_space<vmem>> -> memref<4608xf32, #tpu.memory_space<vmem>>
        %dma_start3A_519 = tpu.memref_slice %arg3[%mul3A_514] : memref<18432xf32, #tpu.memory_space<hbm>> -> memref<4608xf32, #tpu.memory_space<hbm>>
        %dma_start3A_520 = arith.constant 0 : i32
        %dma_start3A_521 = tpu.memref_slice %arg6[%dma_start3A_520] : memref<32768xf32, #tpu.memory_space<vmem>> -> memref<4608xf32, #tpu.memory_space<vmem>>
        %dma_start3A_522 = tpu.memref_slice %arg3[%mul3A_514] : memref<18432xf32, #tpu.memory_space<hbm>> -> memref<4608xf32, #tpu.memory_space<hbm>>
        tpu.enqueue_dma source(%dma_start3A_522 : memref<4608xf32, #tpu.memory_space<hbm>>) target(%dma_start3A_521 : memref<4608xf32, #tpu.memory_space<vmem>>) target_semaphore(%run_scoped3A : memref<!tpu.dma_semaphore, #tpu.memory_space<semaphore_mem>>)
        %dma_wait3A_523 = arith.constant 0 : i32
        %dma_wait3A_524 = tpu.memref_slice %arg6[%dma_wait3A_523] : memref<32768xf32, #tpu.memory_space<vmem>> -> memref<4608xf32, #tpu.memory_space<vmem>>
        %dma_wait3A_525 = tpu.memref_slice %arg3[%mul3A_514] : memref<18432xf32, #tpu.memory_space<hbm>> -> memref<4608xf32, #tpu.memory_space<hbm>>
        %dma_wait3A_526 = arith.constant 0 : i32
        %dma_wait3A_527 = tpu.memref_slice %arg6[%dma_wait3A_526] : memref<32768xf32, #tpu.memory_space<vmem>> -> memref<4608xf32, #tpu.memory_space<vmem>>
        %dma_wait3A_528 = tpu.memref_slice %arg3[%mul3A_514] : memref<18432xf32, #tpu.memory_space<hbm>> -> memref<4608xf32, #tpu.memory_space<hbm>>
        tpu.wait_dma2 semaphore(%run_scoped3A : memref<!tpu.dma_semaphore, #tpu.memory_space<semaphore_mem>>) src(%dma_wait3A_528 : memref<4608xf32, #tpu.memory_space<hbm>>) dst(%dma_wait3A_527 : memref<4608xf32, #tpu.memory_space<vmem>>)
        tpu.yield
      }) : () -> ()
      %add3A_515 = arith.constant 31981568 : i32
      %add3A_516 = arith.addi %add3A_515, %mul3A_514 : i32
      "tpu.region"() ({
        %run_scoped3A = tpu.sem_alloc : memref<!tpu.dma_semaphore, #tpu.memory_space<semaphore_mem>>
        %dma_start3A_517 = arith.constant 0 : i32
        %dma_start3A_518 = tpu.memref_slice %arg6[%dma_start3A_517] : memref<32768xf32, #tpu.memory_space<vmem>> -> memref<4608xf32, #tpu.memory_space<vmem>>
        %dma_start3A_519 = tpu.memref_slice %arg4[%add3A_516] : memref<32000000xf32, #tpu.memory_space<hbm>> -> memref<4608xf32, #tpu.memory_space<hbm>>
        %dma_start3A_520 = tpu.memref_slice %arg4[%add3A_516] : memref<32000000xf32, #tpu.memory_space<hbm>> -> memref<4608xf32, #tpu.memory_space<hbm>>
        %dma_start3A_521 = arith.constant 0 : i32
        %dma_start3A_522 = tpu.memref_slice %arg6[%dma_start3A_521] : memref<32768xf32, #tpu.memory_space<vmem>> -> memref<4608xf32, #tpu.memory_space<vmem>>
        tpu.enqueue_dma source(%dma_start3A_522 : memref<4608xf32, #tpu.memory_space<vmem>>) target(%dma_start3A_520 : memref<4608xf32, #tpu.memory_space<hbm>>) target_semaphore(%run_scoped3A : memref<!tpu.dma_semaphore, #tpu.memory_space<semaphore_mem>>)
        %dma_wait3A_523 = arith.constant 0 : i32
        %dma_wait3A_524 = tpu.memref_slice %arg6[%dma_wait3A_523] : memref<32768xf32, #tpu.memory_space<vmem>> -> memref<4608xf32, #tpu.memory_space<vmem>>
        %dma_wait3A_525 = tpu.memref_slice %arg4[%add3A_516] : memref<32000000xf32, #tpu.memory_space<hbm>> -> memref<4608xf32, #tpu.memory_space<hbm>>
        %dma_wait3A_526 = tpu.memref_slice %arg4[%add3A_516] : memref<32000000xf32, #tpu.memory_space<hbm>> -> memref<4608xf32, #tpu.memory_space<hbm>>
        %dma_wait3A_527 = arith.constant 0 : i32
        %dma_wait3A_528 = tpu.memref_slice %arg6[%dma_wait3A_527] : memref<32768xf32, #tpu.memory_space<vmem>> -> memref<4608xf32, #tpu.memory_space<vmem>>
        tpu.wait_dma2 semaphore(%run_scoped3A : memref<!tpu.dma_semaphore, #tpu.memory_space<semaphore_mem>>) src(%dma_wait3A_528 : memref<4608xf32, #tpu.memory_space<vmem>>) dst(%dma_wait3A_526 : memref<4608xf32, #tpu.memory_space<hbm>>)
        tpu.yield
      }) : () -> ()
    } else {
    }
    return
  }
}

#map = affine_map<(d0, d1) -> (0, 0)>
#map1 = affine_map<(d0, d1) -> (0)>
module attributes {stable_mosaic.version = 14 : i64} {
  func.func @_gather_body(%arg0: i32, %arg1: i32, %arg2: memref<1000000x32xf32, #tpu.memory_space<hbm>>, %arg3: memref<26x16384xi32, #tpu.memory_space<hbm>>, %arg4: memref<26x16384xf32, #tpu.memory_space<hbm>>, %arg5: memref<13631488xf32, #tpu.memory_space<hbm>>, %arg6: memref<26x512xi32, #tpu.memory_space<vmem>>, %arg7: memref<26x512xf32, #tpu.memory_space<vmem>>, %arg8: memref<2x512x32xf32, #tpu.memory_space<vmem>>, %arg9: memref<32768xf32, #tpu.memory_space<vmem>>, %arg10: memref<2x!tpu.dma_semaphore, #tpu.memory_space<semaphore_mem>>, %arg11: memref<2x!tpu.dma_semaphore, #tpu.memory_space<semaphore_mem>>) attributes {dimension_semantics = [#tpu.dimension_semantics<core_parallel>, #tpu.dimension_semantics<subcore_parallel>], iteration_bounds = array<i64: 2, 16>, scalar_prefetch = 0 : i64, scratch_operands = 6 : i64, tpu.core_type = #tpu.core_type<sc_vector_subcore>, window_params = [{transform_indices = #map}, {transform_indices = #map}, {transform_indices = #map}, {transform_indices = #map1}]} {
    %mul3A = arith.constant 2 : i32
    %mul3A_0 = arith.muli %arg1, %mul3A : i32
    %add3A = arith.addi %mul3A_0, %arg0 : i32
    %mul3A_1 = arith.constant 512 : i32
    %mul3A_2 = arith.muli %add3A, %mul3A_1 : i32
    %iota3A = tpu.iota {dimensions = array<i32: 0>} : vector<16xi32>
    %mul3A_3 = arith.constant 32 : i32
    %mul3A_4 = vector.broadcast %mul3A_3 : i32 to vector<16xi32>
    %mul3A_5 = arith.muli %iota3A, %mul3A_4 : vector<16xi32>
    %add3A_6 = arith.constant 0 : i32
    %add3A_7 = vector.broadcast %add3A_6 : i32 to vector<16xi32>
    %add3A_8 = arith.addi %iota3A, %add3A_7 : vector<16xi32>
    %jit3A = arith.constant 16 : i32
    %eq3A = arith.constant 0 : i32
    %eq3A_9 = arith.cmpi eq, %jit3A, %eq3A : i32
    %jit3A_10 = arith.constant 1 : i32
    %select_n3A = arith.select %eq3A_9, %jit3A_10, %jit3A : i32
    %rem3A = vector.broadcast %select_n3A : i32 to vector<16xi32>
    %rem3A_11 = arith.remsi %add3A_8, %rem3A : vector<16xi32>
    %ne3A = arith.constant 0 : i32
    %ne3A_12 = vector.broadcast %ne3A : i32 to vector<16xi32>
    %ne3A_13 = arith.cmpi ne, %rem3A_11, %ne3A_12 : vector<16xi32>
    %lt3A = arith.constant 0 : i32
    %lt3A_14 = vector.broadcast %lt3A : i32 to vector<16xi32>
    %lt3A_15 = arith.cmpi slt, %rem3A_11, %lt3A_14 : vector<16xi32>
    %lt3A_16 = arith.constant 0 : i32
    %lt3A_17 = arith.cmpi slt, %select_n3A, %lt3A_16 : i32
    %ne3A_18 = vector.broadcast %lt3A_17 : i1 to vector<16xi1>
    %ne3A_19 = vector.broadcast %ne3A_18 : vector<16xi1> to vector<16xi1>
    %ne3A_20 = arith.xori %lt3A_15, %ne3A_19 : vector<16xi1>
    %and3A = arith.andi %ne3A_20, %ne3A_13 : vector<16xi1>
    %add3A_21 = vector.broadcast %select_n3A : i32 to vector<16xi32>
    %add3A_22 = arith.addi %rem3A_11, %add3A_21 : vector<16xi32>
    %select_n3A_23 = arith.select %and3A, %add3A_22, %rem3A_11 : vector<16xi1>, vector<16xi32>
    %add3A_24 = arith.constant 1 : i32
    %add3A_25 = vector.broadcast %add3A_24 : i32 to vector<16xi32>
    %add3A_26 = arith.addi %iota3A, %add3A_25 : vector<16xi32>
    %jit3A_27 = arith.constant 16 : i32
    %eq3A_28 = arith.constant 0 : i32
    %eq3A_29 = arith.cmpi eq, %jit3A_27, %eq3A_28 : i32
    %jit3A_30 = arith.constant 1 : i32
    %select_n3A_31 = arith.select %eq3A_29, %jit3A_30, %jit3A_27 : i32
    %rem3A_32 = vector.broadcast %select_n3A_31 : i32 to vector<16xi32>
    %rem3A_33 = arith.remsi %add3A_26, %rem3A_32 : vector<16xi32>
    %ne3A_34 = arith.constant 0 : i32
    %ne3A_35 = vector.broadcast %ne3A_34 : i32 to vector<16xi32>
    %ne3A_36 = arith.cmpi ne, %rem3A_33, %ne3A_35 : vector<16xi32>
    %lt3A_37 = arith.constant 0 : i32
    %lt3A_38 = vector.broadcast %lt3A_37 : i32 to vector<16xi32>
    %lt3A_39 = arith.cmpi slt, %rem3A_33, %lt3A_38 : vector<16xi32>
    %lt3A_40 = arith.constant 0 : i32
    %lt3A_41 = arith.cmpi slt, %select_n3A_31, %lt3A_40 : i32
    %ne3A_42 = vector.broadcast %lt3A_41 : i1 to vector<16xi1>
    %ne3A_43 = vector.broadcast %ne3A_42 : vector<16xi1> to vector<16xi1>
    %ne3A_44 = arith.xori %lt3A_39, %ne3A_43 : vector<16xi1>
    %and3A_45 = arith.andi %ne3A_44, %ne3A_36 : vector<16xi1>
    %add3A_46 = vector.broadcast %select_n3A_31 : i32 to vector<16xi32>
    %add3A_47 = arith.addi %rem3A_33, %add3A_46 : vector<16xi32>
    %select_n3A_48 = arith.select %and3A_45, %add3A_47, %rem3A_33 : vector<16xi1>, vector<16xi32>
    %add3A_49 = arith.constant 2 : i32
    %add3A_50 = vector.broadcast %add3A_49 : i32 to vector<16xi32>
    %add3A_51 = arith.addi %iota3A, %add3A_50 : vector<16xi32>
    %jit3A_52 = arith.constant 16 : i32
    %eq3A_53 = arith.constant 0 : i32
    %eq3A_54 = arith.cmpi eq, %jit3A_52, %eq3A_53 : i32
    %jit3A_55 = arith.constant 1 : i32
    %select_n3A_56 = arith.select %eq3A_54, %jit3A_55, %jit3A_52 : i32
    %rem3A_57 = vector.broadcast %select_n3A_56 : i32 to vector<16xi32>
    %rem3A_58 = arith.remsi %add3A_51, %rem3A_57 : vector<16xi32>
    %ne3A_59 = arith.constant 0 : i32
    %ne3A_60 = vector.broadcast %ne3A_59 : i32 to vector<16xi32>
    %ne3A_61 = arith.cmpi ne, %rem3A_58, %ne3A_60 : vector<16xi32>
    %lt3A_62 = arith.constant 0 : i32
    %lt3A_63 = vector.broadcast %lt3A_62 : i32 to vector<16xi32>
    %lt3A_64 = arith.cmpi slt, %rem3A_58, %lt3A_63 : vector<16xi32>
    %lt3A_65 = arith.constant 0 : i32
    %lt3A_66 = arith.cmpi slt, %select_n3A_56, %lt3A_65 : i32
    %ne3A_67 = vector.broadcast %lt3A_66 : i1 to vector<16xi1>
    %ne3A_68 = vector.broadcast %ne3A_67 : vector<16xi1> to vector<16xi1>
    %ne3A_69 = arith.xori %lt3A_64, %ne3A_68 : vector<16xi1>
    %and3A_70 = arith.andi %ne3A_69, %ne3A_61 : vector<16xi1>
    %add3A_71 = vector.broadcast %select_n3A_56 : i32 to vector<16xi32>
    %add3A_72 = arith.addi %rem3A_58, %add3A_71 : vector<16xi32>
    %select_n3A_73 = arith.select %and3A_70, %add3A_72, %rem3A_58 : vector<16xi1>, vector<16xi32>
    %add3A_74 = arith.constant 3 : i32
    %add3A_75 = vector.broadcast %add3A_74 : i32 to vector<16xi32>
    %add3A_76 = arith.addi %iota3A, %add3A_75 : vector<16xi32>
    %jit3A_77 = arith.constant 16 : i32
    %eq3A_78 = arith.constant 0 : i32
    %eq3A_79 = arith.cmpi eq, %jit3A_77, %eq3A_78 : i32
    %jit3A_80 = arith.constant 1 : i32
    %select_n3A_81 = arith.select %eq3A_79, %jit3A_80, %jit3A_77 : i32
    %rem3A_82 = vector.broadcast %select_n3A_81 : i32 to vector<16xi32>
    %rem3A_83 = arith.remsi %add3A_76, %rem3A_82 : vector<16xi32>
    %ne3A_84 = arith.constant 0 : i32
    %ne3A_85 = vector.broadcast %ne3A_84 : i32 to vector<16xi32>
    %ne3A_86 = arith.cmpi ne, %rem3A_83, %ne3A_85 : vector<16xi32>
    %lt3A_87 = arith.constant 0 : i32
    %lt3A_88 = vector.broadcast %lt3A_87 : i32 to vector<16xi32>
    %lt3A_89 = arith.cmpi slt, %rem3A_83, %lt3A_88 : vector<16xi32>
    %lt3A_90 = arith.constant 0 : i32
    %lt3A_91 = arith.cmpi slt, %select_n3A_81, %lt3A_90 : i32
    %ne3A_92 = vector.broadcast %lt3A_91 : i1 to vector<16xi1>
    %ne3A_93 = vector.broadcast %ne3A_92 : vector<16xi1> to vector<16xi1>
    %ne3A_94 = arith.xori %lt3A_89, %ne3A_93 : vector<16xi1>
    %and3A_95 = arith.andi %ne3A_94, %ne3A_86 : vector<16xi1>
    %add3A_96 = vector.broadcast %select_n3A_81 : i32 to vector<16xi32>
    %add3A_97 = arith.addi %rem3A_83, %add3A_96 : vector<16xi32>
    %select_n3A_98 = arith.select %and3A_95, %add3A_97, %rem3A_83 : vector<16xi1>, vector<16xi32>
    %add3A_99 = arith.constant 4 : i32
    %add3A_100 = vector.broadcast %add3A_99 : i32 to vector<16xi32>
    %add3A_101 = arith.addi %iota3A, %add3A_100 : vector<16xi32>
    %jit3A_102 = arith.constant 16 : i32
    %eq3A_103 = arith.constant 0 : i32
    %eq3A_104 = arith.cmpi eq, %jit3A_102, %eq3A_103 : i32
    %jit3A_105 = arith.constant 1 : i32
    %select_n3A_106 = arith.select %eq3A_104, %jit3A_105, %jit3A_102 : i32
    %rem3A_107 = vector.broadcast %select_n3A_106 : i32 to vector<16xi32>
    %rem3A_108 = arith.remsi %add3A_101, %rem3A_107 : vector<16xi32>
    %ne3A_109 = arith.constant 0 : i32
    %ne3A_110 = vector.broadcast %ne3A_109 : i32 to vector<16xi32>
    %ne3A_111 = arith.cmpi ne, %rem3A_108, %ne3A_110 : vector<16xi32>
    %lt3A_112 = arith.constant 0 : i32
    %lt3A_113 = vector.broadcast %lt3A_112 : i32 to vector<16xi32>
    %lt3A_114 = arith.cmpi slt, %rem3A_108, %lt3A_113 : vector<16xi32>
    %lt3A_115 = arith.constant 0 : i32
    %lt3A_116 = arith.cmpi slt, %select_n3A_106, %lt3A_115 : i32
    %ne3A_117 = vector.broadcast %lt3A_116 : i1 to vector<16xi1>
    %ne3A_118 = vector.broadcast %ne3A_117 : vector<16xi1> to vector<16xi1>
    %ne3A_119 = arith.xori %lt3A_114, %ne3A_118 : vector<16xi1>
    %and3A_120 = arith.andi %ne3A_119, %ne3A_111 : vector<16xi1>
    %add3A_121 = vector.broadcast %select_n3A_106 : i32 to vector<16xi32>
    %add3A_122 = arith.addi %rem3A_108, %add3A_121 : vector<16xi32>
    %select_n3A_123 = arith.select %and3A_120, %add3A_122, %rem3A_108 : vector<16xi1>, vector<16xi32>
    %add3A_124 = arith.constant 5 : i32
    %add3A_125 = vector.broadcast %add3A_124 : i32 to vector<16xi32>
    %add3A_126 = arith.addi %iota3A, %add3A_125 : vector<16xi32>
    %jit3A_127 = arith.constant 16 : i32
    %eq3A_128 = arith.constant 0 : i32
    %eq3A_129 = arith.cmpi eq, %jit3A_127, %eq3A_128 : i32
    %jit3A_130 = arith.constant 1 : i32
    %select_n3A_131 = arith.select %eq3A_129, %jit3A_130, %jit3A_127 : i32
    %rem3A_132 = vector.broadcast %select_n3A_131 : i32 to vector<16xi32>
    %rem3A_133 = arith.remsi %add3A_126, %rem3A_132 : vector<16xi32>
    %ne3A_134 = arith.constant 0 : i32
    %ne3A_135 = vector.broadcast %ne3A_134 : i32 to vector<16xi32>
    %ne3A_136 = arith.cmpi ne, %rem3A_133, %ne3A_135 : vector<16xi32>
    %lt3A_137 = arith.constant 0 : i32
    %lt3A_138 = vector.broadcast %lt3A_137 : i32 to vector<16xi32>
    %lt3A_139 = arith.cmpi slt, %rem3A_133, %lt3A_138 : vector<16xi32>
    %lt3A_140 = arith.constant 0 : i32
    %lt3A_141 = arith.cmpi slt, %select_n3A_131, %lt3A_140 : i32
    %ne3A_142 = vector.broadcast %lt3A_141 : i1 to vector<16xi1>
    %ne3A_143 = vector.broadcast %ne3A_142 : vector<16xi1> to vector<16xi1>
    %ne3A_144 = arith.xori %lt3A_139, %ne3A_143 : vector<16xi1>
    %and3A_145 = arith.andi %ne3A_144, %ne3A_136 : vector<16xi1>
    %add3A_146 = vector.broadcast %select_n3A_131 : i32 to vector<16xi32>
    %add3A_147 = arith.addi %rem3A_133, %add3A_146 : vector<16xi32>
    %select_n3A_148 = arith.select %and3A_145, %add3A_147, %rem3A_133 : vector<16xi1>, vector<16xi32>
    %add3A_149 = arith.constant 6 : i32
    %add3A_150 = vector.broadcast %add3A_149 : i32 to vector<16xi32>
    %add3A_151 = arith.addi %iota3A, %add3A_150 : vector<16xi32>
    %jit3A_152 = arith.constant 16 : i32
    %eq3A_153 = arith.constant 0 : i32
    %eq3A_154 = arith.cmpi eq, %jit3A_152, %eq3A_153 : i32
    %jit3A_155 = arith.constant 1 : i32
    %select_n3A_156 = arith.select %eq3A_154, %jit3A_155, %jit3A_152 : i32
    %rem3A_157 = vector.broadcast %select_n3A_156 : i32 to vector<16xi32>
    %rem3A_158 = arith.remsi %add3A_151, %rem3A_157 : vector<16xi32>
    %ne3A_159 = arith.constant 0 : i32
    %ne3A_160 = vector.broadcast %ne3A_159 : i32 to vector<16xi32>
    %ne3A_161 = arith.cmpi ne, %rem3A_158, %ne3A_160 : vector<16xi32>
    %lt3A_162 = arith.constant 0 : i32
    %lt3A_163 = vector.broadcast %lt3A_162 : i32 to vector<16xi32>
    %lt3A_164 = arith.cmpi slt, %rem3A_158, %lt3A_163 : vector<16xi32>
    %lt3A_165 = arith.constant 0 : i32
    %lt3A_166 = arith.cmpi slt, %select_n3A_156, %lt3A_165 : i32
    %ne3A_167 = vector.broadcast %lt3A_166 : i1 to vector<16xi1>
    %ne3A_168 = vector.broadcast %ne3A_167 : vector<16xi1> to vector<16xi1>
    %ne3A_169 = arith.xori %lt3A_164, %ne3A_168 : vector<16xi1>
    %and3A_170 = arith.andi %ne3A_169, %ne3A_161 : vector<16xi1>
    %add3A_171 = vector.broadcast %select_n3A_156 : i32 to vector<16xi32>
    %add3A_172 = arith.addi %rem3A_158, %add3A_171 : vector<16xi32>
    %select_n3A_173 = arith.select %and3A_170, %add3A_172, %rem3A_158 : vector<16xi1>, vector<16xi32>
    %add3A_174 = arith.constant 7 : i32
    %add3A_175 = vector.broadcast %add3A_174 : i32 to vector<16xi32>
    %add3A_176 = arith.addi %iota3A, %add3A_175 : vector<16xi32>
    %jit3A_177 = arith.constant 16 : i32
    %eq3A_178 = arith.constant 0 : i32
    %eq3A_179 = arith.cmpi eq, %jit3A_177, %eq3A_178 : i32
    %jit3A_180 = arith.constant 1 : i32
    %select_n3A_181 = arith.select %eq3A_179, %jit3A_180, %jit3A_177 : i32
    %rem3A_182 = vector.broadcast %select_n3A_181 : i32 to vector<16xi32>
    %rem3A_183 = arith.remsi %add3A_176, %rem3A_182 : vector<16xi32>
    %ne3A_184 = arith.constant 0 : i32
    %ne3A_185 = vector.broadcast %ne3A_184 : i32 to vector<16xi32>
    %ne3A_186 = arith.cmpi ne, %rem3A_183, %ne3A_185 : vector<16xi32>
    %lt3A_187 = arith.constant 0 : i32
    %lt3A_188 = vector.broadcast %lt3A_187 : i32 to vector<16xi32>
    %lt3A_189 = arith.cmpi slt, %rem3A_183, %lt3A_188 : vector<16xi32>
    %lt3A_190 = arith.constant 0 : i32
    %lt3A_191 = arith.cmpi slt, %select_n3A_181, %lt3A_190 : i32
    %ne3A_192 = vector.broadcast %lt3A_191 : i1 to vector<16xi1>
    %ne3A_193 = vector.broadcast %ne3A_192 : vector<16xi1> to vector<16xi1>
    %ne3A_194 = arith.xori %lt3A_189, %ne3A_193 : vector<16xi1>
    %and3A_195 = arith.andi %ne3A_194, %ne3A_186 : vector<16xi1>
    %add3A_196 = vector.broadcast %select_n3A_181 : i32 to vector<16xi32>
    %add3A_197 = arith.addi %rem3A_183, %add3A_196 : vector<16xi32>
    %select_n3A_198 = arith.select %and3A_195, %add3A_197, %rem3A_183 : vector<16xi1>, vector<16xi32>
    %add3A_199 = arith.constant 8 : i32
    %add3A_200 = vector.broadcast %add3A_199 : i32 to vector<16xi32>
    %add3A_201 = arith.addi %iota3A, %add3A_200 : vector<16xi32>
    %jit3A_202 = arith.constant 16 : i32
    %eq3A_203 = arith.constant 0 : i32
    %eq3A_204 = arith.cmpi eq, %jit3A_202, %eq3A_203 : i32
    %jit3A_205 = arith.constant 1 : i32
    %select_n3A_206 = arith.select %eq3A_204, %jit3A_205, %jit3A_202 : i32
    %rem3A_207 = vector.broadcast %select_n3A_206 : i32 to vector<16xi32>
    %rem3A_208 = arith.remsi %add3A_201, %rem3A_207 : vector<16xi32>
    %ne3A_209 = arith.constant 0 : i32
    %ne3A_210 = vector.broadcast %ne3A_209 : i32 to vector<16xi32>
    %ne3A_211 = arith.cmpi ne, %rem3A_208, %ne3A_210 : vector<16xi32>
    %lt3A_212 = arith.constant 0 : i32
    %lt3A_213 = vector.broadcast %lt3A_212 : i32 to vector<16xi32>
    %lt3A_214 = arith.cmpi slt, %rem3A_208, %lt3A_213 : vector<16xi32>
    %lt3A_215 = arith.constant 0 : i32
    %lt3A_216 = arith.cmpi slt, %select_n3A_206, %lt3A_215 : i32
    %ne3A_217 = vector.broadcast %lt3A_216 : i1 to vector<16xi1>
    %ne3A_218 = vector.broadcast %ne3A_217 : vector<16xi1> to vector<16xi1>
    %ne3A_219 = arith.xori %lt3A_214, %ne3A_218 : vector<16xi1>
    %and3A_220 = arith.andi %ne3A_219, %ne3A_211 : vector<16xi1>
    %add3A_221 = vector.broadcast %select_n3A_206 : i32 to vector<16xi32>
    %add3A_222 = arith.addi %rem3A_208, %add3A_221 : vector<16xi32>
    %select_n3A_223 = arith.select %and3A_220, %add3A_222, %rem3A_208 : vector<16xi1>, vector<16xi32>
    %add3A_224 = arith.constant 9 : i32
    %add3A_225 = vector.broadcast %add3A_224 : i32 to vector<16xi32>
    %add3A_226 = arith.addi %iota3A, %add3A_225 : vector<16xi32>
    %jit3A_227 = arith.constant 16 : i32
    %eq3A_228 = arith.constant 0 : i32
    %eq3A_229 = arith.cmpi eq, %jit3A_227, %eq3A_228 : i32
    %jit3A_230 = arith.constant 1 : i32
    %select_n3A_231 = arith.select %eq3A_229, %jit3A_230, %jit3A_227 : i32
    %rem3A_232 = vector.broadcast %select_n3A_231 : i32 to vector<16xi32>
    %rem3A_233 = arith.remsi %add3A_226, %rem3A_232 : vector<16xi32>
    %ne3A_234 = arith.constant 0 : i32
    %ne3A_235 = vector.broadcast %ne3A_234 : i32 to vector<16xi32>
    %ne3A_236 = arith.cmpi ne, %rem3A_233, %ne3A_235 : vector<16xi32>
    %lt3A_237 = arith.constant 0 : i32
    %lt3A_238 = vector.broadcast %lt3A_237 : i32 to vector<16xi32>
    %lt3A_239 = arith.cmpi slt, %rem3A_233, %lt3A_238 : vector<16xi32>
    %lt3A_240 = arith.constant 0 : i32
    %lt3A_241 = arith.cmpi slt, %select_n3A_231, %lt3A_240 : i32
    %ne3A_242 = vector.broadcast %lt3A_241 : i1 to vector<16xi1>
    %ne3A_243 = vector.broadcast %ne3A_242 : vector<16xi1> to vector<16xi1>
    %ne3A_244 = arith.xori %lt3A_239, %ne3A_243 : vector<16xi1>
    %and3A_245 = arith.andi %ne3A_244, %ne3A_236 : vector<16xi1>
    %add3A_246 = vector.broadcast %select_n3A_231 : i32 to vector<16xi32>
    %add3A_247 = arith.addi %rem3A_233, %add3A_246 : vector<16xi32>
    %select_n3A_248 = arith.select %and3A_245, %add3A_247, %rem3A_233 : vector<16xi1>, vector<16xi32>
    %add3A_249 = arith.constant 10 : i32
    %add3A_250 = vector.broadcast %add3A_249 : i32 to vector<16xi32>
    %add3A_251 = arith.addi %iota3A, %add3A_250 : vector<16xi32>
    %jit3A_252 = arith.constant 16 : i32
    %eq3A_253 = arith.constant 0 : i32
    %eq3A_254 = arith.cmpi eq, %jit3A_252, %eq3A_253 : i32
    %jit3A_255 = arith.constant 1 : i32
    %select_n3A_256 = arith.select %eq3A_254, %jit3A_255, %jit3A_252 : i32
    %rem3A_257 = vector.broadcast %select_n3A_256 : i32 to vector<16xi32>
    %rem3A_258 = arith.remsi %add3A_251, %rem3A_257 : vector<16xi32>
    %ne3A_259 = arith.constant 0 : i32
    %ne3A_260 = vector.broadcast %ne3A_259 : i32 to vector<16xi32>
    %ne3A_261 = arith.cmpi ne, %rem3A_258, %ne3A_260 : vector<16xi32>
    %lt3A_262 = arith.constant 0 : i32
    %lt3A_263 = vector.broadcast %lt3A_262 : i32 to vector<16xi32>
    %lt3A_264 = arith.cmpi slt, %rem3A_258, %lt3A_263 : vector<16xi32>
    %lt3A_265 = arith.constant 0 : i32
    %lt3A_266 = arith.cmpi slt, %select_n3A_256, %lt3A_265 : i32
    %ne3A_267 = vector.broadcast %lt3A_266 : i1 to vector<16xi1>
    %ne3A_268 = vector.broadcast %ne3A_267 : vector<16xi1> to vector<16xi1>
    %ne3A_269 = arith.xori %lt3A_264, %ne3A_268 : vector<16xi1>
    %and3A_270 = arith.andi %ne3A_269, %ne3A_261 : vector<16xi1>
    %add3A_271 = vector.broadcast %select_n3A_256 : i32 to vector<16xi32>
    %add3A_272 = arith.addi %rem3A_258, %add3A_271 : vector<16xi32>
    %select_n3A_273 = arith.select %and3A_270, %add3A_272, %rem3A_258 : vector<16xi1>, vector<16xi32>
    %add3A_274 = arith.constant 11 : i32
    %add3A_275 = vector.broadcast %add3A_274 : i32 to vector<16xi32>
    %add3A_276 = arith.addi %iota3A, %add3A_275 : vector<16xi32>
    %jit3A_277 = arith.constant 16 : i32
    %eq3A_278 = arith.constant 0 : i32
    %eq3A_279 = arith.cmpi eq, %jit3A_277, %eq3A_278 : i32
    %jit3A_280 = arith.constant 1 : i32
    %select_n3A_281 = arith.select %eq3A_279, %jit3A_280, %jit3A_277 : i32
    %rem3A_282 = vector.broadcast %select_n3A_281 : i32 to vector<16xi32>
    %rem3A_283 = arith.remsi %add3A_276, %rem3A_282 : vector<16xi32>
    %ne3A_284 = arith.constant 0 : i32
    %ne3A_285 = vector.broadcast %ne3A_284 : i32 to vector<16xi32>
    %ne3A_286 = arith.cmpi ne, %rem3A_283, %ne3A_285 : vector<16xi32>
    %lt3A_287 = arith.constant 0 : i32
    %lt3A_288 = vector.broadcast %lt3A_287 : i32 to vector<16xi32>
    %lt3A_289 = arith.cmpi slt, %rem3A_283, %lt3A_288 : vector<16xi32>
    %lt3A_290 = arith.constant 0 : i32
    %lt3A_291 = arith.cmpi slt, %select_n3A_281, %lt3A_290 : i32
    %ne3A_292 = vector.broadcast %lt3A_291 : i1 to vector<16xi1>
    %ne3A_293 = vector.broadcast %ne3A_292 : vector<16xi1> to vector<16xi1>
    %ne3A_294 = arith.xori %lt3A_289, %ne3A_293 : vector<16xi1>
    %and3A_295 = arith.andi %ne3A_294, %ne3A_286 : vector<16xi1>
    %add3A_296 = vector.broadcast %select_n3A_281 : i32 to vector<16xi32>
    %add3A_297 = arith.addi %rem3A_283, %add3A_296 : vector<16xi32>
    %select_n3A_298 = arith.select %and3A_295, %add3A_297, %rem3A_283 : vector<16xi1>, vector<16xi32>
    %add3A_299 = arith.constant 12 : i32
    %add3A_300 = vector.broadcast %add3A_299 : i32 to vector<16xi32>
    %add3A_301 = arith.addi %iota3A, %add3A_300 : vector<16xi32>
    %jit3A_302 = arith.constant 16 : i32
    %eq3A_303 = arith.constant 0 : i32
    %eq3A_304 = arith.cmpi eq, %jit3A_302, %eq3A_303 : i32
    %jit3A_305 = arith.constant 1 : i32
    %select_n3A_306 = arith.select %eq3A_304, %jit3A_305, %jit3A_302 : i32
    %rem3A_307 = vector.broadcast %select_n3A_306 : i32 to vector<16xi32>
    %rem3A_308 = arith.remsi %add3A_301, %rem3A_307 : vector<16xi32>
    %ne3A_309 = arith.constant 0 : i32
    %ne3A_310 = vector.broadcast %ne3A_309 : i32 to vector<16xi32>
    %ne3A_311 = arith.cmpi ne, %rem3A_308, %ne3A_310 : vector<16xi32>
    %lt3A_312 = arith.constant 0 : i32
    %lt3A_313 = vector.broadcast %lt3A_312 : i32 to vector<16xi32>
    %lt3A_314 = arith.cmpi slt, %rem3A_308, %lt3A_313 : vector<16xi32>
    %lt3A_315 = arith.constant 0 : i32
    %lt3A_316 = arith.cmpi slt, %select_n3A_306, %lt3A_315 : i32
    %ne3A_317 = vector.broadcast %lt3A_316 : i1 to vector<16xi1>
    %ne3A_318 = vector.broadcast %ne3A_317 : vector<16xi1> to vector<16xi1>
    %ne3A_319 = arith.xori %lt3A_314, %ne3A_318 : vector<16xi1>
    %and3A_320 = arith.andi %ne3A_319, %ne3A_311 : vector<16xi1>
    %add3A_321 = vector.broadcast %select_n3A_306 : i32 to vector<16xi32>
    %add3A_322 = arith.addi %rem3A_308, %add3A_321 : vector<16xi32>
    %select_n3A_323 = arith.select %and3A_320, %add3A_322, %rem3A_308 : vector<16xi1>, vector<16xi32>
    %add3A_324 = arith.constant 13 : i32
    %add3A_325 = vector.broadcast %add3A_324 : i32 to vector<16xi32>
    %add3A_326 = arith.addi %iota3A, %add3A_325 : vector<16xi32>
    %jit3A_327 = arith.constant 16 : i32
    %eq3A_328 = arith.constant 0 : i32
    %eq3A_329 = arith.cmpi eq, %jit3A_327, %eq3A_328 : i32
    %jit3A_330 = arith.constant 1 : i32
    %select_n3A_331 = arith.select %eq3A_329, %jit3A_330, %jit3A_327 : i32
    %rem3A_332 = vector.broadcast %select_n3A_331 : i32 to vector<16xi32>
    %rem3A_333 = arith.remsi %add3A_326, %rem3A_332 : vector<16xi32>
    %ne3A_334 = arith.constant 0 : i32
    %ne3A_335 = vector.broadcast %ne3A_334 : i32 to vector<16xi32>
    %ne3A_336 = arith.cmpi ne, %rem3A_333, %ne3A_335 : vector<16xi32>
    %lt3A_337 = arith.constant 0 : i32
    %lt3A_338 = vector.broadcast %lt3A_337 : i32 to vector<16xi32>
    %lt3A_339 = arith.cmpi slt, %rem3A_333, %lt3A_338 : vector<16xi32>
    %lt3A_340 = arith.constant 0 : i32
    %lt3A_341 = arith.cmpi slt, %select_n3A_331, %lt3A_340 : i32
    %ne3A_342 = vector.broadcast %lt3A_341 : i1 to vector<16xi1>
    %ne3A_343 = vector.broadcast %ne3A_342 : vector<16xi1> to vector<16xi1>
    %ne3A_344 = arith.xori %lt3A_339, %ne3A_343 : vector<16xi1>
    %and3A_345 = arith.andi %ne3A_344, %ne3A_336 : vector<16xi1>
    %add3A_346 = vector.broadcast %select_n3A_331 : i32 to vector<16xi32>
    %add3A_347 = arith.addi %rem3A_333, %add3A_346 : vector<16xi32>
    %select_n3A_348 = arith.select %and3A_345, %add3A_347, %rem3A_333 : vector<16xi1>, vector<16xi32>
    %add3A_349 = arith.constant 14 : i32
    %add3A_350 = vector.broadcast %add3A_349 : i32 to vector<16xi32>
    %add3A_351 = arith.addi %iota3A, %add3A_350 : vector<16xi32>
    %jit3A_352 = arith.constant 16 : i32
    %eq3A_353 = arith.constant 0 : i32
    %eq3A_354 = arith.cmpi eq, %jit3A_352, %eq3A_353 : i32
    %jit3A_355 = arith.constant 1 : i32
    %select_n3A_356 = arith.select %eq3A_354, %jit3A_355, %jit3A_352 : i32
    %rem3A_357 = vector.broadcast %select_n3A_356 : i32 to vector<16xi32>
    %rem3A_358 = arith.remsi %add3A_351, %rem3A_357 : vector<16xi32>
    %ne3A_359 = arith.constant 0 : i32
    %ne3A_360 = vector.broadcast %ne3A_359 : i32 to vector<16xi32>
    %ne3A_361 = arith.cmpi ne, %rem3A_358, %ne3A_360 : vector<16xi32>
    %lt3A_362 = arith.constant 0 : i32
    %lt3A_363 = vector.broadcast %lt3A_362 : i32 to vector<16xi32>
    %lt3A_364 = arith.cmpi slt, %rem3A_358, %lt3A_363 : vector<16xi32>
    %lt3A_365 = arith.constant 0 : i32
    %lt3A_366 = arith.cmpi slt, %select_n3A_356, %lt3A_365 : i32
    %ne3A_367 = vector.broadcast %lt3A_366 : i1 to vector<16xi1>
    %ne3A_368 = vector.broadcast %ne3A_367 : vector<16xi1> to vector<16xi1>
    %ne3A_369 = arith.xori %lt3A_364, %ne3A_368 : vector<16xi1>
    %and3A_370 = arith.andi %ne3A_369, %ne3A_361 : vector<16xi1>
    %add3A_371 = vector.broadcast %select_n3A_356 : i32 to vector<16xi32>
    %add3A_372 = arith.addi %rem3A_358, %add3A_371 : vector<16xi32>
    %select_n3A_373 = arith.select %and3A_370, %add3A_372, %rem3A_358 : vector<16xi1>, vector<16xi32>
    %add3A_374 = arith.constant 15 : i32
    %add3A_375 = vector.broadcast %add3A_374 : i32 to vector<16xi32>
    %add3A_376 = arith.addi %iota3A, %add3A_375 : vector<16xi32>
    %jit3A_377 = arith.constant 16 : i32
    %eq3A_378 = arith.constant 0 : i32
    %eq3A_379 = arith.cmpi eq, %jit3A_377, %eq3A_378 : i32
    %jit3A_380 = arith.constant 1 : i32
    %select_n3A_381 = arith.select %eq3A_379, %jit3A_380, %jit3A_377 : i32
    %rem3A_382 = vector.broadcast %select_n3A_381 : i32 to vector<16xi32>
    %rem3A_383 = arith.remsi %add3A_376, %rem3A_382 : vector<16xi32>
    %ne3A_384 = arith.constant 0 : i32
    %ne3A_385 = vector.broadcast %ne3A_384 : i32 to vector<16xi32>
    %ne3A_386 = arith.cmpi ne, %rem3A_383, %ne3A_385 : vector<16xi32>
    %lt3A_387 = arith.constant 0 : i32
    %lt3A_388 = vector.broadcast %lt3A_387 : i32 to vector<16xi32>
    %lt3A_389 = arith.cmpi slt, %rem3A_383, %lt3A_388 : vector<16xi32>
    %lt3A_390 = arith.constant 0 : i32
    %lt3A_391 = arith.cmpi slt, %select_n3A_381, %lt3A_390 : i32
    %ne3A_392 = vector.broadcast %lt3A_391 : i1 to vector<16xi1>
    %ne3A_393 = vector.broadcast %ne3A_392 : vector<16xi1> to vector<16xi1>
    %ne3A_394 = arith.xori %lt3A_389, %ne3A_393 : vector<16xi1>
    %and3A_395 = arith.andi %ne3A_394, %ne3A_386 : vector<16xi1>
    %add3A_396 = vector.broadcast %select_n3A_381 : i32 to vector<16xi32>
    %add3A_397 = arith.addi %rem3A_383, %add3A_396 : vector<16xi32>
    %select_n3A_398 = arith.select %and3A_395, %add3A_397, %rem3A_383 : vector<16xi1>, vector<16xi32>
    %shift_right_arithmetic3A = arith.constant 3 : i32
    %shift_right_arithmetic3A_399 = vector.broadcast %shift_right_arithmetic3A : i32 to vector<16xi32>
    %shift_right_arithmetic3A_400 = arith.shrsi %select_n3A_23, %shift_right_arithmetic3A_399 : vector<16xi32>
    %mul3A_401 = arith.constant 4096 : i32
    %mul3A_402 = vector.broadcast %mul3A_401 : i32 to vector<16xi32>
    %mul3A_403 = arith.muli %shift_right_arithmetic3A_400, %mul3A_402 : vector<16xi32>
    %and3A_404 = arith.constant 7 : i32
    %and3A_405 = vector.broadcast %and3A_404 : i32 to vector<16xi32>
    %and3A_406 = arith.andi %select_n3A_23, %and3A_405 : vector<16xi32>
    %mul3A_407 = arith.constant 128 : i32
    %mul3A_408 = vector.broadcast %mul3A_407 : i32 to vector<16xi32>
    %mul3A_409 = arith.muli %and3A_406, %mul3A_408 : vector<16xi32>
    %add3A_410 = arith.addi %mul3A_403, %mul3A_409 : vector<16xi32>
    %shift_right_arithmetic3A_411 = arith.constant 3 : i32
    %shift_right_arithmetic3A_412 = vector.broadcast %shift_right_arithmetic3A_411 : i32 to vector<16xi32>
    %shift_right_arithmetic3A_413 = arith.shrsi %select_n3A_48, %shift_right_arithmetic3A_412 : vector<16xi32>
    %mul3A_414 = arith.constant 4096 : i32
    %mul3A_415 = vector.broadcast %mul3A_414 : i32 to vector<16xi32>
    %mul3A_416 = arith.muli %shift_right_arithmetic3A_413, %mul3A_415 : vector<16xi32>
    %and3A_417 = arith.constant 7 : i32
    %and3A_418 = vector.broadcast %and3A_417 : i32 to vector<16xi32>
    %and3A_419 = arith.andi %select_n3A_48, %and3A_418 : vector<16xi32>
    %mul3A_420 = arith.constant 128 : i32
    %mul3A_421 = vector.broadcast %mul3A_420 : i32 to vector<16xi32>
    %mul3A_422 = arith.muli %and3A_419, %mul3A_421 : vector<16xi32>
    %add3A_423 = arith.addi %mul3A_416, %mul3A_422 : vector<16xi32>
    %shift_right_arithmetic3A_424 = arith.constant 3 : i32
    %shift_right_arithmetic3A_425 = vector.broadcast %shift_right_arithmetic3A_424 : i32 to vector<16xi32>
    %shift_right_arithmetic3A_426 = arith.shrsi %select_n3A_73, %shift_right_arithmetic3A_425 : vector<16xi32>
    %mul3A_427 = arith.constant 4096 : i32
    %mul3A_428 = vector.broadcast %mul3A_427 : i32 to vector<16xi32>
    %mul3A_429 = arith.muli %shift_right_arithmetic3A_426, %mul3A_428 : vector<16xi32>
    %and3A_430 = arith.constant 7 : i32
    %and3A_431 = vector.broadcast %and3A_430 : i32 to vector<16xi32>
    %and3A_432 = arith.andi %select_n3A_73, %and3A_431 : vector<16xi32>
    %mul3A_433 = arith.constant 128 : i32
    %mul3A_434 = vector.broadcast %mul3A_433 : i32 to vector<16xi32>
    %mul3A_435 = arith.muli %and3A_432, %mul3A_434 : vector<16xi32>
    %add3A_436 = arith.addi %mul3A_429, %mul3A_435 : vector<16xi32>
    %shift_right_arithmetic3A_437 = arith.constant 3 : i32
    %shift_right_arithmetic3A_438 = vector.broadcast %shift_right_arithmetic3A_437 : i32 to vector<16xi32>
    %shift_right_arithmetic3A_439 = arith.shrsi %select_n3A_98, %shift_right_arithmetic3A_438 : vector<16xi32>
    %mul3A_440 = arith.constant 4096 : i32
    %mul3A_441 = vector.broadcast %mul3A_440 : i32 to vector<16xi32>
    %mul3A_442 = arith.muli %shift_right_arithmetic3A_439, %mul3A_441 : vector<16xi32>
    %and3A_443 = arith.constant 7 : i32
    %and3A_444 = vector.broadcast %and3A_443 : i32 to vector<16xi32>
    %and3A_445 = arith.andi %select_n3A_98, %and3A_444 : vector<16xi32>
    %mul3A_446 = arith.constant 128 : i32
    %mul3A_447 = vector.broadcast %mul3A_446 : i32 to vector<16xi32>
    %mul3A_448 = arith.muli %and3A_445, %mul3A_447 : vector<16xi32>
    %add3A_449 = arith.addi %mul3A_442, %mul3A_448 : vector<16xi32>
    %shift_right_arithmetic3A_450 = arith.constant 3 : i32
    %shift_right_arithmetic3A_451 = vector.broadcast %shift_right_arithmetic3A_450 : i32 to vector<16xi32>
    %shift_right_arithmetic3A_452 = arith.shrsi %select_n3A_123, %shift_right_arithmetic3A_451 : vector<16xi32>
    %mul3A_453 = arith.constant 4096 : i32
    %mul3A_454 = vector.broadcast %mul3A_453 : i32 to vector<16xi32>
    %mul3A_455 = arith.muli %shift_right_arithmetic3A_452, %mul3A_454 : vector<16xi32>
    %and3A_456 = arith.constant 7 : i32
    %and3A_457 = vector.broadcast %and3A_456 : i32 to vector<16xi32>
    %and3A_458 = arith.andi %select_n3A_123, %and3A_457 : vector<16xi32>
    %mul3A_459 = arith.constant 128 : i32
    %mul3A_460 = vector.broadcast %mul3A_459 : i32 to vector<16xi32>
    %mul3A_461 = arith.muli %and3A_458, %mul3A_460 : vector<16xi32>
    %add3A_462 = arith.addi %mul3A_455, %mul3A_461 : vector<16xi32>
    %shift_right_arithmetic3A_463 = arith.constant 3 : i32
    %shift_right_arithmetic3A_464 = vector.broadcast %shift_right_arithmetic3A_463 : i32 to vector<16xi32>
    %shift_right_arithmetic3A_465 = arith.shrsi %select_n3A_148, %shift_right_arithmetic3A_464 : vector<16xi32>
    %mul3A_466 = arith.constant 4096 : i32
    %mul3A_467 = vector.broadcast %mul3A_466 : i32 to vector<16xi32>
    %mul3A_468 = arith.muli %shift_right_arithmetic3A_465, %mul3A_467 : vector<16xi32>
    %and3A_469 = arith.constant 7 : i32
    %and3A_470 = vector.broadcast %and3A_469 : i32 to vector<16xi32>
    %and3A_471 = arith.andi %select_n3A_148, %and3A_470 : vector<16xi32>
    %mul3A_472 = arith.constant 128 : i32
    %mul3A_473 = vector.broadcast %mul3A_472 : i32 to vector<16xi32>
    %mul3A_474 = arith.muli %and3A_471, %mul3A_473 : vector<16xi32>
    %add3A_475 = arith.addi %mul3A_468, %mul3A_474 : vector<16xi32>
    %shift_right_arithmetic3A_476 = arith.constant 3 : i32
    %shift_right_arithmetic3A_477 = vector.broadcast %shift_right_arithmetic3A_476 : i32 to vector<16xi32>
    %shift_right_arithmetic3A_478 = arith.shrsi %select_n3A_173, %shift_right_arithmetic3A_477 : vector<16xi32>
    %mul3A_479 = arith.constant 4096 : i32
    %mul3A_480 = vector.broadcast %mul3A_479 : i32 to vector<16xi32>
    %mul3A_481 = arith.muli %shift_right_arithmetic3A_478, %mul3A_480 : vector<16xi32>
    %and3A_482 = arith.constant 7 : i32
    %and3A_483 = vector.broadcast %and3A_482 : i32 to vector<16xi32>
    %and3A_484 = arith.andi %select_n3A_173, %and3A_483 : vector<16xi32>
    %mul3A_485 = arith.constant 128 : i32
    %mul3A_486 = vector.broadcast %mul3A_485 : i32 to vector<16xi32>
    %mul3A_487 = arith.muli %and3A_484, %mul3A_486 : vector<16xi32>
    %add3A_488 = arith.addi %mul3A_481, %mul3A_487 : vector<16xi32>
    %shift_right_arithmetic3A_489 = arith.constant 3 : i32
    %shift_right_arithmetic3A_490 = vector.broadcast %shift_right_arithmetic3A_489 : i32 to vector<16xi32>
    %shift_right_arithmetic3A_491 = arith.shrsi %select_n3A_198, %shift_right_arithmetic3A_490 : vector<16xi32>
    %mul3A_492 = arith.constant 4096 : i32
    %mul3A_493 = vector.broadcast %mul3A_492 : i32 to vector<16xi32>
    %mul3A_494 = arith.muli %shift_right_arithmetic3A_491, %mul3A_493 : vector<16xi32>
    %and3A_495 = arith.constant 7 : i32
    %and3A_496 = vector.broadcast %and3A_495 : i32 to vector<16xi32>
    %and3A_497 = arith.andi %select_n3A_198, %and3A_496 : vector<16xi32>
    %mul3A_498 = arith.constant 128 : i32
    %mul3A_499 = vector.broadcast %mul3A_498 : i32 to vector<16xi32>
    %mul3A_500 = arith.muli %and3A_497, %mul3A_499 : vector<16xi32>
    %add3A_501 = arith.addi %mul3A_494, %mul3A_500 : vector<16xi32>
    %shift_right_arithmetic3A_502 = arith.constant 3 : i32
    %shift_right_arithmetic3A_503 = vector.broadcast %shift_right_arithmetic3A_502 : i32 to vector<16xi32>
    %shift_right_arithmetic3A_504 = arith.shrsi %select_n3A_223, %shift_right_arithmetic3A_503 : vector<16xi32>
    %mul3A_505 = arith.constant 4096 : i32
    %mul3A_506 = vector.broadcast %mul3A_505 : i32 to vector<16xi32>
    %mul3A_507 = arith.muli %shift_right_arithmetic3A_504, %mul3A_506 : vector<16xi32>
    %and3A_508 = arith.constant 7 : i32
    %and3A_509 = vector.broadcast %and3A_508 : i32 to vector<16xi32>
    %and3A_510 = arith.andi %select_n3A_223, %and3A_509 : vector<16xi32>
    %mul3A_511 = arith.constant 128 : i32
    %mul3A_512 = vector.broadcast %mul3A_511 : i32 to vector<16xi32>
    %mul3A_513 = arith.muli %and3A_510, %mul3A_512 : vector<16xi32>
    %add3A_514 = arith.addi %mul3A_507, %mul3A_513 : vector<16xi32>
    %shift_right_arithmetic3A_515 = arith.constant 3 : i32
    %shift_right_arithmetic3A_516 = vector.broadcast %shift_right_arithmetic3A_515 : i32 to vector<16xi32>
    %shift_right_arithmetic3A_517 = arith.shrsi %select_n3A_248, %shift_right_arithmetic3A_516 : vector<16xi32>
    %mul3A_518 = arith.constant 4096 : i32
    %mul3A_519 = vector.broadcast %mul3A_518 : i32 to vector<16xi32>
    %mul3A_520 = arith.muli %shift_right_arithmetic3A_517, %mul3A_519 : vector<16xi32>
    %and3A_521 = arith.constant 7 : i32
    %and3A_522 = vector.broadcast %and3A_521 : i32 to vector<16xi32>
    %and3A_523 = arith.andi %select_n3A_248, %and3A_522 : vector<16xi32>
    %mul3A_524 = arith.constant 128 : i32
    %mul3A_525 = vector.broadcast %mul3A_524 : i32 to vector<16xi32>
    %mul3A_526 = arith.muli %and3A_523, %mul3A_525 : vector<16xi32>
    %add3A_527 = arith.addi %mul3A_520, %mul3A_526 : vector<16xi32>
    %shift_right_arithmetic3A_528 = arith.constant 3 : i32
    %shift_right_arithmetic3A_529 = vector.broadcast %shift_right_arithmetic3A_528 : i32 to vector<16xi32>
    %shift_right_arithmetic3A_530 = arith.shrsi %select_n3A_273, %shift_right_arithmetic3A_529 : vector<16xi32>
    %mul3A_531 = arith.constant 4096 : i32
    %mul3A_532 = vector.broadcast %mul3A_531 : i32 to vector<16xi32>
    %mul3A_533 = arith.muli %shift_right_arithmetic3A_530, %mul3A_532 : vector<16xi32>
    %and3A_534 = arith.constant 7 : i32
    %and3A_535 = vector.broadcast %and3A_534 : i32 to vector<16xi32>
    %and3A_536 = arith.andi %select_n3A_273, %and3A_535 : vector<16xi32>
    %mul3A_537 = arith.constant 128 : i32
    %mul3A_538 = vector.broadcast %mul3A_537 : i32 to vector<16xi32>
    %mul3A_539 = arith.muli %and3A_536, %mul3A_538 : vector<16xi32>
    %add3A_540 = arith.addi %mul3A_533, %mul3A_539 : vector<16xi32>
    %shift_right_arithmetic3A_541 = arith.constant 3 : i32
    %shift_right_arithmetic3A_542 = vector.broadcast %shift_right_arithmetic3A_541 : i32 to vector<16xi32>
    %shift_right_arithmetic3A_543 = arith.shrsi %select_n3A_298, %shift_right_arithmetic3A_542 : vector<16xi32>
    %mul3A_544 = arith.constant 4096 : i32
    %mul3A_545 = vector.broadcast %mul3A_544 : i32 to vector<16xi32>
    %mul3A_546 = arith.muli %shift_right_arithmetic3A_543, %mul3A_545 : vector<16xi32>
    %and3A_547 = arith.constant 7 : i32
    %and3A_548 = vector.broadcast %and3A_547 : i32 to vector<16xi32>
    %and3A_549 = arith.andi %select_n3A_298, %and3A_548 : vector<16xi32>
    %mul3A_550 = arith.constant 128 : i32
    %mul3A_551 = vector.broadcast %mul3A_550 : i32 to vector<16xi32>
    %mul3A_552 = arith.muli %and3A_549, %mul3A_551 : vector<16xi32>
    %add3A_553 = arith.addi %mul3A_546, %mul3A_552 : vector<16xi32>
    %shift_right_arithmetic3A_554 = arith.constant 3 : i32
    %shift_right_arithmetic3A_555 = vector.broadcast %shift_right_arithmetic3A_554 : i32 to vector<16xi32>
    %shift_right_arithmetic3A_556 = arith.shrsi %select_n3A_323, %shift_right_arithmetic3A_555 : vector<16xi32>
    %mul3A_557 = arith.constant 4096 : i32
    %mul3A_558 = vector.broadcast %mul3A_557 : i32 to vector<16xi32>
    %mul3A_559 = arith.muli %shift_right_arithmetic3A_556, %mul3A_558 : vector<16xi32>
    %and3A_560 = arith.constant 7 : i32
    %and3A_561 = vector.broadcast %and3A_560 : i32 to vector<16xi32>
    %and3A_562 = arith.andi %select_n3A_323, %and3A_561 : vector<16xi32>
    %mul3A_563 = arith.constant 128 : i32
    %mul3A_564 = vector.broadcast %mul3A_563 : i32 to vector<16xi32>
    %mul3A_565 = arith.muli %and3A_562, %mul3A_564 : vector<16xi32>
    %add3A_566 = arith.addi %mul3A_559, %mul3A_565 : vector<16xi32>
    %shift_right_arithmetic3A_567 = arith.constant 3 : i32
    %shift_right_arithmetic3A_568 = vector.broadcast %shift_right_arithmetic3A_567 : i32 to vector<16xi32>
    %shift_right_arithmetic3A_569 = arith.shrsi %select_n3A_348, %shift_right_arithmetic3A_568 : vector<16xi32>
    %mul3A_570 = arith.constant 4096 : i32
    %mul3A_571 = vector.broadcast %mul3A_570 : i32 to vector<16xi32>
    %mul3A_572 = arith.muli %shift_right_arithmetic3A_569, %mul3A_571 : vector<16xi32>
    %and3A_573 = arith.constant 7 : i32
    %and3A_574 = vector.broadcast %and3A_573 : i32 to vector<16xi32>
    %and3A_575 = arith.andi %select_n3A_348, %and3A_574 : vector<16xi32>
    %mul3A_576 = arith.constant 128 : i32
    %mul3A_577 = vector.broadcast %mul3A_576 : i32 to vector<16xi32>
    %mul3A_578 = arith.muli %and3A_575, %mul3A_577 : vector<16xi32>
    %add3A_579 = arith.addi %mul3A_572, %mul3A_578 : vector<16xi32>
    %shift_right_arithmetic3A_580 = arith.constant 3 : i32
    %shift_right_arithmetic3A_581 = vector.broadcast %shift_right_arithmetic3A_580 : i32 to vector<16xi32>
    %shift_right_arithmetic3A_582 = arith.shrsi %select_n3A_373, %shift_right_arithmetic3A_581 : vector<16xi32>
    %mul3A_583 = arith.constant 4096 : i32
    %mul3A_584 = vector.broadcast %mul3A_583 : i32 to vector<16xi32>
    %mul3A_585 = arith.muli %shift_right_arithmetic3A_582, %mul3A_584 : vector<16xi32>
    %and3A_586 = arith.constant 7 : i32
    %and3A_587 = vector.broadcast %and3A_586 : i32 to vector<16xi32>
    %and3A_588 = arith.andi %select_n3A_373, %and3A_587 : vector<16xi32>
    %mul3A_589 = arith.constant 128 : i32
    %mul3A_590 = vector.broadcast %mul3A_589 : i32 to vector<16xi32>
    %mul3A_591 = arith.muli %and3A_588, %mul3A_590 : vector<16xi32>
    %add3A_592 = arith.addi %mul3A_585, %mul3A_591 : vector<16xi32>
    %shift_right_arithmetic3A_593 = arith.constant 3 : i32
    %shift_right_arithmetic3A_594 = vector.broadcast %shift_right_arithmetic3A_593 : i32 to vector<16xi32>
    %shift_right_arithmetic3A_595 = arith.shrsi %select_n3A_398, %shift_right_arithmetic3A_594 : vector<16xi32>
    %mul3A_596 = arith.constant 4096 : i32
    %mul3A_597 = vector.broadcast %mul3A_596 : i32 to vector<16xi32>
    %mul3A_598 = arith.muli %shift_right_arithmetic3A_595, %mul3A_597 : vector<16xi32>
    %and3A_599 = arith.constant 7 : i32
    %and3A_600 = vector.broadcast %and3A_599 : i32 to vector<16xi32>
    %and3A_601 = arith.andi %select_n3A_398, %and3A_600 : vector<16xi32>
    %mul3A_602 = arith.constant 128 : i32
    %mul3A_603 = vector.broadcast %mul3A_602 : i32 to vector<16xi32>
    %mul3A_604 = arith.muli %and3A_601, %mul3A_603 : vector<16xi32>
    %add3A_605 = arith.addi %mul3A_598, %mul3A_604 : vector<16xi32>
    "tpu.region"() ({
      %run_scoped3A = tpu.sem_alloc : memref<!tpu.dma_semaphore, #tpu.memory_space<semaphore_mem>>
      %dma_start3A_773 = arith.constant 0 : i32
      %dma_start3A_774 = tpu.memref_slice %arg3[%dma_start3A_773, %mul3A_2] : memref<26x16384xi32, #tpu.memory_space<hbm>> -> memref<26x512xi32, #tpu.memory_space<hbm>>
      %dma_start3A_775 = arith.constant 0 : i32
      %dma_start3A_776 = tpu.memref_slice %arg3[%dma_start3A_775, %mul3A_2] : memref<26x16384xi32, #tpu.memory_space<hbm>> -> memref<26x512xi32, #tpu.memory_space<hbm>>
      tpu.enqueue_dma source(%dma_start3A_776 : memref<26x512xi32, #tpu.memory_space<hbm>>) target(%arg6 : memref<26x512xi32, #tpu.memory_space<vmem>>) target_semaphore(%run_scoped3A : memref<!tpu.dma_semaphore, #tpu.memory_space<semaphore_mem>>)
      %dma_wait3A_777 = arith.constant 0 : i32
      %dma_wait3A_778 = tpu.memref_slice %arg3[%dma_wait3A_777, %mul3A_2] : memref<26x16384xi32, #tpu.memory_space<hbm>> -> memref<26x512xi32, #tpu.memory_space<hbm>>
      %dma_wait3A_779 = arith.constant 0 : i32
      %dma_wait3A_780 = tpu.memref_slice %arg3[%dma_wait3A_779, %mul3A_2] : memref<26x16384xi32, #tpu.memory_space<hbm>> -> memref<26x512xi32, #tpu.memory_space<hbm>>
      tpu.wait_dma2 semaphore(%run_scoped3A : memref<!tpu.dma_semaphore, #tpu.memory_space<semaphore_mem>>) src(%dma_wait3A_780 : memref<26x512xi32, #tpu.memory_space<hbm>>) dst(%arg6 : memref<26x512xi32, #tpu.memory_space<vmem>>)
      tpu.yield
    }) : () -> ()
    "tpu.region"() ({
      %run_scoped3A = tpu.sem_alloc : memref<!tpu.dma_semaphore, #tpu.memory_space<semaphore_mem>>
      %dma_start3A_773 = arith.constant 0 : i32
      %dma_start3A_774 = tpu.memref_slice %arg4[%dma_start3A_773, %mul3A_2] : memref<26x16384xf32, #tpu.memory_space<hbm>> -> memref<26x512xf32, #tpu.memory_space<hbm>>
      %dma_start3A_775 = arith.constant 0 : i32
      %dma_start3A_776 = tpu.memref_slice %arg4[%dma_start3A_775, %mul3A_2] : memref<26x16384xf32, #tpu.memory_space<hbm>> -> memref<26x512xf32, #tpu.memory_space<hbm>>
      tpu.enqueue_dma source(%dma_start3A_776 : memref<26x512xf32, #tpu.memory_space<hbm>>) target(%arg7 : memref<26x512xf32, #tpu.memory_space<vmem>>) target_semaphore(%run_scoped3A : memref<!tpu.dma_semaphore, #tpu.memory_space<semaphore_mem>>)
      %dma_wait3A_777 = arith.constant 0 : i32
      %dma_wait3A_778 = tpu.memref_slice %arg4[%dma_wait3A_777, %mul3A_2] : memref<26x16384xf32, #tpu.memory_space<hbm>> -> memref<26x512xf32, #tpu.memory_space<hbm>>
      %dma_wait3A_779 = arith.constant 0 : i32
      %dma_wait3A_780 = tpu.memref_slice %arg4[%dma_wait3A_779, %mul3A_2] : memref<26x16384xf32, #tpu.memory_space<hbm>> -> memref<26x512xf32, #tpu.memory_space<hbm>>
      tpu.wait_dma2 semaphore(%run_scoped3A : memref<!tpu.dma_semaphore, #tpu.memory_space<semaphore_mem>>) src(%dma_wait3A_780 : memref<26x512xf32, #tpu.memory_space<hbm>>) dst(%arg7 : memref<26x512xf32, #tpu.memory_space<vmem>>)
      tpu.yield
    }) : () -> ()
    %dma_start3A = arith.constant 0 : i32
    %dma_start3A_606 = arith.constant 0 : i32
    %dma_start3A_607 = arith.constant 0 : i32
    %dma_start3A_608 = arith.constant 0 : i32
    %dma_start3A_609 = arith.constant 0 : i32
    %dma_start3A_610 = tpu.memref_slice %arg8[%dma_start3A_606, %dma_start3A_608, %dma_start3A_609] : memref<2x512x32xf32, #tpu.memory_space<vmem>> -> memref<1x128x32xf32, #tpu.memory_space<vmem>>
    %dma_start3A_611 = tpu.memref_squeeze %dma_start3A_610 : memref<1x128x32xf32, #tpu.memory_space<vmem>> -> memref<128x32xf32, #tpu.memory_space<vmem>>
    %dma_start3A_612 = arith.constant 0 : i32
    %dma_start3A_613 = tpu.memref_slice %arg6[%dma_start3A, %dma_start3A_612] : memref<26x512xi32, #tpu.memory_space<vmem>> -> memref<1x128xi32, #tpu.memory_space<vmem>>
    %dma_start3A_614 = tpu.memref_squeeze %dma_start3A_613 : memref<1x128xi32, #tpu.memory_space<vmem>> -> memref<128xi32, #tpu.memory_space<vmem>>
    %dma_start3A_615 = arith.constant 0 : i32
    %dma_start3A_616 = arith.constant 0 : i32
    %dma_start3A_617 = tpu.memref_slice %arg2[%dma_start3A_615, %dma_start3A_616] : memref<1000000x32xf32, #tpu.memory_space<hbm>> -> memref<1000000x32xf32, #tpu.memory_space<hbm>>
    %dma_start3A_618 = tpu.memref_slice %arg10[%dma_start3A_607] : memref<2x!tpu.dma_semaphore, #tpu.memory_space<semaphore_mem>> -> memref<1x!tpu.dma_semaphore, #tpu.memory_space<semaphore_mem>>
    %dma_start3A_619 = tpu.memref_squeeze %dma_start3A_618 : memref<1x!tpu.dma_semaphore, #tpu.memory_space<semaphore_mem>> -> memref<!tpu.dma_semaphore, #tpu.memory_space<semaphore_mem>>
    tpu.enqueue_indirect_dma source(%dma_start3A_617 : memref<1000000x32xf32, #tpu.memory_space<hbm>>) target(%dma_start3A_611 : memref<128x32xf32, #tpu.memory_space<vmem>>) offsets(%dma_start3A_614 : memref<128xi32, #tpu.memory_space<vmem>>) semaphore(%dma_start3A_619 : memref<!tpu.dma_semaphore, #tpu.memory_space<semaphore_mem>>)
    %dma_start3A_620 = arith.constant 0 : i32
    %dma_start3A_621 = arith.constant 0 : i32
    %dma_start3A_622 = arith.constant 0 : i32
    %dma_start3A_623 = arith.constant 128 : i32
    %dma_start3A_624 = arith.constant 0 : i32
    %dma_start3A_625 = tpu.memref_slice %arg8[%dma_start3A_621, %dma_start3A_623, %dma_start3A_624] : memref<2x512x32xf32, #tpu.memory_space<vmem>> -> memref<1x128x32xf32, #tpu.memory_space<vmem>>
    %dma_start3A_626 = tpu.memref_squeeze %dma_start3A_625 : memref<1x128x32xf32, #tpu.memory_space<vmem>> -> memref<128x32xf32, #tpu.memory_space<vmem>>
    %dma_start3A_627 = arith.constant 128 : i32
    %dma_start3A_628 = tpu.memref_slice %arg6[%dma_start3A_620, %dma_start3A_627] : memref<26x512xi32, #tpu.memory_space<vmem>> -> memref<1x128xi32, #tpu.memory_space<vmem>>
    %dma_start3A_629 = tpu.memref_squeeze %dma_start3A_628 : memref<1x128xi32, #tpu.memory_space<vmem>> -> memref<128xi32, #tpu.memory_space<vmem>>
    %dma_start3A_630 = arith.constant 0 : i32
    %dma_start3A_631 = arith.constant 0 : i32
    %dma_start3A_632 = tpu.memref_slice %arg2[%dma_start3A_630, %dma_start3A_631] : memref<1000000x32xf32, #tpu.memory_space<hbm>> -> memref<1000000x32xf32, #tpu.memory_space<hbm>>
    %dma_start3A_633 = tpu.memref_slice %arg10[%dma_start3A_622] : memref<2x!tpu.dma_semaphore, #tpu.memory_space<semaphore_mem>> -> memref<1x!tpu.dma_semaphore, #tpu.memory_space<semaphore_mem>>
    %dma_start3A_634 = tpu.memref_squeeze %dma_start3A_633 : memref<1x!tpu.dma_semaphore, #tpu.memory_space<semaphore_mem>> -> memref<!tpu.dma_semaphore, #tpu.memory_space<semaphore_mem>>
    tpu.enqueue_indirect_dma source(%dma_start3A_632 : memref<1000000x32xf32, #tpu.memory_space<hbm>>) target(%dma_start3A_626 : memref<128x32xf32, #tpu.memory_space<vmem>>) offsets(%dma_start3A_629 : memref<128xi32, #tpu.memory_space<vmem>>) semaphore(%dma_start3A_634 : memref<!tpu.dma_semaphore, #tpu.memory_space<semaphore_mem>>)
    %dma_start3A_635 = arith.constant 0 : i32
    %dma_start3A_636 = arith.constant 0 : i32
    %dma_start3A_637 = arith.constant 0 : i32
    %dma_start3A_638 = arith.constant 256 : i32
    %dma_start3A_639 = arith.constant 0 : i32
    %dma_start3A_640 = tpu.memref_slice %arg8[%dma_start3A_636, %dma_start3A_638, %dma_start3A_639] : memref<2x512x32xf32, #tpu.memory_space<vmem>> -> memref<1x128x32xf32, #tpu.memory_space<vmem>>
    %dma_start3A_641 = tpu.memref_squeeze %dma_start3A_640 : memref<1x128x32xf32, #tpu.memory_space<vmem>> -> memref<128x32xf32, #tpu.memory_space<vmem>>
    %dma_start3A_642 = arith.constant 256 : i32
    %dma_start3A_643 = tpu.memref_slice %arg6[%dma_start3A_635, %dma_start3A_642] : memref<26x512xi32, #tpu.memory_space<vmem>> -> memref<1x128xi32, #tpu.memory_space<vmem>>
    %dma_start3A_644 = tpu.memref_squeeze %dma_start3A_643 : memref<1x128xi32, #tpu.memory_space<vmem>> -> memref<128xi32, #tpu.memory_space<vmem>>
    %dma_start3A_645 = arith.constant 0 : i32
    %dma_start3A_646 = arith.constant 0 : i32
    %dma_start3A_647 = tpu.memref_slice %arg2[%dma_start3A_645, %dma_start3A_646] : memref<1000000x32xf32, #tpu.memory_space<hbm>> -> memref<1000000x32xf32, #tpu.memory_space<hbm>>
    %dma_start3A_648 = tpu.memref_slice %arg10[%dma_start3A_637] : memref<2x!tpu.dma_semaphore, #tpu.memory_space<semaphore_mem>> -> memref<1x!tpu.dma_semaphore, #tpu.memory_space<semaphore_mem>>
    %dma_start3A_649 = tpu.memref_squeeze %dma_start3A_648 : memref<1x!tpu.dma_semaphore, #tpu.memory_space<semaphore_mem>> -> memref<!tpu.dma_semaphore, #tpu.memory_space<semaphore_mem>>
    tpu.enqueue_indirect_dma source(%dma_start3A_647 : memref<1000000x32xf32, #tpu.memory_space<hbm>>) target(%dma_start3A_641 : memref<128x32xf32, #tpu.memory_space<vmem>>) offsets(%dma_start3A_644 : memref<128xi32, #tpu.memory_space<vmem>>) semaphore(%dma_start3A_649 : memref<!tpu.dma_semaphore, #tpu.memory_space<semaphore_mem>>)
    %dma_start3A_650 = arith.constant 0 : i32
    %dma_start3A_651 = arith.constant 0 : i32
    %dma_start3A_652 = arith.constant 0 : i32
    %dma_start3A_653 = arith.constant 384 : i32
    %dma_start3A_654 = arith.constant 0 : i32
    %dma_start3A_655 = tpu.memref_slice %arg8[%dma_start3A_651, %dma_start3A_653, %dma_start3A_654] : memref<2x512x32xf32, #tpu.memory_space<vmem>> -> memref<1x128x32xf32, #tpu.memory_space<vmem>>
    %dma_start3A_656 = tpu.memref_squeeze %dma_start3A_655 : memref<1x128x32xf32, #tpu.memory_space<vmem>> -> memref<128x32xf32, #tpu.memory_space<vmem>>
    %dma_start3A_657 = arith.constant 384 : i32
    %dma_start3A_658 = tpu.memref_slice %arg6[%dma_start3A_650, %dma_start3A_657] : memref<26x512xi32, #tpu.memory_space<vmem>> -> memref<1x128xi32, #tpu.memory_space<vmem>>
    %dma_start3A_659 = tpu.memref_squeeze %dma_start3A_658 : memref<1x128xi32, #tpu.memory_space<vmem>> -> memref<128xi32, #tpu.memory_space<vmem>>
    %dma_start3A_660 = arith.constant 0 : i32
    %dma_start3A_661 = arith.constant 0 : i32
    %dma_start3A_662 = tpu.memref_slice %arg2[%dma_start3A_660, %dma_start3A_661] : memref<1000000x32xf32, #tpu.memory_space<hbm>> -> memref<1000000x32xf32, #tpu.memory_space<hbm>>
    %dma_start3A_663 = tpu.memref_slice %arg10[%dma_start3A_652] : memref<2x!tpu.dma_semaphore, #tpu.memory_space<semaphore_mem>> -> memref<1x!tpu.dma_semaphore, #tpu.memory_space<semaphore_mem>>
    %dma_start3A_664 = tpu.memref_squeeze %dma_start3A_663 : memref<1x!tpu.dma_semaphore, #tpu.memory_space<semaphore_mem>> -> memref<!tpu.dma_semaphore, #tpu.memory_space<semaphore_mem>>
    tpu.enqueue_indirect_dma source(%dma_start3A_662 : memref<1000000x32xf32, #tpu.memory_space<hbm>>) target(%dma_start3A_656 : memref<128x32xf32, #tpu.memory_space<vmem>>) offsets(%dma_start3A_659 : memref<128xi32, #tpu.memory_space<vmem>>) semaphore(%dma_start3A_664 : memref<!tpu.dma_semaphore, #tpu.memory_space<semaphore_mem>>)
    %scan3A = arith.constant 0 : i32
    %scan3A_665 = arith.constant 0 : i32
    %scan3A_666 = arith.constant 26 : i32
    %scan3A_667 = arith.addi %scan3A_665, %scan3A_666 : i32
    %scan3A_668 = arith.constant 1 : i32
    scf.for %scan3A_773 = %scan3A_665 to %scan3A_667 step %scan3A_668  : i32 {
      %rem3A_774 = arith.constant 2 : i32
      %rem3A_775 = arith.remsi %scan3A_773, %rem3A_774 : i32
      %dma_wait3A_776 = arith.constant 0 : i32
      %dma_wait3A_777 = arith.constant 0 : i32
      %dma_wait3A_778 = tpu.memref_slice %arg8[%rem3A_775, %dma_wait3A_776, %dma_wait3A_777] : memref<2x512x32xf32, #tpu.memory_space<vmem>> -> memref<1x128x32xf32, #tpu.memory_space<vmem>>
      %dma_wait3A_779 = tpu.memref_squeeze %dma_wait3A_778 : memref<1x128x32xf32, #tpu.memory_space<vmem>> -> memref<128x32xf32, #tpu.memory_space<vmem>>
      %dma_wait3A_780 = arith.constant 0 : i32
      %dma_wait3A_781 = tpu.memref_slice %arg6[%scan3A_773, %dma_wait3A_780] : memref<26x512xi32, #tpu.memory_space<vmem>> -> memref<1x128xi32, #tpu.memory_space<vmem>>
      %dma_wait3A_782 = tpu.memref_squeeze %dma_wait3A_781 : memref<1x128xi32, #tpu.memory_space<vmem>> -> memref<128xi32, #tpu.memory_space<vmem>>
      %dma_wait3A_783 = arith.constant 0 : i32
      %dma_wait3A_784 = arith.constant 0 : i32
      %dma_wait3A_785 = tpu.memref_slice %arg2[%dma_wait3A_783, %dma_wait3A_784] : memref<1000000x32xf32, #tpu.memory_space<hbm>> -> memref<1000000x32xf32, #tpu.memory_space<hbm>>
      %dma_wait3A_786 = tpu.memref_slice %arg10[%rem3A_775] : memref<2x!tpu.dma_semaphore, #tpu.memory_space<semaphore_mem>> -> memref<1x!tpu.dma_semaphore, #tpu.memory_space<semaphore_mem>>
      %dma_wait3A_787 = tpu.memref_squeeze %dma_wait3A_786 : memref<1x!tpu.dma_semaphore, #tpu.memory_space<semaphore_mem>> -> memref<!tpu.dma_semaphore, #tpu.memory_space<semaphore_mem>>
      tpu.wait_indirect_dma semaphore(%dma_wait3A_787 : memref<!tpu.dma_semaphore, #tpu.memory_space<semaphore_mem>>) src(%dma_wait3A_785 : memref<1000000x32xf32, #tpu.memory_space<hbm>>) dst(%dma_wait3A_779 : memref<128x32xf32, #tpu.memory_space<vmem>>)
      %dma_wait3A_788 = arith.constant 128 : i32
      %dma_wait3A_789 = arith.constant 0 : i32
      %dma_wait3A_790 = tpu.memref_slice %arg8[%rem3A_775, %dma_wait3A_788, %dma_wait3A_789] : memref<2x512x32xf32, #tpu.memory_space<vmem>> -> memref<1x128x32xf32, #tpu.memory_space<vmem>>
      %dma_wait3A_791 = tpu.memref_squeeze %dma_wait3A_790 : memref<1x128x32xf32, #tpu.memory_space<vmem>> -> memref<128x32xf32, #tpu.memory_space<vmem>>
      %dma_wait3A_792 = arith.constant 128 : i32
      %dma_wait3A_793 = tpu.memref_slice %arg6[%scan3A_773, %dma_wait3A_792] : memref<26x512xi32, #tpu.memory_space<vmem>> -> memref<1x128xi32, #tpu.memory_space<vmem>>
      %dma_wait3A_794 = tpu.memref_squeeze %dma_wait3A_793 : memref<1x128xi32, #tpu.memory_space<vmem>> -> memref<128xi32, #tpu.memory_space<vmem>>
      %dma_wait3A_795 = arith.constant 0 : i32
      %dma_wait3A_796 = arith.constant 0 : i32
      %dma_wait3A_797 = tpu.memref_slice %arg2[%dma_wait3A_795, %dma_wait3A_796] : memref<1000000x32xf32, #tpu.memory_space<hbm>> -> memref<1000000x32xf32, #tpu.memory_space<hbm>>
      %dma_wait3A_798 = tpu.memref_slice %arg10[%rem3A_775] : memref<2x!tpu.dma_semaphore, #tpu.memory_space<semaphore_mem>> -> memref<1x!tpu.dma_semaphore, #tpu.memory_space<semaphore_mem>>
      %dma_wait3A_799 = tpu.memref_squeeze %dma_wait3A_798 : memref<1x!tpu.dma_semaphore, #tpu.memory_space<semaphore_mem>> -> memref<!tpu.dma_semaphore, #tpu.memory_space<semaphore_mem>>
      tpu.wait_indirect_dma semaphore(%dma_wait3A_799 : memref<!tpu.dma_semaphore, #tpu.memory_space<semaphore_mem>>) src(%dma_wait3A_797 : memref<1000000x32xf32, #tpu.memory_space<hbm>>) dst(%dma_wait3A_791 : memref<128x32xf32, #tpu.memory_space<vmem>>)
      %dma_wait3A_800 = arith.constant 256 : i32
      %dma_wait3A_801 = arith.constant 0 : i32
      %dma_wait3A_802 = tpu.memref_slice %arg8[%rem3A_775, %dma_wait3A_800, %dma_wait3A_801] : memref<2x512x32xf32, #tpu.memory_space<vmem>> -> memref<1x128x32xf32, #tpu.memory_space<vmem>>
      %dma_wait3A_803 = tpu.memref_squeeze %dma_wait3A_802 : memref<1x128x32xf32, #tpu.memory_space<vmem>> -> memref<128x32xf32, #tpu.memory_space<vmem>>
      %dma_wait3A_804 = arith.constant 256 : i32
      %dma_wait3A_805 = tpu.memref_slice %arg6[%scan3A_773, %dma_wait3A_804] : memref<26x512xi32, #tpu.memory_space<vmem>> -> memref<1x128xi32, #tpu.memory_space<vmem>>
      %dma_wait3A_806 = tpu.memref_squeeze %dma_wait3A_805 : memref<1x128xi32, #tpu.memory_space<vmem>> -> memref<128xi32, #tpu.memory_space<vmem>>
      %dma_wait3A_807 = arith.constant 0 : i32
      %dma_wait3A_808 = arith.constant 0 : i32
      %dma_wait3A_809 = tpu.memref_slice %arg2[%dma_wait3A_807, %dma_wait3A_808] : memref<1000000x32xf32, #tpu.memory_space<hbm>> -> memref<1000000x32xf32, #tpu.memory_space<hbm>>
      %dma_wait3A_810 = tpu.memref_slice %arg10[%rem3A_775] : memref<2x!tpu.dma_semaphore, #tpu.memory_space<semaphore_mem>> -> memref<1x!tpu.dma_semaphore, #tpu.memory_space<semaphore_mem>>
      %dma_wait3A_811 = tpu.memref_squeeze %dma_wait3A_810 : memref<1x!tpu.dma_semaphore, #tpu.memory_space<semaphore_mem>> -> memref<!tpu.dma_semaphore, #tpu.memory_space<semaphore_mem>>
      tpu.wait_indirect_dma semaphore(%dma_wait3A_811 : memref<!tpu.dma_semaphore, #tpu.memory_space<semaphore_mem>>) src(%dma_wait3A_809 : memref<1000000x32xf32, #tpu.memory_space<hbm>>) dst(%dma_wait3A_803 : memref<128x32xf32, #tpu.memory_space<vmem>>)
      %dma_wait3A_812 = arith.constant 384 : i32
      %dma_wait3A_813 = arith.constant 0 : i32
      %dma_wait3A_814 = tpu.memref_slice %arg8[%rem3A_775, %dma_wait3A_812, %dma_wait3A_813] : memref<2x512x32xf32, #tpu.memory_space<vmem>> -> memref<1x128x32xf32, #tpu.memory_space<vmem>>
      %dma_wait3A_815 = tpu.memref_squeeze %dma_wait3A_814 : memref<1x128x32xf32, #tpu.memory_space<vmem>> -> memref<128x32xf32, #tpu.memory_space<vmem>>
      %dma_wait3A_816 = arith.constant 384 : i32
      %dma_wait3A_817 = tpu.memref_slice %arg6[%scan3A_773, %dma_wait3A_816] : memref<26x512xi32, #tpu.memory_space<vmem>> -> memref<1x128xi32, #tpu.memory_space<vmem>>
      %dma_wait3A_818 = tpu.memref_squeeze %dma_wait3A_817 : memref<1x128xi32, #tpu.memory_space<vmem>> -> memref<128xi32, #tpu.memory_space<vmem>>
      %dma_wait3A_819 = arith.constant 0 : i32
      %dma_wait3A_820 = arith.constant 0 : i32
      %dma_wait3A_821 = tpu.memref_slice %arg2[%dma_wait3A_819, %dma_wait3A_820] : memref<1000000x32xf32, #tpu.memory_space<hbm>> -> memref<1000000x32xf32, #tpu.memory_space<hbm>>
      %dma_wait3A_822 = tpu.memref_slice %arg10[%rem3A_775] : memref<2x!tpu.dma_semaphore, #tpu.memory_space<semaphore_mem>> -> memref<1x!tpu.dma_semaphore, #tpu.memory_space<semaphore_mem>>
      %dma_wait3A_823 = tpu.memref_squeeze %dma_wait3A_822 : memref<1x!tpu.dma_semaphore, #tpu.memory_space<semaphore_mem>> -> memref<!tpu.dma_semaphore, #tpu.memory_space<semaphore_mem>>
      tpu.wait_indirect_dma semaphore(%dma_wait3A_823 : memref<!tpu.dma_semaphore, #tpu.memory_space<semaphore_mem>>) src(%dma_wait3A_821 : memref<1000000x32xf32, #tpu.memory_space<hbm>>) dst(%dma_wait3A_815 : memref<128x32xf32, #tpu.memory_space<vmem>>)
      %add3A_824 = arith.constant 1 : i32
      %add3A_825 = arith.addi %scan3A_773, %add3A_824 : i32
      %lt3A_826 = arith.constant 26 : i32
      %lt3A_827 = arith.cmpi slt, %add3A_825, %lt3A_826 : i32
      %convert_element_type3A = arith.extui %lt3A_827 : i1 to i32
      %cond3A = arith.constant 0 : i32
      %cond3A_828 = arith.cmpi ne, %convert_element_type3A, %cond3A : i32
      scf.if %cond3A_828 {
        %add3A_907 = arith.constant 1 : i32
        %add3A_908 = arith.addi %scan3A_773, %add3A_907 : i32
        %sub3A = arith.constant 1 : i32
        %sub3A_909 = arith.subi %sub3A, %rem3A_775 : i32
        %dma_start3A_910 = arith.constant 0 : i32
        %dma_start3A_911 = arith.constant 0 : i32
        %dma_start3A_912 = tpu.memref_slice %arg8[%sub3A_909, %dma_start3A_910, %dma_start3A_911] : memref<2x512x32xf32, #tpu.memory_space<vmem>> -> memref<1x128x32xf32, #tpu.memory_space<vmem>>
        %dma_start3A_913 = tpu.memref_squeeze %dma_start3A_912 : memref<1x128x32xf32, #tpu.memory_space<vmem>> -> memref<128x32xf32, #tpu.memory_space<vmem>>
        %dma_start3A_914 = arith.constant 0 : i32
        %dma_start3A_915 = tpu.memref_slice %arg6[%add3A_908, %dma_start3A_914] : memref<26x512xi32, #tpu.memory_space<vmem>> -> memref<1x128xi32, #tpu.memory_space<vmem>>
        %dma_start3A_916 = tpu.memref_squeeze %dma_start3A_915 : memref<1x128xi32, #tpu.memory_space<vmem>> -> memref<128xi32, #tpu.memory_space<vmem>>
        %dma_start3A_917 = arith.constant 0 : i32
        %dma_start3A_918 = arith.constant 0 : i32
        %dma_start3A_919 = tpu.memref_slice %arg2[%dma_start3A_917, %dma_start3A_918] : memref<1000000x32xf32, #tpu.memory_space<hbm>> -> memref<1000000x32xf32, #tpu.memory_space<hbm>>
        %dma_start3A_920 = tpu.memref_slice %arg10[%sub3A_909] : memref<2x!tpu.dma_semaphore, #tpu.memory_space<semaphore_mem>> -> memref<1x!tpu.dma_semaphore, #tpu.memory_space<semaphore_mem>>
        %dma_start3A_921 = tpu.memref_squeeze %dma_start3A_920 : memref<1x!tpu.dma_semaphore, #tpu.memory_space<semaphore_mem>> -> memref<!tpu.dma_semaphore, #tpu.memory_space<semaphore_mem>>
        tpu.enqueue_indirect_dma source(%dma_start3A_919 : memref<1000000x32xf32, #tpu.memory_space<hbm>>) target(%dma_start3A_913 : memref<128x32xf32, #tpu.memory_space<vmem>>) offsets(%dma_start3A_916 : memref<128xi32, #tpu.memory_space<vmem>>) semaphore(%dma_start3A_921 : memref<!tpu.dma_semaphore, #tpu.memory_space<semaphore_mem>>)
        %dma_start3A_922 = arith.constant 128 : i32
        %dma_start3A_923 = arith.constant 0 : i32
        %dma_start3A_924 = tpu.memref_slice %arg8[%sub3A_909, %dma_start3A_922, %dma_start3A_923] : memref<2x512x32xf32, #tpu.memory_space<vmem>> -> memref<1x128x32xf32, #tpu.memory_space<vmem>>
        %dma_start3A_925 = tpu.memref_squeeze %dma_start3A_924 : memref<1x128x32xf32, #tpu.memory_space<vmem>> -> memref<128x32xf32, #tpu.memory_space<vmem>>
        %dma_start3A_926 = arith.constant 128 : i32
        %dma_start3A_927 = tpu.memref_slice %arg6[%add3A_908, %dma_start3A_926] : memref<26x512xi32, #tpu.memory_space<vmem>> -> memref<1x128xi32, #tpu.memory_space<vmem>>
        %dma_start3A_928 = tpu.memref_squeeze %dma_start3A_927 : memref<1x128xi32, #tpu.memory_space<vmem>> -> memref<128xi32, #tpu.memory_space<vmem>>
        %dma_start3A_929 = arith.constant 0 : i32
        %dma_start3A_930 = arith.constant 0 : i32
        %dma_start3A_931 = tpu.memref_slice %arg2[%dma_start3A_929, %dma_start3A_930] : memref<1000000x32xf32, #tpu.memory_space<hbm>> -> memref<1000000x32xf32, #tpu.memory_space<hbm>>
        %dma_start3A_932 = tpu.memref_slice %arg10[%sub3A_909] : memref<2x!tpu.dma_semaphore, #tpu.memory_space<semaphore_mem>> -> memref<1x!tpu.dma_semaphore, #tpu.memory_space<semaphore_mem>>
        %dma_start3A_933 = tpu.memref_squeeze %dma_start3A_932 : memref<1x!tpu.dma_semaphore, #tpu.memory_space<semaphore_mem>> -> memref<!tpu.dma_semaphore, #tpu.memory_space<semaphore_mem>>
        tpu.enqueue_indirect_dma source(%dma_start3A_931 : memref<1000000x32xf32, #tpu.memory_space<hbm>>) target(%dma_start3A_925 : memref<128x32xf32, #tpu.memory_space<vmem>>) offsets(%dma_start3A_928 : memref<128xi32, #tpu.memory_space<vmem>>) semaphore(%dma_start3A_933 : memref<!tpu.dma_semaphore, #tpu.memory_space<semaphore_mem>>)
        %dma_start3A_934 = arith.constant 256 : i32
        %dma_start3A_935 = arith.constant 0 : i32
        %dma_start3A_936 = tpu.memref_slice %arg8[%sub3A_909, %dma_start3A_934, %dma_start3A_935] : memref<2x512x32xf32, #tpu.memory_space<vmem>> -> memref<1x128x32xf32, #tpu.memory_space<vmem>>
        %dma_start3A_937 = tpu.memref_squeeze %dma_start3A_936 : memref<1x128x32xf32, #tpu.memory_space<vmem>> -> memref<128x32xf32, #tpu.memory_space<vmem>>
        %dma_start3A_938 = arith.constant 256 : i32
        %dma_start3A_939 = tpu.memref_slice %arg6[%add3A_908, %dma_start3A_938] : memref<26x512xi32, #tpu.memory_space<vmem>> -> memref<1x128xi32, #tpu.memory_space<vmem>>
        %dma_start3A_940 = tpu.memref_squeeze %dma_start3A_939 : memref<1x128xi32, #tpu.memory_space<vmem>> -> memref<128xi32, #tpu.memory_space<vmem>>
        %dma_start3A_941 = arith.constant 0 : i32
        %dma_start3A_942 = arith.constant 0 : i32
        %dma_start3A_943 = tpu.memref_slice %arg2[%dma_start3A_941, %dma_start3A_942] : memref<1000000x32xf32, #tpu.memory_space<hbm>> -> memref<1000000x32xf32, #tpu.memory_space<hbm>>
        %dma_start3A_944 = tpu.memref_slice %arg10[%sub3A_909] : memref<2x!tpu.dma_semaphore, #tpu.memory_space<semaphore_mem>> -> memref<1x!tpu.dma_semaphore, #tpu.memory_space<semaphore_mem>>
        %dma_start3A_945 = tpu.memref_squeeze %dma_start3A_944 : memref<1x!tpu.dma_semaphore, #tpu.memory_space<semaphore_mem>> -> memref<!tpu.dma_semaphore, #tpu.memory_space<semaphore_mem>>
        tpu.enqueue_indirect_dma source(%dma_start3A_943 : memref<1000000x32xf32, #tpu.memory_space<hbm>>) target(%dma_start3A_937 : memref<128x32xf32, #tpu.memory_space<vmem>>) offsets(%dma_start3A_940 : memref<128xi32, #tpu.memory_space<vmem>>) semaphore(%dma_start3A_945 : memref<!tpu.dma_semaphore, #tpu.memory_space<semaphore_mem>>)
        %dma_start3A_946 = arith.constant 384 : i32
        %dma_start3A_947 = arith.constant 0 : i32
        %dma_start3A_948 = tpu.memref_slice %arg8[%sub3A_909, %dma_start3A_946, %dma_start3A_947] : memref<2x512x32xf32, #tpu.memory_space<vmem>> -> memref<1x128x32xf32, #tpu.memory_space<vmem>>
        %dma_start3A_949 = tpu.memref_squeeze %dma_start3A_948 : memref<1x128x32xf32, #tpu.memory_space<vmem>> -> memref<128x32xf32, #tpu.memory_space<vmem>>
        %dma_start3A_950 = arith.constant 384 : i32
        %dma_start3A_951 = tpu.memref_slice %arg6[%add3A_908, %dma_start3A_950] : memref<26x512xi32, #tpu.memory_space<vmem>> -> memref<1x128xi32, #tpu.memory_space<vmem>>
        %dma_start3A_952 = tpu.memref_squeeze %dma_start3A_951 : memref<1x128xi32, #tpu.memory_space<vmem>> -> memref<128xi32, #tpu.memory_space<vmem>>
        %dma_start3A_953 = arith.constant 0 : i32
        %dma_start3A_954 = arith.constant 0 : i32
        %dma_start3A_955 = tpu.memref_slice %arg2[%dma_start3A_953, %dma_start3A_954] : memref<1000000x32xf32, #tpu.memory_space<hbm>> -> memref<1000000x32xf32, #tpu.memory_space<hbm>>
        %dma_start3A_956 = tpu.memref_slice %arg10[%sub3A_909] : memref<2x!tpu.dma_semaphore, #tpu.memory_space<semaphore_mem>> -> memref<1x!tpu.dma_semaphore, #tpu.memory_space<semaphore_mem>>
        %dma_start3A_957 = tpu.memref_squeeze %dma_start3A_956 : memref<1x!tpu.dma_semaphore, #tpu.memory_space<semaphore_mem>> -> memref<!tpu.dma_semaphore, #tpu.memory_space<semaphore_mem>>
        tpu.enqueue_indirect_dma source(%dma_start3A_955 : memref<1000000x32xf32, #tpu.memory_space<hbm>>) target(%dma_start3A_949 : memref<128x32xf32, #tpu.memory_space<vmem>>) offsets(%dma_start3A_952 : memref<128xi32, #tpu.memory_space<vmem>>) semaphore(%dma_start3A_957 : memref<!tpu.dma_semaphore, #tpu.memory_space<semaphore_mem>>)
      } else {
      }
      %ge3A = arith.constant 2 : i32
      %ge3A_829 = arith.cmpi sge, %scan3A_773, %ge3A : i32
      %convert_element_type3A_830 = arith.extui %ge3A_829 : i1 to i32
      %cond3A_831 = arith.constant 0 : i32
      %cond3A_832 = arith.cmpi ne, %convert_element_type3A_830, %cond3A_831 : i32
      scf.if %cond3A_832 {
        %sub3A = arith.constant 2 : i32
        %sub3A_907 = arith.subi %scan3A_773, %sub3A : i32
        %mul3A_908 = arith.constant 524288 : i32
        %mul3A_909 = arith.muli %sub3A_907, %mul3A_908 : i32
        %add3A_910 = arith.constant 0 : i32
        %add3A_911 = arith.addi %mul3A_909, %add3A_910 : i32
        %mul3A_912 = arith.constant 4096 : i32
        %mul3A_913 = arith.muli %add3A, %mul3A_912 : i32
        %add3A_914 = arith.addi %add3A_911, %mul3A_913 : i32
        %mul3A_915 = arith.constant 16384 : i32
        %mul3A_916 = arith.muli %rem3A_775, %mul3A_915 : i32
        %add3A_917 = arith.constant 0 : i32
        %add3A_918 = arith.addi %mul3A_916, %add3A_917 : i32
        %mul3A_919 = arith.constant 524288 : i32
        %mul3A_920 = arith.muli %sub3A_907, %mul3A_919 : i32
        %add3A_921 = arith.constant 131072 : i32
        %add3A_922 = arith.addi %mul3A_920, %add3A_921 : i32
        %mul3A_923 = arith.constant 4096 : i32
        %mul3A_924 = arith.muli %add3A, %mul3A_923 : i32
        %add3A_925 = arith.addi %add3A_922, %mul3A_924 : i32
        %mul3A_926 = arith.constant 16384 : i32
        %mul3A_927 = arith.muli %rem3A_775, %mul3A_926 : i32
        %add3A_928 = arith.constant 4096 : i32
        %add3A_929 = arith.addi %mul3A_927, %add3A_928 : i32
        %mul3A_930 = arith.constant 524288 : i32
        %mul3A_931 = arith.muli %sub3A_907, %mul3A_930 : i32
        %add3A_932 = arith.constant 262144 : i32
        %add3A_933 = arith.addi %mul3A_931, %add3A_932 : i32
        %mul3A_934 = arith.constant 4096 : i32
        %mul3A_935 = arith.muli %add3A, %mul3A_934 : i32
        %add3A_936 = arith.addi %add3A_933, %mul3A_935 : i32
        %mul3A_937 = arith.constant 16384 : i32
        %mul3A_938 = arith.muli %rem3A_775, %mul3A_937 : i32
        %add3A_939 = arith.constant 8192 : i32
        %add3A_940 = arith.addi %mul3A_938, %add3A_939 : i32
        %mul3A_941 = arith.constant 524288 : i32
        %mul3A_942 = arith.muli %sub3A_907, %mul3A_941 : i32
        %add3A_943 = arith.constant 393216 : i32
        %add3A_944 = arith.addi %mul3A_942, %add3A_943 : i32
        %mul3A_945 = arith.constant 4096 : i32
        %mul3A_946 = arith.muli %add3A, %mul3A_945 : i32
        %add3A_947 = arith.addi %add3A_944, %mul3A_946 : i32
        %mul3A_948 = arith.constant 16384 : i32
        %mul3A_949 = arith.muli %rem3A_775, %mul3A_948 : i32
        %add3A_950 = arith.constant 12288 : i32
        %add3A_951 = arith.addi %mul3A_949, %add3A_950 : i32
        %dma_wait3A_952 = tpu.memref_slice %arg9[%add3A_918] : memref<32768xf32, #tpu.memory_space<vmem>> -> memref<4096xf32, #tpu.memory_space<vmem>>
        %dma_wait3A_953 = tpu.memref_slice %arg5[%add3A_914] : memref<13631488xf32, #tpu.memory_space<hbm>> -> memref<4096xf32, #tpu.memory_space<hbm>>
        %dma_wait3A_954 = tpu.memref_slice %arg11[%rem3A_775] : memref<2x!tpu.dma_semaphore, #tpu.memory_space<semaphore_mem>> -> memref<1x!tpu.dma_semaphore, #tpu.memory_space<semaphore_mem>>
        %dma_wait3A_955 = tpu.memref_squeeze %dma_wait3A_954 : memref<1x!tpu.dma_semaphore, #tpu.memory_space<semaphore_mem>> -> memref<!tpu.dma_semaphore, #tpu.memory_space<semaphore_mem>>
        %dma_wait3A_956 = tpu.memref_slice %arg5[%add3A_914] : memref<13631488xf32, #tpu.memory_space<hbm>> -> memref<4096xf32, #tpu.memory_space<hbm>>
        %dma_wait3A_957 = tpu.memref_slice %arg9[%add3A_918] : memref<32768xf32, #tpu.memory_space<vmem>> -> memref<4096xf32, #tpu.memory_space<vmem>>
        tpu.wait_dma2 semaphore(%dma_wait3A_955 : memref<!tpu.dma_semaphore, #tpu.memory_space<semaphore_mem>>) src(%dma_wait3A_957 : memref<4096xf32, #tpu.memory_space<vmem>>) dst(%dma_wait3A_956 : memref<4096xf32, #tpu.memory_space<hbm>>)
        %dma_wait3A_958 = tpu.memref_slice %arg9[%add3A_929] : memref<32768xf32, #tpu.memory_space<vmem>> -> memref<4096xf32, #tpu.memory_space<vmem>>
        %dma_wait3A_959 = tpu.memref_slice %arg5[%add3A_925] : memref<13631488xf32, #tpu.memory_space<hbm>> -> memref<4096xf32, #tpu.memory_space<hbm>>
        %dma_wait3A_960 = tpu.memref_slice %arg11[%rem3A_775] : memref<2x!tpu.dma_semaphore, #tpu.memory_space<semaphore_mem>> -> memref<1x!tpu.dma_semaphore, #tpu.memory_space<semaphore_mem>>
        %dma_wait3A_961 = tpu.memref_squeeze %dma_wait3A_960 : memref<1x!tpu.dma_semaphore, #tpu.memory_space<semaphore_mem>> -> memref<!tpu.dma_semaphore, #tpu.memory_space<semaphore_mem>>
        %dma_wait3A_962 = tpu.memref_slice %arg5[%add3A_925] : memref<13631488xf32, #tpu.memory_space<hbm>> -> memref<4096xf32, #tpu.memory_space<hbm>>
        %dma_wait3A_963 = tpu.memref_slice %arg9[%add3A_929] : memref<32768xf32, #tpu.memory_space<vmem>> -> memref<4096xf32, #tpu.memory_space<vmem>>
        tpu.wait_dma2 semaphore(%dma_wait3A_961 : memref<!tpu.dma_semaphore, #tpu.memory_space<semaphore_mem>>) src(%dma_wait3A_963 : memref<4096xf32, #tpu.memory_space<vmem>>) dst(%dma_wait3A_962 : memref<4096xf32, #tpu.memory_space<hbm>>)
        %dma_wait3A_964 = tpu.memref_slice %arg9[%add3A_940] : memref<32768xf32, #tpu.memory_space<vmem>> -> memref<4096xf32, #tpu.memory_space<vmem>>
        %dma_wait3A_965 = tpu.memref_slice %arg5[%add3A_936] : memref<13631488xf32, #tpu.memory_space<hbm>> -> memref<4096xf32, #tpu.memory_space<hbm>>
        %dma_wait3A_966 = tpu.memref_slice %arg11[%rem3A_775] : memref<2x!tpu.dma_semaphore, #tpu.memory_space<semaphore_mem>> -> memref<1x!tpu.dma_semaphore, #tpu.memory_space<semaphore_mem>>
        %dma_wait3A_967 = tpu.memref_squeeze %dma_wait3A_966 : memref<1x!tpu.dma_semaphore, #tpu.memory_space<semaphore_mem>> -> memref<!tpu.dma_semaphore, #tpu.memory_space<semaphore_mem>>
        %dma_wait3A_968 = tpu.memref_slice %arg5[%add3A_936] : memref<13631488xf32, #tpu.memory_space<hbm>> -> memref<4096xf32, #tpu.memory_space<hbm>>
        %dma_wait3A_969 = tpu.memref_slice %arg9[%add3A_940] : memref<32768xf32, #tpu.memory_space<vmem>> -> memref<4096xf32, #tpu.memory_space<vmem>>
        tpu.wait_dma2 semaphore(%dma_wait3A_967 : memref<!tpu.dma_semaphore, #tpu.memory_space<semaphore_mem>>) src(%dma_wait3A_969 : memref<4096xf32, #tpu.memory_space<vmem>>) dst(%dma_wait3A_968 : memref<4096xf32, #tpu.memory_space<hbm>>)
        %dma_wait3A_970 = tpu.memref_slice %arg9[%add3A_951] : memref<32768xf32, #tpu.memory_space<vmem>> -> memref<4096xf32, #tpu.memory_space<vmem>>
        %dma_wait3A_971 = tpu.memref_slice %arg5[%add3A_947] : memref<13631488xf32, #tpu.memory_space<hbm>> -> memref<4096xf32, #tpu.memory_space<hbm>>
        %dma_wait3A_972 = tpu.memref_slice %arg11[%rem3A_775] : memref<2x!tpu.dma_semaphore, #tpu.memory_space<semaphore_mem>> -> memref<1x!tpu.dma_semaphore, #tpu.memory_space<semaphore_mem>>
        %dma_wait3A_973 = tpu.memref_squeeze %dma_wait3A_972 : memref<1x!tpu.dma_semaphore, #tpu.memory_space<semaphore_mem>> -> memref<!tpu.dma_semaphore, #tpu.memory_space<semaphore_mem>>
        %dma_wait3A_974 = tpu.memref_slice %arg5[%add3A_947] : memref<13631488xf32, #tpu.memory_space<hbm>> -> memref<4096xf32, #tpu.memory_space<hbm>>
        %dma_wait3A_975 = tpu.memref_slice %arg9[%add3A_951] : memref<32768xf32, #tpu.memory_space<vmem>> -> memref<4096xf32, #tpu.memory_space<vmem>>
        tpu.wait_dma2 semaphore(%dma_wait3A_973 : memref<!tpu.dma_semaphore, #tpu.memory_space<semaphore_mem>>) src(%dma_wait3A_975 : memref<4096xf32, #tpu.memory_space<vmem>>) dst(%dma_wait3A_974 : memref<4096xf32, #tpu.memory_space<hbm>>)
      } else {
      }
      %broadcast_in_dim3A = vector.broadcast %rem3A_775 : i32 to vector<16xi32>
      %scan3A_833 = arith.constant 0 : i32
      %scan3A_834 = arith.constant 0 : i32
      %scan3A_835 = arith.constant 32 : i32
      %scan3A_836 = arith.addi %scan3A_834, %scan3A_835 : i32
      %scan3A_837 = arith.constant 1 : i32
      scf.for %scan3A_907 = %scan3A_834 to %scan3A_836 step %scan3A_837  : i32 {
        %mul3A_908 = arith.constant 16 : i32
        %mul3A_909 = arith.muli %scan3A_907, %mul3A_908 : i32
        %get3A = arith.index_cast %scan3A_773 : i32 to index
        %get3A_910 = arith.index_cast %mul3A_909 : i32 to index
        %get3A_911 = tpu.vector_load %arg7[%get3A, %get3A_910] {strides = array<i32>} : memref<26x512xf32, #tpu.memory_space<vmem>>, vector<16xf32>,
        %mul3A_912 = arith.constant 16 : i32
        %mul3A_913 = arith.muli %scan3A_907, %mul3A_912 : i32
        %add3A_914 = vector.broadcast %mul3A_913 : i32 to vector<16xi32>
        %add3A_915 = arith.addi %add3A_914, %iota3A : vector<16xi32>
        %mul3A_916 = arith.constant 16384 : i32
        %mul3A_917 = arith.muli %rem3A_775, %mul3A_916 : i32
        %shift_right_arithmetic3A_918 = arith.constant 3 : i32
        %shift_right_arithmetic3A_919 = arith.shrsi %scan3A_907, %shift_right_arithmetic3A_918 : i32
        %mul3A_920 = arith.constant 1024 : i32
        %mul3A_921 = arith.muli %shift_right_arithmetic3A_919, %mul3A_920 : i32
        %add3A_922 = arith.addi %mul3A_917, %mul3A_921 : i32
        %and3A_923 = arith.constant 7 : i32
        %and3A_924 = arith.andi %scan3A_907, %and3A_923 : i32
        %mul3A_925 = arith.constant 16 : i32
        %mul3A_926 = arith.muli %and3A_924, %mul3A_925 : i32
        %add3A_927 = arith.addi %add3A_922, %mul3A_926 : i32
        %add3A_928 = vector.broadcast %add3A_927 : i32 to vector<16xi32>
        %add3A_929 = arith.addi %add3A_928, %iota3A : vector<16xi32>
        %add3A_930 = arith.constant 0 : i32
        %add3A_931 = vector.broadcast %add3A_930 : i32 to vector<16xi32>
        %add3A_932 = arith.addi %add3A_929, %add3A_931 : vector<16xi32>
        %add3A_933 = arith.constant 0 : i32
        %add3A_934 = vector.broadcast %add3A_933 : i32 to vector<16xi32>
        %add3A_935 = arith.addi %select_n3A_23, %add3A_934 : vector<16xi32>
        %gather3A = tpu.vector_load_idx %arg8[%broadcast_in_dim3A, %add3A_915, %add3A_935] : memref<2x512x32xf32, #tpu.memory_space<vmem>>[vector<16xi32>, vector<16xi32>, vector<16xi32>], vector<16xf32>,
        %add3A_936 = arith.addi %add3A_932, %add3A_410 : vector<16xi32>
        %mul3A_937 = arith.mulf %gather3A, %get3A_911 : vector<16xf32>
        tpu.vector_store_idx %arg9[%add3A_936], %mul3A_937 : memref<32768xf32, #tpu.memory_space<vmem>>[vector<16xi32>], vector<16xf32>,
        %add3A_938 = arith.constant 0 : i32
        %add3A_939 = vector.broadcast %add3A_938 : i32 to vector<16xi32>
        %add3A_940 = arith.addi %select_n3A_48, %add3A_939 : vector<16xi32>
        %gather3A_941 = tpu.vector_load_idx %arg8[%broadcast_in_dim3A, %add3A_915, %add3A_940] : memref<2x512x32xf32, #tpu.memory_space<vmem>>[vector<16xi32>, vector<16xi32>, vector<16xi32>], vector<16xf32>,
        %add3A_942 = arith.addi %add3A_932, %add3A_423 : vector<16xi32>
        %mul3A_943 = arith.mulf %gather3A_941, %get3A_911 : vector<16xf32>
        tpu.vector_store_idx %arg9[%add3A_942], %mul3A_943 : memref<32768xf32, #tpu.memory_space<vmem>>[vector<16xi32>], vector<16xf32>,
        %add3A_944 = arith.constant 0 : i32
        %add3A_945 = vector.broadcast %add3A_944 : i32 to vector<16xi32>
        %add3A_946 = arith.addi %select_n3A_73, %add3A_945 : vector<16xi32>
        %gather3A_947 = tpu.vector_load_idx %arg8[%broadcast_in_dim3A, %add3A_915, %add3A_946] : memref<2x512x32xf32, #tpu.memory_space<vmem>>[vector<16xi32>, vector<16xi32>, vector<16xi32>], vector<16xf32>,
        %add3A_948 = arith.addi %add3A_932, %add3A_436 : vector<16xi32>
        %mul3A_949 = arith.mulf %gather3A_947, %get3A_911 : vector<16xf32>
        tpu.vector_store_idx %arg9[%add3A_948], %mul3A_949 : memref<32768xf32, #tpu.memory_space<vmem>>[vector<16xi32>], vector<16xf32>,
        %add3A_950 = arith.constant 0 : i32
        %add3A_951 = vector.broadcast %add3A_950 : i32 to vector<16xi32>
        %add3A_952 = arith.addi %select_n3A_98, %add3A_951 : vector<16xi32>
        %gather3A_953 = tpu.vector_load_idx %arg8[%broadcast_in_dim3A, %add3A_915, %add3A_952] : memref<2x512x32xf32, #tpu.memory_space<vmem>>[vector<16xi32>, vector<16xi32>, vector<16xi32>], vector<16xf32>,
        %add3A_954 = arith.addi %add3A_932, %add3A_449 : vector<16xi32>
        %mul3A_955 = arith.mulf %gather3A_953, %get3A_911 : vector<16xf32>
        tpu.vector_store_idx %arg9[%add3A_954], %mul3A_955 : memref<32768xf32, #tpu.memory_space<vmem>>[vector<16xi32>], vector<16xf32>,
        %add3A_956 = arith.constant 0 : i32
        %add3A_957 = vector.broadcast %add3A_956 : i32 to vector<16xi32>
        %add3A_958 = arith.addi %select_n3A_123, %add3A_957 : vector<16xi32>
        %gather3A_959 = tpu.vector_load_idx %arg8[%broadcast_in_dim3A, %add3A_915, %add3A_958] : memref<2x512x32xf32, #tpu.memory_space<vmem>>[vector<16xi32>, vector<16xi32>, vector<16xi32>], vector<16xf32>,
        %add3A_960 = arith.addi %add3A_932, %add3A_462 : vector<16xi32>
        %mul3A_961 = arith.mulf %gather3A_959, %get3A_911 : vector<16xf32>
        tpu.vector_store_idx %arg9[%add3A_960], %mul3A_961 : memref<32768xf32, #tpu.memory_space<vmem>>[vector<16xi32>], vector<16xf32>,
        %add3A_962 = arith.constant 0 : i32
        %add3A_963 = vector.broadcast %add3A_962 : i32 to vector<16xi32>
        %add3A_964 = arith.addi %select_n3A_148, %add3A_963 : vector<16xi32>
        %gather3A_965 = tpu.vector_load_idx %arg8[%broadcast_in_dim3A, %add3A_915, %add3A_964] : memref<2x512x32xf32, #tpu.memory_space<vmem>>[vector<16xi32>, vector<16xi32>, vector<16xi32>], vector<16xf32>,
        %add3A_966 = arith.addi %add3A_932, %add3A_475 : vector<16xi32>
        %mul3A_967 = arith.mulf %gather3A_965, %get3A_911 : vector<16xf32>
        tpu.vector_store_idx %arg9[%add3A_966], %mul3A_967 : memref<32768xf32, #tpu.memory_space<vmem>>[vector<16xi32>], vector<16xf32>,
        %add3A_968 = arith.constant 0 : i32
        %add3A_969 = vector.broadcast %add3A_968 : i32 to vector<16xi32>
        %add3A_970 = arith.addi %select_n3A_173, %add3A_969 : vector<16xi32>
        %gather3A_971 = tpu.vector_load_idx %arg8[%broadcast_in_dim3A, %add3A_915, %add3A_970] : memref<2x512x32xf32, #tpu.memory_space<vmem>>[vector<16xi32>, vector<16xi32>, vector<16xi32>], vector<16xf32>,
        %add3A_972 = arith.addi %add3A_932, %add3A_488 : vector<16xi32>
        %mul3A_973 = arith.mulf %gather3A_971, %get3A_911 : vector<16xf32>
        tpu.vector_store_idx %arg9[%add3A_972], %mul3A_973 : memref<32768xf32, #tpu.memory_space<vmem>>[vector<16xi32>], vector<16xf32>,
        %add3A_974 = arith.constant 0 : i32
        %add3A_975 = vector.broadcast %add3A_974 : i32 to vector<16xi32>
        %add3A_976 = arith.addi %select_n3A_198, %add3A_975 : vector<16xi32>
        %gather3A_977 = tpu.vector_load_idx %arg8[%broadcast_in_dim3A, %add3A_915, %add3A_976] : memref<2x512x32xf32, #tpu.memory_space<vmem>>[vector<16xi32>, vector<16xi32>, vector<16xi32>], vector<16xf32>,
        %add3A_978 = arith.addi %add3A_932, %add3A_501 : vector<16xi32>
        %mul3A_979 = arith.mulf %gather3A_977, %get3A_911 : vector<16xf32>
        tpu.vector_store_idx %arg9[%add3A_978], %mul3A_979 : memref<32768xf32, #tpu.memory_space<vmem>>[vector<16xi32>], vector<16xf32>,
        %add3A_980 = arith.constant 0 : i32
        %add3A_981 = vector.broadcast %add3A_980 : i32 to vector<16xi32>
        %add3A_982 = arith.addi %select_n3A_223, %add3A_981 : vector<16xi32>
        %gather3A_983 = tpu.vector_load_idx %arg8[%broadcast_in_dim3A, %add3A_915, %add3A_982] : memref<2x512x32xf32, #tpu.memory_space<vmem>>[vector<16xi32>, vector<16xi32>, vector<16xi32>], vector<16xf32>,
        %add3A_984 = arith.addi %add3A_932, %add3A_514 : vector<16xi32>
        %mul3A_985 = arith.mulf %gather3A_983, %get3A_911 : vector<16xf32>
        tpu.vector_store_idx %arg9[%add3A_984], %mul3A_985 : memref<32768xf32, #tpu.memory_space<vmem>>[vector<16xi32>], vector<16xf32>,
        %add3A_986 = arith.constant 0 : i32
        %add3A_987 = vector.broadcast %add3A_986 : i32 to vector<16xi32>
        %add3A_988 = arith.addi %select_n3A_248, %add3A_987 : vector<16xi32>
        %gather3A_989 = tpu.vector_load_idx %arg8[%broadcast_in_dim3A, %add3A_915, %add3A_988] : memref<2x512x32xf32, #tpu.memory_space<vmem>>[vector<16xi32>, vector<16xi32>, vector<16xi32>], vector<16xf32>,
        %add3A_990 = arith.addi %add3A_932, %add3A_527 : vector<16xi32>
        %mul3A_991 = arith.mulf %gather3A_989, %get3A_911 : vector<16xf32>
        tpu.vector_store_idx %arg9[%add3A_990], %mul3A_991 : memref<32768xf32, #tpu.memory_space<vmem>>[vector<16xi32>], vector<16xf32>,
        %add3A_992 = arith.constant 0 : i32
        %add3A_993 = vector.broadcast %add3A_992 : i32 to vector<16xi32>
        %add3A_994 = arith.addi %select_n3A_273, %add3A_993 : vector<16xi32>
        %gather3A_995 = tpu.vector_load_idx %arg8[%broadcast_in_dim3A, %add3A_915, %add3A_994] : memref<2x512x32xf32, #tpu.memory_space<vmem>>[vector<16xi32>, vector<16xi32>, vector<16xi32>], vector<16xf32>,
        %add3A_996 = arith.addi %add3A_932, %add3A_540 : vector<16xi32>
        %mul3A_997 = arith.mulf %gather3A_995, %get3A_911 : vector<16xf32>
        tpu.vector_store_idx %arg9[%add3A_996], %mul3A_997 : memref<32768xf32, #tpu.memory_space<vmem>>[vector<16xi32>], vector<16xf32>,
        %add3A_998 = arith.constant 0 : i32
        %add3A_999 = vector.broadcast %add3A_998 : i32 to vector<16xi32>
        %add3A_1000 = arith.addi %select_n3A_298, %add3A_999 : vector<16xi32>
        %gather3A_1001 = tpu.vector_load_idx %arg8[%broadcast_in_dim3A, %add3A_915, %add3A_1000] : memref<2x512x32xf32, #tpu.memory_space<vmem>>[vector<16xi32>, vector<16xi32>, vector<16xi32>], vector<16xf32>,
        %add3A_1002 = arith.addi %add3A_932, %add3A_553 : vector<16xi32>
        %mul3A_1003 = arith.mulf %gather3A_1001, %get3A_911 : vector<16xf32>
        tpu.vector_store_idx %arg9[%add3A_1002], %mul3A_1003 : memref<32768xf32, #tpu.memory_space<vmem>>[vector<16xi32>], vector<16xf32>,
        %add3A_1004 = arith.constant 0 : i32
        %add3A_1005 = vector.broadcast %add3A_1004 : i32 to vector<16xi32>
        %add3A_1006 = arith.addi %select_n3A_323, %add3A_1005 : vector<16xi32>
        %gather3A_1007 = tpu.vector_load_idx %arg8[%broadcast_in_dim3A, %add3A_915, %add3A_1006] : memref<2x512x32xf32, #tpu.memory_space<vmem>>[vector<16xi32>, vector<16xi32>, vector<16xi32>], vector<16xf32>,
        %add3A_1008 = arith.addi %add3A_932, %add3A_566 : vector<16xi32>
        %mul3A_1009 = arith.mulf %gather3A_1007, %get3A_911 : vector<16xf32>
        tpu.vector_store_idx %arg9[%add3A_1008], %mul3A_1009 : memref<32768xf32, #tpu.memory_space<vmem>>[vector<16xi32>], vector<16xf32>,
        %add3A_1010 = arith.constant 0 : i32
        %add3A_1011 = vector.broadcast %add3A_1010 : i32 to vector<16xi32>
        %add3A_1012 = arith.addi %select_n3A_348, %add3A_1011 : vector<16xi32>
        %gather3A_1013 = tpu.vector_load_idx %arg8[%broadcast_in_dim3A, %add3A_915, %add3A_1012] : memref<2x512x32xf32, #tpu.memory_space<vmem>>[vector<16xi32>, vector<16xi32>, vector<16xi32>], vector<16xf32>,
        %add3A_1014 = arith.addi %add3A_932, %add3A_579 : vector<16xi32>
        %mul3A_1015 = arith.mulf %gather3A_1013, %get3A_911 : vector<16xf32>
        tpu.vector_store_idx %arg9[%add3A_1014], %mul3A_1015 : memref<32768xf32, #tpu.memory_space<vmem>>[vector<16xi32>], vector<16xf32>,
        %add3A_1016 = arith.constant 0 : i32
        %add3A_1017 = vector.broadcast %add3A_1016 : i32 to vector<16xi32>
        %add3A_1018 = arith.addi %select_n3A_373, %add3A_1017 : vector<16xi32>
        %gather3A_1019 = tpu.vector_load_idx %arg8[%broadcast_in_dim3A, %add3A_915, %add3A_1018] : memref<2x512x32xf32, #tpu.memory_space<vmem>>[vector<16xi32>, vector<16xi32>, vector<16xi32>], vector<16xf32>,
        %add3A_1020 = arith.addi %add3A_932, %add3A_592 : vector<16xi32>
        %mul3A_1021 = arith.mulf %gather3A_1019, %get3A_911 : vector<16xf32>
        tpu.vector_store_idx %arg9[%add3A_1020], %mul3A_1021 : memref<32768xf32, #tpu.memory_space<vmem>>[vector<16xi32>], vector<16xf32>,
        %add3A_1022 = arith.constant 0 : i32
        %add3A_1023 = vector.broadcast %add3A_1022 : i32 to vector<16xi32>
        %add3A_1024 = arith.addi %select_n3A_398, %add3A_1023 : vector<16xi32>
        %gather3A_1025 = tpu.vector_load_idx %arg8[%broadcast_in_dim3A, %add3A_915, %add3A_1024] : memref<2x512x32xf32, #tpu.memory_space<vmem>>[vector<16xi32>, vector<16xi32>, vector<16xi32>], vector<16xf32>,
        %add3A_1026 = arith.addi %add3A_932, %add3A_605 : vector<16xi32>
        %mul3A_1027 = arith.mulf %gather3A_1025, %get3A_911 : vector<16xf32>
        tpu.vector_store_idx %arg9[%add3A_1026], %mul3A_1027 : memref<32768xf32, #tpu.memory_space<vmem>>[vector<16xi32>], vector<16xf32>,
        %add3A_1028 = arith.constant 8192 : i32
        %add3A_1029 = vector.broadcast %add3A_1028 : i32 to vector<16xi32>
        %add3A_1030 = arith.addi %add3A_929, %add3A_1029 : vector<16xi32>
        %add3A_1031 = arith.constant 16 : i32
        %add3A_1032 = vector.broadcast %add3A_1031 : i32 to vector<16xi32>
        %add3A_1033 = arith.addi %select_n3A_23, %add3A_1032 : vector<16xi32>
        %gather3A_1034 = tpu.vector_load_idx %arg8[%broadcast_in_dim3A, %add3A_915, %add3A_1033] : memref<2x512x32xf32, #tpu.memory_space<vmem>>[vector<16xi32>, vector<16xi32>, vector<16xi32>], vector<16xf32>,
        %add3A_1035 = arith.addi %add3A_1030, %add3A_410 : vector<16xi32>
        %mul3A_1036 = arith.mulf %gather3A_1034, %get3A_911 : vector<16xf32>
        tpu.vector_store_idx %arg9[%add3A_1035], %mul3A_1036 : memref<32768xf32, #tpu.memory_space<vmem>>[vector<16xi32>], vector<16xf32>,
        %add3A_1037 = arith.constant 16 : i32
        %add3A_1038 = vector.broadcast %add3A_1037 : i32 to vector<16xi32>
        %add3A_1039 = arith.addi %select_n3A_48, %add3A_1038 : vector<16xi32>
        %gather3A_1040 = tpu.vector_load_idx %arg8[%broadcast_in_dim3A, %add3A_915, %add3A_1039] : memref<2x512x32xf32, #tpu.memory_space<vmem>>[vector<16xi32>, vector<16xi32>, vector<16xi32>], vector<16xf32>,
        %add3A_1041 = arith.addi %add3A_1030, %add3A_423 : vector<16xi32>
        %mul3A_1042 = arith.mulf %gather3A_1040, %get3A_911 : vector<16xf32>
        tpu.vector_store_idx %arg9[%add3A_1041], %mul3A_1042 : memref<32768xf32, #tpu.memory_space<vmem>>[vector<16xi32>], vector<16xf32>,
        %add3A_1043 = arith.constant 16 : i32
        %add3A_1044 = vector.broadcast %add3A_1043 : i32 to vector<16xi32>
        %add3A_1045 = arith.addi %select_n3A_73, %add3A_1044 : vector<16xi32>
        %gather3A_1046 = tpu.vector_load_idx %arg8[%broadcast_in_dim3A, %add3A_915, %add3A_1045] : memref<2x512x32xf32, #tpu.memory_space<vmem>>[vector<16xi32>, vector<16xi32>, vector<16xi32>], vector<16xf32>,
        %add3A_1047 = arith.addi %add3A_1030, %add3A_436 : vector<16xi32>
        %mul3A_1048 = arith.mulf %gather3A_1046, %get3A_911 : vector<16xf32>
        tpu.vector_store_idx %arg9[%add3A_1047], %mul3A_1048 : memref<32768xf32, #tpu.memory_space<vmem>>[vector<16xi32>], vector<16xf32>,
        %add3A_1049 = arith.constant 16 : i32
        %add3A_1050 = vector.broadcast %add3A_1049 : i32 to vector<16xi32>
        %add3A_1051 = arith.addi %select_n3A_98, %add3A_1050 : vector<16xi32>
        %gather3A_1052 = tpu.vector_load_idx %arg8[%broadcast_in_dim3A, %add3A_915, %add3A_1051] : memref<2x512x32xf32, #tpu.memory_space<vmem>>[vector<16xi32>, vector<16xi32>, vector<16xi32>], vector<16xf32>,
        %add3A_1053 = arith.addi %add3A_1030, %add3A_449 : vector<16xi32>
        %mul3A_1054 = arith.mulf %gather3A_1052, %get3A_911 : vector<16xf32>
        tpu.vector_store_idx %arg9[%add3A_1053], %mul3A_1054 : memref<32768xf32, #tpu.memory_space<vmem>>[vector<16xi32>], vector<16xf32>,
        %add3A_1055 = arith.constant 16 : i32
        %add3A_1056 = vector.broadcast %add3A_1055 : i32 to vector<16xi32>
        %add3A_1057 = arith.addi %select_n3A_123, %add3A_1056 : vector<16xi32>
        %gather3A_1058 = tpu.vector_load_idx %arg8[%broadcast_in_dim3A, %add3A_915, %add3A_1057] : memref<2x512x32xf32, #tpu.memory_space<vmem>>[vector<16xi32>, vector<16xi32>, vector<16xi32>], vector<16xf32>,
        %add3A_1059 = arith.addi %add3A_1030, %add3A_462 : vector<16xi32>
        %mul3A_1060 = arith.mulf %gather3A_1058, %get3A_911 : vector<16xf32>
        tpu.vector_store_idx %arg9[%add3A_1059], %mul3A_1060 : memref<32768xf32, #tpu.memory_space<vmem>>[vector<16xi32>], vector<16xf32>,
        %add3A_1061 = arith.constant 16 : i32
        %add3A_1062 = vector.broadcast %add3A_1061 : i32 to vector<16xi32>
        %add3A_1063 = arith.addi %select_n3A_148, %add3A_1062 : vector<16xi32>
        %gather3A_1064 = tpu.vector_load_idx %arg8[%broadcast_in_dim3A, %add3A_915, %add3A_1063] : memref<2x512x32xf32, #tpu.memory_space<vmem>>[vector<16xi32>, vector<16xi32>, vector<16xi32>], vector<16xf32>,
        %add3A_1065 = arith.addi %add3A_1030, %add3A_475 : vector<16xi32>
        %mul3A_1066 = arith.mulf %gather3A_1064, %get3A_911 : vector<16xf32>
        tpu.vector_store_idx %arg9[%add3A_1065], %mul3A_1066 : memref<32768xf32, #tpu.memory_space<vmem>>[vector<16xi32>], vector<16xf32>,
        %add3A_1067 = arith.constant 16 : i32
        %add3A_1068 = vector.broadcast %add3A_1067 : i32 to vector<16xi32>
        %add3A_1069 = arith.addi %select_n3A_173, %add3A_1068 : vector<16xi32>
        %gather3A_1070 = tpu.vector_load_idx %arg8[%broadcast_in_dim3A, %add3A_915, %add3A_1069] : memref<2x512x32xf32, #tpu.memory_space<vmem>>[vector<16xi32>, vector<16xi32>, vector<16xi32>], vector<16xf32>,
        %add3A_1071 = arith.addi %add3A_1030, %add3A_488 : vector<16xi32>
        %mul3A_1072 = arith.mulf %gather3A_1070, %get3A_911 : vector<16xf32>
        tpu.vector_store_idx %arg9[%add3A_1071], %mul3A_1072 : memref<32768xf32, #tpu.memory_space<vmem>>[vector<16xi32>], vector<16xf32>,
        %add3A_1073 = arith.constant 16 : i32
        %add3A_1074 = vector.broadcast %add3A_1073 : i32 to vector<16xi32>
        %add3A_1075 = arith.addi %select_n3A_198, %add3A_1074 : vector<16xi32>
        %gather3A_1076 = tpu.vector_load_idx %arg8[%broadcast_in_dim3A, %add3A_915, %add3A_1075] : memref<2x512x32xf32, #tpu.memory_space<vmem>>[vector<16xi32>, vector<16xi32>, vector<16xi32>], vector<16xf32>,
        %add3A_1077 = arith.addi %add3A_1030, %add3A_501 : vector<16xi32>
        %mul3A_1078 = arith.mulf %gather3A_1076, %get3A_911 : vector<16xf32>
        tpu.vector_store_idx %arg9[%add3A_1077], %mul3A_1078 : memref<32768xf32, #tpu.memory_space<vmem>>[vector<16xi32>], vector<16xf32>,
        %add3A_1079 = arith.constant 16 : i32
        %add3A_1080 = vector.broadcast %add3A_1079 : i32 to vector<16xi32>
        %add3A_1081 = arith.addi %select_n3A_223, %add3A_1080 : vector<16xi32>
        %gather3A_1082 = tpu.vector_load_idx %arg8[%broadcast_in_dim3A, %add3A_915, %add3A_1081] : memref<2x512x32xf32, #tpu.memory_space<vmem>>[vector<16xi32>, vector<16xi32>, vector<16xi32>], vector<16xf32>,
        %add3A_1083 = arith.addi %add3A_1030, %add3A_514 : vector<16xi32>
        %mul3A_1084 = arith.mulf %gather3A_1082, %get3A_911 : vector<16xf32>
        tpu.vector_store_idx %arg9[%add3A_1083], %mul3A_1084 : memref<32768xf32, #tpu.memory_space<vmem>>[vector<16xi32>], vector<16xf32>,
        %add3A_1085 = arith.constant 16 : i32
        %add3A_1086 = vector.broadcast %add3A_1085 : i32 to vector<16xi32>
        %add3A_1087 = arith.addi %select_n3A_248, %add3A_1086 : vector<16xi32>
        %gather3A_1088 = tpu.vector_load_idx %arg8[%broadcast_in_dim3A, %add3A_915, %add3A_1087] : memref<2x512x32xf32, #tpu.memory_space<vmem>>[vector<16xi32>, vector<16xi32>, vector<16xi32>], vector<16xf32>,
        %add3A_1089 = arith.addi %add3A_1030, %add3A_527 : vector<16xi32>
        %mul3A_1090 = arith.mulf %gather3A_1088, %get3A_911 : vector<16xf32>
        tpu.vector_store_idx %arg9[%add3A_1089], %mul3A_1090 : memref<32768xf32, #tpu.memory_space<vmem>>[vector<16xi32>], vector<16xf32>,
        %add3A_1091 = arith.constant 16 : i32
        %add3A_1092 = vector.broadcast %add3A_1091 : i32 to vector<16xi32>
        %add3A_1093 = arith.addi %select_n3A_273, %add3A_1092 : vector<16xi32>
        %gather3A_1094 = tpu.vector_load_idx %arg8[%broadcast_in_dim3A, %add3A_915, %add3A_1093] : memref<2x512x32xf32, #tpu.memory_space<vmem>>[vector<16xi32>, vector<16xi32>, vector<16xi32>], vector<16xf32>,
        %add3A_1095 = arith.addi %add3A_1030, %add3A_540 : vector<16xi32>
        %mul3A_1096 = arith.mulf %gather3A_1094, %get3A_911 : vector<16xf32>
        tpu.vector_store_idx %arg9[%add3A_1095], %mul3A_1096 : memref<32768xf32, #tpu.memory_space<vmem>>[vector<16xi32>], vector<16xf32>,
        %add3A_1097 = arith.constant 16 : i32
        %add3A_1098 = vector.broadcast %add3A_1097 : i32 to vector<16xi32>
        %add3A_1099 = arith.addi %select_n3A_298, %add3A_1098 : vector<16xi32>
        %gather3A_1100 = tpu.vector_load_idx %arg8[%broadcast_in_dim3A, %add3A_915, %add3A_1099] : memref<2x512x32xf32, #tpu.memory_space<vmem>>[vector<16xi32>, vector<16xi32>, vector<16xi32>], vector<16xf32>,
        %add3A_1101 = arith.addi %add3A_1030, %add3A_553 : vector<16xi32>
        %mul3A_1102 = arith.mulf %gather3A_1100, %get3A_911 : vector<16xf32>
        tpu.vector_store_idx %arg9[%add3A_1101], %mul3A_1102 : memref<32768xf32, #tpu.memory_space<vmem>>[vector<16xi32>], vector<16xf32>,
        %add3A_1103 = arith.constant 16 : i32
        %add3A_1104 = vector.broadcast %add3A_1103 : i32 to vector<16xi32>
        %add3A_1105 = arith.addi %select_n3A_323, %add3A_1104 : vector<16xi32>
        %gather3A_1106 = tpu.vector_load_idx %arg8[%broadcast_in_dim3A, %add3A_915, %add3A_1105] : memref<2x512x32xf32, #tpu.memory_space<vmem>>[vector<16xi32>, vector<16xi32>, vector<16xi32>], vector<16xf32>,
        %add3A_1107 = arith.addi %add3A_1030, %add3A_566 : vector<16xi32>
        %mul3A_1108 = arith.mulf %gather3A_1106, %get3A_911 : vector<16xf32>
        tpu.vector_store_idx %arg9[%add3A_1107], %mul3A_1108 : memref<32768xf32, #tpu.memory_space<vmem>>[vector<16xi32>], vector<16xf32>,
        %add3A_1109 = arith.constant 16 : i32
        %add3A_1110 = vector.broadcast %add3A_1109 : i32 to vector<16xi32>
        %add3A_1111 = arith.addi %select_n3A_348, %add3A_1110 : vector<16xi32>
        %gather3A_1112 = tpu.vector_load_idx %arg8[%broadcast_in_dim3A, %add3A_915, %add3A_1111] : memref<2x512x32xf32, #tpu.memory_space<vmem>>[vector<16xi32>, vector<16xi32>, vector<16xi32>], vector<16xf32>,
        %add3A_1113 = arith.addi %add3A_1030, %add3A_579 : vector<16xi32>
        %mul3A_1114 = arith.mulf %gather3A_1112, %get3A_911 : vector<16xf32>
        tpu.vector_store_idx %arg9[%add3A_1113], %mul3A_1114 : memref<32768xf32, #tpu.memory_space<vmem>>[vector<16xi32>], vector<16xf32>,
        %add3A_1115 = arith.constant 16 : i32
        %add3A_1116 = vector.broadcast %add3A_1115 : i32 to vector<16xi32>
        %add3A_1117 = arith.addi %select_n3A_373, %add3A_1116 : vector<16xi32>
        %gather3A_1118 = tpu.vector_load_idx %arg8[%broadcast_in_dim3A, %add3A_915, %add3A_1117] : memref<2x512x32xf32, #tpu.memory_space<vmem>>[vector<16xi32>, vector<16xi32>, vector<16xi32>], vector<16xf32>,
        %add3A_1119 = arith.addi %add3A_1030, %add3A_592 : vector<16xi32>
        %mul3A_1120 = arith.mulf %gather3A_1118, %get3A_911 : vector<16xf32>
        tpu.vector_store_idx %arg9[%add3A_1119], %mul3A_1120 : memref<32768xf32, #tpu.memory_space<vmem>>[vector<16xi32>], vector<16xf32>,
        %add3A_1121 = arith.constant 16 : i32
        %add3A_1122 = vector.broadcast %add3A_1121 : i32 to vector<16xi32>
        %add3A_1123 = arith.addi %select_n3A_398, %add3A_1122 : vector<16xi32>
        %gather3A_1124 = tpu.vector_load_idx %arg8[%broadcast_in_dim3A, %add3A_915, %add3A_1123] : memref<2x512x32xf32, #tpu.memory_space<vmem>>[vector<16xi32>, vector<16xi32>, vector<16xi32>], vector<16xf32>,
        %add3A_1125 = arith.addi %add3A_1030, %add3A_605 : vector<16xi32>
        %mul3A_1126 = arith.mulf %gather3A_1124, %get3A_911 : vector<16xf32>
        tpu.vector_store_idx %arg9[%add3A_1125], %mul3A_1126 : memref<32768xf32, #tpu.memory_space<vmem>>[vector<16xi32>], vector<16xf32>,
      }
      %scan3A_838 = arith.constant 32 : i32
      %mul3A_839 = arith.constant 524288 : i32
      %mul3A_840 = arith.muli %scan3A_773, %mul3A_839 : i32
      %add3A_841 = arith.constant 0 : i32
      %add3A_842 = arith.addi %mul3A_840, %add3A_841 : i32
      %mul3A_843 = arith.constant 4096 : i32
      %mul3A_844 = arith.muli %add3A, %mul3A_843 : i32
      %add3A_845 = arith.addi %add3A_842, %mul3A_844 : i32
      %mul3A_846 = arith.constant 16384 : i32
      %mul3A_847 = arith.muli %rem3A_775, %mul3A_846 : i32
      %add3A_848 = arith.constant 0 : i32
      %add3A_849 = arith.addi %mul3A_847, %add3A_848 : i32
      %mul3A_850 = arith.constant 524288 : i32
      %mul3A_851 = arith.muli %scan3A_773, %mul3A_850 : i32
      %add3A_852 = arith.constant 131072 : i32
      %add3A_853 = arith.addi %mul3A_851, %add3A_852 : i32
      %mul3A_854 = arith.constant 4096 : i32
      %mul3A_855 = arith.muli %add3A, %mul3A_854 : i32
      %add3A_856 = arith.addi %add3A_853, %mul3A_855 : i32
      %mul3A_857 = arith.constant 16384 : i32
      %mul3A_858 = arith.muli %rem3A_775, %mul3A_857 : i32
      %add3A_859 = arith.constant 4096 : i32
      %add3A_860 = arith.addi %mul3A_858, %add3A_859 : i32
      %mul3A_861 = arith.constant 524288 : i32
      %mul3A_862 = arith.muli %scan3A_773, %mul3A_861 : i32
      %add3A_863 = arith.constant 262144 : i32
      %add3A_864 = arith.addi %mul3A_862, %add3A_863 : i32
      %mul3A_865 = arith.constant 4096 : i32
      %mul3A_866 = arith.muli %add3A, %mul3A_865 : i32
      %add3A_867 = arith.addi %add3A_864, %mul3A_866 : i32
      %mul3A_868 = arith.constant 16384 : i32
      %mul3A_869 = arith.muli %rem3A_775, %mul3A_868 : i32
      %add3A_870 = arith.constant 8192 : i32
      %add3A_871 = arith.addi %mul3A_869, %add3A_870 : i32
      %mul3A_872 = arith.constant 524288 : i32
      %mul3A_873 = arith.muli %scan3A_773, %mul3A_872 : i32
      %add3A_874 = arith.constant 393216 : i32
      %add3A_875 = arith.addi %mul3A_873, %add3A_874 : i32
      %mul3A_876 = arith.constant 4096 : i32
      %mul3A_877 = arith.muli %add3A, %mul3A_876 : i32
      %add3A_878 = arith.addi %add3A_875, %mul3A_877 : i32
      %mul3A_879 = arith.constant 16384 : i32
      %mul3A_880 = arith.muli %rem3A_775, %mul3A_879 : i32
      %add3A_881 = arith.constant 12288 : i32
      %add3A_882 = arith.addi %mul3A_880, %add3A_881 : i32
      %dma_start3A_883 = tpu.memref_slice %arg9[%add3A_849] : memref<32768xf32, #tpu.memory_space<vmem>> -> memref<4096xf32, #tpu.memory_space<vmem>>
      %dma_start3A_884 = tpu.memref_slice %arg5[%add3A_845] : memref<13631488xf32, #tpu.memory_space<hbm>> -> memref<4096xf32, #tpu.memory_space<hbm>>
      %dma_start3A_885 = tpu.memref_slice %arg11[%rem3A_775] : memref<2x!tpu.dma_semaphore, #tpu.memory_space<semaphore_mem>> -> memref<1x!tpu.dma_semaphore, #tpu.memory_space<semaphore_mem>>
      %dma_start3A_886 = tpu.memref_squeeze %dma_start3A_885 : memref<1x!tpu.dma_semaphore, #tpu.memory_space<semaphore_mem>> -> memref<!tpu.dma_semaphore, #tpu.memory_space<semaphore_mem>>
      %dma_start3A_887 = tpu.memref_slice %arg5[%add3A_845] : memref<13631488xf32, #tpu.memory_space<hbm>> -> memref<4096xf32, #tpu.memory_space<hbm>>
      %dma_start3A_888 = tpu.memref_slice %arg9[%add3A_849] : memref<32768xf32, #tpu.memory_space<vmem>> -> memref<4096xf32, #tpu.memory_space<vmem>>
      tpu.enqueue_dma source(%dma_start3A_888 : memref<4096xf32, #tpu.memory_space<vmem>>) target(%dma_start3A_887 : memref<4096xf32, #tpu.memory_space<hbm>>) target_semaphore(%dma_start3A_886 : memref<!tpu.dma_semaphore, #tpu.memory_space<semaphore_mem>>)
      %dma_start3A_889 = tpu.memref_slice %arg9[%add3A_860] : memref<32768xf32, #tpu.memory_space<vmem>> -> memref<4096xf32, #tpu.memory_space<vmem>>
      %dma_start3A_890 = tpu.memref_slice %arg5[%add3A_856] : memref<13631488xf32, #tpu.memory_space<hbm>> -> memref<4096xf32, #tpu.memory_space<hbm>>
      %dma_start3A_891 = tpu.memref_slice %arg11[%rem3A_775] : memref<2x!tpu.dma_semaphore, #tpu.memory_space<semaphore_mem>> -> memref<1x!tpu.dma_semaphore, #tpu.memory_space<semaphore_mem>>
      %dma_start3A_892 = tpu.memref_squeeze %dma_start3A_891 : memref<1x!tpu.dma_semaphore, #tpu.memory_space<semaphore_mem>> -> memref<!tpu.dma_semaphore, #tpu.memory_space<semaphore_mem>>
      %dma_start3A_893 = tpu.memref_slice %arg5[%add3A_856] : memref<13631488xf32, #tpu.memory_space<hbm>> -> memref<4096xf32, #tpu.memory_space<hbm>>
      %dma_start3A_894 = tpu.memref_slice %arg9[%add3A_860] : memref<32768xf32, #tpu.memory_space<vmem>> -> memref<4096xf32, #tpu.memory_space<vmem>>
      tpu.enqueue_dma source(%dma_start3A_894 : memref<4096xf32, #tpu.memory_space<vmem>>) target(%dma_start3A_893 : memref<4096xf32, #tpu.memory_space<hbm>>) target_semaphore(%dma_start3A_892 : memref<!tpu.dma_semaphore, #tpu.memory_space<semaphore_mem>>)
      %dma_start3A_895 = tpu.memref_slice %arg9[%add3A_871] : memref<32768xf32, #tpu.memory_space<vmem>> -> memref<4096xf32, #tpu.memory_space<vmem>>
      %dma_start3A_896 = tpu.memref_slice %arg5[%add3A_867] : memref<13631488xf32, #tpu.memory_space<hbm>> -> memref<4096xf32, #tpu.memory_space<hbm>>
      %dma_start3A_897 = tpu.memref_slice %arg11[%rem3A_775] : memref<2x!tpu.dma_semaphore, #tpu.memory_space<semaphore_mem>> -> memref<1x!tpu.dma_semaphore, #tpu.memory_space<semaphore_mem>>
      %dma_start3A_898 = tpu.memref_squeeze %dma_start3A_897 : memref<1x!tpu.dma_semaphore, #tpu.memory_space<semaphore_mem>> -> memref<!tpu.dma_semaphore, #tpu.memory_space<semaphore_mem>>
      %dma_start3A_899 = tpu.memref_slice %arg5[%add3A_867] : memref<13631488xf32, #tpu.memory_space<hbm>> -> memref<4096xf32, #tpu.memory_space<hbm>>
      %dma_start3A_900 = tpu.memref_slice %arg9[%add3A_871] : memref<32768xf32, #tpu.memory_space<vmem>> -> memref<4096xf32, #tpu.memory_space<vmem>>
      tpu.enqueue_dma source(%dma_start3A_900 : memref<4096xf32, #tpu.memory_space<vmem>>) target(%dma_start3A_899 : memref<4096xf32, #tpu.memory_space<hbm>>) target_semaphore(%dma_start3A_898 : memref<!tpu.dma_semaphore, #tpu.memory_space<semaphore_mem>>)
      %dma_start3A_901 = tpu.memref_slice %arg9[%add3A_882] : memref<32768xf32, #tpu.memory_space<vmem>> -> memref<4096xf32, #tpu.memory_space<vmem>>
      %dma_start3A_902 = tpu.memref_slice %arg5[%add3A_878] : memref<13631488xf32, #tpu.memory_space<hbm>> -> memref<4096xf32, #tpu.memory_space<hbm>>
      %dma_start3A_903 = tpu.memref_slice %arg11[%rem3A_775] : memref<2x!tpu.dma_semaphore, #tpu.memory_space<semaphore_mem>> -> memref<1x!tpu.dma_semaphore, #tpu.memory_space<semaphore_mem>>
      %dma_start3A_904 = tpu.memref_squeeze %dma_start3A_903 : memref<1x!tpu.dma_semaphore, #tpu.memory_space<semaphore_mem>> -> memref<!tpu.dma_semaphore, #tpu.memory_space<semaphore_mem>>
      %dma_start3A_905 = tpu.memref_slice %arg5[%add3A_878] : memref<13631488xf32, #tpu.memory_space<hbm>> -> memref<4096xf32, #tpu.memory_space<hbm>>
      %dma_start3A_906 = tpu.memref_slice %arg9[%add3A_882] : memref<32768xf32, #tpu.memory_space<vmem>> -> memref<4096xf32, #tpu.memory_space<vmem>>
      tpu.enqueue_dma source(%dma_start3A_906 : memref<4096xf32, #tpu.memory_space<vmem>>) target(%dma_start3A_905 : memref<4096xf32, #tpu.memory_space<hbm>>) target_semaphore(%dma_start3A_904 : memref<!tpu.dma_semaphore, #tpu.memory_space<semaphore_mem>>)
    }
    %scan3A_669 = arith.constant 26 : i32
    %mul3A_670 = arith.constant 4096 : i32
    %mul3A_671 = arith.muli %add3A, %mul3A_670 : i32
    %add3A_672 = arith.constant 12582912 : i32
    %add3A_673 = arith.addi %add3A_672, %mul3A_671 : i32
    %mul3A_674 = arith.constant 4096 : i32
    %mul3A_675 = arith.muli %add3A, %mul3A_674 : i32
    %add3A_676 = arith.constant 12713984 : i32
    %add3A_677 = arith.addi %add3A_676, %mul3A_675 : i32
    %mul3A_678 = arith.constant 4096 : i32
    %mul3A_679 = arith.muli %add3A, %mul3A_678 : i32
    %add3A_680 = arith.constant 12845056 : i32
    %add3A_681 = arith.addi %add3A_680, %mul3A_679 : i32
    %mul3A_682 = arith.constant 4096 : i32
    %mul3A_683 = arith.muli %add3A, %mul3A_682 : i32
    %add3A_684 = arith.constant 12976128 : i32
    %add3A_685 = arith.addi %add3A_684, %mul3A_683 : i32
    %dma_wait3A = arith.constant 0 : i32
    %dma_wait3A_686 = arith.constant 0 : i32
    %dma_wait3A_687 = tpu.memref_slice %arg9[%dma_wait3A_686] : memref<32768xf32, #tpu.memory_space<vmem>> -> memref<4096xf32, #tpu.memory_space<vmem>>
    %dma_wait3A_688 = tpu.memref_slice %arg5[%add3A_673] : memref<13631488xf32, #tpu.memory_space<hbm>> -> memref<4096xf32, #tpu.memory_space<hbm>>
    %dma_wait3A_689 = tpu.memref_slice %arg11[%dma_wait3A] : memref<2x!tpu.dma_semaphore, #tpu.memory_space<semaphore_mem>> -> memref<1x!tpu.dma_semaphore, #tpu.memory_space<semaphore_mem>>
    %dma_wait3A_690 = tpu.memref_squeeze %dma_wait3A_689 : memref<1x!tpu.dma_semaphore, #tpu.memory_space<semaphore_mem>> -> memref<!tpu.dma_semaphore, #tpu.memory_space<semaphore_mem>>
    %dma_wait3A_691 = tpu.memref_slice %arg5[%add3A_673] : memref<13631488xf32, #tpu.memory_space<hbm>> -> memref<4096xf32, #tpu.memory_space<hbm>>
    %dma_wait3A_692 = arith.constant 0 : i32
    %dma_wait3A_693 = tpu.memref_slice %arg9[%dma_wait3A_692] : memref<32768xf32, #tpu.memory_space<vmem>> -> memref<4096xf32, #tpu.memory_space<vmem>>
    tpu.wait_dma2 semaphore(%dma_wait3A_690 : memref<!tpu.dma_semaphore, #tpu.memory_space<semaphore_mem>>) src(%dma_wait3A_693 : memref<4096xf32, #tpu.memory_space<vmem>>) dst(%dma_wait3A_691 : memref<4096xf32, #tpu.memory_space<hbm>>)
    %dma_wait3A_694 = arith.constant 0 : i32
    %dma_wait3A_695 = arith.constant 4096 : i32
    %dma_wait3A_696 = tpu.memref_slice %arg9[%dma_wait3A_695] : memref<32768xf32, #tpu.memory_space<vmem>> -> memref<4096xf32, #tpu.memory_space<vmem>>
    %dma_wait3A_697 = tpu.memref_slice %arg5[%add3A_677] : memref<13631488xf32, #tpu.memory_space<hbm>> -> memref<4096xf32, #tpu.memory_space<hbm>>
    %dma_wait3A_698 = tpu.memref_slice %arg11[%dma_wait3A_694] : memref<2x!tpu.dma_semaphore, #tpu.memory_space<semaphore_mem>> -> memref<1x!tpu.dma_semaphore, #tpu.memory_space<semaphore_mem>>
    %dma_wait3A_699 = tpu.memref_squeeze %dma_wait3A_698 : memref<1x!tpu.dma_semaphore, #tpu.memory_space<semaphore_mem>> -> memref<!tpu.dma_semaphore, #tpu.memory_space<semaphore_mem>>
    %dma_wait3A_700 = tpu.memref_slice %arg5[%add3A_677] : memref<13631488xf32, #tpu.memory_space<hbm>> -> memref<4096xf32, #tpu.memory_space<hbm>>
    %dma_wait3A_701 = arith.constant 4096 : i32
    %dma_wait3A_702 = tpu.memref_slice %arg9[%dma_wait3A_701] : memref<32768xf32, #tpu.memory_space<vmem>> -> memref<4096xf32, #tpu.memory_space<vmem>>
    tpu.wait_dma2 semaphore(%dma_wait3A_699 : memref<!tpu.dma_semaphore, #tpu.memory_space<semaphore_mem>>) src(%dma_wait3A_702 : memref<4096xf32, #tpu.memory_space<vmem>>) dst(%dma_wait3A_700 : memref<4096xf32, #tpu.memory_space<hbm>>)
    %dma_wait3A_703 = arith.constant 0 : i32
    %dma_wait3A_704 = arith.constant 8192 : i32
    %dma_wait3A_705 = tpu.memref_slice %arg9[%dma_wait3A_704] : memref<32768xf32, #tpu.memory_space<vmem>> -> memref<4096xf32, #tpu.memory_space<vmem>>
    %dma_wait3A_706 = tpu.memref_slice %arg5[%add3A_681] : memref<13631488xf32, #tpu.memory_space<hbm>> -> memref<4096xf32, #tpu.memory_space<hbm>>
    %dma_wait3A_707 = tpu.memref_slice %arg11[%dma_wait3A_703] : memref<2x!tpu.dma_semaphore, #tpu.memory_space<semaphore_mem>> -> memref<1x!tpu.dma_semaphore, #tpu.memory_space<semaphore_mem>>
    %dma_wait3A_708 = tpu.memref_squeeze %dma_wait3A_707 : memref<1x!tpu.dma_semaphore, #tpu.memory_space<semaphore_mem>> -> memref<!tpu.dma_semaphore, #tpu.memory_space<semaphore_mem>>
    %dma_wait3A_709 = tpu.memref_slice %arg5[%add3A_681] : memref<13631488xf32, #tpu.memory_space<hbm>> -> memref<4096xf32, #tpu.memory_space<hbm>>
    %dma_wait3A_710 = arith.constant 8192 : i32
    %dma_wait3A_711 = tpu.memref_slice %arg9[%dma_wait3A_710] : memref<32768xf32, #tpu.memory_space<vmem>> -> memref<4096xf32, #tpu.memory_space<vmem>>
    tpu.wait_dma2 semaphore(%dma_wait3A_708 : memref<!tpu.dma_semaphore, #tpu.memory_space<semaphore_mem>>) src(%dma_wait3A_711 : memref<4096xf32, #tpu.memory_space<vmem>>) dst(%dma_wait3A_709 : memref<4096xf32, #tpu.memory_space<hbm>>)
    %dma_wait3A_712 = arith.constant 0 : i32
    %dma_wait3A_713 = arith.constant 12288 : i32
    %dma_wait3A_714 = tpu.memref_slice %arg9[%dma_wait3A_713] : memref<32768xf32, #tpu.memory_space<vmem>> -> memref<4096xf32, #tpu.memory_space<vmem>>
    %dma_wait3A_715 = tpu.memref_slice %arg5[%add3A_685] : memref<13631488xf32, #tpu.memory_space<hbm>> -> memref<4096xf32, #tpu.memory_space<hbm>>
    %dma_wait3A_716 = tpu.memref_slice %arg11[%dma_wait3A_712] : memref<2x!tpu.dma_semaphore, #tpu.memory_space<semaphore_mem>> -> memref<1x!tpu.dma_semaphore, #tpu.memory_space<semaphore_mem>>
    %dma_wait3A_717 = tpu.memref_squeeze %dma_wait3A_716 : memref<1x!tpu.dma_semaphore, #tpu.memory_space<semaphore_mem>> -> memref<!tpu.dma_semaphore, #tpu.memory_space<semaphore_mem>>
    %dma_wait3A_718 = tpu.memref_slice %arg5[%add3A_685] : memref<13631488xf32, #tpu.memory_space<hbm>> -> memref<4096xf32, #tpu.memory_space<hbm>>
    %dma_wait3A_719 = arith.constant 12288 : i32
    %dma_wait3A_720 = tpu.memref_slice %arg9[%dma_wait3A_719] : memref<32768xf32, #tpu.memory_space<vmem>> -> memref<4096xf32, #tpu.memory_space<vmem>>
    tpu.wait_dma2 semaphore(%dma_wait3A_717 : memref<!tpu.dma_semaphore, #tpu.memory_space<semaphore_mem>>) src(%dma_wait3A_720 : memref<4096xf32, #tpu.memory_space<vmem>>) dst(%dma_wait3A_718 : memref<4096xf32, #tpu.memory_space<hbm>>)
    %mul3A_721 = arith.constant 4096 : i32
    %mul3A_722 = arith.muli %add3A, %mul3A_721 : i32
    %add3A_723 = arith.constant 13107200 : i32
    %add3A_724 = arith.addi %add3A_723, %mul3A_722 : i32
    %mul3A_725 = arith.constant 4096 : i32
    %mul3A_726 = arith.muli %add3A, %mul3A_725 : i32
    %add3A_727 = arith.constant 13238272 : i32
    %add3A_728 = arith.addi %add3A_727, %mul3A_726 : i32
    %mul3A_729 = arith.constant 4096 : i32
    %mul3A_730 = arith.muli %add3A, %mul3A_729 : i32
    %add3A_731 = arith.constant 13369344 : i32
    %add3A_732 = arith.addi %add3A_731, %mul3A_730 : i32
    %mul3A_733 = arith.constant 4096 : i32
    %mul3A_734 = arith.muli %add3A, %mul3A_733 : i32
    %add3A_735 = arith.constant 13500416 : i32
    %add3A_736 = arith.addi %add3A_735, %mul3A_734 : i32
    %dma_wait3A_737 = arith.constant 1 : i32
    %dma_wait3A_738 = arith.constant 16384 : i32
    %dma_wait3A_739 = tpu.memref_slice %arg9[%dma_wait3A_738] : memref<32768xf32, #tpu.memory_space<vmem>> -> memref<4096xf32, #tpu.memory_space<vmem>>
    %dma_wait3A_740 = tpu.memref_slice %arg5[%add3A_724] : memref<13631488xf32, #tpu.memory_space<hbm>> -> memref<4096xf32, #tpu.memory_space<hbm>>
    %dma_wait3A_741 = tpu.memref_slice %arg11[%dma_wait3A_737] : memref<2x!tpu.dma_semaphore, #tpu.memory_space<semaphore_mem>> -> memref<1x!tpu.dma_semaphore, #tpu.memory_space<semaphore_mem>>
    %dma_wait3A_742 = tpu.memref_squeeze %dma_wait3A_741 : memref<1x!tpu.dma_semaphore, #tpu.memory_space<semaphore_mem>> -> memref<!tpu.dma_semaphore, #tpu.memory_space<semaphore_mem>>
    %dma_wait3A_743 = tpu.memref_slice %arg5[%add3A_724] : memref<13631488xf32, #tpu.memory_space<hbm>> -> memref<4096xf32, #tpu.memory_space<hbm>>
    %dma_wait3A_744 = arith.constant 16384 : i32
    %dma_wait3A_745 = tpu.memref_slice %arg9[%dma_wait3A_744] : memref<32768xf32, #tpu.memory_space<vmem>> -> memref<4096xf32, #tpu.memory_space<vmem>>
    tpu.wait_dma2 semaphore(%dma_wait3A_742 : memref<!tpu.dma_semaphore, #tpu.memory_space<semaphore_mem>>) src(%dma_wait3A_745 : memref<4096xf32, #tpu.memory_space<vmem>>) dst(%dma_wait3A_743 : memref<4096xf32, #tpu.memory_space<hbm>>)
    %dma_wait3A_746 = arith.constant 1 : i32
    %dma_wait3A_747 = arith.constant 20480 : i32
    %dma_wait3A_748 = tpu.memref_slice %arg9[%dma_wait3A_747] : memref<32768xf32, #tpu.memory_space<vmem>> -> memref<4096xf32, #tpu.memory_space<vmem>>
    %dma_wait3A_749 = tpu.memref_slice %arg5[%add3A_728] : memref<13631488xf32, #tpu.memory_space<hbm>> -> memref<4096xf32, #tpu.memory_space<hbm>>
    %dma_wait3A_750 = tpu.memref_slice %arg11[%dma_wait3A_746] : memref<2x!tpu.dma_semaphore, #tpu.memory_space<semaphore_mem>> -> memref<1x!tpu.dma_semaphore, #tpu.memory_space<semaphore_mem>>
    %dma_wait3A_751 = tpu.memref_squeeze %dma_wait3A_750 : memref<1x!tpu.dma_semaphore, #tpu.memory_space<semaphore_mem>> -> memref<!tpu.dma_semaphore, #tpu.memory_space<semaphore_mem>>
    %dma_wait3A_752 = tpu.memref_slice %arg5[%add3A_728] : memref<13631488xf32, #tpu.memory_space<hbm>> -> memref<4096xf32, #tpu.memory_space<hbm>>
    %dma_wait3A_753 = arith.constant 20480 : i32
    %dma_wait3A_754 = tpu.memref_slice %arg9[%dma_wait3A_753] : memref<32768xf32, #tpu.memory_space<vmem>> -> memref<4096xf32, #tpu.memory_space<vmem>>
    tpu.wait_dma2 semaphore(%dma_wait3A_751 : memref<!tpu.dma_semaphore, #tpu.memory_space<semaphore_mem>>) src(%dma_wait3A_754 : memref<4096xf32, #tpu.memory_space<vmem>>) dst(%dma_wait3A_752 : memref<4096xf32, #tpu.memory_space<hbm>>)
    %dma_wait3A_755 = arith.constant 1 : i32
    %dma_wait3A_756 = arith.constant 24576 : i32
    %dma_wait3A_757 = tpu.memref_slice %arg9[%dma_wait3A_756] : memref<32768xf32, #tpu.memory_space<vmem>> -> memref<4096xf32, #tpu.memory_space<vmem>>
    %dma_wait3A_758 = tpu.memref_slice %arg5[%add3A_732] : memref<13631488xf32, #tpu.memory_space<hbm>> -> memref<4096xf32, #tpu.memory_space<hbm>>
    %dma_wait3A_759 = tpu.memref_slice %arg11[%dma_wait3A_755] : memref<2x!tpu.dma_semaphore, #tpu.memory_space<semaphore_mem>> -> memref<1x!tpu.dma_semaphore, #tpu.memory_space<semaphore_mem>>
    %dma_wait3A_760 = tpu.memref_squeeze %dma_wait3A_759 : memref<1x!tpu.dma_semaphore, #tpu.memory_space<semaphore_mem>> -> memref<!tpu.dma_semaphore, #tpu.memory_space<semaphore_mem>>
    %dma_wait3A_761 = tpu.memref_slice %arg5[%add3A_732] : memref<13631488xf32, #tpu.memory_space<hbm>> -> memref<4096xf32, #tpu.memory_space<hbm>>
    %dma_wait3A_762 = arith.constant 24576 : i32
    %dma_wait3A_763 = tpu.memref_slice %arg9[%dma_wait3A_762] : memref<32768xf32, #tpu.memory_space<vmem>> -> memref<4096xf32, #tpu.memory_space<vmem>>
    tpu.wait_dma2 semaphore(%dma_wait3A_760 : memref<!tpu.dma_semaphore, #tpu.memory_space<semaphore_mem>>) src(%dma_wait3A_763 : memref<4096xf32, #tpu.memory_space<vmem>>) dst(%dma_wait3A_761 : memref<4096xf32, #tpu.memory_space<hbm>>)
    %dma_wait3A_764 = arith.constant 1 : i32
    %dma_wait3A_765 = arith.constant 28672 : i32
    %dma_wait3A_766 = tpu.memref_slice %arg9[%dma_wait3A_765] : memref<32768xf32, #tpu.memory_space<vmem>> -> memref<4096xf32, #tpu.memory_space<vmem>>
    %dma_wait3A_767 = tpu.memref_slice %arg5[%add3A_736] : memref<13631488xf32, #tpu.memory_space<hbm>> -> memref<4096xf32, #tpu.memory_space<hbm>>
    %dma_wait3A_768 = tpu.memref_slice %arg11[%dma_wait3A_764] : memref<2x!tpu.dma_semaphore, #tpu.memory_space<semaphore_mem>> -> memref<1x!tpu.dma_semaphore, #tpu.memory_space<semaphore_mem>>
    %dma_wait3A_769 = tpu.memref_squeeze %dma_wait3A_768 : memref<1x!tpu.dma_semaphore, #tpu.memory_space<semaphore_mem>> -> memref<!tpu.dma_semaphore, #tpu.memory_space<semaphore_mem>>
    %dma_wait3A_770 = tpu.memref_slice %arg5[%add3A_736] : memref<13631488xf32, #tpu.memory_space<hbm>> -> memref<4096xf32, #tpu.memory_space<hbm>>
    %dma_wait3A_771 = arith.constant 28672 : i32
    %dma_wait3A_772 = tpu.memref_slice %arg9[%dma_wait3A_771] : memref<32768xf32, #tpu.memory_space<vmem>> -> memref<4096xf32, #tpu.memory_space<vmem>>
    tpu.wait_dma2 semaphore(%dma_wait3A_769 : memref<!tpu.dma_semaphore, #tpu.memory_space<semaphore_mem>>) src(%dma_wait3A_772 : memref<4096xf32, #tpu.memory_space<vmem>>) dst(%dma_wait3A_770 : memref<4096xf32, #tpu.memory_space<hbm>>)
    return
  }
}

</mosaic_0001>

<sc_bundles>
// kernel: kernel.4.cloned.1.call-start
scs
__scs_entry_jumppad:
0x0: {  	(pc) =	sbr.rel $0x88, $3  }
0x1: {  	(tag) =	ssettag $0x0;
	lr =	simm.s32 $0x1  }
0x2: {  	[smem:$0x3F9E] =	sst lr;
	_ =	strace $0xD0000000  }
0x3: {  	_ = 	snop  }
0x4: {  	_ = 	snop  }
0x5: {  	_ = 	snop  }
0x6: {  	_ = 	snop  }
0x7: {  	_ = 	snop  }
__scs_overlays_trampoline_lowered:
0x8: {  	[smem:$0x3FAD] =	sst s0  }
0x9: {  	[smem:$0x3FAE] =	sst s1  }
0xa: {  	[smem:$0x3FAF] =	sst s2  }
0xb: {  	[smem:$0x3FB0] =	sst s3  }
0xc: {  	[smem:$0x3FB1] =	sst s4  }
0xd: {  	[smem:$0x3FB2] =	sst s5  }
0xe: {  	[smem:$0x3FB3] =	sst s6  }
0xf: {  	[smem:$0x3FB4] =	sst s7  }
0x10: {  	[smem:$0x3FB5] =	sst s8  }
0x11: {  	[smem:$0x3FB6] =	sst s9;
	s0 =	simm.s32 @!p0 $0x0  }
0x12: {  	s1 =	sld [smem:$0x3F9C];
	s0 =	simm.s32 @p0 $0x1  }
0x13: {  	[smem:$0x3FB7] =	sst s0;
	s0 =	simm.s32 @!p1 $0x0  }
0x14: {  	s2 =	sld [smem:$0x3F9B];
	s0 =	simm.s32 @p1 $0x1  }
0x15: {  	[smem:$0x3FB8] =	sst s0;
	s0 =	simm.s32 @!p2 $0x0  }
0x16: {  	s3 =	sld [smem:$0x3FDB];
	s0 =	simm.s32 @p2 $0x1  }
0x17: {  	s4 =	simm.s32 $0x1BF5;
	[smem:$0x3FBA] =	sst s0  }
0x18: {  	s0 =	sld [smem:$0x3F9D];
	_ =	swait.ge [sflag:s4], $0x0  }
0x19: {  	s7 =	sld [smem:$0x3F9E]  }
0x1a: {  	s8 =	sadd.s32 $0xFFFFE003, lr  }
0x1b: {  	s9 =	sadd.s32 $0xFFFFFEF7, lr;
	s5 =	simm.s32 $0xFFFFFFFF;
	p2 =	slt.u32 s8, $0xFFFFF086  }
0x1c: {  	p1 =	slt.u32 s9, $0xF7A;
	s5 =	simm.s32 @!p2 $0x0  }
0x1d: {  	s5 =	simm.s32 @p1 $0x1;
	p0 =	seq.s32 s7, s2  }
0x1e: {  	s7 =	smul.u32 @!p0 $0xF7A, s2;
	p2 =	seq.s32 @!p0 s5, $0x0  }
0x1f: {  	s9 =	smul.u32 $0xF7A, s1;
	s8 =	simm.s32 @!p0 $0x1BF5;
	p2 =	por !p2, p0  }
0x20: {  	[sflag:s8] =	ssyncset.s32 @!p0 $0xFFFFF086;
	s6 =	sadd.s32 @!p0 s3, s7;
	s7 =	simm.s32 @!p0 $0x108  }
0x21: {  	s3 =	sadd.s32 s3, s9;
	s6 =	sadd.s32 @!p0 $0x88, s6;
	s7 =	simm.s32 @p2 $0x1082  }
0x22: {  	[simem:s7], [sflag:s8] =	dma.local @!p0 [hbm:s6], $0xF7A  }
0x23: {  	s9 =	sor.u32 $0xD0000000, s2;
	s6 =	simm.s32 $0x108;
	_ =	swait.ge @!p0 [sflag:s8], $0x0  }
0x24: {  	s3 =	sadd.s32 $0x88, s3;
	s6 =	simm.s32 @!p1 $0x1082;
	[sflag:s4] =	ssyncset.s32 $0xFFFFF086  }
0x25: {  	[simem:s6], [sflag:s4] =	dma.local [hbm:s3], $0xF7A  }
0x26: {  	[smem:$0x3F9E] =	sst s1;
	(tag) =	ssettag s2;
	_ =	strace s9  }
0x27: {  	s1 =	sld [smem:$0x3FAE]  }
0x28: {  	s2 =	sld [smem:$0x3FAF]  }
0x29: {  	s4 =	sld [smem:$0x3FB1]  }
0x2a: {  	p0 =	seq.s32 s5, $0x0;
	s5 =	sld [smem:$0x3FB2]  }
0x2b: {  	s6 =	sld [smem:$0x3FB3]  }
0x2c: {  	s7 =	sld [smem:$0x3FB4]  }
0x2d: {  	s3 =	simm.s32 $0x108;
	s8 =	sld [smem:$0x3FB5]  }
0x2e: {  	s3 =	simm.s32 @!p0 $0x1082;
	s9 =	sld [smem:$0x3FB6]  }
0x2f: {  	lr =	sadd.s32 s0, s3;
	s0 =	sld [smem:$0x3FAD]  }
0x30: {  	s3 =	sld [smem:$0x3FB0]  }
0x31: {  	[smem:$0x3FB9] =	sst s10  }
0x32: {  	s10 =	sld [smem:$0x3FB7];
	_ =	sdelay $0x3  }
0x33: {  	p0 =	seq.s32 s10, $0x1;
	s10 =	sld [smem:$0x3FB9];
	_ =	sdelay $0x3  }
0x34: {  	[smem:$0x3FB9] =	sst s10  }
0x35: {  	s10 =	sld [smem:$0x3FB8];
	_ =	sdelay $0x3  }
0x36: {  	p1 =	seq.s32 s10, $0x1;
	s10 =	sld [smem:$0x3FB9];
	_ =	sdelay $0x3  }
0x37: {  	[smem:$0x3FB9] =	sst s10  }
0x38: {  	s10 =	sld [smem:$0x3FBA]  }
0x39: {  	_ = 	snop;
	(pc) =	sbr.ind lr, $3  }
0x3a: {  	_ = 	snop  }
0x3b: {  	_ = 	snop  }
0x3c: {  	p2 =	seq.s32 s10, $0x1;
	s10 =	sld [smem:$0x3FB9]  }
0x3d: {  	_ =	shalt  }
0x3e: {  	_ =	shalt  }
0x3f: {  	_ =	shalt  }
0x40: {  	_ =	shalt  }
0x41: {  	_ =	shalt  }
0x42: {  	_ =	shalt  }
0x43: {  	_ =	shalt  }
0x44: {  	_ =	shalt  }
0x45: {  	_ =	shalt  }
0x46: {  	_ =	shalt  }
0x47: {  	_ =	shalt  }
0x48: {  	_ =	shalt  }
0x49: {  	_ =	shalt  }
0x4a: {  	_ =	shalt  }
0x4b: {  	_ =	shalt  }
0x4c: {  	_ =	shalt  }
0x4d: {  	_ =	shalt  }
0x4e: {  	_ =	shalt  }
0x4f: {  	_ =	shalt  }
0x50: {  	_ =	shalt  }
0x51: {  	_ =	shalt  }
0x52: {  	_ =	shalt  }
0x53: {  	_ =	shalt  }
0x54: {  	_ =	shalt  }
0x55: {  	_ =	shalt  }
0x56: {  	_ =	shalt  }
0x57: {  	_ =	shalt  }
0x58: {  	_ =	shalt  }
0x59: {  	_ =	shalt  }
0x5a: {  	_ =	shalt  }
0x5b: {  	_ =	shalt  }
0x5c: {  	_ =	shalt  }
0x5d: {  	_ =	shalt  }
0x5e: {  	_ =	shalt  }
0x5f: {  	_ =	shalt  }
0x60: {  	_ =	shalt  }
0x61: {  	_ =	shalt  }
0x62: {  	_ =	shalt  }
0x63: {  	_ =	shalt  }
0x64: {  	_ =	shalt  }
0x65: {  	_ =	shalt  }
0x66: {  	_ =	shalt  }
0x67: {  	_ =	shalt  }
0x68: {  	_ =	shalt  }
0x69: {  	_ =	shalt  }
0x6a: {  	_ =	shalt  }
0x6b: {  	_ =	shalt  }
0x6c: {  	_ =	shalt  }
0x6d: {  	_ =	shalt  }
0x6e: {  	_ =	shalt  }
0x6f: {  	_ =	shalt  }
0x70: {  	_ =	shalt  }
0x71: {  	_ =	shalt  }
0x72: {  	_ =	shalt  }
0x73: {  	_ =	shalt  }
0x74: {  	_ =	shalt  }
0x75: {  	_ =	shalt  }
0x76: {  	_ =	shalt  }
0x77: {  	_ =	shalt  }
0x78: {  	_ =	shalt  }
0x79: {  	_ =	shalt  }
0x7a: {  	_ =	shalt  }
0x7b: {  	_ =	shalt  }
0x7c: {  	_ =	shalt  }
0x7d: {  	_ =	shalt  }
0x7e: {  	_ =	shalt  }
0x7f: {  	_ =	shalt  }
0x80: {  	_ =	shalt  }
0x81: {  	_ =	shalt  }
0x82: {  	_ =	shalt  }
0x83: {  	_ =	shalt  }
0x84: {  	_ =	shalt  }
0x85: {  	_ =	shalt  }
0x86: {  	_ =	shalt  }
0x87: {  	_ =	shalt  }
.Lfunc_end0:
.L_simem_size_0:
called_computation_lowered:
.L_overlay_start_0:
0x88: {  	s2 =	sld [smem:$0x3FD9]  }
0x89: {  	s3 =	sld [smem:$0x3FFE];
	_ =	sdelay $0x1  }
0x8a: {  	s1 =	srdreg.scid  }
0x8b: {  	s0 =	sand.u32 $0x1, s1  }
0x8c: {  	s17 =	sshll.u32 s0, $0xA;
	s2 =	sadd.s32 s3, s2  }
0x8d: {  	s2 =	sadd.s32 s2, s17  }
0x8e: {  	[smem:$0x3FC5] =	sst s2  }
0x8f: {  	_ = 	snop  }
0x90: {  	s2 =	sld [smem:$0x3FC9]  }
0x91: {  	s18 =	sld [smem:$0x3FD0];
	(tm) =	ssettm $0x1  }
0x92: {  	s4 =	sld [smem:$0x3FFB];
	_ =	sdelay $0x3  }
0x93: {  	_ =	strace s4  }
0x94: {  	s4 =	sld [smem:$0x3FFC];
	_ =	sdelay $0x3  }
0x95: {  	_ =	strace s4  }
0x96: {  	s4 =	sld [smem:$0x3FFD];
	_ =	sdelay $0x3  }
0x97: {  	_ =	strace s4  }
0x98: {  	_ =	strace $0x8FFFFFFF  }
0x99: {  	s19 =	sld [smem:$0x3FDB];
	_ =	sdelay $0x1  }
0x9a: {  	s5 =	simm.s32 $_scs_section_size  }
0x9b: {  	s6 =	simm.s32 $_size__tile_overlayer_lowered;
	s7 =	simm.s32 $_tile_overlayer_lowered  }
0x9c: {  	s22 =	simm.s32 $0x1BFF;
	s21 =	sshll.u32 s7, $0x1;
	s4 =	sadd.s32 s5, s19  }
0x9d: {  	s8 =	simm.s32 $0x0;
	s20 =	sshll.u32 s6, $0x1;
	s6 =	sadd.s32 s21, s4  }
0x9e: {  	[timem:s8], [sflag:s22] =	dma.local [hbm:s6], s20  }
0x9f: {  	_ =	swait.ge [sflag:s22], s20  }
0xa0: {  	s5 =	ssub.s32 $0x0, s20;
	[sflag:s22] =	ssyncset.done $0x0  }
0xa1: {  	[sflag:s22] =	ssyncadd.s32 s5;
	_ =	sdelay $0x1  }
0xa2: {  	s23 =	simm.s32 $0x1B8B  }
0xa3: {  	_ =	swait.ge [sflag:s23], $0x1  }
0xa4: {  	[sflag:s23] =	ssyncset.done $0x0  }
0xa5: {  	s25 =	simm.s32 $0x1B8E;
	s24 =	sld [smem:$0x3FFE];
	[sflag:s23] =	ssyncadd.s32 $0xFFFFFFFF  }
0xa6: {  	s26 =	simm.s32 $execute0_lowered;
	[smem:$0x3FD2] =	sst s25  }
0xa7: {  	s6 =	sshll.u32 s26, $0x1;
	_ =	strace $0x80000046;
	[dreg:$0x1] =	wrdreg $0xFFFFFFFF  }
0xa8: {  	s28 =	simm.s32 $_size_execute0_lowered;
	s4 =	sadd.s32 s4, s6;
	[dreg:$0x0] =	wrdreg $0x0  }
0xa9: {  	s6 =	sshll.u32 s28, $0x1;
	[dreg:$0x2] =	wrdreg s4  }
0xaa: {  	[dreg:$0x3] =	wrdreg s6  }
0xab: {  	[dreg:$0x4] =	wrdreg $0xC0  }
0xac: {  	_ =	task [dreg:s8], $0x5FFFF  }
0xad: {  	[dreg:$0x1] =	wrdreg $0xFFFFFFFF  }
0xae: {  	[dreg:$0x0] =	wrdreg $0x60  }
0xaf: {  	[dreg:$0x2] =	wrdreg s2  }
0xb0: {  	[dreg:$0x3] =	wrdreg s18  }
0xb1: {  	[dreg:$0x4] =	wrdreg s24  }
0xb2: {  	[dreg:$0x5] =	wrdreg $0x9  }
0xb3: {  	_ =	task.clear_ibuf [dreg:s8], $0x6FFFF;
	_ =	strace $0x90000046  }
0xb4: {  	s29 =	simm.s32 $0x9;
	_ =	strace $0x80000048  }
0xb5: {  	_ =	swait.ge [sflag:s29], $0x1  }
0xb6: {  	[sflag:s29] =	ssyncadd.s32 $0xFFFFFFFF  }
0xb7: {  	_ =	strace $0x90000048  }
0xb8: {  	_ =	sfence  }
0xb9: {  	s30 =	sld [smem:$0x0];
	_ =	sdelay $0x2  }
0xba: {  	s31 =	sshll.u32 s1, $0xD;
	s1 =	sshrl.u32 s1, $0x2  }
0xbb: {  	s3 =	sand.u32 $0x4000, s31;
	s1 =	sadd.s32 s1, s30  }
0xbc: {  	s0 =	sor.u32 s3, s0;
	s1 =	sshll.u32 s1, $0x11  }
0xbd: {  	s0 =	sor.u32 s1, s0  }
0xbe: {  	s0 =	sadd.s32 $0x8F2B, s0  }
0xbf: {  	[sflag:s0] =	ssyncadd.remote.s32 $0x1  }
0xc0: {  	_ =	sfence.sel $0xFFFF  }
0xc1: {  	[dreg:$0x0] =	wrdreg $0xFFFFFFFF;
	(pc) =	sbr.abs _section_cstart, $3  }
0xc2: {  	[dreg:$0x1] =	wrdreg $0xFFFFFFFF  }
0xc3: {  	_ =	task.clear_ibuf [dreg:s8], $0x2FFFF;
	_ =	strace $0x9FFFFFFF  }
0xc4: {  	(tm) =	ssettm $0x7FFFFFFF  }
0xc5: {  	_ =	shalt  }
tec
execute0_lowered:
.L_overlay_start_1:
0x0: {  	(tag) =	ssettag $0x1  }
0x1: {  	v1 =	vlaneseq.u32  }
0x2: {  	v0 =	vmul.u32 $0x20, v1  }
0x3: {  	vm15 =	vcmask $0x1F10;
	vm14 =	vcmask $0x300  }
0x4: {  	vm13 =	vcmask $0x704;
	v36 =	vmul.u32 $0x81, v1;
	[tilespmem:$0x1FDF0] =	vst v0;
	v0 =	vimm.s32 $0x6B4A2908  }
0x5: {  	v1 =	vimm.s32 $0xF;
	v11 =	vunpack.c.0.s8.s32 v0;
	v0 =	vimm.s32 $0x6F4E2D0C  }
0x6: {  	vm12 =	vcmask $0xB08;
	v4 =	vunpack.c.0.s8.s32 v0;
	v0 =	vsel vm14, $0x80, v1  }
0x7: {  	vm11 =	vcmask $0xF0C;
	v1 =	vimm.s32 $0x63422100;
	v0 =	vsel vm13, $0x101, v0  }
0x8: {  	v5 =	vunpack.c.0.s8.s32 v1;
	v1 =	vimm.s32 $0x67462504;
	v0 =	vsel vm12, $0x182, v0  }
0x9: {  	vm10 =	vcmask $0x1310;
	v6 =	vunpack.c.0.s8.s32 v1;
	v0 =	vsel vm11, $0x203, v0  }
0xa: {  	vm9 =	vcmask $0x1714;
	vm8 =	vcmask $0x1B18;
	v1 =	vsel vm10, $0x284, v0  }
0xb: {  	v0 =	vsel vm15, v4, v11;
	v2 =	vsel vm9, $0x305, v1;
	v1 =	vsel vm15, v6, v5  }
0xc: {  	vm7 =	vcmask $0x1F1C;
	v2 =	vsel vm8, $0x386, v2;
	v3 =	vcombine.low v1, v0  }
0xd: {  	vm6 =	vcmask $0x2320;
	v2 =	vsel vm7, $0x407, v2  }
0xe: {  	vm5 =	vcmask $0x2724;
	[tilespmem:$0x1FE00] =	vst v3;
	v2 =	vsel vm6, $0x488, v2;
	v3 =	vimm.s32 $0x8F  }
0xf: {  	vm4 =	vcmask $0x2B28;
	v2 =	vsel vm5, $0x509, v2;
	v3 =	vsel vm14, $0x100, v3  }
0x10: {  	vm3 =	vcmask $0x2F2C;
	v2 =	vsel vm4, $0x58A, v2;
	v3 =	vsel vm13, $0x181, v3  }
0x11: {  	vm2 =	vcmask $0x3330;
	v2 =	vsel vm3, $0x60B, v2;
	v3 =	vsel vm12, $0x202, v3  }
0x12: {  	vm0 =	vcmask $0x3734;
	v2 =	vsel vm2, $0x68C, v2;
	v3 =	vsel vm11, $0x283, v3  }
0x13: {  	vm1 =	vcmask $0x3B38;
	v2 =	vsel vm0, $0x70D, v2;
	v3 =	vsel vm10, $0x304, v3  }
0x14: {  	v40 =	vsel vm1, $0x78E, v2;
	v2 =	vimm.s32 $0x6C4B2A09;
	v3 =	vsel vm9, $0x385, v3  }
0x15: {  	v13 =	vunpack.c.0.s8.s32 v2;
	v2 =	vimm.s32 $0x604F2E0D;
	v3 =	vsel vm8, $0x406, v3  }
0x16: {  	v14 =	vunpack.c.0.s8.s32 v2;
	v2 =	vimm.s32 $0x64432201;
	v3 =	vsel vm7, $0x487, v3  }
0x17: {  	v15 =	vunpack.c.0.s8.s32 v2;
	v2 =	vsel vm6, $0x508, v3;
	v3 =	vimm.s32 $0x10F  }
0x18: {  	v7 =	vimm.s32 $0x68472605;
	v2 =	vsel vm5, $0x589, v2;
	v3 =	vsel vm14, $0x180, v3  }
0x19: {  	v16 =	vunpack.c.0.s8.s32 v7;
	v7 =	vsel vm4, $0x60A, v2;
	v3 =	vsel vm13, $0x201, v3  }
0x1a: {  	v7 =	vsel vm3, $0x68B, v7;
	v8 =	vsel vm12, $0x282, v3  }
0x1b: {  	v7 =	vsel vm2, $0x70C, v7;
	v8 =	vsel vm11, $0x303, v8  }
0x1c: {  	v7 =	vsel vm0, $0x78D, v7;
	v8 =	vsel vm10, $0x384, v8  }
0x1d: {  	v53 =	vsel vm1, $0xE, v7;
	v7 =	vimm.s32 $0x6D4C2B0A;
	v8 =	vsel vm9, $0x405, v8  }
0x1e: {  	v19 =	vunpack.c.0.s8.s32 v7;
	v7 =	vimm.s32 $0x61402F0E;
	v8 =	vsel vm8, $0x486, v8  }
0x1f: {  	v20 =	vunpack.c.0.s8.s32 v7;
	v7 =	vimm.s32 $0x65442302;
	v8 =	vsel vm7, $0x507, v8  }
0x20: {  	v21 =	vunpack.c.0.s8.s32 v7;
	v7 =	vsel vm6, $0x588, v8;
	v8 =	vimm.s32 $0x18F  }
0x21: {  	v7 =	vsel vm5, $0x609, v7;
	v8 =	vsel vm14, $0x200, v8  }
0x22: {  	v7 =	vsel vm4, $0x68A, v7;
	v8 =	vsel vm13, $0x281, v8  }
0x23: {  	v9 =	vimm.s32 $0x69482706;
	v7 =	vsel vm3, $0x70B, v7;
	v8 =	vsel vm12, $0x302, v8  }
0x24: {  	v22 =	vunpack.c.0.s8.s32 v9;
	v9 =	vsel vm2, $0x78C, v7;
	v8 =	vsel vm11, $0x383, v8  }
0x25: {  	v9 =	vsel vm0, $0xD, v9;
	v10 =	vsel vm10, $0x404, v8  }
0x26: {  	v51 =	vsel vm1, $0x8E, v9;
	v9 =	vimm.s32 $0x6E4D2C0B;
	v10 =	vsel vm9, $0x485, v10  }
0x27: {  	v23 =	vunpack.c.0.s8.s32 v9;
	v9 =	vimm.s32 $0x6241200F;
	v10 =	vsel vm8, $0x506, v10  }
0x28: {  	v28 =	vunpack.c.0.s8.s32 v9;
	v9 =	vsel vm7, $0x587, v10;
	v10 =	vimm.s32 $0x20F  }
0x29: {  	v12 =	vimm.s32 $0x66452403;
	v9 =	vsel vm6, $0x608, v9;
	v10 =	vsel vm14, $0x280, v10  }
0x2a: {  	v29 =	vunpack.c.0.s8.s32 v12;
	v9 =	vsel vm5, $0x689, v9;
	v10 =	vsel vm13, $0x301, v10  }
0x2b: {  	v12 =	vimm.s32 $0x6A492807;
	v9 =	vsel vm4, $0x70A, v9;
	v10 =	vsel vm12, $0x382, v10  }
0x2c: {  	v34 =	vunpack.c.0.s8.s32 v12;
	v9 =	vsel vm3, $0x78B, v9;
	v10 =	vsel vm11, $0x403, v10  }
0x2d: {  	v9 =	vsel vm2, $0xC, v9;
	v10 =	vsel vm10, $0x484, v10  }
0x2e: {  	v27 =	vsel vm15, v34, v29;
	v12 =	vsel vm0, $0x8D, v9;
	v17 =	vsel vm9, $0x505, v10  }
0x2f: {  	v18 =	vsel vm15, v11, v6;
	v38 =	vsel vm1, $0x10E, v12;
	v12 =	vsel vm8, $0x586, v17  }
0x30: {  	v17 =	vsel vm15, v5, v4;
	v5 =	vimm.s32 $0x28F;
	v4 =	vsel vm7, $0x607, v12  }
0x31: {  	v6 =	vimm.s32 $0x30F;
	v5 =	vsel vm14, $0x300, v5;
	v4 =	vsel vm6, $0x688, v4  }
0x32: {  	v6 =	vsel vm14, $0x380, v6;
	v5 =	vsel vm13, $0x381, v5;
	v4 =	vsel vm5, $0x709, v4  }
0x33: {  	v6 =	vsel vm13, $0x401, v6;
	v5 =	vsel vm12, $0x402, v5;
	v4 =	vsel vm4, $0x78A, v4  }
0x34: {  	v6 =	vsel vm12, $0x482, v6;
	v5 =	vsel vm11, $0x483, v5;
	v4 =	vsel vm3, $0xB, v4  }
0x35: {  	v31 =	vsel vm15, v13, v16;
	v5 =	vsel vm10, $0x504, v5;
	v4 =	vsel vm2, $0x8C, v4  }
0x36: {  	v2 =	vsel vm15, v14, v13;
	v5 =	vsel vm9, $0x585, v5;
	v4 =	vsel vm0, $0x10D, v4  }
0x37: {  	v41 =	vsel vm1, $0x18E, v4;
	v4 =	vsel vm8, $0x606, v5;
	v5 =	vsel vm11, $0x503, v6  }
0x38: {  	v30 =	vsel vm15, v15, v14;
	v4 =	vsel vm7, $0x687, v4;
	v5 =	vsel vm10, $0x584, v5  }
0x39: {  	v3 =	vsel vm15, v16, v15;
	v4 =	vsel vm6, $0x708, v4;
	v5 =	vsel vm9, $0x605, v5  }
0x3a: {  	v59 =	vcombine.low v3, v2;
	v4 =	vsel vm5, $0x789, v4;
	v5 =	vsel vm8, $0x686, v5  }
0x3b: {  	v6 =	vimm.s32 $0x38F;
	v4 =	vsel vm4, $0xA, v4;
	v5 =	vsel vm7, $0x707, v5  }
0x3c: {  	v6 =	vsel vm14, $0x400, v6;
	v4 =	vsel vm3, $0x8B, v4;
	v5 =	vsel vm6, $0x788, v5  }
0x3d: {  	v6 =	vsel vm13, $0x481, v6;
	v4 =	vsel vm2, $0x10C, v4;
	v5 =	vsel vm5, $0x9, v5  }
0x3e: {  	v6 =	vsel vm12, $0x502, v6;
	v4 =	vsel vm0, $0x18D, v4;
	v5 =	vsel vm4, $0x8A, v5  }
0x3f: {  	v14 =	vsel vm1, $0x20E, v4;
	v4 =	vsel vm3, $0x10B, v5;
	v5 =	vsel vm11, $0x583, v6  }
0x40: {  	v47 =	vcombine.low v2, v3;
	v4 =	vsel vm2, $0x18C, v4;
	v5 =	vsel vm10, $0x604, v5  }
0x41: {  	v33 =	vsel vm15, v19, v22;
	v4 =	vsel vm0, $0x20D, v4;
	v5 =	vsel vm9, $0x685, v5  }
0x42: {  	v24 =	vsel vm15, v20, v19;
	v16 =	vsel vm1, $0x28E, v4;
	v4 =	vsel vm8, $0x706, v5  }
0x43: {  	v26 =	vsel vm15, v28, v23;
	v5 =	vimm.s32 $0x40F;
	v4 =	vsel vm7, $0x787, v4  }
0x44: {  	v19 =	vsel vm15, v29, v28;
	v5 =	vsel vm14, $0x480, v5;
	v4 =	vsel vm6, $0x8, v4  }
0x45: {  	v6 =	vimm.s32 $0x48F;
	v5 =	vsel vm13, $0x501, v5;
	v4 =	vsel vm5, $0x89, v4  }
0x46: {  	v6 =	vsel vm14, $0x500, v6;
	v5 =	vsel vm12, $0x582, v5;
	v4 =	vsel vm4, $0x10A, v4  }
0x47: {  	v6 =	vsel vm13, $0x581, v6;
	v5 =	vsel vm11, $0x603, v5;
	v4 =	vsel vm3, $0x18B, v4  }
0x48: {  	v6 =	vsel vm12, $0x602, v6;
	v5 =	vsel vm10, $0x684, v5;
	v4 =	vsel vm2, $0x20C, v4  }
0x49: {  	v6 =	vsel vm11, $0x683, v6;
	v5 =	vsel vm9, $0x705, v5;
	v4 =	vsel vm0, $0x28D, v4  }
0x4a: {  	v42 =	vsel vm1, $0x30E, v4;
	v4 =	vsel vm8, $0x786, v5;
	v5 =	vsel vm10, $0x704, v6  }
0x4b: {  	v28 =	vcombine.low v0, v1;
	v0 =	vsel vm7, $0x7, v4;
	v1 =	vsel vm9, $0x785, v5  }
0x4c: {  	v4 =	vimm.s32 $0x50F;
	v0 =	vsel vm6, $0x88, v0;
	v1 =	vsel vm8, $0x6, v1  }
0x4d: {  	v4 =	vsel vm14, $0x580, v4;
	v0 =	vsel vm5, $0x109, v0;
	v1 =	vsel vm7, $0x87, v1  }
0x4e: {  	v4 =	vsel vm13, $0x601, v4;
	v0 =	vsel vm4, $0x18A, v0;
	v1 =	vsel vm6, $0x108, v1  }
0x4f: {  	v4 =	vsel vm12, $0x682, v4;
	v0 =	vsel vm3, $0x20B, v0;
	v1 =	vsel vm5, $0x189, v1  }
0x50: {  	v4 =	vsel vm11, $0x703, v4;
	v0 =	vsel vm2, $0x28C, v0;
	v1 =	vsel vm4, $0x20A, v1  }
0x51: {  	v4 =	vsel vm10, $0x784, v4;
	v0 =	vsel vm0, $0x30D, v0;
	v1 =	vsel vm3, $0x28B, v1  }
0x52: {  	v5 =	vsel vm1, $0x38E, v0;
	v0 =	vsel vm2, $0x30C, v1;
	v1 =	vsel vm9, $0x5, v4  }
0x53: {  	v2 =	vimm.s32 $0x60F;
	v0 =	vsel vm0, $0x38D, v0;
	v1 =	vsel vm8, $0x86, v1  }
0x54: {  	v29 =	vsel vm1, $0x40E, v0;
	v0 =	vsel vm7, $0x107, v1;
	v1 =	vimm.s32 $0x58F  }
0x55: {  	v2 =	vsel vm14, $0x680, v2;
	v0 =	vsel vm6, $0x188, v0;
	v1 =	vsel vm14, $0x600, v1  }
0x56: {  	v2 =	vsel vm13, $0x701, v2;
	v0 =	vsel vm5, $0x209, v0;
	v1 =	vsel vm13, $0x681, v1  }
0x57: {  	v2 =	vsel vm12, $0x782, v2;
	v0 =	vsel vm4, $0x28A, v0;
	v1 =	vsel vm12, $0x702, v1  }
0x58: {  	v2 =	vsel vm11, $0x3, v2;
	v0 =	vsel vm3, $0x30B, v0;
	v1 =	vsel vm11, $0x783, v1  }
0x59: {  	v25 =	vsel vm15, v22, v21;
	v0 =	vsel vm2, $0x38C, v0;
	v1 =	vsel vm10, $0x4, v1  }
0x5a: {  	v54 =	vcombine.low v25, v24;
	v0 =	vsel vm0, $0x40D, v0;
	v1 =	vsel vm9, $0x85, v1  }
0x5b: {  	v44 =	vsel vm1, $0x48E, v0;
	v0 =	vsel vm8, $0x106, v1;
	v1 =	vsel vm10, $0x84, v2  }
0x5c: {  	v48 =	vcombine.low v24, v25;
	v0 =	vsel vm7, $0x187, v0;
	v1 =	vsel vm9, $0x105, v1  }
0x5d: {  	v2 =	vimm.s32 $0x68F;
	v0 =	vsel vm6, $0x208, v0;
	v1 =	vsel vm8, $0x186, v1  }
0x5e: {  	v2 =	vsel vm14, $0x700, v2;
	v0 =	vsel vm5, $0x289, v0;
	v1 =	vsel vm7, $0x207, v1  }
0x5f: {  	v2 =	vsel vm13, $0x781, v2;
	v0 =	vsel vm4, $0x30A, v0;
	v1 =	vsel vm6, $0x288, v1  }
0x60: {  	v2 =	vsel vm12, $0x2, v2;
	v0 =	vsel vm3, $0x38B, v0;
	v1 =	vsel vm5, $0x309, v1  }
0x61: {  	v2 =	vsel vm11, $0x83, v2;
	v0 =	vsel vm2, $0x40C, v0;
	v1 =	vsel vm4, $0x38A, v1  }
0x62: {  	v2 =	vsel vm10, $0x104, v2;
	v0 =	vsel vm0, $0x48D, v0;
	v1 =	vsel vm3, $0x40B, v1  }
0x63: {  	v24 =	vsel vm1, $0x50E, v0;
	v0 =	vsel vm2, $0x48C, v1;
	v1 =	vsel vm9, $0x185, v2  }
0x64: {  	v39 =	vcombine.low v18, v17;
	v0 =	vsel vm0, $0x50D, v0;
	v1 =	vsel vm8, $0x206, v1  }
0x65: {  	v4 =	vcombine.low v17, v18;
	v17 =	vsel vm1, $0x58E, v0;
	v0 =	vsel vm7, $0x287, v1  }
0x66: {  	v3 =	vimm.s32 $0x87654321;
	v1 =	vimm.s32 $0x70F;
	v0 =	vsel vm6, $0x308, v0  }
0x67: {  	v2 =	vimm.s32 $0x80F;
	v1 =	vsel vm14, $0x780, v1;
	v0 =	vsel vm5, $0x389, v0  }
0x68: {  	v2 =	vsel vm14, $0x880, v2;
	v1 =	vsel vm13, $0x1, v1;
	v0 =	vsel vm4, $0x40A, v0  }
0x69: {  	v2 =	vsel vm13, $0x901, v2;
	v1 =	vsel vm12, $0x82, v1;
	v0 =	vsel vm3, $0x48B, v0  }
0x6a: {  	v2 =	vsel vm12, $0x982, v2;
	v1 =	vsel vm11, $0x103, v1;
	v0 =	vsel vm2, $0x50C, v0  }
0x6b: {  	v2 =	vsel vm11, $0xA03, v2;
	v1 =	vsel vm10, $0x184, v1;
	v0 =	vsel vm0, $0x58D, v0  }
0x6c: {  	v2 =	vsel vm10, $0xA84, v2;
	v9 =	vsel vm1, $0x60E, v0;
	v0 =	vsel vm9, $0x205, v1  }
0x6d: {  	v32 =	vsel vm15, v21, v20;
	v1 =	vsel vm9, $0xB05, v2;
	v0 =	vsel vm8, $0x286, v0  }
0x6e: {  	v2 =	vimm.s32 $0x88F;
	v1 =	vsel vm8, $0xB86, v1;
	v0 =	vsel vm7, $0x307, v0  }
0x6f: {  	v2 =	vsel vm14, $0x900, v2;
	v1 =	vsel vm7, $0xC07, v1;
	v0 =	vsel vm6, $0x388, v0  }
0x70: {  	v2 =	vsel vm13, $0x981, v2;
	v1 =	vsel vm6, $0xC88, v1;
	v0 =	vsel vm5, $0x409, v0  }
0x71: {  	v2 =	vsel vm12, $0xA02, v2;
	v1 =	vsel vm5, $0xD09, v1;
	v0 =	vsel vm4, $0x48A, v0  }
0x72: {  	v2 =	vsel vm11, $0xA83, v2;
	v1 =	vsel vm4, $0xD8A, v1;
	v0 =	vsel vm3, $0x50B, v0  }
0x73: {  	v2 =	vsel vm10, $0xB04, v2;
	v1 =	vsel vm3, $0xE0B, v1;
	v0 =	vsel vm2, $0x58C, v0  }
0x74: {  	v2 =	vsel vm9, $0xB85, v2;
	v1 =	vsel vm2, $0xE8C, v1;
	v0 =	vsel vm0, $0x60D, v0  }
0x75: {  	v1 =	vsel vm0, $0xF0D, v1;
	v21 =	vsel vm1, $0x68E, v0;
	v0 =	vsel vm8, $0xC06, v2  }
0x76: {  	v49 =	vsel vm1, $0xF8E, v1;
	v1 =	vimm.s32 $0xFEDCBA9;
	v0 =	vsel vm7, $0xC87, v0  }
0x77: {  	v2 =	vimm.s32 $0x90F;
	v1 =	vunpack.c.l.s4.s8 v1;
	v0 =	vsel vm6, $0xD08, v0  }
0x78: {  	v3 =	vunpack.c.l.s4.s8 v3;
	v2 =	vsel vm14, $0x980, v2;
	v0 =	vsel vm5, $0xD89, v0  }
0x79: {  	v2 =	vsel vm13, $0xA01, v2;
	v1 =	vunpack.c.0.s8.s32 v1;
	v0 =	vsel vm4, $0xE0A, v0  }
0x7a: {  	v2 =	vsel vm12, $0xA82, v2;
	v0 =	vsel vm3, $0xE8B, v0  }
0x7b: {  	[tilespmem:$0x1FE10] =	vst v1;
	v1 =	vsel vm11, $0xB03, v2;
	v2 =	vunpack.c.0.s8.s32 v3;
	v0 =	vsel vm2, $0xF0C, v0  }
0x7c: {  	v3 =	vimm.s32 $0x98765432;
	v1 =	vsel vm10, $0xB84, v1;
	v0 =	vsel vm0, $0xF8D, v0  }
0x7d: {  	[tilespmem:$0x1FE20] =	vst v2;
	v1 =	vsel vm9, $0xC05, v1;
	v2 =	vimm.s32 $0x98F;
	v52 =	vsel vm1, $0x80E, v0  }
0x7e: {  	v0 =	vsel vm8, $0xC86, v1;
	v1 =	vsel vm14, $0xA00, v2;
	v2 =	vimm.s32 $0x10FEDCBA  }
0x7f: {  	v0 =	vsel vm7, $0xD07, v0;
	v1 =	vsel vm13, $0xA81, v1;
	v2 =	vunpack.c.l.s4.s8 v2  }
0x80: {  	v3 =	vunpack.c.l.s4.s8 v3;
	v0 =	vsel vm6, $0xD88, v0;
	v1 =	vsel vm12, $0xB02, v1  }
0x81: {  	v0 =	vsel vm5, $0xE09, v0;
	v1 =	vsel vm11, $0xB83, v1;
	v2 =	vunpack.c.0.s8.s32 v2  }
0x82: {  	v15 =	vcombine.low v33, v32;
	v0 =	vsel vm4, $0xE8A, v0;
	v1 =	vsel vm10, $0xC04, v1  }
0x83: {  	[tilespmem:$0x1FE30] =	vst v2;
	v0 =	vsel vm3, $0xF0B, v0;
	v1 =	vsel vm9, $0xC85, v1;
	v2 =	vunpack.c.0.s8.s32 v3  }
0x84: {  	v3 =	vimm.s32 $0xA9876543;
	v0 =	vsel vm2, $0xF8C, v0;
	v1 =	vsel vm8, $0xD06, v1  }
0x85: {  	[tilespmem:$0x1FE40] =	vst v2;
	v0 =	vsel vm0, $0x80D, v0;
	v1 =	vsel vm7, $0xD87, v1;
	v2 =	vimm.s32 $0xA0F  }
0x86: {  	v55 =	vsel vm1, $0x88E, v0;
	v0 =	vsel vm6, $0xE08, v1;
	v1 =	vsel vm14, $0xA80, v2  }
0x87: {  	v2 =	vimm.s32 $0x210FEDCB;
	v0 =	vsel vm5, $0xE89, v0;
	v1 =	vsel vm13, $0xB01, v1  }
0x88: {  	v2 =	vunpack.c.l.s4.s8 v2;
	v0 =	vsel vm4, $0xF0A, v0;
	v1 =	vsel vm12, $0xB82, v1  }
0x89: {  	v3 =	vunpack.c.l.s4.s8 v3;
	v0 =	vsel vm3, $0xF8B, v0;
	v1 =	vsel vm11, $0xC03, v1  }
0x8a: {  	v2 =	vunpack.c.0.s8.s32 v2;
	v0 =	vsel vm2, $0x80C, v0;
	v1 =	vsel vm10, $0xC84, v1  }
0x8b: {  	v8 =	vcombine.low v32, v33;
	v0 =	vsel vm0, $0x88D, v0;
	v1 =	vsel vm9, $0xD05, v1  }
0x8c: {  	[tilespmem:$0x1FE50] =	vst v2;
	v2 =	vunpack.c.0.s8.s32 v3;
	v32 =	vsel vm1, $0x90E, v0;
	v0 =	vsel vm8, $0xD86, v1  }
0x8d: {  	v3 =	vimm.s32 $0xBA987654;
	v1 =	vimm.s32 $0x3210FEDC;
	v0 =	vsel vm7, $0xE07, v0  }
0x8e: {  	[tilespmem:$0x1FE60] =	vst v2;
	v2 =	vimm.s32 $0xA8F;
	v1 =	vunpack.c.l.s4.s8 v1;
	v0 =	vsel vm6, $0xE88, v0  }
0x8f: {  	v3 =	vunpack.c.l.s4.s8 v3;
	v2 =	vsel vm14, $0xB00, v2;
	v0 =	vsel vm5, $0xF09, v0  }
0x90: {  	v2 =	vsel vm13, $0xB81, v2;
	v1 =	vunpack.c.0.s8.s32 v1;
	v0 =	vsel vm4, $0xF8A, v0  }
0x91: {  	v2 =	vsel vm12, $0xC02, v2;
	v0 =	vsel vm3, $0x80B, v0  }
0x92: {  	[tilespmem:$0x1FE70] =	vst v1;
	v1 =	vsel vm11, $0xC83, v2;
	v2 =	vunpack.c.0.s8.s32 v3;
	v0 =	vsel vm2, $0x88C, v0  }
0x93: {  	v1 =	vsel vm10, $0xD04, v1;
	v0 =	vsel vm0, $0x90D, v0  }
0x94: {  	[tilespmem:$0x1FE80] =	vst v2;
	v1 =	vsel vm9, $0xD85, v1;
	v2 =	vimm.s32 $0xB0F;
	v57 =	vsel vm1, $0x98E, v0  }
0x95: {  	v0 =	vsel vm8, $0xE06, v1;
	v1 =	vsel vm14, $0xB80, v2;
	v2 =	vimm.s32 $0x43210FED  }
0x96: {  	v3 =	vimm.s32 $0xCBA98765;
	v2 =	vunpack.c.l.s4.s8 v2  }
0x97: {  	v3 =	vunpack.c.l.s4.s8 v3;
	v0 =	vsel vm7, $0xE87, v0;
	v1 =	vsel vm13, $0xC01, v1  }
0x98: {  	v0 =	vsel vm6, $0xF08, v0;
	v1 =	vsel vm12, $0xC82, v1;
	v2 =	vunpack.c.0.s8.s32 v2  }
0x99: {  	v0 =	vsel vm5, $0xF89, v0;
	v1 =	vsel vm11, $0xD03, v1  }
0x9a: {  	v0 =	vsel vm4, $0x80A, v0;
	v1 =	vsel vm10, $0xD84, v1;
	[tilespmem:$0x1FE90] =	vst v2;
	v2 =	vunpack.c.0.s8.s32 v3  }
0x9b: {  	v0 =	vsel vm3, $0x88B, v0;
	v1 =	vsel vm9, $0xE05, v1  }
0x9c: {  	v3 =	vimm.s32 $0xDCBA9876;
	v0 =	vsel vm2, $0x90C, v0;
	[tilespmem:$0x1FEA0] =	vst v2;
	v2 =	vimm.s32 $0x543210FE  }
0x9d: {  	v1 =	vsel vm8, $0xE86, v1;
	v0 =	vsel vm0, $0x98D, v0;
	v2 =	vunpack.c.l.s4.s8 v2  }
0x9e: {  	v1 =	vsel vm7, $0xF07, v1;
	v7 =	vsel vm1, $0xA0E, v0;
	v0 =	vunpack.c.l.s4.s8 v3  }
0x9f: {  	v1 =	vsel vm6, $0xF88, v1;
	v2 =	vunpack.c.0.s8.s32 v2  }
0xa0: {  	v1 =	vsel vm5, $0x809, v1;
	v0 =	vunpack.c.0.s8.s32 v0  }
0xa1: {  	v1 =	vsel vm4, $0x88A, v1;
	[tilespmem:$0x1FEB0] =	vst v2  }
0xa2: {  	v20 =	vsel vm15, v23, v34;
	v2 =	vimm.s32 $0xB8F;
	[tilespmem:$0x1FEC0] =	vst v0;
	v0 =	vsel vm3, $0x90B, v1  }
0xa3: {  	v35 =	vcombine.low v27, v26;
	v1 =	vsel vm14, $0xC00, v2;
	v0 =	vsel vm2, $0x98C, v0  }
0xa4: {  	v2 =	vimm.s32 $0xC0F;
	v1 =	vsel vm13, $0xC81, v1;
	v0 =	vsel vm0, $0xA0D, v0  }
0xa5: {  	v2 =	vsel vm14, $0xC80, v2;
	v1 =	vsel vm12, $0xD02, v1;
	v12 =	vsel vm1, $0xA8E, v0  }
0xa6: {  	v0 =	vsel vm11, $0xD83, v1;
	v1 =	vsel vm13, $0xD01, v2;
	v2 =	vimm.s32 $0x6543210F  }
0xa7: {  	v45 =	vcombine.low v26, v27;
	v3 =	vimm.s32 $0xEDCBA987;
	v2 =	vunpack.c.l.s4.s8 v2  }
0xa8: {  	v3 =	vunpack.c.l.s4.s8 v3;
	v0 =	vsel vm10, $0xE04, v0;
	v1 =	vsel vm12, $0xD82, v1  }
0xa9: {  	v0 =	vsel vm9, $0xE85, v0;
	v1 =	vsel vm11, $0xE03, v1;
	v2 =	vunpack.c.0.s8.s32 v2  }
0xaa: {  	v10 =	vcombine.low v30, v31;
	v0 =	vsel vm8, $0xF06, v0;
	v1 =	vsel vm10, $0xE84, v1  }
0xab: {  	v0 =	vsel vm7, $0xF87, v0;
	v1 =	vsel vm9, $0xF05, v1;
	[tilespmem:$0x1FED0] =	vst v2;
	v2 =	vunpack.c.0.s8.s32 v3  }
0xac: {  	v0 =	vsel vm6, $0x808, v0;
	v1 =	vsel vm8, $0xF86, v1;
	v3 =	vimm.s32 $0x76543210  }
0xad: {  	v0 =	vsel vm5, $0x889, v0;
	v1 =	vsel vm7, $0x807, v1;
	[tilespmem:$0x1FEE0] =	vst v2;
	v2 =	vimm.s32 $0xFEDCBA98  }
0xae: {  	v0 =	vsel vm4, $0x90A, v0;
	v1 =	vsel vm6, $0x888, v1;
	v2 =	vunpack.c.l.s4.s8 v2  }
0xaf: {  	v3 =	vunpack.c.l.s4.s8 v3;
	v1 =	vsel vm5, $0x909, v1;
	v0 =	vsel vm3, $0x98B, v0  }
0xb0: {  	v1 =	vsel vm4, $0x98A, v1;
	v0 =	vsel vm2, $0xA0C, v0;
	v2 =	vunpack.c.0.s8.s32 v2  }
0xb1: {  	v3 =	vunpack.c.0.s8.s32 v3;
	v1 =	vsel vm3, $0xA0B, v1;
	v0 =	vsel vm0, $0xA8D, v0  }
0xb2: {  	v1 =	vsel vm2, $0xA8C, v1;
	v63 =	vsel vm1, $0xB0E, v0;
	v0 =	vand.u32 $0xF, v2  }
0xb3: {  	v1 =	vsel vm0, $0xB0D, v1;
	v61 =	vcombine.low v0, v3;
	v0 =	vimm.s32 $0xC8F  }
0xb4: {  	v22 =	vsel vm1, $0xB8E, v1;
	v1 =	vimm.s32 $0xD0F;
	v0 =	vsel vm14, $0xD00, v0  }
0xb5: {  	v2 =	vimm.s32 $0xD8F;
	v1 =	vsel vm14, $0xD80, v1;
	v0 =	vsel vm13, $0xD81, v0  }
0xb6: {  	v2 =	vsel vm14, $0xE00, v2;
	v1 =	vsel vm13, $0xE01, v1;
	v0 =	vsel vm12, $0xE02, v0  }
0xb7: {  	v2 =	vsel vm13, $0xE81, v2;
	v1 =	vsel vm12, $0xE82, v1;
	v0 =	vsel vm11, $0xE83, v0  }
0xb8: {  	v2 =	vsel vm12, $0xF02, v2;
	v1 =	vsel vm11, $0xF03, v1;
	v0 =	vsel vm10, $0xF04, v0  }
0xb9: {  	v2 =	vsel vm11, $0xF83, v2;
	v1 =	vsel vm10, $0xF84, v1;
	v0 =	vsel vm9, $0xF85, v0  }
0xba: {  	v2 =	vsel vm10, $0x804, v2;
	v1 =	vsel vm9, $0x805, v1;
	v0 =	vsel vm8, $0x806, v0  }
0xbb: {  	v2 =	vsel vm9, $0x885, v2;
	v1 =	vsel vm8, $0x886, v1;
	v0 =	vsel vm7, $0x887, v0  }
0xbc: {  	v2 =	vsel vm8, $0x906, v2;
	v1 =	vsel vm7, $0x907, v1;
	v0 =	vsel vm6, $0x908, v0  }
0xbd: {  	v2 =	vsel vm7, $0x987, v2;
	v1 =	vsel vm6, $0x988, v1;
	v0 =	vsel vm5, $0x989, v0  }
0xbe: {  	v2 =	vsel vm6, $0xA08, v2;
	v1 =	vsel vm5, $0xA09, v1;
	v0 =	vsel vm4, $0xA0A, v0  }
0xbf: {  	v2 =	vsel vm5, $0xA89, v2;
	v1 =	vsel vm4, $0xA8A, v1;
	v0 =	vsel vm3, $0xA8B, v0  }
0xc0: {  	v2 =	vsel vm4, $0xB0A, v2;
	v1 =	vsel vm3, $0xB0B, v1;
	v0 =	vsel vm2, $0xB0C, v0  }
0xc1: {  	v2 =	vsel vm3, $0xB8B, v2;
	v1 =	vsel vm2, $0xB8C, v1;
	v0 =	vsel vm0, $0xB8D, v0  }
0xc2: {  	s0 =	rddreg [dreg:$0x0];
	v2 =	vsel vm2, $0xC0C, v2;
	v62 =	vsel vm1, $0xC0E, v0;
	v0 =	vsel vm0, $0xC0D, v1  }
0xc3: {  	s1 =	rddreg [dreg:$0x1];
	s2 =	simm.s32 $0x0;
	v1 =	vsel vm0, $0xC8D, v2;
	v60 =	vsel vm1, $0xC8E, v0;
	v0 =	vimm.s32 $0xE0F  }
0xc4: {  	[smem:$0x7FF] =	sst s2;
	v26 =	vsel vm1, $0xD0E, v1;
	v1 =	vimm.s32 $0xE8F;
	v0 =	vsel vm14, $0xE80, v0  }
0xc5: {  	s3 =	rddreg [dreg:$0x2];
	_ =	strace $0x80000047;
	[tilespmem:$0x1FEF0] =	vst v19;
	v2 =	vimm.s32 $0xF0F;
	v1 =	vsel vm14, $0xF00, v1;
	v0 =	vsel vm13, $0xF01, v0  }
0xc6: {  	[tilespmem:$0x1FF00] =	vst v20;
	v2 =	vsel vm14, $0xF80, v2;
	v1 =	vsel vm13, $0xF81, v1;
	v0 =	vsel vm12, $0xF82, v0  }
0xc7: {  	[tilespmem:$0x1FF70] =	vst v10;
	v2 =	vsel vm13, $0x801, v2;
	v1 =	vsel vm12, $0x802, v1;
	v0 =	vsel vm11, $0x803, v0  }
0xc8: {  	[tilespmem:$0x1FF80] =	vst v4;
	v2 =	vsel vm12, $0x882, v2;
	v1 =	vsel vm11, $0x883, v1;
	v0 =	vsel vm10, $0x884, v0  }
0xc9: {  	[tilespmem:$0x1FF90] =	vst v17;
	v2 =	vsel vm11, $0x903, v2;
	v1 =	vsel vm10, $0x904, v1;
	v0 =	vsel vm9, $0x905, v0  }
0xca: {  	[tilespmem:$0x1FFA0] =	vst v9;
	v2 =	vsel vm10, $0x984, v2;
	v1 =	vsel vm9, $0x985, v1;
	v0 =	vsel vm8, $0x986, v0  }
0xcb: {  	s4 =	srdreg.scid;
	s16 =	simm.s32 $0x7A1400;
	[tilespmem:$0x1FFB0] =	vst v36;
	v2 =	vsel vm9, $0xA05, v2;
	v1 =	vsel vm8, $0xA06, v1;
	v0 =	vsel vm7, $0xA07, v0  }
0xcc: {  	s18 =	stileid.u32;
	s17 =	simm.s32 $0x400;
	s20 =	simm.s32 $0x3000;
	[tilespmem:$0x1FFC0] =	vst v40;
	v2 =	vsel vm8, $0xA86, v2;
	v1 =	vsel vm7, $0xA87, v1;
	v0 =	vsel vm6, $0xA88, v0  }
0xcd: {  	s21 =	simm.s32 $0x8000;
	s22 =	simm.s32 $0x4;
	s23 =	simm.s32 $0x3;
	[tilespmem:$0x1FFD0] =	vst v59;
	v2 =	vsel vm7, $0xB07, v2;
	v1 =	vsel vm6, $0xB08, v1;
	v0 =	vsel vm5, $0xB09, v0  }
0xce: {  	s24 =	simm.s32 $0x0;
	s4 =	sand.u32 $0x1, s4;
	s5 =	sshll.u32 s18, $0x1;
	[tilespmem:$0x1FFE0] =	vst v53;
	v2 =	vsel vm6, $0xB88, v2;
	v1 =	vsel vm5, $0xB89, v1;
	v0 =	vsel vm4, $0xB8A, v0  }
0xcf: {  	s3 =	sadd.s32 $0xC00, s3;
	s8 =	sadd.s32 $0x100, s0;
	s9 =	sadd.s32 $0x180, s0;
	[tilespmem:$0x1FFF0] =	vst v8;
	v2 =	vsel vm5, $0xC09, v2;
	v1 =	vsel vm4, $0xC0A, v1;
	v0 =	vsel vm3, $0xC0B, v0  }
0xd0: {  	p0 =	sgt.u32 s18, $0x1;
	s6 =	ssub.s32 $0x2, s4;
	s12 =	sor.u32 s4, s5;
	[tilespmem:$0x1FF60] =	vst v62;
	v2 =	vsel vm4, $0xC8A, v2;
	v1 =	vsel vm3, $0xC8B, v1;
	v0 =	vsel vm2, $0xC8C, v0  }
0xd1: {  	s5 =	sadd.s32 $0x80, s0;
	s7 =	sshrl.u32 s6, $0x1;
	s4 =	sshll.u32 s12, $0x9;
	[tilespmem:$0x1FF40] =	vst v26;
	v2 =	vsel vm3, $0xD0B, v2;
	v1 =	vsel vm2, $0xD0C, v1;
	v0 =	vsel vm0, $0xD0D, v0  }
0xd2: {  	s14 =	smul.u32 $0x240, s12;
	s12 =	sshll.u32 s12, $0xB;
	s15 =	ssub.s32 s6, s7;
	[tilespmem:$0x1FF50] =	vst v60;
	v2 =	vsel vm2, $0xD8C, v2;
	v46 =	vsel vm1, $0xD8E, v0;
	v0 =	vsel vm0, $0xD8D, v1  }
0xd3: {  	s6 =	sadd.s32 s0, s4;
	s7 =	sadd.s32 s4, s5;
	s10 =	sadd.s32 s4, s8;
	v1 =	vsel vm0, $0xE0D, v2;
	v56 =	vsel vm1, $0xE0E, v0;
	[tilespmem:$0x1FF10] =	vst v46  }
0xd4: {  	s11 =	sadd.s32 s4, s9;
	s12 =	sadd.s32 s3, s12;
	s31 =	sadd.s32 s14, s3;
	v37 =	vsel vm1, $0xE8E, v1;
	[tilespmem:$0x1FF20] =	vst v56  }
0xd5: {  	s13 =	sadd.s32 s1, s14;
	s15 =	smax.u32 s15, $0x1;
	s14 =	sadd.s32 $0x3D0000, s31;
	v50 =	vcombine.low v31, v30;
	v19 =	vcombine.low v20, v19;
	[tilespmem:$0x1FF30] =	vst v37;
	v0 =	vmov v36  }
.LBB2_1:
0xd6: {  	[tilespmem:s2], [sflag:$0x1] =	stream.strided.gather [hbm4b:s6+s17], $0x1000, s16, s17, $0x38;
	[tilespmem:$0x10000] =	vst v63  }
0xd7: {  	s1 =	simm.s32 $0x1000  }
0xd8: {  	[tilespmem:s1], [sflag:$0x1] =	stream.strided.gather [hbm4b:s7+s17], $0x1000, s16, s17, $0x38;
	[tilespmem:$0x10000] =	vst v63  }
0xd9: {  	s31 =	simm.s32 $0x2000  }
0xda: {  	[tilespmem:s31], [sflag:$0x1] =	stream.strided.gather [hbm4b:s10+s17], $0x1000, s16, s17, $0x38;
	[tilespmem:$0x10000] =	vst v63  }
0xdb: {  	s25 =	simm.s32 $0x0  }
0xdc: {  	[tilespmem:s20], [sflag:$0x1] =	stream.strided.gather [hbm4b:s11+s17], $0x1000, s16, s17, $0x38;
	[tilespmem:$0x10000] =	vst v63  }
.LBB2_2:
0xdd: {  	s1 =	sand.u32 $0x1, s25  }
0xde: {  	s3 =	sadd.s32 $0x1, s1  }
0xdf: {  	_ =	swait.ge [sflag:s3], $0x1000  }
0xe0: {  	[sflag:s3] =	ssyncset.done $0x0  }
0xe1: {  	[sflag:s3] =	ssyncadd.s32 $0xFFFFF000  }
0xe2: {  	_ =	swait.ge [sflag:s3], $0x1000  }
0xe3: {  	[sflag:s3] =	ssyncset.done $0x0  }
0xe4: {  	[sflag:s3] =	ssyncadd.s32 $0xFFFFF000  }
0xe5: {  	_ =	swait.ge [sflag:s3], $0x1000  }
0xe6: {  	[sflag:s3] =	ssyncset.done $0x0  }
0xe7: {  	s26 =	sadd.s32 $0x1, s25;
	p1 =	seq.s32 s25, $0x3C;
	[sflag:s3] =	ssyncadd.s32 $0xFFFFF000  }
0xe8: {  	s28 =	sshll.u32 @!p1 s26, $0xE;
	_ =	swait.ge [sflag:s3], $0x1000  }
0xe9: {  	s31 =	simm.s32 @!p1 $0x400;
	s18 =	simm.s32 @!p1 $0x7A1400;
	[sflag:s3] =	ssyncset.done $0x0  }
0xea: {  	s28 =	sor.u32 @!p1 s4, s28;
	[sflag:s3] =	ssyncadd.s32 $0xFFFFF000;
	s3 =	sxor.u32 @!p1 $0x1, s1  }
0xeb: {  	s30 =	sadd.s32 @!p1 s0, s28;
	s29 =	sadd.s32 @!p1 $0x1, s3;
	s3 =	sshll.u32 @!p1 s3, $0xE  }
0xec: {  	[tilespmem:s3], [sflag:s29] =	stream.strided.gather @!p1 [hbm4b:s30+s31], $0x1000, s18, s31, $0x38;
	[tilespmem:$0x10000] =	vst v63  }
0xed: {  	s19 =	sadd.s32 @!p1 s28, s5;
	s30 =	sor.u32 @!p1 $0x1000, s3  }
0xee: {  	[tilespmem:s30], [sflag:s29] =	stream.strided.gather @!p1 [hbm4b:s19+s31], $0x1000, s18, s31, $0x38;
	[tilespmem:$0x10000] =	vst v63  }
0xef: {  	s19 =	sor.u32 @!p1 $0x2000, s3;
	s30 =	sadd.s32 @!p1 s28, s8  }
0xf0: {  	[tilespmem:s19], [sflag:s29] =	stream.strided.gather @!p1 [hbm4b:s30+s31], $0x1000, s18, s31, $0x38;
	[tilespmem:$0x10000] =	vst v63  }
0xf1: {  	p2 =	slt.u32 @!p1 s25, $0x2;
	s3 =	sor.u32 @!p1 $0x3000, s3;
	s19 =	sadd.s32 @!p1 s28, s9  }
0xf2: {  	[tilespmem:s3], [sflag:s29] =	stream.strided.gather @!p1 [hbm4b:s19+s31], $0x1000, s18, s31, $0x38;
	[tilespmem:$0x10000] =	vst v63  }
0xf3: {  	s28 =	sadd.s32 $0x3, s1;
	p1 =	por p1, !p2  }
0xf4: {  	s19 =	simm.s32 $0x0;
	_ =	swait.ge @p1 [sflag:s28], $0x4000  }
0xf5: {  	s30 =	simm.s32 $0x0;
	s29 =	sshll.u32 s1, $0xE;
	s3 =	sand.u32 $0xFFFFF000, s19;
	v2 =	vld [tilespmem:$0x1FDF0]  }
0xf6: {  	s18 =	sand.u32 $0x70, s30;
	s1 =	sadd.s32 s29, s3  }
0xf7: {  	s1 =	sor.u32 s18, s1  }
0xf8: {  	v1 =	vmovc v7;
	v43 =	vmov v8;
	v7 =	vmov v0;
	v8 =	vld [tilespmem:$0x1FE00];
	v0 =	vor.u32 s1, v0;
	_ =	sdelay $0x1  }
0xf9: {  	v13 =	vor.u32 s29, v2  }
0xfa: {  	[sflag:s28] =	ssyncset.done @p1 $0x0;
	v2 =	vand.u32 $0x4180, v13  }
0xfb: {  	[sflag:s28] =	ssyncadd.s32 @p1 $0xFFFFC000;
	[tilespmem:$0x1FDE0] =	vst v2;
	v2 =	vor.u32 s30, v2  }
0xfc: {  	v11 =	vmov v40;
	v0 =	vld.idx.msk [tilespmem:v0+s2+$0x0], $0xffff;
	v3 =	vor.u32 v8, v2  }
0xfd: {  	v33 =	vmov v4;
	v4 =	vor.u32 s1, v11;
	_ =	sdelay $0x3  }
0xfe: {  	[tilespmem:v3+s21+$0x0] =	vst.idx.msk $0xffff, v0  }
0xff: {  	v3 =	vor.u32 v59, v2;
	v0 =	vld.idx.msk [tilespmem:v4+s2+$0x0], $0xffff  }
0x100: {  	v4 =	vor.u32 s1, v53;
	_ =	sdelay $0x3  }
0x101: {  	[tilespmem:v3+s21+$0x0] =	vst.idx.msk $0xffff, v0  }
0x102: {  	v3 =	vor.u32 v54, v2;
	v0 =	vld.idx.msk [tilespmem:v4+s2+$0x0], $0xffff  }
0x103: {  	v4 =	vor.u32 s1, v51;
	_ =	sdelay $0x3  }
0x104: {  	[tilespmem:v3+s21+$0x0] =	vst.idx.msk $0xffff, v0  }
0x105: {  	v3 =	vor.u32 v35, v2;
	v0 =	vld.idx.msk [tilespmem:v4+s2+$0x0], $0xffff  }
0x106: {  	v4 =	vor.u32 s1, v38;
	_ =	sdelay $0x3  }
0x107: {  	[tilespmem:v3+s21+$0x0] =	vst.idx.msk $0xffff, v0  }
0x108: {  	v3 =	vor.u32 v39, v2;
	v0 =	vld.idx.msk [tilespmem:v4+s2+$0x0], $0xffff  }
0x109: {  	v4 =	vor.u32 s1, v41;
	_ =	sdelay $0x3  }
0x10a: {  	[tilespmem:v3+s21+$0x0] =	vst.idx.msk $0xffff, v0  }
0x10b: {  	v3 =	vor.u32 v50, v2;
	v0 =	vld.idx.msk [tilespmem:v4+s2+$0x0], $0xffff  }
0x10c: {  	v4 =	vor.u32 s1, v14;
	_ =	sdelay $0x3  }
0x10d: {  	[tilespmem:v3+s21+$0x0] =	vst.idx.msk $0xffff, v0  }
0x10e: {  	v3 =	vor.u32 v15, v2;
	v0 =	vld.idx.msk [tilespmem:v4+s2+$0x0], $0xffff  }
0x10f: {  	v4 =	vor.u32 s1, v16;
	_ =	sdelay $0x3  }
0x110: {  	[tilespmem:v3+s21+$0x0] =	vst.idx.msk $0xffff, v0  }
0x111: {  	v3 =	vor.u32 v19, v2;
	v0 =	vld.idx.msk [tilespmem:v4+s2+$0x0], $0xffff  }
0x112: {  	v4 =	vor.u32 s1, v42;
	_ =	sdelay $0x3  }
0x113: {  	[tilespmem:v3+s21+$0x0] =	vst.idx.msk $0xffff, v0  }
0x114: {  	v3 =	vor.u32 v28, v2;
	v0 =	vld.idx.msk [tilespmem:v4+s2+$0x0], $0xffff  }
0x115: {  	v4 =	vor.u32 s1, v5;
	_ =	sdelay $0x3  }
0x116: {  	[tilespmem:v3+s21+$0x0] =	vst.idx.msk $0xffff, v0  }
0x117: {  	v3 =	vor.u32 v47, v2;
	v0 =	vld.idx.msk [tilespmem:v4+s2+$0x0], $0xffff  }
0x118: {  	v4 =	vor.u32 s1, v29;
	_ =	sdelay $0x3  }
0x119: {  	[tilespmem:v3+s21+$0x0] =	vst.idx.msk $0xffff, v0  }
0x11a: {  	v3 =	vor.u32 v48, v2;
	v0 =	vld.idx.msk [tilespmem:v4+s2+$0x0], $0xffff  }
0x11b: {  	v4 =	vor.u32 s1, v44;
	_ =	sdelay $0x3  }
0x11c: {  	[tilespmem:v3+s21+$0x0] =	vst.idx.msk $0xffff, v0  }
0x11d: {  	v3 =	vor.u32 v45, v2;
	v0 =	vld.idx.msk [tilespmem:v4+s2+$0x0], $0xffff  }
0x11e: {  	v4 =	vor.u32 s1, v24;
	_ =	sdelay $0x3  }
0x11f: {  	[tilespmem:v3+s21+$0x0] =	vst.idx.msk $0xffff, v0  }
0x120: {  	v34 =	vmov v17;
	v3 =	vor.u32 v33, v2;
	v0 =	vld.idx.msk [tilespmem:v4+s2+$0x0], $0xffff  }
0x121: {  	v4 =	vor.u32 s1, v34;
	_ =	sdelay $0x3  }
0x122: {  	[tilespmem:v3+s21+$0x0] =	vst.idx.msk $0xffff, v0  }
0x123: {  	v3 =	vor.u32 v10, v2;
	v0 =	vld.idx.msk [tilespmem:v4+s2+$0x0], $0xffff  }
0x124: {  	v4 =	vor.u32 s1, v9;
	_ =	sdelay $0x2  }
0x125: {  	v6 =	vld [tilespmem:$0x1FF00]  }
0x126: {  	v62 =	vmov v22;
	v22 =	vmov v5;
	v5 =	vld [tilespmem:$0x1FEF0];
	[tilespmem:v3+s21+$0x0] =	vst.idx.msk $0xffff, v0  }
0x127: {  	v46 =	vmov v21;
	v3 =	vor.u32 v43, v2;
	v0 =	vld.idx.msk [tilespmem:v4+s2+$0x0], $0xffff  }
0x128: {  	v4 =	vor.u32 s1, v46;
	_ =	sdelay $0x2  }
0x129: {  	v5 =	vcombine.low v5, v6  }
0x12a: {  	[tilespmem:v3+s21+$0x0] =	vst.idx.msk $0xffff, v0  }
0x12b: {  	v2 =	vor.u32 v5, v2;
	v3 =	vor.u32 $0x800, v7;
	v0 =	vld.idx.msk [tilespmem:v4+s2+$0x0], $0xffff  }
0x12c: {  	v4 =	vor.u32 s1, v3;
	_ =	sdelay $0x1  }
0x12d: {  	v18 =	vld [tilespmem:$0x1FE20]  }
0x12e: {  	s19 =	simm.s32 $0x10;
	v6 =	vld [tilespmem:$0x1FE10]  }
0x12f: {  	v33 =	vmov v3;
	v3 =	vor.u32 s19, v13;
	[tilespmem:v2+s21+$0x0] =	vst.idx.msk $0xffff, v0;
	v2 =	vlaneseq.u32  }
0x130: {  	v0 =	vld.idx.msk [tilespmem:v4+s2+$0x0], $0xffff;
	v2 =	vor.u32 v2, v3  }
0x131: {  	v4 =	vor.u32 s1, v49;
	_ =	sdelay $0x1  }
0x132: {  	v27 =	vmov v55;
	v55 =	vld [tilespmem:$0x1FE30];
	v21 =	vmov v5;
	v5 =	vcombine.low v18, v6  }
0x133: {  	v37 =	vld [tilespmem:$0x1FE40]  }
0x134: {  	[tilespmem:v2+s21+$0x0] =	vst.idx.msk $0xffff, v0;
	v2 =	vand.u32 $0xF, v5  }
0x135: {  	v23 =	vmov v52;
	v0 =	vld.idx.msk [tilespmem:v4+s2+$0x0], $0xffff;
	v34 =	vmov v2;
	v2 =	vor.u32 v2, v3  }
0x136: {  	v4 =	vor.u32 s1, v23  }
0x137: {  	v56 =	vmov v57;
	v57 =	vmov v53;
	v53 =	vld [tilespmem:$0x1FE50]  }
0x138: {  	v9 =	vmovc v35;
	v35 =	vmovc v8;
	v8 =	vmov v51;
	v51 =	vmov v54;
	v54 =	vld [tilespmem:$0x1FE60];
	v5 =	vcombine.low v37, v55;
	_ =	sdelay $0x1  }
0x139: {  	[tilespmem:v2+s21+$0x0] =	vst.idx.msk $0xffff, v0;
	v2 =	vand.u32 $0xF, v5  }
0x13a: {  	v0 =	vld.idx.msk [tilespmem:v4+s2+$0x0], $0xffff;
	v40 =	vmov v2;
	v2 =	vor.u32 v2, v3  }
0x13b: {  	v4 =	vor.u32 s1, v27  }
0x13c: {  	v5 =	vcombine.low v54, v53  }
0x13d: {  	v52 =	vmov v46;
	v46 =	vld [tilespmem:$0x1FE70]  }
0x13e: {  	v31 =	vmov v12;
	v12 =	vand.u32 $0xF, v5;
	v5 =	vld [tilespmem:$0x1FE80]  }
0x13f: {  	[tilespmem:v2+s21+$0x0] =	vst.idx.msk $0xffff, v0  }
0x140: {  	v2 =	vor.u32 v12, v3;
	v0 =	vld.idx.msk [tilespmem:v4+s2+$0x0], $0xffff  }
0x141: {  	v4 =	vor.u32 s1, v32;
	_ =	sdelay $0x1  }
0x142: {  	v5 =	vcombine.low v5, v46;
	_ =	sdelay $0x1  }
0x143: {  	v10 =	vmovc v38;
	v38 =	vmovc v11;
	v11 =	vmov v39;
	v39 =	vmov v59;
	v43 =	vld [tilespmem:$0x1FE90];
	v59 =	vand.u32 $0xF, v5;
	[tilespmem:v2+s21+$0x0] =	vst.idx.msk $0xffff, v0  }
0x144: {  	v2 =	vor.u32 v59, v3;
	v0 =	vld.idx.msk [tilespmem:v4+s2+$0x0], $0xffff  }
0x145: {  	v36 =	vmovc v7;
	v7 =	vmov v13;
	v13 =	vmov v56;
	v4 =	vor.u32 s1, v56;
	v56 =	vld [tilespmem:$0x1FEA0];
	_ =	sdelay $0x3  }
0x146: {  	[tilespmem:v2+s21+$0x0] =	vst.idx.msk $0xffff, v0  }
0x147: {  	v5 =	vcombine.low v56, v43;
	v0 =	vld.idx.msk [tilespmem:v4+s2+$0x0], $0xffff  }
0x148: {  	v20 =	vmov v1;
	v4 =	vor.u32 s1, v1;
	v1 =	vld [tilespmem:$0x1FEB0]  }
0x149: {  	v17 =	vand.u32 $0xF, v5;
	v5 =	vld [tilespmem:$0x1FEC0];
	_ =	sdelay $0x2  }
0x14a: {  	v2 =	vor.u32 v17, v3;
	_ =	sdelay $0x1  }
0x14b: {  	v5 =	vcombine.low v5, v1  }
0x14c: {  	v25 =	vld [tilespmem:$0x1FED0]  }
0x14d: {  	v30 =	vand.u32 $0xF, v5;
	v5 =	vld [tilespmem:$0x1FEE0]  }
0x14e: {  	[tilespmem:v2+s21+$0x0] =	vst.idx.msk $0xffff, v0  }
0x14f: {  	v0 =	vld.idx.msk [tilespmem:v4+s2+$0x0], $0xffff;
	v2 =	vor.u32 v30, v3  }
0x150: {  	v4 =	vor.u32 s1, v31;
	_ =	sdelay $0x1  }
0x151: {  	v5 =	vcombine.low v5, v25;
	_ =	sdelay $0x1  }
0x152: {  	[tilespmem:v2+s21+$0x0] =	vst.idx.msk $0xffff, v0;
	v25 =	vand.u32 $0xF, v5  }
0x153: {  	v0 =	vld.idx.msk [tilespmem:v4+s2+$0x0], $0xffff;
	v2 =	vor.u32 v25, v3  }
0x154: {  	v4 =	vor.u32 s1, v63;
	_ =	sdelay $0x3  }
0x155: {  	[tilespmem:v2+s21+$0x0] =	vst.idx.msk $0xffff, v0  }
0x156: {  	v2 =	vor.u32 v61, v3;
	v0 =	vld.idx.msk [tilespmem:v4+s2+$0x0], $0xffff  }
0x157: {  	v4 =	vor.u32 s1, v62;
	_ =	sdelay $0x3  }
0x158: {  	[tilespmem:v2+s21+$0x0] =	vst.idx.msk $0xffff, v0  }
0x159: {  	v0 =	vld.idx.msk [tilespmem:v4+s2+$0x0], $0xffff  }
0x15a: {  	v4 =	vld [tilespmem:$0x1FF60]  }
0x15b: {  	v5 =	vcombine.low v6, v18;
	_ =	sdelay $0x1  }
0x15c: {  	v18 =	vand.u32 $0xF, v5  }
0x15d: {  	v2 =	vor.u32 v18, v3  }
0x15e: {  	v1 =	vmovc v31;
	v31 =	vmov v62;
	v62 =	vmov v4;
	v4 =	vor.u32 s1, v4;
	_ =	sdelay $0x3  }
0x15f: {  	[tilespmem:v2+s21+$0x0] =	vst.idx.msk $0xffff, v0  }
0x160: {  	v0 =	vld.idx.msk [tilespmem:v4+s2+$0x0], $0xffff  }
0x161: {  	v4 =	vld [tilespmem:$0x1FF50]  }
0x162: {  	v5 =	vcombine.low v55, v37;
	_ =	sdelay $0x1  }
0x163: {  	v58 =	vand.u32 $0xF, v5  }
0x164: {  	v2 =	vor.u32 v58, v3  }
0x165: {  	v60 =	vmov v4;
	v4 =	vor.u32 s1, v4;
	_ =	sdelay $0x3  }
0x166: {  	[tilespmem:v2+s21+$0x0] =	vst.idx.msk $0xffff, v0  }
0x167: {  	v0 =	vld.idx.msk [tilespmem:v4+s2+$0x0], $0xffff  }
0x168: {  	v4 =	vld [tilespmem:$0x1FF40]  }
0x169: {  	v5 =	vcombine.low v53, v54;
	_ =	sdelay $0x1  }
0x16a: {  	v55 =	vand.u32 $0xF, v5  }
0x16b: {  	v2 =	vor.u32 v55, v3  }
0x16c: {  	v26 =	vmov v4;
	v4 =	vor.u32 s1, v4;
	_ =	sdelay $0x1  }
0x16d: {  	v5 =	vld [tilespmem:$0x1FE80];
	_ =	sdelay $0x1  }
0x16e: {  	[tilespmem:v2+s21+$0x0] =	vst.idx.msk $0xffff, v0  }
0x16f: {  	v0 =	vld.idx.msk [tilespmem:v4+s2+$0x0], $0xffff  }
0x170: {  	v4 =	vld [tilespmem:$0x1FF10]  }
0x171: {  	v5 =	vcombine.low v46, v5;
	_ =	sdelay $0x1  }
0x172: {  	v53 =	vand.u32 $0xF, v5  }
0x173: {  	v2 =	vor.u32 v53, v3  }
0x174: {  	v46 =	vmov v4;
	v4 =	vor.u32 s1, v4;
	_ =	sdelay $0x2  }
0x175: {  	v5 =	vcombine.low v43, v56  }
0x176: {  	[tilespmem:v2+s21+$0x0] =	vst.idx.msk $0xffff, v0  }
0x177: {  	v54 =	vand.u32 $0xF, v5;
	v0 =	vld.idx.msk [tilespmem:v4+s2+$0x0], $0xffff  }
0x178: {  	v2 =	vor.u32 v54, v3;
	v4 =	vld [tilespmem:$0x1FF20]  }
0x179: {  	v6 =	vld [tilespmem:$0x1FEC0]  }
0x17a: {  	v5 =	vld [tilespmem:$0x1FEB0]  }
0x17b: {  	v37 =	vld [tilespmem:$0x1FF30]  }
0x17c: {  	v43 =	vld [tilespmem:$0x1FED0]  }
0x17d: {  	v56 =	vmov v4;
	v4 =	vor.u32 s1, v4;
	[tilespmem:v2+s21+$0x0] =	vst.idx.msk $0xffff, v0;
	v2 =	vld [tilespmem:$0x1FEE0];
	_ =	sdelay $0x1  }
0x17e: {  	v5 =	vcombine.low v5, v6;
	_ =	sdelay $0x1  }
0x17f: {  	v0 =	vand.u32 $0xF, v5  }
0x180: {  	s31 =	simm.s32 $0x0;
	s3 =	simm.s32 $0x200;
	v6 =	vor.u32 v0, v3;
	v5 =	vld.idx.msk [tilespmem:v4+s2+$0x0], $0xffff;
	v4 =	vor.u32 s1, v37;
	s1 =	simm.s32 $0x2;
	v2 =	vcombine.low v43, v2  }
.LBB2_3:
0x181: {  	_ =	sdelay $0x3  }
0x182: {  	[tilespmem:v6+s21+$0x0] =	vst.idx.msk $0xffff, v5;
	v5 =	vand.u32 $0xF, v2  }
0x183: {  	v4 =	vld.idx.msk [tilespmem:v4+s2+$0x0], $0xffff;
	v3 =	vor.u32 v5, v3;
	_ =	sdelay $0x2  }
0x184: {  	s3 =	sand.u32 $0xFFFFF000, s3;
	s30 =	sadd.s32 $0x10, s30  }
0x185: {  	s18 =	sand.u32 $0x70, s30;
	s3 =	sadd.s32 s29, s3  }
0x186: {  	s3 =	sor.u32 s18, s3;
	[tilespmem:v3+s21+$0x0] =	vst.idx.msk $0xffff, v4;
	v3 =	vld [tilespmem:$0x1FDE0]  }
0x187: {  	v5 =	vor.u32 s3, v36;
	_ =	sdelay $0x2  }
0x188: {  	s31 =	sadd.s32 $0x200, s31  }
0x189: {  	v3 =	vor.u32 s31, v3  }
0x18a: {  	v4 =	vld.idx.msk [tilespmem:v5+s2+$0x0], $0xffff;
	v5 =	vor.u32 v35, v3  }
0x18b: {  	v6 =	vor.u32 s3, v38;
	_ =	sdelay $0x3  }
0x18c: {  	[tilespmem:v5+s21+$0x0] =	vst.idx.msk $0xffff, v4  }
0x18d: {  	v5 =	vor.u32 v39, v3;
	v4 =	vld.idx.msk [tilespmem:v6+s2+$0x0], $0xffff  }
0x18e: {  	v6 =	vor.u32 s3, v57;
	_ =	sdelay $0x3  }
0x18f: {  	[tilespmem:v5+s21+$0x0] =	vst.idx.msk $0xffff, v4  }
0x190: {  	v5 =	vor.u32 v51, v3;
	v4 =	vld.idx.msk [tilespmem:v6+s2+$0x0], $0xffff  }
0x191: {  	v6 =	vor.u32 s3, v8;
	_ =	sdelay $0x3  }
0x192: {  	[tilespmem:v5+s21+$0x0] =	vst.idx.msk $0xffff, v4  }
0x193: {  	v5 =	vor.u32 v9, v3;
	v4 =	vld.idx.msk [tilespmem:v6+s2+$0x0], $0xffff  }
0x194: {  	v6 =	vor.u32 s3, v10;
	_ =	sdelay $0x3  }
0x195: {  	[tilespmem:v5+s21+$0x0] =	vst.idx.msk $0xffff, v4  }
0x196: {  	v5 =	vor.u32 v11, v3;
	v4 =	vld.idx.msk [tilespmem:v6+s2+$0x0], $0xffff  }
0x197: {  	v6 =	vor.u32 s3, v41;
	_ =	sdelay $0x3  }
0x198: {  	[tilespmem:v5+s21+$0x0] =	vst.idx.msk $0xffff, v4  }
0x199: {  	v5 =	vor.u32 v50, v3;
	v4 =	vld.idx.msk [tilespmem:v6+s2+$0x0], $0xffff  }
0x19a: {  	v6 =	vor.u32 s3, v14;
	_ =	sdelay $0x3  }
0x19b: {  	[tilespmem:v5+s21+$0x0] =	vst.idx.msk $0xffff, v4  }
0x19c: {  	v5 =	vor.u32 v15, v3;
	v4 =	vld.idx.msk [tilespmem:v6+s2+$0x0], $0xffff  }
0x19d: {  	v6 =	vor.u32 s3, v16;
	_ =	sdelay $0x3  }
0x19e: {  	[tilespmem:v5+s21+$0x0] =	vst.idx.msk $0xffff, v4  }
0x19f: {  	v5 =	vor.u32 v19, v3;
	v4 =	vld.idx.msk [tilespmem:v6+s2+$0x0], $0xffff  }
0x1a0: {  	v6 =	vor.u32 s3, v42;
	_ =	sdelay $0x3  }
0x1a1: {  	[tilespmem:v5+s21+$0x0] =	vst.idx.msk $0xffff, v4  }
0x1a2: {  	v5 =	vor.u32 v28, v3;
	v4 =	vld.idx.msk [tilespmem:v6+s2+$0x0], $0xffff  }
0x1a3: {  	v6 =	vor.u32 s3, v22;
	_ =	sdelay $0x3  }
0x1a4: {  	[tilespmem:v5+s21+$0x0] =	vst.idx.msk $0xffff, v4  }
0x1a5: {  	v5 =	vor.u32 v47, v3;
	v4 =	vld.idx.msk [tilespmem:v6+s2+$0x0], $0xffff  }
0x1a6: {  	v6 =	vor.u32 s3, v29;
	_ =	sdelay $0x3  }
0x1a7: {  	[tilespmem:v5+s21+$0x0] =	vst.idx.msk $0xffff, v4  }
0x1a8: {  	v5 =	vor.u32 v48, v3;
	v4 =	vld.idx.msk [tilespmem:v6+s2+$0x0], $0xffff  }
0x1a9: {  	v6 =	vor.u32 s3, v44;
	_ =	sdelay $0x3  }
0x1aa: {  	[tilespmem:v5+s21+$0x0] =	vst.idx.msk $0xffff, v4  }
0x1ab: {  	v5 =	vor.u32 v45, v3;
	v4 =	vld.idx.msk [tilespmem:v6+s2+$0x0], $0xffff;
	_ =	sdelay $0x2  }
0x1ac: {  	v6 =	vor.u32 s3, v24;
	_ =	sdelay $0x1  }
0x1ad: {  	[tilespmem:v5+s21+$0x0] =	vst.idx.msk $0xffff, v4;
	v5 =	vld [tilespmem:$0x1FF80];
	_ =	sdelay $0x2  }
0x1ae: {  	v4 =	vld.idx.msk [tilespmem:v6+s2+$0x0], $0xffff  }
0x1af: {  	v6 =	vld [tilespmem:$0x1FF90]  }
0x1b0: {  	v5 =	vor.u32 v5, v3;
	_ =	sdelay $0x3  }
0x1b1: {  	v6 =	vor.u32 s3, v6  }
0x1b2: {  	[tilespmem:v5+s21+$0x0] =	vst.idx.msk $0xffff, v4;
	v5 =	vld [tilespmem:$0x1FF70];
	_ =	sdelay $0x3  }
0x1b3: {  	v4 =	vld.idx.msk [tilespmem:v6+s2+$0x0], $0xffff  }
0x1b4: {  	v6 =	vld [tilespmem:$0x1FFA0];
	v5 =	vor.u32 v5, v3;
	_ =	sdelay $0x4  }
0x1b5: {  	v6 =	vor.u32 s3, v6;
	[tilespmem:v5+s21+$0x0] =	vst.idx.msk $0xffff, v4;
	v5 =	vld [tilespmem:$0x1FFF0];
	_ =	sdelay $0x4  }
0x1b6: {  	v4 =	vld.idx.msk [tilespmem:v6+s2+$0x0], $0xffff;
	v5 =	vor.u32 v5, v3  }
0x1b7: {  	v6 =	vor.u32 s3, v52;
	_ =	sdelay $0x3  }
0x1b8: {  	[tilespmem:v5+s21+$0x0] =	vst.idx.msk $0xffff, v4  }
0x1b9: {  	v3 =	vor.u32 v21, v3;
	v4 =	vld.idx.msk [tilespmem:v6+s2+$0x0], $0xffff  }
0x1ba: {  	v5 =	vor.u32 s3, v33;
	_ =	sdelay $0x3  }
0x1bb: {  	s19 =	sadd.s32 $0x10, s31;
	[tilespmem:v3+s21+$0x0] =	vst.idx.msk $0xffff, v4  }
0x1bc: {  	v3 =	vor.u32 s19, v7;
	v4 =	vld.idx.msk [tilespmem:v5+s2+$0x0], $0xffff;
	v5 =	vlaneseq.u32  }
0x1bd: {  	v5 =	vor.u32 v5, v3  }
0x1be: {  	v6 =	vor.u32 s3, v49;
	_ =	sdelay $0x3  }
0x1bf: {  	[tilespmem:v5+s21+$0x0] =	vst.idx.msk $0xffff, v4  }
0x1c0: {  	v5 =	vor.u32 v34, v3;
	v4 =	vld.idx.msk [tilespmem:v6+s2+$0x0], $0xffff  }
0x1c1: {  	v6 =	vor.u32 s3, v23;
	_ =	sdelay $0x3  }
0x1c2: {  	[tilespmem:v5+s21+$0x0] =	vst.idx.msk $0xffff, v4  }
0x1c3: {  	v5 =	vor.u32 v40, v3;
	v4 =	vld.idx.msk [tilespmem:v6+s2+$0x0], $0xffff  }
0x1c4: {  	v6 =	vor.u32 s3, v27;
	_ =	sdelay $0x3  }
0x1c5: {  	[tilespmem:v5+s21+$0x0] =	vst.idx.msk $0xffff, v4  }
0x1c6: {  	v5 =	vor.u32 v12, v3;
	v4 =	vld.idx.msk [tilespmem:v6+s2+$0x0], $0xffff  }
0x1c7: {  	v6 =	vor.u32 s3, v32;
	_ =	sdelay $0x3  }
0x1c8: {  	[tilespmem:v5+s21+$0x0] =	vst.idx.msk $0xffff, v4  }
0x1c9: {  	v5 =	vor.u32 v59, v3;
	v4 =	vld.idx.msk [tilespmem:v6+s2+$0x0], $0xffff  }
0x1ca: {  	v6 =	vor.u32 s3, v13;
	_ =	sdelay $0x3  }
0x1cb: {  	[tilespmem:v5+s21+$0x0] =	vst.idx.msk $0xffff, v4  }
0x1cc: {  	v5 =	vor.u32 v17, v3;
	v4 =	vld.idx.msk [tilespmem:v6+s2+$0x0], $0xffff  }
0x1cd: {  	v6 =	vor.u32 s3, v20;
	_ =	sdelay $0x3  }
0x1ce: {  	[tilespmem:v5+s21+$0x0] =	vst.idx.msk $0xffff, v4  }
0x1cf: {  	v5 =	vor.u32 v30, v3;
	v4 =	vld.idx.msk [tilespmem:v6+s2+$0x0], $0xffff  }
0x1d0: {  	v6 =	vor.u32 s3, v1;
	_ =	sdelay $0x3  }
0x1d1: {  	[tilespmem:v5+s21+$0x0] =	vst.idx.msk $0xffff, v4  }
0x1d2: {  	v5 =	vor.u32 v25, v3;
	v4 =	vld.idx.msk [tilespmem:v6+s2+$0x0], $0xffff  }
0x1d3: {  	v6 =	vor.u32 s3, v63;
	_ =	sdelay $0x3  }
0x1d4: {  	[tilespmem:v5+s21+$0x0] =	vst.idx.msk $0xffff, v4  }
0x1d5: {  	v5 =	vor.u32 v61, v3;
	v4 =	vld.idx.msk [tilespmem:v6+s2+$0x0], $0xffff  }
0x1d6: {  	v6 =	vor.u32 s3, v31;
	_ =	sdelay $0x3  }
0x1d7: {  	[tilespmem:v5+s21+$0x0] =	vst.idx.msk $0xffff, v4  }
0x1d8: {  	v5 =	vor.u32 v18, v3;
	v4 =	vld.idx.msk [tilespmem:v6+s2+$0x0], $0xffff  }
0x1d9: {  	v6 =	vor.u32 s3, v62;
	_ =	sdelay $0x3  }
0x1da: {  	[tilespmem:v5+s21+$0x0] =	vst.idx.msk $0xffff, v4  }
0x1db: {  	v5 =	vor.u32 v58, v3;
	v4 =	vld.idx.msk [tilespmem:v6+s2+$0x0], $0xffff  }
0x1dc: {  	v6 =	vor.u32 s3, v60;
	_ =	sdelay $0x3  }
0x1dd: {  	[tilespmem:v5+s21+$0x0] =	vst.idx.msk $0xffff, v4  }
0x1de: {  	v5 =	vor.u32 v55, v3;
	v4 =	vld.idx.msk [tilespmem:v6+s2+$0x0], $0xffff  }
0x1df: {  	v6 =	vor.u32 s3, v26;
	_ =	sdelay $0x3  }
0x1e0: {  	[tilespmem:v5+s21+$0x0] =	vst.idx.msk $0xffff, v4  }
0x1e1: {  	v5 =	vor.u32 v53, v3;
	v4 =	vld.idx.msk [tilespmem:v6+s2+$0x0], $0xffff  }
0x1e2: {  	v6 =	vor.u32 s3, v46;
	_ =	sdelay $0x3  }
0x1e3: {  	[tilespmem:v5+s21+$0x0] =	vst.idx.msk $0xffff, v4  }
0x1e4: {  	v5 =	vor.u32 v54, v3;
	v4 =	vld.idx.msk [tilespmem:v6+s2+$0x0], $0xffff  }
0x1e5: {  	p1 =	sne.s32 s1, $0x1F;
	v6 =	vor.u32 s3, v56  }
.Ltmp0:
0x1e6: {  	_ = 	snop;
	(pc) =	sbr.rel @p1 .LBB2_3-.Ltmp0, $3  }
0x1e7: {  	_ =	sdelay $0x1  }
0x1e8: {  	[tilespmem:v5+s21+$0x0] =	vst.idx.msk $0xffff, v4  }
0x1e9: {  	v4 =	vor.u32 s3, v37;
	s3 =	sshll.u32 s1, $0x9;
	s1 =	sadd.s32 $0x1, s1;
	v5 =	vld.idx.msk [tilespmem:v6+s2+$0x0], $0xffff;
	v6 =	vor.u32 v0, v3  }
0x1ea: {  	_ =	sdelay $0x3  }
0x1eb: {  	v2 =	vand.u32 $0xF, v2;
	[tilespmem:v6+s21+$0x0] =	vst.idx.msk $0xffff, v5  }
0x1ec: {  	v3 =	vor.u32 v2, v3;
	v4 =	vld.idx.msk [tilespmem:v4+s2+$0x0], $0xffff;
	_ =	sdelay $0x2  }
0x1ed: {  	s1 =	sand.u32 $0xFFFFF000, s3;
	s18 =	sadd.s32 $0x10, s30  }
0x1ee: {  	s3 =	sand.u32 $0x70, s18;
	s1 =	sadd.s32 s29, s1  }
0x1ef: {  	s1 =	sor.u32 s3, s1;
	[tilespmem:v3+s21+$0x0] =	vst.idx.msk $0xffff, v4;
	v3 =	vld [tilespmem:$0x1FDE0]  }
0x1f0: {  	v5 =	vor.u32 s1, v36;
	_ =	sdelay $0x2  }
0x1f1: {  	s19 =	sadd.s32 $0x200, s31  }
0x1f2: {  	v3 =	vor.u32 s19, v3  }
0x1f3: {  	v4 =	vld.idx.msk [tilespmem:v5+s2+$0x0], $0xffff;
	v5 =	vor.u32 v35, v3  }
0x1f4: {  	v6 =	vor.u32 s1, v38;
	_ =	sdelay $0x3  }
0x1f5: {  	[tilespmem:v5+s21+$0x0] =	vst.idx.msk $0xffff, v4  }
0x1f6: {  	v5 =	vor.u32 v39, v3;
	v4 =	vld.idx.msk [tilespmem:v6+s2+$0x0], $0xffff  }
0x1f7: {  	v6 =	vor.u32 s1, v57;
	_ =	sdelay $0x3  }
0x1f8: {  	[tilespmem:v5+s21+$0x0] =	vst.idx.msk $0xffff, v4  }
0x1f9: {  	v5 =	vor.u32 v51, v3;
	v4 =	vld.idx.msk [tilespmem:v6+s2+$0x0], $0xffff  }
0x1fa: {  	v6 =	vor.u32 s1, v8;
	_ =	sdelay $0x3  }
0x1fb: {  	[tilespmem:v5+s21+$0x0] =	vst.idx.msk $0xffff, v4  }
0x1fc: {  	v5 =	vor.u32 v9, v3;
	v4 =	vld.idx.msk [tilespmem:v6+s2+$0x0], $0xffff  }
0x1fd: {  	v6 =	vor.u32 s1, v10;
	_ =	sdelay $0x3  }
0x1fe: {  	[tilespmem:v5+s21+$0x0] =	vst.idx.msk $0xffff, v4  }
0x1ff: {  	v5 =	vor.u32 v11, v3;
	v4 =	vld.idx.msk [tilespmem:v6+s2+$0x0], $0xffff  }
0x200: {  	v6 =	vor.u32 s1, v41;
	_ =	sdelay $0x3  }
0x201: {  	[tilespmem:v5+s21+$0x0] =	vst.idx.msk $0xffff, v4  }
0x202: {  	v5 =	vor.u32 v50, v3;
	v4 =	vld.idx.msk [tilespmem:v6+s2+$0x0], $0xffff  }
0x203: {  	v6 =	vor.u32 s1, v14;
	_ =	sdelay $0x3  }
0x204: {  	[tilespmem:v5+s21+$0x0] =	vst.idx.msk $0xffff, v4  }
0x205: {  	v5 =	vor.u32 v15, v3;
	v4 =	vld.idx.msk [tilespmem:v6+s2+$0x0], $0xffff  }
0x206: {  	v6 =	vor.u32 s1, v16;
	_ =	sdelay $0x3  }
0x207: {  	[tilespmem:v5+s21+$0x0] =	vst.idx.msk $0xffff, v4  }
0x208: {  	v5 =	vor.u32 v19, v3;
	v4 =	vld.idx.msk [tilespmem:v6+s2+$0x0], $0xffff  }
0x209: {  	v6 =	vor.u32 s1, v42;
	_ =	sdelay $0x3  }
0x20a: {  	[tilespmem:v5+s21+$0x0] =	vst.idx.msk $0xffff, v4  }
0x20b: {  	v5 =	vor.u32 v28, v3;
	v4 =	vld.idx.msk [tilespmem:v6+s2+$0x0], $0xffff  }
0x20c: {  	v6 =	vor.u32 s1, v22;
	_ =	sdelay $0x3  }
0x20d: {  	[tilespmem:v5+s21+$0x0] =	vst.idx.msk $0xffff, v4  }
0x20e: {  	v5 =	vor.u32 v47, v3;
	v4 =	vld.idx.msk [tilespmem:v6+s2+$0x0], $0xffff  }
0x20f: {  	v6 =	vor.u32 s1, v29;
	_ =	sdelay $0x3  }
0x210: {  	[tilespmem:v5+s21+$0x0] =	vst.idx.msk $0xffff, v4  }
0x211: {  	v5 =	vor.u32 v48, v3;
	v4 =	vld.idx.msk [tilespmem:v6+s2+$0x0], $0xffff  }
0x212: {  	v6 =	vor.u32 s1, v44;
	_ =	sdelay $0x3  }
0x213: {  	[tilespmem:v5+s21+$0x0] =	vst.idx.msk $0xffff, v4  }
0x214: {  	v5 =	vor.u32 v45, v3;
	v4 =	vld.idx.msk [tilespmem:v6+s2+$0x0], $0xffff  }
0x215: {  	v36 =	vld [tilespmem:$0x1FF80];
	v6 =	vor.u32 s1, v24  }
0x216: {  	v39 =	vmov v11;
	v11 =	vld [tilespmem:$0x1FF90];
	_ =	sdelay $0x2  }
0x217: {  	[tilespmem:v5+s21+$0x0] =	vst.idx.msk $0xffff, v4  }
0x218: {  	v5 =	vor.u32 v36, v3;
	v4 =	vld.idx.msk [tilespmem:v6+s2+$0x0], $0xffff  }
0x219: {  	v38 =	vmov v10;
	v10 =	vld [tilespmem:$0x1FF70];
	v6 =	vor.u32 s1, v11  }
0x21a: {  	v35 =	vmov v9;
	v9 =	vld [tilespmem:$0x1FFA0];
	_ =	sdelay $0x2  }
0x21b: {  	[tilespmem:v5+s21+$0x0] =	vst.idx.msk $0xffff, v4  }
0x21c: {  	v5 =	vor.u32 v10, v3;
	v4 =	vld.idx.msk [tilespmem:v6+s2+$0x0], $0xffff  }
0x21d: {  	v57 =	vmov v51;
	v51 =	vmov v8;
	v8 =	vld [tilespmem:$0x1FFF0];
	v6 =	vor.u32 s1, v9;
	_ =	sdelay $0x3  }
0x21e: {  	[tilespmem:v5+s21+$0x0] =	vst.idx.msk $0xffff, v4  }
0x21f: {  	v5 =	vor.u32 v8, v3;
	v4 =	vld.idx.msk [tilespmem:v6+s2+$0x0], $0xffff  }
0x220: {  	v6 =	vor.u32 s1, v52;
	_ =	sdelay $0x3  }
0x221: {  	[tilespmem:v5+s21+$0x0] =	vst.idx.msk $0xffff, v4  }
0x222: {  	v3 =	vor.u32 v21, v3;
	v4 =	vld.idx.msk [tilespmem:v6+s2+$0x0], $0xffff  }
0x223: {  	v5 =	vor.u32 s1, v33;
	_ =	sdelay $0x3  }
0x224: {  	s3 =	sadd.s32 $0x10, s19;
	[tilespmem:v3+s21+$0x0] =	vst.idx.msk $0xffff, v4  }
0x225: {  	v3 =	vor.u32 s3, v7;
	v4 =	vld.idx.msk [tilespmem:v5+s2+$0x0], $0xffff;
	v5 =	vlaneseq.u32  }
0x226: {  	v5 =	vor.u32 v5, v3  }
0x227: {  	v6 =	vor.u32 s1, v49;
	_ =	sdelay $0x3  }
0x228: {  	[tilespmem:v5+s21+$0x0] =	vst.idx.msk $0xffff, v4  }
0x229: {  	v5 =	vor.u32 v34, v3;
	v4 =	vld.idx.msk [tilespmem:v6+s2+$0x0], $0xffff  }
0x22a: {  	v6 =	vor.u32 s1, v23;
	_ =	sdelay $0x3  }
0x22b: {  	[tilespmem:v5+s21+$0x0] =	vst.idx.msk $0xffff, v4  }
0x22c: {  	v5 =	vor.u32 v40, v3;
	v4 =	vld.idx.msk [tilespmem:v6+s2+$0x0], $0xffff  }
0x22d: {  	v6 =	vor.u32 s1, v27;
	_ =	sdelay $0x3  }
0x22e: {  	[tilespmem:v5+s21+$0x0] =	vst.idx.msk $0xffff, v4  }
0x22f: {  	v5 =	vor.u32 v12, v3;
	v4 =	vld.idx.msk [tilespmem:v6+s2+$0x0], $0xffff  }
0x230: {  	v6 =	vor.u32 s1, v32;
	_ =	sdelay $0x3  }
0x231: {  	[tilespmem:v5+s21+$0x0] =	vst.idx.msk $0xffff, v4  }
0x232: {  	v5 =	vor.u32 v59, v3;
	v4 =	vld.idx.msk [tilespmem:v6+s2+$0x0], $0xffff  }
0x233: {  	v6 =	vor.u32 s1, v13;
	_ =	sdelay $0x3  }
0x234: {  	[tilespmem:v5+s21+$0x0] =	vst.idx.msk $0xffff, v4  }
0x235: {  	v5 =	vor.u32 v17, v3;
	v4 =	vld.idx.msk [tilespmem:v6+s2+$0x0], $0xffff  }
0x236: {  	v6 =	vor.u32 s1, v20;
	_ =	sdelay $0x3  }
0x237: {  	[tilespmem:v5+s21+$0x0] =	vst.idx.msk $0xffff, v4  }
0x238: {  	v5 =	vor.u32 v30, v3;
	v4 =	vld.idx.msk [tilespmem:v6+s2+$0x0], $0xffff  }
0x239: {  	v6 =	vor.u32 s1, v1;
	_ =	sdelay $0x3  }
0x23a: {  	[tilespmem:v5+s21+$0x0] =	vst.idx.msk $0xffff, v4  }
0x23b: {  	v5 =	vor.u32 v25, v3;
	v4 =	vld.idx.msk [tilespmem:v6+s2+$0x0], $0xffff  }
0x23c: {  	v6 =	vor.u32 s1, v63;
	_ =	sdelay $0x3  }
0x23d: {  	[tilespmem:v5+s21+$0x0] =	vst.idx.msk $0xffff, v4  }
0x23e: {  	v5 =	vor.u32 v61, v3;
	v4 =	vld.idx.msk [tilespmem:v6+s2+$0x0], $0xffff  }
0x23f: {  	v6 =	vor.u32 s1, v31;
	_ =	sdelay $0x3  }
0x240: {  	[tilespmem:v5+s21+$0x0] =	vst.idx.msk $0xffff, v4  }
0x241: {  	v5 =	vor.u32 v18, v3;
	v4 =	vld.idx.msk [tilespmem:v6+s2+$0x0], $0xffff  }
0x242: {  	v6 =	vor.u32 s1, v62;
	_ =	sdelay $0x3  }
0x243: {  	[tilespmem:v5+s21+$0x0] =	vst.idx.msk $0xffff, v4  }
0x244: {  	v5 =	vor.u32 v58, v3;
	v4 =	vld.idx.msk [tilespmem:v6+s2+$0x0], $0xffff  }
0x245: {  	v6 =	vor.u32 s1, v60;
	_ =	sdelay $0x3  }
0x246: {  	[tilespmem:v5+s21+$0x0] =	vst.idx.msk $0xffff, v4  }
0x247: {  	v5 =	vor.u32 v55, v3;
	v4 =	vld.idx.msk [tilespmem:v6+s2+$0x0], $0xffff  }
0x248: {  	v6 =	vor.u32 s1, v26;
	_ =	sdelay $0x3  }
0x249: {  	[tilespmem:v5+s21+$0x0] =	vst.idx.msk $0xffff, v4  }
0x24a: {  	v5 =	vor.u32 v53, v3;
	v4 =	vld.idx.msk [tilespmem:v6+s2+$0x0], $0xffff  }
0x24b: {  	v6 =	vor.u32 s1, v46;
	_ =	sdelay $0x3  }
0x24c: {  	[tilespmem:v5+s21+$0x0] =	vst.idx.msk $0xffff, v4  }
0x24d: {  	v5 =	vor.u32 v54, v3;
	v4 =	vld.idx.msk [tilespmem:v6+s2+$0x0], $0xffff  }
0x24e: {  	v6 =	vor.u32 s1, v56;
	_ =	sdelay $0x3  }
0x24f: {  	[tilespmem:v5+s21+$0x0] =	vst.idx.msk $0xffff, v4  }
0x250: {  	v0 =	vor.u32 v0, v3;
	v4 =	vld.idx.msk [tilespmem:v6+s2+$0x0], $0xffff  }
0x251: {  	v5 =	vor.u32 s1, v37;
	_ =	sdelay $0x3  }
0x252: {  	[tilespmem:v0+s21+$0x0] =	vst.idx.msk $0xffff, v4  }
0x253: {  	v0 =	vor.u32 v2, v3;
	v2 =	vld.idx.msk [tilespmem:v5+s2+$0x0], $0xffff  }
0x254: {  	p1 =	sne.s32 s26, $0x3D  }
.Ltmp1:
0x255: {  	_ = 	snop;
	(pc) =	sbr.rel @p1 .LBB2_2-.Ltmp1, $4  }
0x256: {  	v43 =	vmov v52;
	v40 =	vld [tilespmem:$0x1FFC0]  }
0x257: {  	s30 =	sshll.u32 s25, $0x10;
	v21 =	vmov v43;
	v59 =	vld [tilespmem:$0x1FFD0]  }
0x258: {  	s31 =	sor.u32 $0x8000, s29;
	s25 =	smov.u32 s26;
	v52 =	vmovc v23;
	v7 =	vmovc v20;
	v12 =	vmov v1;
	v17 =	vmov v11;
	v55 =	vmov v27;
	v53 =	vld [tilespmem:$0x1FFE0];
	s1 =	sadd.s32 s30, s12;
	[tilespmem:v0+s21+$0x0] =	vst.idx.msk $0xffff, v2  }
0x259: {  	v54 =	vmovc v57;
	v57 =	vmovc v13;
	v4 =	vmov v36;
	v5 =	vmov v22;
	v22 =	vmov v31;
	v0 =	vld [tilespmem:$0x1FFB0];
	[hbm4b:s1+s2] =	stream.linear.scatter [tilespmem:s31], [sflag:s28], $0x4000, $0x38  }
0x25a: {  	_ =	swait.ge [sflag:s22], $0x4000  }
0x25b: {  	[sflag:s22] =	ssyncset.done $0x0  }
0x25c: {  	[sflag:s22] =	ssyncadd.s32 $0xFFFFC000  }
0x25d: {  	_ =	swait.ge [sflag:s23], $0x4000  }
0x25e: {  	s1 =	simm.s32 @!p0 $0x0;
	[sflag:s23] =	ssyncset.done $0x0  }
0x25f: {  	s3 =	simm.s32 @!p0 $0x8000;
	s18 =	simm.s32 @!p0 $0x5;
	[sflag:s23] =	ssyncadd.s32 $0xFFFFC000  }
0x260: {  	[tilespmem:s3], [sflag:$0x5] =	stream.linear.gather @!p0 [hbm4b:s13+s1], $0x1200, $0x38;
	[tilespmem:$0x10000] =	vst v63  }
0x261: {  	s24 =	sadd.s32 $0x1, s24;
	_ =	swait.ge @!p0 [sflag:s18], $0x1200  }
0x262: {  	p1 =	sne.s32 s24, s15;
	[sflag:s18] =	ssyncset.done @!p0 $0x0  }
.Ltmp2:
0x263: {  	[sflag:s18] =	ssyncadd.s32 @!p0 $0xFFFFEE00;
	(pc) =	sbr.rel @p1 .LBB2_1-.Ltmp2, $4  }
0x264: {  	[hbm4b:s14+s1] =	stream.linear.scatter @!p0 [tilespmem:s3], [sflag:$0x5], $0x1200, $0x38;
	[tilespmem:$0x10000] =	vst v63  }
0x265: {  	_ =	swait.ge @!p0 [sflag:s18], $0x1200  }
0x266: {  	[sflag:s18] =	ssyncset.done @!p0 $0x0  }
0x267: {  	[sflag:s18] =	ssyncadd.s32 @!p0 $0xFFFFEE00  }
0x268: {  	_ =	sfence.sel $0x180000  }
0x269: {  	[bflag:$0x0] =	sbarrier.arrive $0xFFFF  }
0x26a: {  	_ =	strace $0x90000047  }
0x26b: {  	s0 =	stileid.u32;
	[bflag:$0x2] =	sbarrier.arrive $0xFFFF  }
0x26c: {  	p0 =	sne.s32 s0, $0x0;
	s0 =	rddreg [dreg:$0x3]  }
0x26d: {  	s0 =	sadd.s32 @!p0 $0x100000, s0  }
0x26e: {  	[sflag:s0] =	ssyncadd.tile.s32 @!p0 $0x1;
	_ =	shalt  }
.Lfunc_end2:
_tile_overlayer_lowered:
.L_overlay_start_2:
0x26f: {  	(tag) =	ssettag $0x2  }
0x270: {  	s0 =	rddreg [dreg:$0x0];
	s2 =	stileid.u32  }
0x271: {  	s1 =	rddreg [dreg:$0x1];
	p0 =	sne.s32 s2, $0x0  }
0x272: {  	s3 =	rddreg [dreg:$0x2];
	[bflag:$0x3] =	sbarrier.arrive $0xFFFF;
	s2 =	simm.s32 @!p0 $0x1C05  }
0x273: {  	[timem:s3], [sflag:s2] =	dma.local @!p0 [hbm:s0], s1  }
0x274: {  	s0 =	simm.s32 @!p0 $0x5  }
0x275: {  	_ =	swait.ge @!p0 [sflag:s0], s1  }
0x276: {  	s1 =	ssub.s32 @!p0 $0x0, s1;
	[sflag:s0] =	ssyncset.done @!p0 $0x0  }
0x277: {  	[sflag:s0] =	ssyncadd.s32 @!p0 s1  }
0x278: {  	[bflag:$0x3] =	sbarrier.arrive $0xFFFF  }
0x279: {  	_ =	shalt  }

// kernel: kernel.7.cloned.1.call-start
scs
__scs_entry_jumppad:
0x0: {  	(pc) =	sbr.rel $0x88, $3  }
0x1: {  	(tag) =	ssettag $0x0;
	lr =	simm.s32 $0x1  }
0x2: {  	[smem:$0x3F9E] =	sst lr;
	_ =	strace $0xD0000000  }
0x3: {  	_ = 	snop  }
0x4: {  	_ = 	snop  }
0x5: {  	_ = 	snop  }
0x6: {  	_ = 	snop  }
0x7: {  	_ = 	snop  }
__scs_overlays_trampoline_lowered:
0x8: {  	[smem:$0x3FAD] =	sst s0  }
0x9: {  	[smem:$0x3FAE] =	sst s1  }
0xa: {  	[smem:$0x3FAF] =	sst s2  }
0xb: {  	[smem:$0x3FB0] =	sst s3  }
0xc: {  	[smem:$0x3FB1] =	sst s4  }
0xd: {  	[smem:$0x3FB2] =	sst s5  }
0xe: {  	[smem:$0x3FB3] =	sst s6  }
0xf: {  	[smem:$0x3FB4] =	sst s7  }
0x10: {  	[smem:$0x3FB5] =	sst s8  }
0x11: {  	[smem:$0x3FB6] =	sst s9;
	s0 =	simm.s32 @!p0 $0x0  }
0x12: {  	s1 =	sld [smem:$0x3F9C];
	s0 =	simm.s32 @p0 $0x1  }
0x13: {  	[smem:$0x3FB7] =	sst s0;
	s0 =	simm.s32 @!p1 $0x0  }
0x14: {  	s2 =	sld [smem:$0x3F9B];
	s0 =	simm.s32 @p1 $0x1  }
0x15: {  	[smem:$0x3FB8] =	sst s0;
	s0 =	simm.s32 @!p2 $0x0  }
0x16: {  	s3 =	sld [smem:$0x3FDB];
	s0 =	simm.s32 @p2 $0x1  }
0x17: {  	s4 =	simm.s32 $0x1BF5;
	[smem:$0x3FBA] =	sst s0  }
0x18: {  	s0 =	sld [smem:$0x3F9D];
	_ =	swait.ge [sflag:s4], $0x0  }
0x19: {  	s7 =	sld [smem:$0x3F9E]  }
0x1a: {  	s8 =	sadd.s32 $0xFFFFE003, lr  }
0x1b: {  	s9 =	sadd.s32 $0xFFFFFEF7, lr;
	s5 =	simm.s32 $0xFFFFFFFF;
	p2 =	slt.u32 s8, $0xFFFFF086  }
0x1c: {  	p1 =	slt.u32 s9, $0xF7A;
	s5 =	simm.s32 @!p2 $0x0  }
0x1d: {  	s5 =	simm.s32 @p1 $0x1;
	p0 =	seq.s32 s7, s2  }
0x1e: {  	s7 =	smul.u32 @!p0 $0xF7A, s2;
	p2 =	seq.s32 @!p0 s5, $0x0  }
0x1f: {  	s9 =	smul.u32 $0xF7A, s1;
	s8 =	simm.s32 @!p0 $0x1BF5;
	p2 =	por !p2, p0  }
0x20: {  	[sflag:s8] =	ssyncset.s32 @!p0 $0xFFFFF086;
	s6 =	sadd.s32 @!p0 s3, s7;
	s7 =	simm.s32 @!p0 $0x108  }
0x21: {  	s3 =	sadd.s32 s3, s9;
	s6 =	sadd.s32 @!p0 $0x88, s6;
	s7 =	simm.s32 @p2 $0x1082  }
0x22: {  	[simem:s7], [sflag:s8] =	dma.local @!p0 [hbm:s6], $0xF7A  }
0x23: {  	s9 =	sor.u32 $0xD0000000, s2;
	s6 =	simm.s32 $0x108;
	_ =	swait.ge @!p0 [sflag:s8], $0x0  }
0x24: {  	s3 =	sadd.s32 $0x88, s3;
	s6 =	simm.s32 @!p1 $0x1082;
	[sflag:s4] =	ssyncset.s32 $0xFFFFF086  }
0x25: {  	[simem:s6], [sflag:s4] =	dma.local [hbm:s3], $0xF7A  }
0x26: {  	[smem:$0x3F9E] =	sst s1;
	(tag) =	ssettag s2;
	_ =	strace s9  }
0x27: {  	s1 =	sld [smem:$0x3FAE]  }
0x28: {  	s2 =	sld [smem:$0x3FAF]  }
0x29: {  	s4 =	sld [smem:$0x3FB1]  }
0x2a: {  	p0 =	seq.s32 s5, $0x0;
	s5 =	sld [smem:$0x3FB2]  }
0x2b: {  	s6 =	sld [smem:$0x3FB3]  }
0x2c: {  	s7 =	sld [smem:$0x3FB4]  }
0x2d: {  	s3 =	simm.s32 $0x108;
	s8 =	sld [smem:$0x3FB5]  }
0x2e: {  	s3 =	simm.s32 @!p0 $0x1082;
	s9 =	sld [smem:$0x3FB6]  }
0x2f: {  	lr =	sadd.s32 s0, s3;
	s0 =	sld [smem:$0x3FAD]  }
0x30: {  	s3 =	sld [smem:$0x3FB0]  }
0x31: {  	[smem:$0x3FB9] =	sst s10  }
0x32: {  	s10 =	sld [smem:$0x3FB7];
	_ =	sdelay $0x3  }
0x33: {  	p0 =	seq.s32 s10, $0x1;
	s10 =	sld [smem:$0x3FB9];
	_ =	sdelay $0x3  }
0x34: {  	[smem:$0x3FB9] =	sst s10  }
0x35: {  	s10 =	sld [smem:$0x3FB8];
	_ =	sdelay $0x3  }
0x36: {  	p1 =	seq.s32 s10, $0x1;
	s10 =	sld [smem:$0x3FB9];
	_ =	sdelay $0x3  }
0x37: {  	[smem:$0x3FB9] =	sst s10  }
0x38: {  	s10 =	sld [smem:$0x3FBA]  }
0x39: {  	_ = 	snop;
	(pc) =	sbr.ind lr, $3  }
0x3a: {  	_ = 	snop  }
0x3b: {  	_ = 	snop  }
0x3c: {  	p2 =	seq.s32 s10, $0x1;
	s10 =	sld [smem:$0x3FB9]  }
0x3d: {  	_ =	shalt  }
0x3e: {  	_ =	shalt  }
0x3f: {  	_ =	shalt  }
0x40: {  	_ =	shalt  }
0x41: {  	_ =	shalt  }
0x42: {  	_ =	shalt  }
0x43: {  	_ =	shalt  }
0x44: {  	_ =	shalt  }
0x45: {  	_ =	shalt  }
0x46: {  	_ =	shalt  }
0x47: {  	_ =	shalt  }
0x48: {  	_ =	shalt  }
0x49: {  	_ =	shalt  }
0x4a: {  	_ =	shalt  }
0x4b: {  	_ =	shalt  }
0x4c: {  	_ =	shalt  }
0x4d: {  	_ =	shalt  }
0x4e: {  	_ =	shalt  }
0x4f: {  	_ =	shalt  }
0x50: {  	_ =	shalt  }
0x51: {  	_ =	shalt  }
0x52: {  	_ =	shalt  }
0x53: {  	_ =	shalt  }
0x54: {  	_ =	shalt  }
0x55: {  	_ =	shalt  }
0x56: {  	_ =	shalt  }
0x57: {  	_ =	shalt  }
0x58: {  	_ =	shalt  }
0x59: {  	_ =	shalt  }
0x5a: {  	_ =	shalt  }
0x5b: {  	_ =	shalt  }
0x5c: {  	_ =	shalt  }
0x5d: {  	_ =	shalt  }
0x5e: {  	_ =	shalt  }
0x5f: {  	_ =	shalt  }
0x60: {  	_ =	shalt  }
0x61: {  	_ =	shalt  }
0x62: {  	_ =	shalt  }
0x63: {  	_ =	shalt  }
0x64: {  	_ =	shalt  }
0x65: {  	_ =	shalt  }
0x66: {  	_ =	shalt  }
0x67: {  	_ =	shalt  }
0x68: {  	_ =	shalt  }
0x69: {  	_ =	shalt  }
0x6a: {  	_ =	shalt  }
0x6b: {  	_ =	shalt  }
0x6c: {  	_ =	shalt  }
0x6d: {  	_ =	shalt  }
0x6e: {  	_ =	shalt  }
0x6f: {  	_ =	shalt  }
0x70: {  	_ =	shalt  }
0x71: {  	_ =	shalt  }
0x72: {  	_ =	shalt  }
0x73: {  	_ =	shalt  }
0x74: {  	_ =	shalt  }
0x75: {  	_ =	shalt  }
0x76: {  	_ =	shalt  }
0x77: {  	_ =	shalt  }
0x78: {  	_ =	shalt  }
0x79: {  	_ =	shalt  }
0x7a: {  	_ =	shalt  }
0x7b: {  	_ =	shalt  }
0x7c: {  	_ =	shalt  }
0x7d: {  	_ =	shalt  }
0x7e: {  	_ =	shalt  }
0x7f: {  	_ =	shalt  }
0x80: {  	_ =	shalt  }
0x81: {  	_ =	shalt  }
0x82: {  	_ =	shalt  }
0x83: {  	_ =	shalt  }
0x84: {  	_ =	shalt  }
0x85: {  	_ =	shalt  }
0x86: {  	_ =	shalt  }
0x87: {  	_ =	shalt  }
.Lfunc_end0:
.L_simem_size_0:
called_computation.1_lowered:
.L_overlay_start_0:
0x88: {  	s2 =	sld [smem:$0x3FD9]  }
0x89: {  	s3 =	sld [smem:$0x3FFE];
	_ =	sdelay $0x1  }
0x8a: {  	s1 =	srdreg.scid  }
0x8b: {  	s0 =	sand.u32 $0x1, s1  }
0x8c: {  	s17 =	sshll.u32 s0, $0xA;
	s2 =	sadd.s32 s3, s2  }
0x8d: {  	s2 =	sadd.s32 s2, s17  }
0x8e: {  	[smem:$0x3FC5] =	sst s2  }
0x8f: {  	_ = 	snop  }
0x90: {  	s2 =	sld [smem:$0x3FD0];
	(tm) =	ssettm $0x1  }
0x91: {  	s18 =	sld [smem:$0x3FFB];
	_ =	sdelay $0x3  }
0x92: {  	_ =	strace s18  }
0x93: {  	s3 =	sld [smem:$0x3FFC];
	_ =	sdelay $0x3  }
0x94: {  	_ =	strace s3  }
0x95: {  	s3 =	sld [smem:$0x3FFD];
	_ =	sdelay $0x3  }
0x96: {  	_ =	strace s3  }
0x97: {  	_ =	strace $0x8FFFFFFF  }
0x98: {  	s19 =	sld [smem:$0x3FDB];
	_ =	sdelay $0x1  }
0x99: {  	s4 =	simm.s32 $_scs_section_size  }
0x9a: {  	s5 =	simm.s32 $_size__tile_overlayer_lowered;
	s6 =	simm.s32 $_tile_overlayer_lowered  }
0x9b: {  	s22 =	simm.s32 $0x1BFF;
	s21 =	sshll.u32 s6, $0x1;
	s3 =	sadd.s32 s4, s19  }
0x9c: {  	s7 =	simm.s32 $0x0;
	s20 =	sshll.u32 s5, $0x1;
	s5 =	sadd.s32 s21, s3  }
0x9d: {  	[timem:s7], [sflag:s22] =	dma.local [hbm:s5], s20  }
0x9e: {  	_ =	swait.ge [sflag:s22], s20  }
0x9f: {  	s4 =	ssub.s32 $0x0, s20;
	[sflag:s22] =	ssyncset.done $0x0  }
0xa0: {  	[sflag:s22] =	ssyncadd.s32 s4;
	_ =	sdelay $0x1  }
0xa1: {  	s23 =	simm.s32 $0x1B8B  }
0xa2: {  	_ =	swait.ge [sflag:s23], $0x1  }
0xa3: {  	[sflag:s23] =	ssyncset.done $0x0  }
0xa4: {  	s25 =	simm.s32 $0x1B8E;
	s24 =	sld [smem:$0x3FFE];
	[sflag:s23] =	ssyncadd.s32 $0xFFFFFFFF  }
0xa5: {  	s26 =	simm.s32 $execute0_lowered;
	[smem:$0x3FD2] =	sst s25  }
0xa6: {  	s5 =	sshll.u32 s26, $0x1;
	_ =	strace $0x80000049;
	[dreg:$0x1] =	wrdreg $0xFFFFFFFF  }
0xa7: {  	s28 =	simm.s32 $_size_execute0_lowered;
	s3 =	sadd.s32 s3, s5;
	[dreg:$0x0] =	wrdreg $0x0  }
0xa8: {  	s5 =	sshll.u32 s28, $0x1;
	[dreg:$0x2] =	wrdreg s3  }
0xa9: {  	[dreg:$0x3] =	wrdreg s5  }
0xaa: {  	[dreg:$0x4] =	wrdreg $0xC0  }
0xab: {  	_ =	task [dreg:s7], $0x5FFFF  }
0xac: {  	[dreg:$0x1] =	wrdreg $0xFFFFFFFF  }
0xad: {  	[dreg:$0x0] =	wrdreg $0x60  }
0xae: {  	[dreg:$0x2] =	wrdreg s24  }
0xaf: {  	[dreg:$0x3] =	wrdreg s2  }
0xb0: {  	[dreg:$0x4] =	wrdreg $0x9  }
0xb1: {  	_ =	task.clear_ibuf [dreg:s7], $0x5FFFF;
	_ =	strace $0x90000049  }
0xb2: {  	s29 =	simm.s32 $0x9;
	_ =	strace $0x8000004B  }
0xb3: {  	_ =	swait.ge [sflag:s29], $0x1  }
0xb4: {  	[sflag:s29] =	ssyncadd.s32 $0xFFFFFFFF  }
0xb5: {  	_ =	strace $0x9000004B  }
0xb6: {  	_ =	sfence  }
0xb7: {  	s30 =	sld [smem:$0x0];
	_ =	sdelay $0x2  }
0xb8: {  	s31 =	sshll.u32 s1, $0xD;
	s1 =	sshrl.u32 s1, $0x2  }
0xb9: {  	s3 =	sand.u32 $0x4000, s31;
	s1 =	sadd.s32 s1, s30  }
0xba: {  	s0 =	sor.u32 s3, s0;
	s1 =	sshll.u32 s1, $0x11  }
0xbb: {  	s0 =	sor.u32 s1, s0  }
0xbc: {  	s0 =	sadd.s32 $0x8F2B, s0  }
0xbd: {  	[sflag:s0] =	ssyncadd.remote.s32 $0x1  }
0xbe: {  	_ =	sfence.sel $0xFFFF  }
0xbf: {  	[dreg:$0x0] =	wrdreg $0xFFFFFFFF;
	(pc) =	sbr.abs _section_cstart, $3  }
0xc0: {  	[dreg:$0x1] =	wrdreg $0xFFFFFFFF  }
0xc1: {  	_ =	task.clear_ibuf [dreg:s7], $0x2FFFF;
	_ =	strace $0x9FFFFFFF  }
0xc2: {  	(tm) =	ssettm $0x7FFFFFFF  }
0xc3: {  	_ =	shalt  }
tec
execute0_lowered:
.L_overlay_start_1:
0x0: {  	(tag) =	ssettag $0x1  }
0x1: {  	v0 =	vimm.s32 $0x138F;
	vm15 =	vcmask $0x300  }
0x2: {  	vm14 =	vcmask $0x704;
	vm13 =	vcmask $0xB08;
	vm12 =	vcmask $0xF0C  }
0x3: {  	vm11 =	vcmask $0x1310;
	vm10 =	vcmask $0x1714;
	v0 =	vsel vm15, $0x0, v0  }
0x4: {  	vm9 =	vcmask $0x1B18;
	vm8 =	vcmask $0x1F1C;
	v0 =	vsel vm14, $0x81, v0  }
0x5: {  	vm7 =	vcmask $0x2320;
	vm6 =	vcmask $0x2724;
	v0 =	vsel vm13, $0x102, v0  }
0x6: {  	v1 =	vimm.s32 $0xF;
	vm5 =	vcmask $0x2B28;
	v0 =	vsel vm12, $0x183, v0  }
0x7: {  	vm2 =	vcmask $0x2F2C;
	vm1 =	vcmask $0x3330;
	v0 =	vsel vm11, $0x204, v0  }
0x8: {  	v2 =	vimm.s32 $0xFEDCBA9;
	v3 =	vimm.s32 $0x87654321;
	v0 =	vsel vm10, $0x285, v0  }
0x9: {  	vm3 =	vcmask $0x3734;
	v1 =	vsel vm15, $0x80, v1;
	v0 =	vsel vm9, $0x306, v0  }
0xa: {  	vm4 =	vcmask $0x3B38;
	v1 =	vsel vm14, $0x101, v1;
	v0 =	vsel vm8, $0x387, v0  }
0xb: {  	v7 =	vimm.s32 $0x10F;
	v1 =	vsel vm13, $0x182, v1;
	v0 =	vsel vm7, $0x1008, v0  }
0xc: {  	v3 =	vunpack.c.l.s4.s8 v3;
	v1 =	vsel vm12, $0x203, v1;
	v0 =	vsel vm6, $0x1089, v0  }
0xd: {  	v2 =	vunpack.c.l.s4.s8 v2;
	v1 =	vsel vm11, $0x284, v1;
	v0 =	vsel vm5, $0x110A, v0  }
0xe: {  	v5 =	vsel vm10, $0x305, v1;
	v1 =	vunpack.c.0.s8.s32 v3;
	v0 =	vsel vm2, $0x118B, v0  }
0xf: {  	v4 =	vsel vm1, $0x120C, v0;
	v0 =	vunpack.c.0.s8.s32 v2;
	v2 =	vsel vm9, $0x386, v5  }
0x10: {  	v5 =	vimm.s32 $0x8F;
	v3 =	vsel vm3, $0x128D, v4;
	v2 =	vsel vm8, $0x1007, v2  }
0x11: {  	v4 =	vcombine.low v1, v0;
	v2 =	vsel vm7, $0x1088, v2;
	v3 =	vsel vm4, $0x130E, v3  }
0x12: {  	[tilespmem:$0x1FD20] =	vst v3;
	v2 =	vsel vm6, $0x1109, v2;
	v3 =	vsel vm15, $0x100, v5;
	v5 =	vimm.s32 $0x98765432  }
0x13: {  	v4 =	vand.u32 $0xF, v4;
	v2 =	vsel vm5, $0x118A, v2;
	v3 =	vsel vm14, $0x181, v3  }
0x14: {  	v5 =	vunpack.c.l.s4.s8 v5;
	[tilespmem:$0x1FD30] =	vst v4;
	v4 =	vimm.s32 $0x10FEDCBA;
	v3 =	vsel vm13, $0x202, v3  }
0x15: {  	v2 =	vsel vm2, $0x120B, v2;
	v4 =	vunpack.c.l.s4.s8 v4;
	v3 =	vsel vm12, $0x283, v3  }
0x16: {  	v6 =	vsel vm1, $0x128C, v2;
	v33 =	vunpack.c.0.s8.s32 v5;
	v5 =	vsel vm15, $0x180, v7  }
0x17: {  	v3 =	vsel vm11, $0x304, v3;
	v6 =	vsel vm3, $0x130D, v6;
	v5 =	vsel vm14, $0x201, v5  }
0x18: {  	v2 =	vunpack.c.0.s8.s32 v4;
	v4 =	vsel vm10, $0x385, v3;
	v5 =	vsel vm13, $0x282, v5  }
0x19: {  	v3 =	vsel vm4, $0x138E, v6;
	v6 =	vimm.s32 $0x210FEDCB;
	v4 =	vsel vm9, $0x1006, v4  }
0x1a: {  	v5 =	vsel vm12, $0x303, v5;
	v6 =	vunpack.c.l.s4.s8 v6;
	v4 =	vsel vm8, $0x1087, v4  }
0x1b: {  	v7 =	vcombine.low v33, v2;
	v5 =	vsel vm11, $0x384, v5;
	v4 =	vsel vm7, $0x1108, v4  }
0x1c: {  	v5 =	vsel vm10, $0x1005, v5;
	v21 =	vunpack.c.0.s8.s32 v6;
	v4 =	vsel vm6, $0x1189, v4  }
0x1d: {  	v6 =	vimm.s32 $0x18F;
	v5 =	vsel vm9, $0x1086, v5;
	v4 =	vsel vm5, $0x120A, v4  }
0x1e: {  	[tilespmem:$0x1FD40] =	vst v3;
	v3 =	vand.u32 $0xF, v7;
	v5 =	vsel vm8, $0x1107, v5;
	v4 =	vsel vm2, $0x128B, v4  }
0x1f: {  	v7 =	vimm.s32 $0xA9876543;
	v5 =	vsel vm7, $0x1188, v5;
	v4 =	vsel vm1, $0x130C, v4  }
0x20: {  	v7 =	vunpack.c.l.s4.s8 v7;
	v5 =	vsel vm6, $0x1209, v5;
	v4 =	vsel vm3, $0x138D, v4  }
0x21: {  	v14 =	vsel vm4, $0xE, v4;
	v4 =	vsel vm5, $0x128A, v5;
	v5 =	vsel vm15, $0x200, v6  }
0x22: {  	v5 =	vsel vm14, $0x281, v5  }
0x23: {  	v22 =	vunpack.c.0.s8.s32 v7;
	v7 =	vimm.s32 $0x3210FEDC;
	v5 =	vsel vm13, $0x302, v5  }
0x24: {  	v7 =	vunpack.c.l.s4.s8 v7;
	v5 =	vsel vm12, $0x383, v5  }
0x25: {  	v8 =	vimm.s32 $0xBA987654;
	v4 =	vsel vm2, $0x130B, v4;
	v5 =	vsel vm11, $0x1004, v5  }
0x26: {  	v23 =	vunpack.c.0.s8.s32 v7;
	v4 =	vsel vm1, $0x138C, v4;
	v5 =	vsel vm10, $0x1085, v5  }
0x27: {  	v7 =	vimm.s32 $0x20F;
	v4 =	vsel vm3, $0xD, v4;
	v5 =	vsel vm9, $0x1106, v5  }
0x28: {  	v9 =	vsel vm15, $0x280, v7;
	v4 =	vsel vm4, $0x8E, v4;
	v5 =	vsel vm8, $0x1187, v5  }
0x29: {  	v10 =	vimm.s32 $0xCBA98765;
	[tilespmem:$0x1FD70] =	vst v4;
	v4 =	vsel vm7, $0x1208, v5;
	v5 =	vsel vm14, $0x301, v9  }
0x2a: {  	v12 =	vimm.s32 $0xDCBA9876;
	v13 =	vimm.s32 $0x30F;
	v5 =	vsel vm13, $0x382, v5  }
0x2b: {  	v16 =	vimm.s32 $0x76543210;
	v9 =	vimm.s32 $0x43210FED;
	v5 =	vsel vm12, $0x1003, v5  }
0x2c: {  	v4 =	vsel vm6, $0x1289, v4;
	v9 =	vunpack.c.l.s4.s8 v9;
	v5 =	vsel vm11, $0x1084, v5  }
0x2d: {  	v8 =	vunpack.c.l.s4.s8 v8;
	v4 =	vsel vm5, $0x130A, v4;
	v5 =	vsel vm10, $0x1105, v5  }
0x2e: {  	v4 =	vsel vm2, $0x138B, v4;
	v26 =	vunpack.c.0.s8.s32 v9;
	v5 =	vsel vm9, $0x1186, v5  }
0x2f: {  	v9 =	vimm.s32 $0x28F;
	v4 =	vsel vm1, $0xC, v4;
	v5 =	vsel vm8, $0x1207, v5  }
0x30: {  	v9 =	vsel vm15, $0x300, v9;
	v4 =	vsel vm3, $0x8D, v4;
	v5 =	vsel vm7, $0x1288, v5  }
0x31: {  	v11 =	vsel vm14, $0x381, v9;
	v4 =	vsel vm4, $0x10E, v4;
	v5 =	vsel vm6, $0x1309, v5  }
0x32: {  	v12 =	vunpack.c.l.s4.s8 v12;
	[tilespmem:$0x1FD80] =	vst v4;
	v4 =	vsel vm5, $0x138A, v5;
	v5 =	vsel vm13, $0x1002, v11  }
0x33: {  	v10 =	vunpack.c.l.s4.s8 v10;
	v13 =	vsel vm15, $0x380, v13;
	v5 =	vsel vm12, $0x1083, v5  }
0x34: {  	v24 =	vunpack.c.0.s8.s32 v8;
	v31 =	vunpack.c.0.s8.s32 v12;
	v5 =	vsel vm11, $0x1104, v5  }
0x35: {  	v0 =	vcombine.low v0, v1;
	v11 =	vimm.s32 $0x543210FE;
	v5 =	vsel vm10, $0x1185, v5  }
0x36: {  	v4 =	vsel vm2, $0xB, v4;
	v11 =	vunpack.c.l.s4.s8 v11;
	v5 =	vsel vm9, $0x1206, v5  }
0x37: {  	v2 =	vcombine.low v2, v33;
	v4 =	vsel vm1, $0x8C, v4;
	v5 =	vsel vm8, $0x1287, v5  }
0x38: {  	v28 =	vunpack.c.0.s8.s32 v11;
	v11 =	vsel vm14, $0x1001, v13;
	v5 =	vsel vm7, $0x1308, v5  }
0x39: {  	v4 =	vsel vm3, $0x10D, v4;
	v12 =	vsel vm13, $0x1082, v11;
	v5 =	vsel vm6, $0x1389, v5  }
0x3a: {  	v20 =	vsel vm4, $0x18E, v4;
	v4 =	vsel vm5, $0xA, v5;
	v5 =	vsel vm12, $0x1103, v12  }
0x3b: {  	v27 =	vunpack.c.0.s8.s32 v10;
	v42 =	vand.u32 $0xF, v0;
	v5 =	vsel vm11, $0x1184, v5  }
0x3c: {  	v37 =	vand.u32 $0xF, v2;
	v13 =	vimm.s32 $0x6543210F;
	v5 =	vsel vm10, $0x1205, v5  }
0x3d: {  	v2 =	vimm.s32 $0x118F;
	v13 =	vunpack.c.l.s4.s8 v13;
	v5 =	vsel vm9, $0x1286, v5  }
0x3e: {  	v2 =	vsel vm15, $0x1200, v2;
	v6 =	vcombine.low v22, v21;
	v5 =	vsel vm8, $0x1307, v5  }
0x3f: {  	v29 =	vunpack.c.0.s8.s32 v13;
	v4 =	vsel vm2, $0x8B, v4;
	v5 =	vsel vm7, $0x1388, v5  }
0x40: {  	v13 =	vimm.s32 $0x38F;
	v4 =	vsel vm1, $0x10C, v4;
	v5 =	vsel vm6, $0x9, v5  }
0x41: {  	v15 =	vsel vm15, $0x1000, v13;
	v4 =	vsel vm3, $0x18D, v4;
	v5 =	vsel vm5, $0x8A, v5  }
0x42: {  	v19 =	vsel vm4, $0x20E, v4;
	v4 =	vsel vm2, $0x10B, v5;
	v5 =	vsel vm14, $0x1081, v15  }
0x43: {  	[tilespmem:$0x1FD50] =	vst v3;
	v3 =	vand.u32 $0xF, v6;
	v8 =	vcombine.low v24, v23;
	v5 =	vsel vm13, $0x1102, v5  }
0x44: {  	v15 =	vimm.s32 $0xFEDCBA98;
	v4 =	vsel vm1, $0x18C, v4;
	v5 =	vsel vm12, $0x1183, v5  }
0x45: {  	v17 =	vunpack.c.l.s4.s8 v15;
	v4 =	vsel vm3, $0x20D, v4;
	v5 =	vsel vm11, $0x1204, v5  }
0x46: {  	v49 =	vsel vm4, $0x28E, v4;
	v4 =	vunpack.c.l.s4.s8 v16;
	v5 =	vsel vm10, $0x1285, v5  }
0x47: {  	v16 =	vunpack.c.0.s8.s32 v17;
	v17 =	vimm.s32 $0x100F;
	v5 =	vsel vm9, $0x1306, v5  }
0x48: {  	v17 =	vsel vm15, $0x1080, v17;
	v4 =	vunpack.c.0.s8.s32 v4;
	v5 =	vsel vm8, $0x1387, v5  }
0x49: {  	v16 =	vand.u32 $0xF, v16;
	v17 =	vsel vm14, $0x1101, v17;
	v5 =	vsel vm7, $0x8, v5  }
0x4a: {  	v52 =	vcombine.low v16, v4;
	v4 =	vsel vm6, $0x89, v5;
	v5 =	vsel vm13, $0x1182, v17  }
0x4b: {  	v45 =	vand.u32 $0xF, v8;
	v17 =	vimm.s32 $0x108F;
	v5 =	vsel vm12, $0x1203, v5  }
0x4c: {  	v4 =	vsel vm5, $0x10A, v4;
	v17 =	vsel vm15, $0x1100, v17;
	v5 =	vsel vm11, $0x1284, v5  }
0x4d: {  	v4 =	vsel vm2, $0x18B, v4;
	v17 =	vsel vm14, $0x1181, v17;
	v5 =	vsel vm10, $0x1305, v5  }
0x4e: {  	v4 =	vsel vm1, $0x20C, v4;
	v17 =	vsel vm13, $0x1202, v17;
	v5 =	vsel vm9, $0x1386, v5  }
0x4f: {  	v4 =	vsel vm3, $0x28D, v4;
	v1 =	vsel vm8, $0x7, v5;
	v5 =	vsel vm12, $0x1283, v17  }
0x50: {  	v32 =	vsel vm4, $0x30E, v4;
	v1 =	vsel vm7, $0x88, v1;
	v4 =	vsel vm11, $0x1304, v5  }
0x51: {  	v11 =	vmovc v14;
	v14 =	vimm.s32 $0xEDCBA987;
	v0 =	vsel vm6, $0x109, v1;
	v1 =	vsel vm10, $0x1385, v4  }
0x52: {  	v14 =	vunpack.c.l.s4.s8 v14;
	v4 =	vimm.s32 $0x110F;
	v1 =	vsel vm9, $0x6, v1  }
0x53: {  	v0 =	vsel vm5, $0x18A, v0;
	v4 =	vsel vm15, $0x1180, v4;
	v1 =	vsel vm8, $0x87, v1  }
0x54: {  	v0 =	vsel vm2, $0x20B, v0;
	v4 =	vsel vm14, $0x1201, v4;
	v1 =	vsel vm7, $0x108, v1  }
0x55: {  	v0 =	vsel vm1, $0x28C, v0;
	v4 =	vsel vm13, $0x1282, v4;
	v1 =	vsel vm6, $0x189, v1  }
0x56: {  	v0 =	vsel vm3, $0x30D, v0;
	v6 =	vsel vm12, $0x1303, v4;
	v1 =	vsel vm5, $0x20A, v1  }
0x57: {  	v4 =	vsel vm4, $0x38E, v0;
	v0 =	vsel vm2, $0x28B, v1;
	v1 =	vsel vm11, $0x1384, v6  }
0x58: {  	v8 =	vcombine.low v21, v22;
	v12 =	vcombine.low v31, v28;
	v1 =	vsel vm10, $0x5, v1  }
0x59: {  	v30 =	vunpack.c.0.s8.s32 v14;
	v0 =	vsel vm1, $0x30C, v0;
	v1 =	vsel vm9, $0x86, v1  }
0x5a: {  	v60 =	vand.u32 $0xF, v12;
	v0 =	vsel vm3, $0x38D, v0;
	v1 =	vsel vm8, $0x107, v1  }
0x5b: {  	v33 =	vsel vm4, $0x100E, v0;
	v0 =	vsel vm7, $0x188, v1;
	v1 =	vsel vm14, $0x1281, v2  }
0x5c: {  	v14 =	vcombine.low v30, v29;
	v6 =	vmovc v4;
	v4 =	vcombine.low v28, v31;
	v1 =	vsel vm13, $0x1302, v1  }
0x5d: {  	v2 =	vimm.s32 $0x120F;
	v0 =	vsel vm6, $0x209, v0;
	v1 =	vsel vm12, $0x1383, v1  }
0x5e: {  	v2 =	vsel vm15, $0x1280, v2;
	v0 =	vsel vm5, $0x28A, v0;
	v1 =	vsel vm11, $0x4, v1  }
0x5f: {  	v2 =	vsel vm14, $0x1301, v2;
	v0 =	vsel vm2, $0x30B, v0;
	v1 =	vsel vm10, $0x85, v1  }
0x60: {  	v2 =	vsel vm13, $0x1382, v2;
	v0 =	vsel vm1, $0x38C, v0;
	v1 =	vsel vm9, $0x106, v1  }
0x61: {  	v2 =	vsel vm12, $0x3, v2;
	v0 =	vsel vm3, $0x100D, v0;
	v1 =	vsel vm8, $0x187, v1  }
0x62: {  	v46 =	vsel vm4, $0x108E, v0;
	v0 =	vsel vm7, $0x208, v1;
	v1 =	vsel vm11, $0x84, v2  }
0x63: {  	v43 =	vand.u32 $0xF, v4;
	v0 =	vsel vm6, $0x289, v0;
	v1 =	vsel vm10, $0x105, v1  }
0x64: {  	v2 =	vimm.s32 $0x128F;
	v0 =	vsel vm5, $0x30A, v0;
	v1 =	vsel vm9, $0x186, v1  }
0x65: {  	v2 =	vsel vm15, $0x1300, v2;
	v0 =	vsel vm2, $0x38B, v0;
	v1 =	vsel vm8, $0x207, v1  }
0x66: {  	v2 =	vsel vm14, $0x1381, v2;
	v0 =	vsel vm1, $0x100C, v0;
	v1 =	vsel vm7, $0x288, v1  }
0x67: {  	v2 =	vsel vm13, $0x2, v2;
	v0 =	vsel vm3, $0x108D, v0;
	v1 =	vsel vm6, $0x309, v1  }
0x68: {  	v51 =	vsel vm4, $0x110E, v0;
	v0 =	vsel vm5, $0x38A, v1;
	v1 =	vsel vm12, $0x83, v2  }
0x69: {  	v2 =	vcombine.low v26, v27;
	v0 =	vsel vm2, $0x100B, v0;
	v1 =	vsel vm11, $0x104, v1  }
0x6a: {  	v4 =	vcombine.low v29, v30;
	v0 =	vsel vm1, $0x108C, v0;
	v1 =	vsel vm10, $0x185, v1  }
0x6b: {  	v39 =	vand.u32 $0xF, v2;
	v0 =	vsel vm3, $0x110D, v0;
	v1 =	vsel vm9, $0x206, v1  }
0x6c: {  	v36 =	vsel vm4, $0x118E, v0;
	v0 =	vsel vm8, $0x287, v1;
	v1 =	vimm.s32 $0x130F  }
0x6d: {  	v2 =	vimm.s32 $0x338F;
	v0 =	vsel vm7, $0x308, v0;
	v1 =	vsel vm15, $0x1380, v1  }
0x6e: {  	v2 =	vsel vm15, $0x2000, v2;
	v0 =	vsel vm6, $0x389, v0;
	v1 =	vsel vm14, $0x1, v1  }
0x6f: {  	v2 =	vsel vm14, $0x2081, v2;
	v0 =	vsel vm5, $0x100A, v0;
	v1 =	vsel vm13, $0x82, v1  }
0x70: {  	v2 =	vsel vm13, $0x2102, v2;
	v0 =	vsel vm2, $0x108B, v0;
	v1 =	vsel vm12, $0x103, v1  }
0x71: {  	v2 =	vsel vm12, $0x2183, v2;
	v0 =	vsel vm1, $0x110C, v0;
	v1 =	vsel vm11, $0x184, v1  }
0x72: {  	v2 =	vsel vm11, $0x2204, v2;
	v0 =	vsel vm3, $0x118D, v0;
	v1 =	vsel vm10, $0x205, v1  }
0x73: {  	v15 =	vmovc v20;
	v2 =	vsel vm10, $0x2285, v2;
	v20 =	vsel vm4, $0x120E, v0;
	v0 =	vsel vm9, $0x286, v1  }
0x74: {  	v12 =	vand.u32 $0xF, v4;
	v1 =	vsel vm9, $0x2306, v2;
	v0 =	vsel vm8, $0x307, v0  }
0x75: {  	v2 =	vimm.s32 $0x200F;
	v1 =	vsel vm8, $0x2387, v1;
	v0 =	vsel vm7, $0x388, v0  }
0x76: {  	v2 =	vsel vm15, $0x2080, v2;
	v1 =	vsel vm7, $0x3008, v1;
	v0 =	vsel vm6, $0x1009, v0  }
0x77: {  	v2 =	vsel vm14, $0x2101, v2;
	v1 =	vsel vm6, $0x3089, v1;
	v0 =	vsel vm5, $0x108A, v0  }
0x78: {  	v2 =	vsel vm13, $0x2182, v2;
	v1 =	vsel vm5, $0x310A, v1;
	v0 =	vsel vm2, $0x110B, v0  }
0x79: {  	v2 =	vsel vm12, $0x2203, v2;
	v1 =	vsel vm2, $0x318B, v1;
	v0 =	vsel vm1, $0x118C, v0  }
0x7a: {  	v2 =	vsel vm11, $0x2284, v2;
	v1 =	vsel vm1, $0x320C, v1;
	v0 =	vsel vm3, $0x120D, v0  }
0x7b: {  	v1 =	vsel vm3, $0x328D, v1;
	v22 =	vsel vm4, $0x128E, v0;
	v0 =	vsel vm10, $0x2305, v2  }
0x7c: {  	v17 =	vsel vm4, $0x330E, v1;
	v1 =	vimm.s32 $0x1C1B1A19;
	v0 =	vsel vm9, $0x2386, v0  }
0x7d: {  	v30 =	vunpack.c.0.s8.s32 v1;
	v1 =	vimm.s32 $0x101F1E1D;
	v0 =	vsel vm8, $0x3007, v0  }
0x7e: {  	v4 =	vunpack.c.0.s8.s32 v1;
	v1 =	vimm.s32 $0x208F;
	v0 =	vsel vm7, $0x3088, v0  }
0x7f: {  	v1 =	vsel vm15, $0x2100, v1;
	v0 =	vsel vm6, $0x3109, v0  }
0x80: {  	v1 =	vsel vm14, $0x2181, v1;
	v0 =	vsel vm5, $0x318A, v0  }
0x81: {  	v1 =	vsel vm13, $0x2202, v1;
	v0 =	vsel vm2, $0x320B, v0  }
0x82: {  	v1 =	vsel vm12, $0x2283, v1;
	v0 =	vsel vm1, $0x328C, v0  }
0x83: {  	v1 =	vsel vm11, $0x2304, v1;
	v0 =	vsel vm3, $0x330D, v0  }
0x84: {  	v25 =	vmov v6;
	v6 =	vsel vm4, $0x338E, v0;
	v0 =	vsel vm10, $0x2385, v1  }
0x85: {  	v0 =	vsel vm9, $0x3006, v0  }
0x86: {  	v0 =	vsel vm8, $0x3087, v0  }
0x87: {  	v0 =	vsel vm7, $0x3108, v0  }
0x88: {  	v0 =	vsel vm6, $0x3189, v0  }
0x89: {  	v2 =	vimm.s32 $0x14131211;
	v0 =	vsel vm5, $0x320A, v0  }
0x8a: {  	v5 =	vunpack.c.0.s8.s32 v2;
	v2 =	vimm.s32 $0x18171615;
	v0 =	vsel vm2, $0x328B, v0  }
0x8b: {  	v38 =	vunpack.c.0.s8.s32 v2;
	v2 =	vimm.s32 $0x210F;
	v0 =	vsel vm1, $0x330C, v0  }
0x8c: {  	v1 =	vsel vm15, $0x2180, v2;
	v0 =	vsel vm3, $0x338D, v0  }
0x8d: {  	v1 =	vsel vm14, $0x2201, v1;
	v16 =	vsel vm4, $0x200E, v0;
	v0 =	vimm.s32 $0x1E1D1C1B  }
0x8e: {  	v1 =	vsel vm13, $0x2282, v1;
	v0 =	vunpack.c.0.s8.s32 v0  }
0x8f: {  	v1 =	vsel vm12, $0x2303, v1  }
0x90: {  	v1 =	vsel vm11, $0x2384, v1;
	[tilespmem:$0x1FD90] =	vst v0;
	v0 =	vimm.s32 $0x1211101F  }
0x91: {  	v1 =	vsel vm10, $0x3005, v1;
	v0 =	vunpack.c.0.s8.s32 v0  }
0x92: {  	v1 =	vsel vm9, $0x3086, v1  }
0x93: {  	v1 =	vsel vm8, $0x3107, v1;
	[tilespmem:$0x1FDA0] =	vst v0;
	v0 =	vimm.s32 $0x16151413  }
0x94: {  	v1 =	vsel vm7, $0x3188, v1;
	v0 =	vunpack.c.0.s8.s32 v0  }
0x95: {  	v1 =	vsel vm6, $0x3209, v1  }
0x96: {  	v1 =	vsel vm5, $0x328A, v1;
	[tilespmem:$0x1FDB0] =	vst v0;
	v0 =	vimm.s32 $0x1A191817  }
0x97: {  	v1 =	vsel vm2, $0x330B, v1;
	v0 =	vunpack.c.0.s8.s32 v0  }
0x98: {  	v1 =	vsel vm1, $0x338C, v1  }
0x99: {  	[tilespmem:$0x1FDC0] =	vst v0;
	v0 =	vsel vm3, $0x200D, v1;
	v1 =	vimm.s32 $0x1F1E1D1C  }
0x9a: {  	v18 =	vsel vm4, $0x208E, v0;
	v0 =	vunpack.c.0.s8.s32 v1;
	_ =	sdelay $0x1  }
0x9b: {  	[tilespmem:$0x1FDD0] =	vst v0;
	v0 =	vimm.s32 $0x13121110  }
0x9c: {  	v0 =	vunpack.c.0.s8.s32 v0  }
0x9d: {  	v59 =	vand.u32 $0xF, v8;
	v8 =	vcombine.low v23, v24  }
0x9e: {  	[tilespmem:$0x1FDE0] =	vst v0;
	v0 =	vimm.s32 $0x17161514  }
0x9f: {  	vm0 =	vcmask $0x1F10;
	v63 =	vand.u32 $0xF, v8;
	v0 =	vunpack.c.0.s8.s32 v0  }
0xa0: {  	v10 =	vcombine.low v27, v26;
	v2 =	vimm.s32 $0x1D1C1B1A;
	v1 =	vimm.s32 $0x1B1A1918  }
0xa1: {  	v35 =	vunpack.c.0.s8.s32 v2;
	v2 =	vimm.s32 $0x11101F1E;
	[tilespmem:$0x1FDF0] =	vst v0;
	v0 =	vunpack.c.0.s8.s32 v1  }
0xa2: {  	v50 =	vand.u32 $0xF, v10;
	v8 =	vunpack.c.0.s8.s32 v2;
	v2 =	vimm.s32 $0x15141312  }
0xa3: {  	v7 =	vunpack.c.0.s8.s32 v2;
	v2 =	vimm.s32 $0x19181716;
	[tilespmem:$0x1FE00] =	vst v0;
	v0 =	vimm.s32 $0x218F  }
0xa4: {  	v40 =	vunpack.c.0.s8.s32 v2;
	v1 =	vimm.s32 $0x220F;
	v0 =	vsel vm15, $0x2200, v0  }
0xa5: {  	v2 =	vimm.s32 $0x228F;
	v1 =	vsel vm15, $0x2280, v1;
	v0 =	vsel vm14, $0x2281, v0  }
0xa6: {  	v2 =	vsel vm15, $0x2300, v2;
	v1 =	vsel vm14, $0x2301, v1;
	v0 =	vsel vm13, $0x2302, v0  }
0xa7: {  	v2 =	vsel vm14, $0x2381, v2;
	v1 =	vsel vm13, $0x2382, v1;
	v0 =	vsel vm12, $0x2383, v0  }
0xa8: {  	v2 =	vsel vm13, $0x3002, v2;
	v1 =	vsel vm12, $0x3003, v1;
	v0 =	vsel vm11, $0x3004, v0  }
0xa9: {  	v2 =	vsel vm12, $0x3083, v2;
	v1 =	vsel vm11, $0x3084, v1;
	v0 =	vsel vm10, $0x3085, v0  }
0xaa: {  	v2 =	vsel vm11, $0x3104, v2;
	v1 =	vsel vm10, $0x3105, v1;
	v0 =	vsel vm9, $0x3106, v0  }
0xab: {  	v2 =	vsel vm10, $0x3185, v2;
	v1 =	vsel vm9, $0x3186, v1;
	v0 =	vsel vm8, $0x3187, v0  }
0xac: {  	v2 =	vsel vm9, $0x3206, v2;
	v1 =	vsel vm8, $0x3207, v1;
	v0 =	vsel vm7, $0x3208, v0  }
0xad: {  	v2 =	vsel vm8, $0x3287, v2;
	v1 =	vsel vm7, $0x3288, v1;
	v0 =	vsel vm6, $0x3289, v0  }
0xae: {  	v2 =	vsel vm7, $0x3308, v2;
	v1 =	vsel vm6, $0x3309, v1;
	v0 =	vsel vm5, $0x330A, v0  }
0xaf: {  	v2 =	vsel vm6, $0x3389, v2;
	v1 =	vsel vm5, $0x338A, v1;
	v0 =	vsel vm2, $0x338B, v0  }
0xb0: {  	v2 =	vsel vm5, $0x200A, v2;
	v1 =	vsel vm2, $0x200B, v1;
	v0 =	vsel vm1, $0x200C, v0  }
0xb1: {  	v2 =	vsel vm2, $0x208B, v2;
	v1 =	vsel vm1, $0x208C, v1;
	v0 =	vsel vm3, $0x208D, v0  }
0xb2: {  	v2 =	vsel vm1, $0x210C, v2;
	v56 =	vsel vm4, $0x210E, v0;
	v0 =	vsel vm3, $0x210D, v1  }
0xb3: {  	v1 =	vsel vm3, $0x218D, v2;
	v44 =	vsel vm4, $0x218E, v0;
	v0 =	vimm.s32 $0x230F  }
0xb4: {  	v48 =	vsel vm4, $0x220E, v1;
	v1 =	vimm.s32 $0x238F;
	v0 =	vsel vm15, $0x2380, v0  }
0xb5: {  	v2 =	vimm.s32 $0x300F;
	v1 =	vsel vm15, $0x3000, v1;
	v0 =	vsel vm14, $0x3001, v0  }
0xb6: {  	v2 =	vsel vm15, $0x3080, v2;
	v1 =	vsel vm14, $0x3081, v1;
	v0 =	vsel vm13, $0x3082, v0  }
0xb7: {  	v2 =	vsel vm14, $0x3101, v2;
	v1 =	vsel vm13, $0x3102, v1;
	v0 =	vsel vm12, $0x3103, v0  }
0xb8: {  	v2 =	vsel vm13, $0x3182, v2;
	v1 =	vsel vm12, $0x3183, v1;
	v0 =	vsel vm11, $0x3184, v0  }
0xb9: {  	v2 =	vsel vm12, $0x3203, v2;
	v1 =	vsel vm11, $0x3204, v1;
	v0 =	vsel vm10, $0x3205, v0  }
0xba: {  	v2 =	vsel vm11, $0x3284, v2;
	v1 =	vsel vm10, $0x3285, v1;
	v0 =	vsel vm9, $0x3286, v0  }
0xbb: {  	v2 =	vsel vm10, $0x3305, v2;
	v1 =	vsel vm9, $0x3306, v1;
	v0 =	vsel vm8, $0x3307, v0  }
0xbc: {  	v2 =	vsel vm9, $0x3386, v2;
	v1 =	vsel vm8, $0x3387, v1;
	v0 =	vsel vm7, $0x3388, v0  }
0xbd: {  	v2 =	vsel vm8, $0x2007, v2;
	v1 =	vsel vm7, $0x2008, v1;
	v0 =	vsel vm6, $0x2009, v0  }
0xbe: {  	v2 =	vsel vm7, $0x2088, v2;
	v1 =	vsel vm6, $0x2089, v1;
	v0 =	vsel vm5, $0x208A, v0  }
0xbf: {  	v2 =	vsel vm6, $0x2109, v2;
	v1 =	vsel vm5, $0x210A, v1;
	v0 =	vsel vm2, $0x210B, v0  }
0xc0: {  	v2 =	vsel vm5, $0x218A, v2;
	v1 =	vsel vm2, $0x218B, v1;
	v0 =	vsel vm1, $0x218C, v0  }
0xc1: {  	v2 =	vsel vm2, $0x220B, v2;
	v1 =	vsel vm1, $0x220C, v1;
	v0 =	vsel vm3, $0x220D, v0  }
0xc2: {  	v2 =	vsel vm1, $0x228C, v2;
	v10 =	vsel vm4, $0x228E, v0;
	v0 =	vsel vm3, $0x228D, v1  }
0xc3: {  	v1 =	vsel vm3, $0x230D, v2;
	v27 =	vsel vm4, $0x230E, v0;
	v0 =	vimm.s32 $0x308F  }
0xc4: {  	v24 =	vsel vm4, $0x238E, v1;
	v1 =	vimm.s32 $0x310F;
	v0 =	vsel vm15, $0x3100, v0  }
0xc5: {  	v62 =	vand.u32 $0xF, v14;
	v1 =	vsel vm15, $0x3180, v1;
	v0 =	vsel vm14, $0x3181, v0  }
0xc6: {  	v2 =	vimm.s32 $0x318F;
	v1 =	vsel vm14, $0x3201, v1;
	v0 =	vsel vm13, $0x3202, v0  }
0xc7: {  	v2 =	vsel vm15, $0x3200, v2;
	v1 =	vsel vm13, $0x3282, v1;
	v0 =	vsel vm12, $0x3283, v0  }
0xc8: {  	v2 =	vsel vm14, $0x3281, v2;
	v1 =	vsel vm12, $0x3303, v1;
	v0 =	vsel vm11, $0x3304, v0  }
0xc9: {  	v2 =	vsel vm13, $0x3302, v2;
	v1 =	vsel vm11, $0x3384, v1;
	v0 =	vsel vm10, $0x3385, v0  }
0xca: {  	s3 =	stileid.u32;
	v2 =	vsel vm12, $0x3383, v2;
	v1 =	vsel vm10, $0x2005, v1;
	v0 =	vsel vm9, $0x2006, v0  }
0xcb: {  	s0 =	rddreg [dreg:$0x0];
	s4 =	sshll.u32 s3, $0x1;
	s3 =	simm.s32 $0x0;
	v2 =	vsel vm11, $0x2004, v2;
	v1 =	vsel vm9, $0x2086, v1;
	v0 =	vsel vm8, $0x2087, v0  }
0xcc: {  	[smem:$0x7FF] =	sst s3;
	[tilespmem:$0x1FD60] =	vst v3;
	v2 =	vsel vm10, $0x2085, v2;
	v1 =	vsel vm8, $0x2107, v1;
	v0 =	vsel vm7, $0x2108, v0  }
0xcd: {  	s2 =	rddreg [dreg:$0x1];
	_ =	strace $0x8000004A;
	[tilespmem:$0x1FE10] =	vst v30;
	v2 =	vsel vm9, $0x2106, v2;
	v1 =	vsel vm7, $0x2188, v1;
	v0 =	vsel vm6, $0x2189, v0  }
0xce: {  	[tilespmem:$0x1FE20] =	vst v4;
	v2 =	vsel vm8, $0x2187, v2;
	v1 =	vsel vm6, $0x2209, v1;
	v0 =	vsel vm5, $0x220A, v0  }
0xcf: {  	[tilespmem:$0x1FE30] =	vst v5;
	v2 =	vsel vm7, $0x2208, v2;
	v1 =	vsel vm5, $0x228A, v1;
	v0 =	vsel vm2, $0x228B, v0  }
0xd0: {  	[tilespmem:$0x1FE40] =	vst v38;
	v2 =	vsel vm6, $0x2289, v2;
	v1 =	vsel vm2, $0x230B, v1;
	v0 =	vsel vm1, $0x230C, v0  }
0xd1: {  	[tilespmem:$0x1FE70] =	vst v35;
	v2 =	vsel vm5, $0x230A, v2;
	v1 =	vsel vm1, $0x238C, v1;
	v0 =	vsel vm3, $0x238D, v0  }
0xd2: {  	[tilespmem:$0x1FE80] =	vst v8;
	v2 =	vsel vm2, $0x238B, v2;
	v14 =	vsel vm4, $0x300E, v0;
	v0 =	vsel vm3, $0x300D, v1  }
0xd3: {  	[tilespmem:$0x1FEA0] =	vst v7;
	v2 =	vsel vm1, $0x300C, v2;
	v28 =	vsel vm4, $0x308E, v0;
	v0 =	vimm.s32 $0x320F  }
0xd4: {  	[tilespmem:$0x1FEB0] =	vst v40;
	v1 =	vsel vm3, $0x308D, v2;
	v2 =	vimm.s32 $0x330F;
	v0 =	vsel vm15, $0x3280, v0  }
0xd5: {  	[tilespmem:$0x1FF30] =	vst v6;
	v61 =	vsel vm4, $0x310E, v1;
	v1 =	vimm.s32 $0x328F;
	v0 =	vsel vm14, $0x3301, v0  }
0xd6: {  	[tilespmem:$0x1FF40] =	vst v16;
	v2 =	vsel vm15, $0x3380, v2;
	v1 =	vsel vm15, $0x3300, v1;
	v0 =	vsel vm13, $0x3382, v0  }
0xd7: {  	[tilespmem:$0x1FF50] =	vst v18;
	v2 =	vsel vm14, $0x2001, v2;
	v1 =	vsel vm14, $0x3381, v1;
	v0 =	vsel vm12, $0x2003, v0  }
0xd8: {  	[tilespmem:$0x1FF60] =	vst v37;
	v2 =	vsel vm13, $0x2082, v2;
	v1 =	vsel vm13, $0x2002, v1;
	v0 =	vsel vm11, $0x2084, v0  }
0xd9: {  	[tilespmem:$0x1FF70] =	vst v59;
	v2 =	vsel vm12, $0x2103, v2;
	v1 =	vsel vm12, $0x2083, v1;
	v0 =	vsel vm10, $0x2105, v0  }
0xda: {  	[tilespmem:$0x1FF80] =	vst v63;
	v2 =	vsel vm11, $0x2184, v2;
	v1 =	vsel vm11, $0x2104, v1;
	v0 =	vsel vm9, $0x2186, v0  }
0xdb: {  	[tilespmem:$0x1FF90] =	vst v51;
	v2 =	vsel vm10, $0x2205, v2;
	v1 =	vsel vm10, $0x2185, v1;
	v0 =	vsel vm8, $0x2207, v0  }
0xdc: {  	[tilespmem:$0x1FFA0] =	vst v39;
	v2 =	vsel vm9, $0x2286, v2;
	v1 =	vsel vm9, $0x2206, v1;
	v0 =	vsel vm7, $0x2288, v0  }
0xdd: {  	[tilespmem:$0x1FFB0] =	vst v36;
	v2 =	vsel vm8, $0x2307, v2;
	v1 =	vsel vm8, $0x2287, v1;
	v0 =	vsel vm6, $0x2309, v0  }
0xde: {  	[tilespmem:$0x1FFC0] =	vst v33;
	v2 =	vsel vm7, $0x2388, v2;
	v1 =	vsel vm7, $0x2308, v1;
	v0 =	vsel vm5, $0x238A, v0  }
0xdf: {  	[tilespmem:$0x1FFD0] =	vst v25;
	v2 =	vsel vm6, $0x3009, v2;
	v1 =	vsel vm6, $0x2389, v1;
	v0 =	vsel vm2, $0x300B, v0  }
0xe0: {  	[tilespmem:$0x1FFF0] =	vst v19;
	v2 =	vsel vm5, $0x308A, v2;
	v1 =	vsel vm5, $0x300A, v1;
	v0 =	vsel vm1, $0x308C, v0  }
0xe1: {  	[tilespmem:$0x1FFE0] =	vst v14;
	v2 =	vsel vm2, $0x310B, v2;
	v1 =	vsel vm2, $0x308B, v1;
	v0 =	vsel vm3, $0x310D, v0  }
0xe2: {  	[tilespmem:$0x1FF00] =	vst v61;
	v2 =	vsel vm1, $0x318C, v2;
	v1 =	vsel vm1, $0x310C, v1;
	v29 =	vsel vm4, $0x318E, v0  }
0xe3: {  	s1 =	srdreg.scid;
	[tilespmem:$0x1FF20] =	vst v28;
	v0 =	vsel vm3, $0x318D, v1;
	v1 =	vsel vm3, $0x320D, v2;
	v2 =	vsel vm0, v38, v5  }
0xe4: {  	s12 =	simm.s32 $0x200;
	s13 =	simm.s32 $0x4000;
	s14 =	simm.s32 $0x5;
	[tilespmem:$0x1FE60] =	vst v2  }
0xe5: {  	s15 =	simm.s32 $0x80;
	s16 =	simm.s32 $0x6800;
	s22 =	simm.s32 $0xE800;
	v53 =	vsel vm4, $0x320E, v0;
	v0 =	vsel vm0, v4, v30;
	[tilespmem:$0x1FEF0] =	vst v29  }
0xe6: {  	s23 =	simm.s32 $0x3;
	s24 =	simm.s32 $0x4;
	s25 =	simm.s32 $0x0;
	v41 =	vsel vm4, $0x328E, v1;
	[tilespmem:$0x1FE50] =	vst v0  }
0xe7: {  	s1 =	sand.u32 $0x1, s1;
	s8 =	sadd.s32 $0x4000, s2;
	s9 =	sadd.s32 $0x8000, s2;
	v3 =	vlaneseq.u32;
	[tilespmem:$0x1FED0] =	vst v41  }
0xe8: {  	s10 =	sadd.s32 $0xC000, s2;
	s7 =	sor.u32 s1, s4;
	s1 =	ssub.s32 $0x2, s1;
	v1 =	vmul.u32 $0x20, v3;
	v55 =	vcombine.low v2, v0;
	v0 =	vsel vm0, v8, v35;
	[tilespmem:$0x1FEE0] =	vst v53  }
0xe9: {  	s4 =	sshll.u32 s7, $0x6;
	s31 =	sshrl.u32 s1, $0x1;
	s7 =	sshll.u32 s7, $0x9;
	[tilespmem:$0x1FE90] =	vst v0  }
0xea: {  	s6 =	sadd.s32 s4, s0;
	s4 =	sadd.s32 $0xC00, s0;
	s0 =	ssub.s32 s1, s31;
	v0 =	vsel vm0, v40, v7;
	[tilespmem:$0x1FF10] =	vst v1  }
0xeb: {  	s5 =	sadd.s32 $0x3D1600, s6;
	s6 =	sadd.s32 $0x3DE600, s6;
	s11 =	smax.u32 s0, $0x1;
	v47 =	vor.u32 $0x10, v3;
	v23 =	vmovc v32;
	v40 =	vmov v42;
	v42 =	vmov v33;
	[tilespmem:$0x1FEC0] =	vst v0  }
.LBB2_1:
0xec: {  	[tilespmem:s3], [sflag:$0x5] =	stream.strided.gather [hbm4b:s5+s12], $0x3400, s13, s12, $0x38;
	[tilespmem:$0x16800] =	vst v63  }
0xed: {  	_ =	swait.ge [sflag:s14], $0x3400  }
0xee: {  	[sflag:s14] =	ssyncset.done $0x0  }
0xef: {  	s17 =	simm.s32 $0x3400;
	[sflag:s14] =	ssyncadd.s32 $0xFFFFCC00  }
0xf0: {  	[tilespmem:s17], [sflag:$0x5] =	stream.strided.gather [hbm4b:s6+s12], $0x3400, s13, s12, $0x38;
	[tilespmem:$0x16800] =	vst v63  }
0xf1: {  	_ =	swait.ge [sflag:s14], $0x3400  }
0xf2: {  	[sflag:s14] =	ssyncset.done $0x0  }
0xf3: {  	[sflag:s14] =	ssyncadd.s32 $0xFFFFCC00  }
0xf4: {  	[tilespmem:s16], [sflag:$0x1] =	stream.indirect.gather [hbm4b:s4+s15], $0x20, s3, s15, $0xb8;
	[tilespmem:$0x16800] =	vst v63  }
0xf5: {  	s0 =	simm.s32 $0x7800  }
0xf6: {  	[tilespmem:s0], [sflag:$0x1] =	stream.indirect.gather [hbm4b:s4+s15], $0x20, s15, s15, $0xb8;
	[tilespmem:$0x16800] =	vst v63  }
0xf7: {  	s29 =	simm.s32 $0x100;
	s1 =	simm.s32 $0x8800  }
0xf8: {  	[tilespmem:s1], [sflag:$0x1] =	stream.indirect.gather [hbm4b:s4+s15], $0x20, s29, s15, $0xb8;
	[tilespmem:$0x16800] =	vst v63  }
0xf9: {  	s30 =	simm.s32 $0x180;
	s31 =	simm.s32 $0x9800;
	s28 =	simm.s32 $0x0  }
0xfa: {  	[tilespmem:s31], [sflag:$0x1] =	stream.indirect.gather [hbm4b:s4+s15], $0x20, s30, s15, $0xb8;
	[tilespmem:$0x16800] =	vst v63  }
.LBB2_2:
0xfb: {  	s0 =	sand.u32 $0x1, s28  }
0xfc: {  	s1 =	sadd.s32 $0x1, s0  }
0xfd: {  	_ =	swait.ge [sflag:s1], $0x1000  }
0xfe: {  	[sflag:s1] =	ssyncset.done $0x0  }
0xff: {  	[sflag:s1] =	ssyncadd.s32 $0xFFFFF000  }
0x100: {  	_ =	swait.ge [sflag:s1], $0x1000  }
0x101: {  	[sflag:s1] =	ssyncset.done $0x0  }
0x102: {  	[sflag:s1] =	ssyncadd.s32 $0xFFFFF000  }
0x103: {  	_ =	swait.ge [sflag:s1], $0x1000  }
0x104: {  	p0 =	seq.s32 s28, $0x19;
	[sflag:s1] =	ssyncset.done $0x0  }
0x105: {  	s29 =	sadd.s32 $0x1, s28;
	s18 =	sxor.u32 @!p0 $0x1, s0;
	[sflag:s1] =	ssyncadd.s32 $0xFFFFF000  }
0x106: {  	s26 =	sshll.u32 @!p0 s29, $0x9;
	s30 =	simm.s32 @!p0 $0x80;
	_ =	swait.ge [sflag:s1], $0x1000  }
0x107: {  	s19 =	sshll.u32 @!p0 s18, $0xE;
	s26 =	sand.u32 @!p0 $0x3FFFFE00, s26;
	[sflag:s1] =	ssyncset.done $0x0  }
0x108: {  	s18 =	sadd.s32 @!p0 $0x1, s18;
	[sflag:s1] =	ssyncadd.s32 $0xFFFFF000;
	s1 =	sadd.s32 @!p0 $0x6800, s19  }
0x109: {  	[tilespmem:s1], [sflag:s18] =	stream.indirect.gather @!p0 [hbm4b:s4+s30], $0x20, s26, s30, $0xb8;
	[tilespmem:$0x16800] =	vst v63  }
0x10a: {  	s31 =	sor.u32 @!p0 $0x80, s26;
	s1 =	sadd.s32 @!p0 $0x7800, s19  }
0x10b: {  	[tilespmem:s1], [sflag:s18] =	stream.indirect.gather @!p0 [hbm4b:s4+s30], $0x20, s31, s30, $0xb8;
	[tilespmem:$0x16800] =	vst v63  }
0x10c: {  	s1 =	sor.u32 @!p0 $0x8800, s19;
	s31 =	sor.u32 @!p0 $0x100, s26  }
0x10d: {  	[tilespmem:s1], [sflag:s18] =	stream.indirect.gather @!p0 [hbm4b:s4+s30], $0x20, s31, s30, $0xb8;
	[tilespmem:$0x16800] =	vst v63  }
0x10e: {  	p1 =	slt.u32 @!p0 s28, $0x2;
	s1 =	sor.u32 @!p0 $0x9800, s19;
	s19 =	sor.u32 @!p0 $0x180, s26  }
0x10f: {  	[tilespmem:s1], [sflag:s18] =	stream.indirect.gather @!p0 [hbm4b:s4+s30], $0x20, s19, s30, $0xb8;
	[tilespmem:$0x16800] =	vst v63  }
0x110: {  	p0 =	por p0, !p1;
	s30 =	sadd.s32 $0x3, s0  }
0x111: {  	_ =	swait.ge @p0 [sflag:s30], $0x1000  }
0x112: {  	[sflag:s30] =	ssyncset.done @p0 $0x0  }
0x113: {  	s1 =	simm.s32 $0x0;
	[sflag:s30] =	ssyncadd.s32 @p0 $0xFFFFF000  }
0x114: {  	v0 =	vmov s1;
	_ =	swait.ge @p0 [sflag:s30], $0x1000  }
0x115: {  	s31 =	sshll.u32 s0, $0xE;
	v0 =	vshll.u32 v0, $0x5;
	[sflag:s30] =	ssyncset.done @p0 $0x0  }
0x116: {  	v35 =	vmov v63;
	v63 =	vmov s31;
	v0 =	vor.u32 v1, v0;
	[sflag:s30] =	ssyncadd.s32 @p0 $0xFFFFF000  }
0x117: {  	v2 =	vadd.s32 v63, v0;
	_ =	swait.ge @p0 [sflag:s30], $0x1000  }
0x118: {  	v0 =	vor.u32 v3, v2;
	[sflag:s30] =	ssyncset.done @p0 $0x0  }
0x119: {  	[sflag:s30] =	ssyncadd.s32 @p0 $0xFFFFF000  }
0x11a: {  	_ =	swait.ge @p0 [sflag:s30], $0x1000  }
0x11b: {  	[sflag:s30] =	ssyncset.done @p0 $0x0;
	v33 =	vld [tilespmem:$0x1FD20]  }
0x11c: {  	v54 =	vld [tilespmem:$0x1FD30];
	[sflag:s30] =	ssyncadd.s32 @p0 $0xFFFFF000  }
0x11d: {  	s21 =	sand.u32 $0xC00, s1;
	v0 =	vld.idx.msk [tilespmem:v0+s16+$0x0], $0xffff  }
0x11e: {  	s26 =	sand.u32 $0x70, s1;
	s0 =	sor.u32 s31, s21;
	v3 =	vld [tilespmem:s17+$0x0]  }
0x11f: {  	s18 =	sor.u32 s26, s0  }
0x120: {  	v1 =	vor.u32 s18, v33  }
0x121: {  	v4 =	vor.u32 v54, v2;
	_ =	sdelay $0x1  }
0x122: {  	v13 =	vld [tilespmem:$0x1FD40];
	v0 =	vmul.f32 v0, v3  }
0x123: {  	v14 =	vld [tilespmem:$0x1FD50]  }
0x124: {  	[tilespmem:v1+s22+$0x0] =	vst.idx.msk $0xffff, v0  }
0x125: {  	v0 =	vld.idx.msk [tilespmem:v4+s16+$0x0], $0xffff;
	_ =	sdelay $0x1  }
0x126: {  	v1 =	vor.u32 s18, v13  }
0x127: {  	v4 =	vor.u32 v14, v2;
	_ =	sdelay $0x1  }
0x128: {  	v0 =	vmul.f32 v0, v3  }
0x129: {  	v58 =	vld [tilespmem:$0x1FD60]  }
0x12a: {  	[tilespmem:v1+s22+$0x0] =	vst.idx.msk $0xffff, v0  }
0x12b: {  	v0 =	vld.idx.msk [tilespmem:v4+s16+$0x0], $0xffff;
	_ =	sdelay $0x1  }
0x12c: {  	v1 =	vor.u32 s18, v11  }
0x12d: {  	v4 =	vor.u32 v58, v2;
	_ =	sdelay $0x1  }
0x12e: {  	v57 =	vmov v16;
	v16 =	vld [tilespmem:$0x1FD70];
	v0 =	vmul.f32 v0, v3;
	_ =	sdelay $0x1  }
0x12f: {  	[tilespmem:v1+s22+$0x0] =	vst.idx.msk $0xffff, v0  }
0x130: {  	v0 =	vld.idx.msk [tilespmem:v4+s16+$0x0], $0xffff;
	_ =	sdelay $0x1  }
0x131: {  	v1 =	vor.u32 s18, v16  }
0x132: {  	v4 =	vor.u32 v45, v2;
	_ =	sdelay $0x1  }
0x133: {  	v32 =	vmovc v59;
	v59 =	vmov v56;
	v56 =	vmov v6;
	v6 =	vld [tilespmem:$0x1FD80];
	v0 =	vmul.f32 v0, v3;
	_ =	sdelay $0x1  }
0x134: {  	[tilespmem:v1+s22+$0x0] =	vst.idx.msk $0xffff, v0  }
0x135: {  	v0 =	vld.idx.msk [tilespmem:v4+s16+$0x0], $0xffff;
	_ =	sdelay $0x1  }
0x136: {  	v1 =	vor.u32 s18, v6  }
0x137: {  	v4 =	vor.u32 v50, v2;
	_ =	sdelay $0x1  }
0x138: {  	v0 =	vmul.f32 v0, v3;
	_ =	sdelay $0x1  }
0x139: {  	[tilespmem:v1+s22+$0x0] =	vst.idx.msk $0xffff, v0  }
0x13a: {  	v0 =	vld.idx.msk [tilespmem:v4+s16+$0x0], $0xffff;
	_ =	sdelay $0x1  }
0x13b: {  	v1 =	vor.u32 s18, v15  }
0x13c: {  	v4 =	vor.u32 v60, v2;
	_ =	sdelay $0x1  }
0x13d: {  	v0 =	vmul.f32 v0, v3;
	_ =	sdelay $0x1  }
0x13e: {  	[tilespmem:v1+s22+$0x0] =	vst.idx.msk $0xffff, v0  }
0x13f: {  	v0 =	vld.idx.msk [tilespmem:v4+s16+$0x0], $0xffff;
	_ =	sdelay $0x1  }
0x140: {  	v1 =	vor.u32 s18, v19  }
0x141: {  	v4 =	vor.u32 v62, v2;
	_ =	sdelay $0x1  }
0x142: {  	v0 =	vmul.f32 v0, v3;
	_ =	sdelay $0x1  }
0x143: {  	[tilespmem:v1+s22+$0x0] =	vst.idx.msk $0xffff, v0  }
0x144: {  	v0 =	vld.idx.msk [tilespmem:v4+s16+$0x0], $0xffff;
	_ =	sdelay $0x1  }
0x145: {  	v1 =	vor.u32 s18, v49  }
0x146: {  	v4 =	vor.u32 v52, v2;
	_ =	sdelay $0x1  }
0x147: {  	v0 =	vmul.f32 v0, v3;
	_ =	sdelay $0x1  }
0x148: {  	[tilespmem:v1+s22+$0x0] =	vst.idx.msk $0xffff, v0  }
0x149: {  	v0 =	vld.idx.msk [tilespmem:v4+s16+$0x0], $0xffff;
	_ =	sdelay $0x1  }
0x14a: {  	v1 =	vor.u32 s18, v23  }
0x14b: {  	v4 =	vor.u32 v40, v2;
	_ =	sdelay $0x1  }
0x14c: {  	v0 =	vmul.f32 v0, v3;
	_ =	sdelay $0x1  }
0x14d: {  	[tilespmem:v1+s22+$0x0] =	vst.idx.msk $0xffff, v0  }
0x14e: {  	v0 =	vld.idx.msk [tilespmem:v4+s16+$0x0], $0xffff;
	_ =	sdelay $0x1  }
0x14f: {  	v30 =	vmov v37;
	v1 =	vor.u32 s18, v25  }
0x150: {  	v4 =	vor.u32 v30, v2;
	_ =	sdelay $0x1  }
0x151: {  	v0 =	vmul.f32 v0, v3;
	_ =	sdelay $0x1  }
0x152: {  	[tilespmem:v1+s22+$0x0] =	vst.idx.msk $0xffff, v0  }
0x153: {  	v0 =	vld.idx.msk [tilespmem:v4+s16+$0x0], $0xffff;
	_ =	sdelay $0x1  }
0x154: {  	v1 =	vor.u32 s18, v42  }
0x155: {  	v4 =	vor.u32 v32, v2;
	_ =	sdelay $0x1  }
0x156: {  	v0 =	vmul.f32 v0, v3;
	_ =	sdelay $0x1  }
0x157: {  	[tilespmem:v1+s22+$0x0] =	vst.idx.msk $0xffff, v0  }
0x158: {  	v0 =	vld.idx.msk [tilespmem:v4+s16+$0x0], $0xffff;
	_ =	sdelay $0x1  }
0x159: {  	v1 =	vor.u32 s18, v46  }
0x15a: {  	v4 =	vor.u32 v35, v2;
	_ =	sdelay $0x1  }
0x15b: {  	v0 =	vmul.f32 v0, v3;
	_ =	sdelay $0x1  }
0x15c: {  	[tilespmem:v1+s22+$0x0] =	vst.idx.msk $0xffff, v0  }
0x15d: {  	v0 =	vld.idx.msk [tilespmem:v4+s16+$0x0], $0xffff;
	_ =	sdelay $0x1  }
0x15e: {  	v1 =	vor.u32 s18, v51  }
0x15f: {  	v4 =	vor.u32 v39, v2;
	_ =	sdelay $0x1  }
0x160: {  	v0 =	vmul.f32 v0, v3;
	_ =	sdelay $0x1  }
0x161: {  	[tilespmem:v1+s22+$0x0] =	vst.idx.msk $0xffff, v0  }
0x162: {  	v0 =	vld.idx.msk [tilespmem:v4+s16+$0x0], $0xffff;
	_ =	sdelay $0x1  }
0x163: {  	v1 =	vor.u32 s18, v36  }
0x164: {  	v4 =	vor.u32 v43, v2;
	_ =	sdelay $0x1  }
0x165: {  	v0 =	vmul.f32 v0, v3;
	_ =	sdelay $0x1  }
0x166: {  	[tilespmem:v1+s22+$0x0] =	vst.idx.msk $0xffff, v0  }
0x167: {  	v0 =	vld.idx.msk [tilespmem:v4+s16+$0x0], $0xffff;
	_ =	sdelay $0x1  }
0x168: {  	v1 =	vor.u32 s18, v20  }
0x169: {  	v4 =	vor.u32 v12, v2;
	_ =	sdelay $0x1  }
0x16a: {  	v0 =	vmul.f32 v0, v3;
	_ =	sdelay $0x1  }
0x16b: {  	[tilespmem:v1+s22+$0x0] =	vst.idx.msk $0xffff, v0  }
0x16c: {  	v0 =	vld.idx.msk [tilespmem:v4+s16+$0x0], $0xffff;
	_ =	sdelay $0x1  }
0x16d: {  	v1 =	vor.u32 s18, v22  }
0x16e: {  	v4 =	vor.u32 v47, v2;
	_ =	sdelay $0x1  }
0x16f: {  	v0 =	vmul.f32 v0, v3;
	_ =	sdelay $0x1  }
0x170: {  	[tilespmem:v1+s22+$0x0] =	vst.idx.msk $0xffff, v0  }
0x171: {  	v0 =	vld.idx.msk [tilespmem:v4+s16+$0x0], $0xffff;
	_ =	sdelay $0x1  }
0x172: {  	v1 =	vor.u32 s18, v17  }
0x173: {  	v37 =	vmov v11;
	v11 =	vld [tilespmem:$0x1FEC0];
	v4 =	vor.u32 v55, v2  }
0x174: {  	v42 =	vld [tilespmem:$0x1FE90]  }
0x175: {  	v0 =	vmul.f32 v0, v3;
	_ =	sdelay $0x1  }
0x176: {  	[tilespmem:v1+s22+$0x0] =	vst.idx.msk $0xffff, v0  }
0x177: {  	v0 =	vld.idx.msk [tilespmem:v4+s16+$0x0], $0xffff  }
0x178: {  	v4 =	vcombine.low v11, v42  }
0x179: {  	v1 =	vor.u32 s18, v56  }
0x17a: {  	[tilespmem:$0x1FD00] =	vst v4;
	v4 =	vor.u32 v4, v2;
	_ =	sdelay $0x1  }
0x17b: {  	v0 =	vmul.f32 v0, v3;
	_ =	sdelay $0x1  }
0x17c: {  	v53 =	vld [tilespmem:$0x1FDD0];
	[tilespmem:v1+s22+$0x0] =	vst.idx.msk $0xffff, v0  }
0x17d: {  	v0 =	vld.idx.msk [tilespmem:v4+s16+$0x0], $0xffff  }
0x17e: {  	v29 =	vld [tilespmem:$0x1FDE0]  }
0x17f: {  	v28 =	vmovc v27;
	v27 =	vmov v18;
	v18 =	vmov v50;
	v5 =	vor.u32 s18, v57;
	v50 =	vld [tilespmem:$0x1FDB0]  }
0x180: {  	v19 =	vmov v6;
	v6 =	vld [tilespmem:$0x1FDC0]  }
0x181: {  	v41 =	vmov v49;
	v49 =	vld [tilespmem:$0x1FDA0]  }
0x182: {  	v32 =	vld [tilespmem:$0x1FD90];
	v0 =	vmul.f32 v0, v3  }
0x183: {  	v25 =	vmov v52;
	v52 =	vld [tilespmem:$0x1FE00]  }
0x184: {  	[tilespmem:v5+s22+$0x0] =	vst.idx.msk $0xffff, v0;
	v5 =	vld [tilespmem:$0x1FDF0];
	_ =	sdelay $0x2  }
0x185: {  	v35 =	vsel vm0, v49, v32;
	v51 =	vsel vm0, v6, v50  }
0x186: {  	v4 =	vcombine.low v51, v35  }
0x187: {  	v21 =	vmovc v60;
	v7 =	vmov v39;
	v60 =	vsel vm0, v29, v53;
	v39 =	vsel vm0, v52, v5  }
0x188: {  	v56 =	vor.u32 v4, v2;
	v1 =	vcombine.low v39, v60  }
0x189: {  	[tilespmem:$0x1FD10] =	vst v4;
	v4 =	vld [tilespmem:$0x1FE30]  }
0x18a: {  	v30 =	vmov v46;
	v46 =	vmov v1;
	v34 =	vor.u32 v1, v2;
	v1 =	vld [tilespmem:$0x1FE20];
	_ =	sdelay $0x2  }
0x18b: {  	v0 =	vld.idx.msk [tilespmem:v56+s16+$0x0], $0xffff;
	_ =	sdelay $0x1  }
0x18c: {  	v57 =	vor.u32 s18, v27;
	v27 =	vsel vm0, v4, v1;
	v1 =	vld [tilespmem:$0x1FE10]  }
0x18d: {  	v4 =	vld [tilespmem:$0x1FE40];
	_ =	sdelay $0x1  }
0x18e: {  	v0 =	vmul.f32 v0, v3;
	_ =	sdelay $0x1  }
0x18f: {  	[tilespmem:v57+s22+$0x0] =	vst.idx.msk $0xffff, v0  }
0x190: {  	v38 =	vmov v40;
	v0 =	vld.idx.msk [tilespmem:v34+s16+$0x0], $0xffff;
	v40 =	vsel vm0, v1, v4  }
0x191: {  	v4 =	vcombine.low v40, v27  }
0x192: {  	v1 =	vor.u32 s18, v59  }
0x193: {  	v57 =	vmov v4;
	v4 =	vor.u32 v4, v2;
	_ =	sdelay $0x1  }
0x194: {  	v0 =	vmul.f32 v0, v3;
	_ =	sdelay $0x1  }
0x195: {  	[tilespmem:v1+s22+$0x0] =	vst.idx.msk $0xffff, v0;
	v1 =	vld [tilespmem:$0x1FE80]  }
0x196: {  	v0 =	vld.idx.msk [tilespmem:v4+s16+$0x0], $0xffff  }
0x197: {  	v4 =	vld [tilespmem:$0x1FEA0];
	_ =	sdelay $0x4  }
0x198: {  	v26 =	vmov v10;
	v10 =	vsel vm0, v4, v1;
	v1 =	vld [tilespmem:$0x1FE70]  }
0x199: {  	v4 =	vld [tilespmem:$0x1FEB0];
	_ =	sdelay $0x4  }
0x19a: {  	v9 =	vsel vm0, v1, v4  }
0x19b: {  	v61 =	vmovc v48;
	v48 =	vmov v44;
	v8 =	vmov v36;
	v36 =	vcombine.low v9, v10  }
0x19c: {  	v4 =	vor.u32 s18, v48  }
0x19d: {  	v1 =	vor.u32 v36, v2;
	_ =	sdelay $0x1  }
0x19e: {  	v0 =	vmul.f32 v0, v3;
	_ =	sdelay $0x1  }
0x19f: {  	[tilespmem:v4+s22+$0x0] =	vst.idx.msk $0xffff, v0  }
0x1a0: {  	v6 =	vsel vm0, v32, v6;
	v0 =	vld.idx.msk [tilespmem:v1+s16+$0x0], $0xffff;
	v1 =	vsel vm0, v50, v49  }
0x1a1: {  	v4 =	vcombine.low v6, v1  }
0x1a2: {  	v32 =	vmov v1;
	v1 =	vor.u32 s18, v61  }
0x1a3: {  	v31 =	vmovc v24;
	v24 =	vmovc v62;
	v62 =	vmov v15;
	v15 =	vmov v33;
	v33 =	vor.u32 v4, v2;
	_ =	sdelay $0x1  }
0x1a4: {  	v0 =	vmul.f32 v0, v3;
	_ =	sdelay $0x1  }
0x1a5: {  	[tilespmem:v1+s22+$0x0] =	vst.idx.msk $0xffff, v0  }
0x1a6: {  	v0 =	vld.idx.msk [tilespmem:v33+s16+$0x0], $0xffff;
	_ =	sdelay $0x1  }
0x1a7: {  	v34 =	vsel vm0, v53, v52;
	v52 =	vor.u32 s18, v26  }
0x1a8: {  	v1 =	vsel vm0, v5, v29  }
0x1a9: {  	v34 =	vcombine.low v34, v1  }
0x1aa: {  	v0 =	vmul.f32 v0, v3  }
0x1ab: {  	v56 =	vmovc v59;
	v59 =	vmovc v45;
	v45 =	vmov v36;
	v36 =	vmov v4;
	v4 =	vld [tilespmem:$0x1FE60];
	v53 =	vor.u32 v34, v2  }
0x1ac: {  	[tilespmem:v52+s22+$0x0] =	vst.idx.msk $0xffff, v0;
	v0 =	vld [tilespmem:$0x1FE50];
	_ =	sdelay $0x3  }
0x1ad: {  	v1 =	vld.idx.msk [tilespmem:v53+s16+$0x0], $0xffff  }
0x1ae: {  	v49 =	vcombine.low v0, v4  }
0x1af: {  	v44 =	vmov v48;
	v48 =	vmov v61;
	v61 =	vor.u32 s18, v28  }
0x1b0: {  	v0 =	vor.u32 v49, v2;
	_ =	sdelay $0x1  }
0x1b1: {  	v1 =	vmul.f32 v1, v3;
	_ =	sdelay $0x1  }
0x1b2: {  	[tilespmem:v61+s22+$0x0] =	vst.idx.msk $0xffff, v1  }
0x1b3: {  	v4 =	vld.idx.msk [tilespmem:v0+s16+$0x0], $0xffff;
	_ =	sdelay $0x1  }
0x1b4: {  	v1 =	vor.u32 s18, v31  }
0x1b5: {  	v50 =	vcombine.low v42, v11;
	_ =	sdelay $0x1  }
0x1b6: {  	v0 =	vor.u32 v50, v2;
	v4 =	vmul.f32 v4, v3;
	_ =	sdelay $0x1  }
0x1b7: {  	[tilespmem:v1+s22+$0x0] =	vst.idx.msk $0xffff, v4;
	v1 =	vld [tilespmem:$0x1FFE0];
	_ =	sdelay $0x2  }
0x1b8: {  	v0 =	vld.idx.msk [tilespmem:v0+s16+$0x0], $0xffff  }
0x1b9: {  	v51 =	vcombine.low v35, v51  }
0x1ba: {  	v29 =	vmov v41;
	v41 =	vmov v1;
	v1 =	vor.u32 s18, v1  }
0x1bb: {  	v4 =	vor.u32 v51, v2;
	_ =	sdelay $0x1  }
0x1bc: {  	v0 =	vmul.f32 v0, v3;
	_ =	sdelay $0x1  }
0x1bd: {  	[tilespmem:v1+s22+$0x0] =	vst.idx.msk $0xffff, v0  }
0x1be: {  	v0 =	vld.idx.msk [tilespmem:v4+s16+$0x0], $0xffff  }
0x1bf: {  	v4 =	vld [tilespmem:$0x1FF20];
	_ =	sdelay $0x3  }
0x1c0: {  	v39 =	vcombine.low v60, v39  }
0x1c1: {  	v5 =	vor.u32 s18, v4  }
0x1c2: {  	v1 =	vmov v4;
	v4 =	vor.u32 v39, v2;
	_ =	sdelay $0x1  }
0x1c3: {  	v0 =	vmul.f32 v0, v3;
	_ =	sdelay $0x1  }
0x1c4: {  	[tilespmem:v5+s22+$0x0] =	vst.idx.msk $0xffff, v0  }
0x1c5: {  	v0 =	vld.idx.msk [tilespmem:v4+s16+$0x0], $0xffff  }
0x1c6: {  	v4 =	vld [tilespmem:$0x1FF00];
	_ =	sdelay $0x3  }
0x1c7: {  	v40 =	vcombine.low v27, v40  }
0x1c8: {  	v5 =	vor.u32 s18, v4  }
0x1c9: {  	v61 =	vmov v4;
	v4 =	vor.u32 v40, v2;
	_ =	sdelay $0x1  }
0x1ca: {  	v0 =	vmul.f32 v0, v3;
	_ =	sdelay $0x1  }
0x1cb: {  	[tilespmem:v5+s22+$0x0] =	vst.idx.msk $0xffff, v0  }
0x1cc: {  	v5 =	vld.idx.msk [tilespmem:v4+s16+$0x0], $0xffff  }
0x1cd: {  	v4 =	vld [tilespmem:$0x1FEF0];
	_ =	sdelay $0x4  }
0x1ce: {  	v33 =	vmov v4;
	v4 =	vor.u32 s18, v4  }
0x1cf: {  	v0 =	vcombine.low v10, v9;
	_ =	sdelay $0x1  }
0x1d0: {  	v11 =	vor.u32 v0, v2;
	v5 =	vmul.f32 v5, v3;
	_ =	sdelay $0x1  }
0x1d1: {  	[tilespmem:v4+s22+$0x0] =	vst.idx.msk $0xffff, v5;
	v5 =	vld [tilespmem:$0x1FEE0];
	_ =	sdelay $0x2  }
0x1d2: {  	v4 =	vld.idx.msk [tilespmem:v11+s16+$0x0], $0xffff;
	_ =	sdelay $0x1  }
0x1d3: {  	v60 =	vmov v5;
	v5 =	vor.u32 s18, v5  }
0x1d4: {  	v42 =	vcombine.low v32, v6;
	_ =	sdelay $0x1  }
0x1d5: {  	v2 =	vor.u32 v42, v2;
	v4 =	vmul.f32 v4, v3;
	_ =	sdelay $0x1  }
0x1d6: {  	[tilespmem:v5+s22+$0x0] =	vst.idx.msk $0xffff, v4;
	v5 =	vld [tilespmem:$0x1FF10];
	_ =	sdelay $0x1  }
0x1d7: {  	s0 =	simm.s32 $0x10;
	v27 =	vld [tilespmem:$0x1FFC0]  }
0x1d8: {  	v4 =	vld.idx.msk [tilespmem:v2+s16+$0x0], $0xffff;
	v2 =	vmov s0  }
0x1d9: {  	v32 =	vld [tilespmem:$0x1FF90];
	v2 =	vshll.u32 v2, $0x5  }
0x1da: {  	v2 =	vor.u32 v5, v2;
	v5 =	vld [tilespmem:$0x1FED0]  }
0x1db: {  	v52 =	vmov v15;
	v15 =	vmov v19;
	v19 =	vld [tilespmem:$0x1FFF0]  }
0x1dc: {  	v35 =	vmov v63;
	v53 =	vld [tilespmem:$0x1FF80];
	v9 =	vmov v13;
	v10 =	vmov v14  }
0x1dd: {  	v13 =	vmovc v16;
	v14 =	vmovc v59;
	v16 =	vmov v18;
	v59 =	vmov v24;
	v24 =	vmov v38;
	v38 =	vld [tilespmem:$0x1FF60]  }
0x1de: {  	v18 =	vmovc v21;
	v21 =	vmovc v29;
	v29 =	vld [tilespmem:$0x1FF70];
	v2 =	vadd.s32 v63, v2;
	v3 =	vmul.f32 v4, v3;
	v4 =	vlaneseq.u32  }
0x1df: {  	s19 =	simm.s32 $0x20;
	s26 =	smov.u32 s17;
	v11 =	vmovc v37;
	v37 =	vmovc v25;
	v25 =	vld [tilespmem:$0x1FFD0];
	v4 =	vor.u32 v4, v2;
	v63 =	vmov v5;
	v5 =	vor.u32 s18, v5  }
.LBB2_3:
0x1e0: {  	_ =	sdelay $0x3  }
0x1e1: {  	s1 =	sadd.s32 $0x80, s1;
	s26 =	sadd.s32 $0x10, s26;
	[tilespmem:v5+s22+$0x0] =	vst.idx.msk $0xffff, v3  }
0x1e2: {  	s20 =	smov.u32 s19;
	s18 =	sadd.s32 $0x10, s19;
	s21 =	sand.u32 $0xC00, s1;
	v4 =	vld.idx.msk [tilespmem:v4+s16+$0x0], $0xffff  }
0x1e3: {  	p0 =	sne.s32 s19, $0x1F0;
	v3 =	vld [tilespmem:s26+$0x0];
	s19 =	sor.u32 s31, s21;
	s21 =	sand.u32 $0x70, s0  }
0x1e4: {  	s19 =	sor.u32 s21, s19  }
0x1e5: {  	v5 =	vor.u32 s19, v52  }
0x1e6: {  	v6 =	vor.u32 v54, v2;
	_ =	sdelay $0x1  }
0x1e7: {  	v4 =	vmul.f32 v4, v3;
	_ =	sdelay $0x1  }
0x1e8: {  	[tilespmem:v5+s22+$0x0] =	vst.idx.msk $0xffff, v4  }
0x1e9: {  	v4 =	vld.idx.msk [tilespmem:v6+s16+$0x0], $0xffff;
	_ =	sdelay $0x1  }
0x1ea: {  	v5 =	vor.u32 s19, v9  }
0x1eb: {  	v6 =	vor.u32 v10, v2;
	_ =	sdelay $0x1  }
0x1ec: {  	v4 =	vmul.f32 v4, v3;
	_ =	sdelay $0x1  }
0x1ed: {  	[tilespmem:v5+s22+$0x0] =	vst.idx.msk $0xffff, v4  }
0x1ee: {  	v4 =	vld.idx.msk [tilespmem:v6+s16+$0x0], $0xffff;
	_ =	sdelay $0x1  }
0x1ef: {  	v5 =	vor.u32 s19, v11  }
0x1f0: {  	v6 =	vor.u32 v58, v2;
	_ =	sdelay $0x1  }
0x1f1: {  	v4 =	vmul.f32 v4, v3;
	_ =	sdelay $0x1  }
0x1f2: {  	[tilespmem:v5+s22+$0x0] =	vst.idx.msk $0xffff, v4  }
0x1f3: {  	v4 =	vld.idx.msk [tilespmem:v6+s16+$0x0], $0xffff;
	_ =	sdelay $0x1  }
0x1f4: {  	v5 =	vor.u32 s19, v13  }
0x1f5: {  	v6 =	vor.u32 v14, v2;
	_ =	sdelay $0x1  }
0x1f6: {  	v4 =	vmul.f32 v4, v3;
	_ =	sdelay $0x1  }
0x1f7: {  	[tilespmem:v5+s22+$0x0] =	vst.idx.msk $0xffff, v4  }
0x1f8: {  	v4 =	vld.idx.msk [tilespmem:v6+s16+$0x0], $0xffff;
	_ =	sdelay $0x1  }
0x1f9: {  	v5 =	vor.u32 s19, v15  }
0x1fa: {  	v6 =	vor.u32 v16, v2;
	_ =	sdelay $0x1  }
0x1fb: {  	v4 =	vmul.f32 v4, v3;
	_ =	sdelay $0x1  }
0x1fc: {  	[tilespmem:v5+s22+$0x0] =	vst.idx.msk $0xffff, v4  }
0x1fd: {  	v4 =	vld.idx.msk [tilespmem:v6+s16+$0x0], $0xffff;
	_ =	sdelay $0x1  }
0x1fe: {  	v5 =	vor.u32 s19, v62  }
0x1ff: {  	v6 =	vor.u32 v18, v2;
	_ =	sdelay $0x1  }
0x200: {  	v4 =	vmul.f32 v4, v3;
	_ =	sdelay $0x1  }
0x201: {  	[tilespmem:v5+s22+$0x0] =	vst.idx.msk $0xffff, v4  }
0x202: {  	v4 =	vld.idx.msk [tilespmem:v6+s16+$0x0], $0xffff;
	_ =	sdelay $0x1  }
0x203: {  	v5 =	vor.u32 s19, v19  }
0x204: {  	v6 =	vor.u32 v59, v2;
	_ =	sdelay $0x1  }
0x205: {  	v4 =	vmul.f32 v4, v3;
	_ =	sdelay $0x1  }
0x206: {  	[tilespmem:v5+s22+$0x0] =	vst.idx.msk $0xffff, v4  }
0x207: {  	v4 =	vld.idx.msk [tilespmem:v6+s16+$0x0], $0xffff;
	_ =	sdelay $0x1  }
0x208: {  	v5 =	vor.u32 s19, v21  }
0x209: {  	v6 =	vor.u32 v37, v2;
	_ =	sdelay $0x1  }
0x20a: {  	v4 =	vmul.f32 v4, v3;
	_ =	sdelay $0x1  }
0x20b: {  	[tilespmem:v5+s22+$0x0] =	vst.idx.msk $0xffff, v4  }
0x20c: {  	v4 =	vld.idx.msk [tilespmem:v6+s16+$0x0], $0xffff;
	_ =	sdelay $0x1  }
0x20d: {  	v5 =	vor.u32 s19, v23  }
0x20e: {  	v6 =	vor.u32 v24, v2;
	_ =	sdelay $0x1  }
0x20f: {  	v4 =	vmul.f32 v4, v3;
	_ =	sdelay $0x1  }
0x210: {  	[tilespmem:v5+s22+$0x0] =	vst.idx.msk $0xffff, v4  }
0x211: {  	v4 =	vld.idx.msk [tilespmem:v6+s16+$0x0], $0xffff;
	_ =	sdelay $0x1  }
0x212: {  	v5 =	vor.u32 s19, v25  }
0x213: {  	v6 =	vor.u32 v38, v2;
	_ =	sdelay $0x1  }
0x214: {  	v4 =	vmul.f32 v4, v3;
	_ =	sdelay $0x1  }
0x215: {  	[tilespmem:v5+s22+$0x0] =	vst.idx.msk $0xffff, v4  }
0x216: {  	v4 =	vld.idx.msk [tilespmem:v6+s16+$0x0], $0xffff;
	_ =	sdelay $0x1  }
0x217: {  	v5 =	vor.u32 s19, v27  }
0x218: {  	v6 =	vor.u32 v29, v2;
	_ =	sdelay $0x1  }
0x219: {  	v4 =	vmul.f32 v4, v3;
	_ =	sdelay $0x1  }
0x21a: {  	[tilespmem:v5+s22+$0x0] =	vst.idx.msk $0xffff, v4  }
0x21b: {  	v4 =	vld.idx.msk [tilespmem:v6+s16+$0x0], $0xffff;
	_ =	sdelay $0x1  }
0x21c: {  	v5 =	vor.u32 s19, v30  }
0x21d: {  	v6 =	vor.u32 v53, v2;
	_ =	sdelay $0x1  }
0x21e: {  	v4 =	vmul.f32 v4, v3;
	_ =	sdelay $0x1  }
0x21f: {  	[tilespmem:v5+s22+$0x0] =	vst.idx.msk $0xffff, v4  }
0x220: {  	v4 =	vld.idx.msk [tilespmem:v6+s16+$0x0], $0xffff;
	_ =	sdelay $0x1  }
0x221: {  	v5 =	vor.u32 s19, v32  }
0x222: {  	v6 =	vor.u32 v7, v2;
	_ =	sdelay $0x1  }
0x223: {  	v4 =	vmul.f32 v4, v3;
	_ =	sdelay $0x1  }
0x224: {  	[tilespmem:v5+s22+$0x0] =	vst.idx.msk $0xffff, v4  }
0x225: {  	v4 =	vld.idx.msk [tilespmem:v6+s16+$0x0], $0xffff;
	_ =	sdelay $0x1  }
0x226: {  	v5 =	vor.u32 s19, v8  }
0x227: {  	v6 =	vor.u32 v43, v2;
	_ =	sdelay $0x1  }
0x228: {  	v4 =	vmul.f32 v4, v3;
	_ =	sdelay $0x1  }
0x229: {  	[tilespmem:v5+s22+$0x0] =	vst.idx.msk $0xffff, v4  }
0x22a: {  	v4 =	vld.idx.msk [tilespmem:v6+s16+$0x0], $0xffff;
	_ =	sdelay $0x1  }
0x22b: {  	v5 =	vor.u32 s19, v20  }
0x22c: {  	v6 =	vor.u32 v12, v2;
	_ =	sdelay $0x1  }
0x22d: {  	v4 =	vmul.f32 v4, v3;
	_ =	sdelay $0x1  }
0x22e: {  	[tilespmem:v5+s22+$0x0] =	vst.idx.msk $0xffff, v4  }
0x22f: {  	v4 =	vld.idx.msk [tilespmem:v6+s16+$0x0], $0xffff;
	_ =	sdelay $0x1  }
0x230: {  	v5 =	vor.u32 s19, v22  }
0x231: {  	v6 =	vor.u32 v47, v2;
	_ =	sdelay $0x1  }
0x232: {  	v4 =	vmul.f32 v4, v3;
	_ =	sdelay $0x1  }
0x233: {  	[tilespmem:v5+s22+$0x0] =	vst.idx.msk $0xffff, v4  }
0x234: {  	v4 =	vld.idx.msk [tilespmem:v6+s16+$0x0], $0xffff;
	_ =	sdelay $0x1  }
0x235: {  	v5 =	vor.u32 s19, v17  }
0x236: {  	v6 =	vor.u32 v55, v2;
	_ =	sdelay $0x1  }
0x237: {  	v4 =	vmul.f32 v4, v3;
	_ =	sdelay $0x1  }
0x238: {  	[tilespmem:v5+s22+$0x0] =	vst.idx.msk $0xffff, v4;
	v5 =	vld [tilespmem:$0x1FF30]  }
0x239: {  	v4 =	vld.idx.msk [tilespmem:v6+s16+$0x0], $0xffff  }
0x23a: {  	v6 =	vld [tilespmem:$0x1FD00];
	_ =	sdelay $0x2  }
0x23b: {  	v5 =	vor.u32 s19, v5;
	_ =	sdelay $0x1  }
0x23c: {  	v6 =	vor.u32 v6, v2  }
0x23d: {  	v4 =	vmul.f32 v4, v3;
	_ =	sdelay $0x1  }
0x23e: {  	[tilespmem:v5+s22+$0x0] =	vst.idx.msk $0xffff, v4;
	v5 =	vld [tilespmem:$0x1FF40];
	_ =	sdelay $0x1  }
0x23f: {  	v4 =	vld.idx.msk [tilespmem:v6+s16+$0x0], $0xffff  }
0x240: {  	v6 =	vld [tilespmem:$0x1FD10];
	_ =	sdelay $0x1  }
0x241: {  	v5 =	vor.u32 s19, v5;
	_ =	sdelay $0x2  }
0x242: {  	v6 =	vor.u32 v6, v2;
	v4 =	vmul.f32 v4, v3;
	_ =	sdelay $0x1  }
0x243: {  	[tilespmem:v5+s22+$0x0] =	vst.idx.msk $0xffff, v4;
	v5 =	vld [tilespmem:$0x1FF50];
	_ =	sdelay $0x2  }
0x244: {  	v4 =	vld.idx.msk [tilespmem:v6+s16+$0x0], $0xffff;
	_ =	sdelay $0x1  }
0x245: {  	v5 =	vor.u32 s19, v5  }
0x246: {  	v6 =	vor.u32 v46, v2;
	_ =	sdelay $0x1  }
0x247: {  	v4 =	vmul.f32 v4, v3;
	_ =	sdelay $0x1  }
0x248: {  	[tilespmem:v5+s22+$0x0] =	vst.idx.msk $0xffff, v4  }
0x249: {  	v4 =	vld.idx.msk [tilespmem:v6+s16+$0x0], $0xffff;
	_ =	sdelay $0x1  }
0x24a: {  	v5 =	vor.u32 s19, v56  }
0x24b: {  	v6 =	vor.u32 v57, v2;
	_ =	sdelay $0x1  }
0x24c: {  	v4 =	vmul.f32 v4, v3;
	_ =	sdelay $0x1  }
0x24d: {  	[tilespmem:v5+s22+$0x0] =	vst.idx.msk $0xffff, v4  }
0x24e: {  	v4 =	vld.idx.msk [tilespmem:v6+s16+$0x0], $0xffff;
	_ =	sdelay $0x1  }
0x24f: {  	v5 =	vor.u32 s19, v44  }
0x250: {  	v6 =	vor.u32 v45, v2;
	_ =	sdelay $0x1  }
0x251: {  	v4 =	vmul.f32 v4, v3;
	_ =	sdelay $0x1  }
0x252: {  	[tilespmem:v5+s22+$0x0] =	vst.idx.msk $0xffff, v4  }
0x253: {  	v4 =	vld.idx.msk [tilespmem:v6+s16+$0x0], $0xffff;
	_ =	sdelay $0x1  }
0x254: {  	v5 =	vor.u32 s19, v48  }
0x255: {  	v6 =	vor.u32 v36, v2;
	_ =	sdelay $0x1  }
0x256: {  	v4 =	vmul.f32 v4, v3;
	_ =	sdelay $0x1  }
0x257: {  	[tilespmem:v5+s22+$0x0] =	vst.idx.msk $0xffff, v4  }
0x258: {  	v4 =	vld.idx.msk [tilespmem:v6+s16+$0x0], $0xffff;
	_ =	sdelay $0x1  }
0x259: {  	v5 =	vor.u32 s19, v26  }
0x25a: {  	v6 =	vor.u32 v34, v2;
	_ =	sdelay $0x1  }
0x25b: {  	v4 =	vmul.f32 v4, v3;
	_ =	sdelay $0x1  }
0x25c: {  	[tilespmem:v5+s22+$0x0] =	vst.idx.msk $0xffff, v4  }
0x25d: {  	v4 =	vld.idx.msk [tilespmem:v6+s16+$0x0], $0xffff;
	_ =	sdelay $0x1  }
0x25e: {  	v5 =	vor.u32 s19, v28  }
0x25f: {  	v6 =	vor.u32 v49, v2;
	_ =	sdelay $0x1  }
0x260: {  	v4 =	vmul.f32 v4, v3;
	_ =	sdelay $0x1  }
0x261: {  	[tilespmem:v5+s22+$0x0] =	vst.idx.msk $0xffff, v4  }
0x262: {  	v4 =	vld.idx.msk [tilespmem:v6+s16+$0x0], $0xffff;
	_ =	sdelay $0x1  }
0x263: {  	v5 =	vor.u32 s19, v31  }
0x264: {  	v6 =	vor.u32 v50, v2;
	_ =	sdelay $0x1  }
0x265: {  	v4 =	vmul.f32 v4, v3;
	_ =	sdelay $0x1  }
0x266: {  	[tilespmem:v5+s22+$0x0] =	vst.idx.msk $0xffff, v4  }
0x267: {  	v4 =	vld.idx.msk [tilespmem:v6+s16+$0x0], $0xffff;
	_ =	sdelay $0x1  }
0x268: {  	v5 =	vor.u32 s19, v41  }
0x269: {  	v6 =	vor.u32 v51, v2;
	_ =	sdelay $0x1  }
0x26a: {  	v4 =	vmul.f32 v4, v3;
	_ =	sdelay $0x1  }
0x26b: {  	[tilespmem:v5+s22+$0x0] =	vst.idx.msk $0xffff, v4  }
0x26c: {  	v4 =	vld.idx.msk [tilespmem:v6+s16+$0x0], $0xffff;
	_ =	sdelay $0x1  }
0x26d: {  	v5 =	vor.u32 s19, v1  }
0x26e: {  	v6 =	vor.u32 v39, v2;
	_ =	sdelay $0x1  }
0x26f: {  	v4 =	vmul.f32 v4, v3;
	_ =	sdelay $0x1  }
0x270: {  	[tilespmem:v5+s22+$0x0] =	vst.idx.msk $0xffff, v4  }
0x271: {  	v4 =	vld.idx.msk [tilespmem:v6+s16+$0x0], $0xffff;
	_ =	sdelay $0x1  }
0x272: {  	v5 =	vor.u32 s19, v61  }
0x273: {  	v6 =	vor.u32 v40, v2;
	_ =	sdelay $0x1  }
0x274: {  	v4 =	vmul.f32 v4, v3;
	_ =	sdelay $0x1  }
0x275: {  	[tilespmem:v5+s22+$0x0] =	vst.idx.msk $0xffff, v4  }
0x276: {  	v4 =	vld.idx.msk [tilespmem:v6+s16+$0x0], $0xffff;
	_ =	sdelay $0x1  }
0x277: {  	v5 =	vor.u32 s19, v33  }
0x278: {  	v6 =	vor.u32 v0, v2;
	_ =	sdelay $0x1  }
0x279: {  	v4 =	vmul.f32 v4, v3;
	_ =	sdelay $0x1  }
0x27a: {  	[tilespmem:v5+s22+$0x0] =	vst.idx.msk $0xffff, v4  }
0x27b: {  	v4 =	vld.idx.msk [tilespmem:v6+s16+$0x0], $0xffff;
	_ =	sdelay $0x1  }
0x27c: {  	v5 =	vor.u32 s19, v60  }
0x27d: {  	v2 =	vor.u32 v42, v2;
	_ =	sdelay $0x1  }
0x27e: {  	v4 =	vmul.f32 v4, v3;
	_ =	sdelay $0x1  }
0x27f: {  	s0 =	smov.u32 s20;
	[tilespmem:v5+s22+$0x0] =	vst.idx.msk $0xffff, v4  }
0x280: {  	v4 =	vmov s0;
	v6 =	vld.idx.msk [tilespmem:v2+s16+$0x0], $0xffff  }
0x281: {  	v2 =	vshll.u32 v4, $0x5;
	v4 =	vld [tilespmem:$0x1FF10];
	_ =	sdelay $0x2  }
.Ltmp0:
0x282: {  	_ = 	snop;
	(pc) =	sbr.rel @p0 .LBB2_3-.Ltmp0, $4  }
0x283: {  	_ = 	snop  }
0x284: {  	v2 =	vor.u32 v4, v2  }
0x285: {  	v4 =	vlaneseq.u32;
	v2 =	vadd.s32 v35, v2  }
0x286: {  	v5 =	vor.u32 s19, v63;
	s19 =	smov.u32 s18;
	v3 =	vmul.f32 v6, v3;
	v4 =	vor.u32 v4, v2  }
0x287: {  	_ =	sdelay $0x3  }
0x288: {  	s1 =	sadd.s32 $0x80, s1;
	[tilespmem:v5+s22+$0x0] =	vst.idx.msk $0xffff, v3  }
0x289: {  	s18 =	sadd.s32 $0x10, s26;
	s1 =	sand.u32 $0xC00, s1;
	v4 =	vld.idx.msk [tilespmem:v4+s16+$0x0], $0xffff  }
0x28a: {  	s0 =	sand.u32 $0x70, s0;
	v3 =	vld [tilespmem:s18+$0x0];
	s1 =	sor.u32 s31, s1  }
0x28b: {  	s0 =	sor.u32 s0, s1  }
0x28c: {  	v5 =	vor.u32 s0, v52  }
0x28d: {  	v6 =	vor.u32 v54, v2;
	_ =	sdelay $0x1  }
0x28e: {  	v4 =	vmul.f32 v4, v3;
	_ =	sdelay $0x1  }
0x28f: {  	[tilespmem:v5+s22+$0x0] =	vst.idx.msk $0xffff, v4  }
0x290: {  	v4 =	vld.idx.msk [tilespmem:v6+s16+$0x0], $0xffff;
	_ =	sdelay $0x1  }
0x291: {  	v5 =	vor.u32 s0, v9  }
0x292: {  	v6 =	vor.u32 v10, v2;
	_ =	sdelay $0x1  }
0x293: {  	v4 =	vmul.f32 v4, v3;
	_ =	sdelay $0x1  }
0x294: {  	[tilespmem:v5+s22+$0x0] =	vst.idx.msk $0xffff, v4  }
0x295: {  	v4 =	vld.idx.msk [tilespmem:v6+s16+$0x0], $0xffff;
	_ =	sdelay $0x1  }
0x296: {  	v5 =	vor.u32 s0, v11  }
0x297: {  	v6 =	vor.u32 v58, v2;
	_ =	sdelay $0x1  }
0x298: {  	v4 =	vmul.f32 v4, v3;
	_ =	sdelay $0x1  }
0x299: {  	[tilespmem:v5+s22+$0x0] =	vst.idx.msk $0xffff, v4  }
0x29a: {  	v4 =	vld.idx.msk [tilespmem:v6+s16+$0x0], $0xffff;
	_ =	sdelay $0x1  }
0x29b: {  	v5 =	vor.u32 s0, v13  }
0x29c: {  	v6 =	vor.u32 v14, v2;
	_ =	sdelay $0x1  }
0x29d: {  	v4 =	vmul.f32 v4, v3;
	_ =	sdelay $0x1  }
0x29e: {  	[tilespmem:v5+s22+$0x0] =	vst.idx.msk $0xffff, v4  }
0x29f: {  	v4 =	vld.idx.msk [tilespmem:v6+s16+$0x0], $0xffff;
	_ =	sdelay $0x1  }
0x2a0: {  	v5 =	vor.u32 s0, v15  }
0x2a1: {  	v6 =	vor.u32 v16, v2;
	_ =	sdelay $0x1  }
0x2a2: {  	v4 =	vmul.f32 v4, v3;
	_ =	sdelay $0x1  }
0x2a3: {  	[tilespmem:v5+s22+$0x0] =	vst.idx.msk $0xffff, v4  }
0x2a4: {  	v4 =	vld.idx.msk [tilespmem:v6+s16+$0x0], $0xffff;
	_ =	sdelay $0x1  }
0x2a5: {  	v5 =	vor.u32 s0, v62  }
0x2a6: {  	v6 =	vor.u32 v18, v2;
	_ =	sdelay $0x1  }
0x2a7: {  	v4 =	vmul.f32 v4, v3;
	_ =	sdelay $0x1  }
0x2a8: {  	[tilespmem:v5+s22+$0x0] =	vst.idx.msk $0xffff, v4  }
0x2a9: {  	v4 =	vld.idx.msk [tilespmem:v6+s16+$0x0], $0xffff;
	_ =	sdelay $0x1  }
0x2aa: {  	v5 =	vor.u32 s0, v19  }
0x2ab: {  	v6 =	vor.u32 v59, v2;
	_ =	sdelay $0x1  }
0x2ac: {  	v4 =	vmul.f32 v4, v3;
	_ =	sdelay $0x1  }
0x2ad: {  	[tilespmem:v5+s22+$0x0] =	vst.idx.msk $0xffff, v4  }
0x2ae: {  	v4 =	vld.idx.msk [tilespmem:v6+s16+$0x0], $0xffff;
	_ =	sdelay $0x1  }
0x2af: {  	v5 =	vor.u32 s0, v21  }
0x2b0: {  	v6 =	vor.u32 v37, v2;
	_ =	sdelay $0x1  }
0x2b1: {  	v4 =	vmul.f32 v4, v3;
	_ =	sdelay $0x1  }
0x2b2: {  	[tilespmem:v5+s22+$0x0] =	vst.idx.msk $0xffff, v4  }
0x2b3: {  	v4 =	vld.idx.msk [tilespmem:v6+s16+$0x0], $0xffff;
	_ =	sdelay $0x1  }
0x2b4: {  	v5 =	vor.u32 s0, v23  }
0x2b5: {  	v6 =	vor.u32 v24, v2;
	_ =	sdelay $0x1  }
0x2b6: {  	v4 =	vmul.f32 v4, v3;
	_ =	sdelay $0x1  }
0x2b7: {  	[tilespmem:v5+s22+$0x0] =	vst.idx.msk $0xffff, v4  }
0x2b8: {  	v4 =	vld.idx.msk [tilespmem:v6+s16+$0x0], $0xffff;
	_ =	sdelay $0x1  }
0x2b9: {  	v5 =	vor.u32 s0, v25  }
0x2ba: {  	v6 =	vor.u32 v38, v2;
	_ =	sdelay $0x1  }
0x2bb: {  	v4 =	vmul.f32 v4, v3;
	_ =	sdelay $0x1  }
0x2bc: {  	[tilespmem:v5+s22+$0x0] =	vst.idx.msk $0xffff, v4  }
0x2bd: {  	v4 =	vld.idx.msk [tilespmem:v6+s16+$0x0], $0xffff;
	_ =	sdelay $0x1  }
0x2be: {  	v5 =	vor.u32 s0, v27  }
0x2bf: {  	v6 =	vor.u32 v29, v2;
	_ =	sdelay $0x1  }
0x2c0: {  	v4 =	vmul.f32 v4, v3;
	_ =	sdelay $0x1  }
0x2c1: {  	[tilespmem:v5+s22+$0x0] =	vst.idx.msk $0xffff, v4  }
0x2c2: {  	v4 =	vld.idx.msk [tilespmem:v6+s16+$0x0], $0xffff;
	_ =	sdelay $0x1  }
0x2c3: {  	v5 =	vor.u32 s0, v30  }
0x2c4: {  	v6 =	vor.u32 v53, v2;
	_ =	sdelay $0x1  }
0x2c5: {  	v4 =	vmul.f32 v4, v3;
	_ =	sdelay $0x1  }
0x2c6: {  	[tilespmem:v5+s22+$0x0] =	vst.idx.msk $0xffff, v4  }
0x2c7: {  	v4 =	vld.idx.msk [tilespmem:v6+s16+$0x0], $0xffff;
	_ =	sdelay $0x1  }
0x2c8: {  	v5 =	vor.u32 s0, v32  }
0x2c9: {  	v6 =	vor.u32 v7, v2;
	_ =	sdelay $0x1  }
0x2ca: {  	v4 =	vmul.f32 v4, v3;
	_ =	sdelay $0x1  }
0x2cb: {  	[tilespmem:v5+s22+$0x0] =	vst.idx.msk $0xffff, v4  }
0x2cc: {  	v4 =	vld.idx.msk [tilespmem:v6+s16+$0x0], $0xffff;
	_ =	sdelay $0x1  }
0x2cd: {  	v5 =	vor.u32 s0, v8  }
0x2ce: {  	v6 =	vor.u32 v43, v2;
	_ =	sdelay $0x1  }
0x2cf: {  	v4 =	vmul.f32 v4, v3;
	_ =	sdelay $0x1  }
0x2d0: {  	[tilespmem:v5+s22+$0x0] =	vst.idx.msk $0xffff, v4  }
0x2d1: {  	v4 =	vld.idx.msk [tilespmem:v6+s16+$0x0], $0xffff;
	_ =	sdelay $0x1  }
0x2d2: {  	v5 =	vor.u32 s0, v20  }
0x2d3: {  	v6 =	vor.u32 v12, v2;
	_ =	sdelay $0x1  }
0x2d4: {  	v4 =	vmul.f32 v4, v3;
	_ =	sdelay $0x1  }
0x2d5: {  	[tilespmem:v5+s22+$0x0] =	vst.idx.msk $0xffff, v4  }
0x2d6: {  	v4 =	vld.idx.msk [tilespmem:v6+s16+$0x0], $0xffff;
	_ =	sdelay $0x1  }
0x2d7: {  	v5 =	vor.u32 s0, v22  }
0x2d8: {  	v6 =	vor.u32 v47, v2;
	_ =	sdelay $0x1  }
0x2d9: {  	v4 =	vmul.f32 v4, v3;
	_ =	sdelay $0x1  }
0x2da: {  	[tilespmem:v5+s22+$0x0] =	vst.idx.msk $0xffff, v4  }
0x2db: {  	v4 =	vld.idx.msk [tilespmem:v6+s16+$0x0], $0xffff;
	_ =	sdelay $0x1  }
0x2dc: {  	v5 =	vor.u32 s0, v17  }
0x2dd: {  	v6 =	vor.u32 v55, v2;
	_ =	sdelay $0x1  }
0x2de: {  	v4 =	vmul.f32 v4, v3;
	_ =	sdelay $0x1  }
0x2df: {  	v35 =	vld [tilespmem:$0x1FF30];
	[tilespmem:v5+s22+$0x0] =	vst.idx.msk $0xffff, v4  }
0x2e0: {  	v4 =	vld.idx.msk [tilespmem:v6+s16+$0x0], $0xffff  }
0x2e1: {  	v6 =	vld [tilespmem:$0x1FD00];
	_ =	sdelay $0x3  }
0x2e2: {  	v5 =	vor.u32 s0, v35  }
0x2e3: {  	v6 =	vor.u32 v6, v2;
	_ =	sdelay $0x1  }
0x2e4: {  	v4 =	vmul.f32 v4, v3;
	_ =	sdelay $0x1  }
0x2e5: {  	v8 =	vld [tilespmem:$0x1FF40];
	[tilespmem:v5+s22+$0x0] =	vst.idx.msk $0xffff, v4  }
0x2e6: {  	v4 =	vld.idx.msk [tilespmem:v6+s16+$0x0], $0xffff  }
0x2e7: {  	v6 =	vld [tilespmem:$0x1FD10];
	_ =	sdelay $0x3  }
0x2e8: {  	v5 =	vor.u32 s0, v8  }
0x2e9: {  	v6 =	vor.u32 v6, v2;
	_ =	sdelay $0x1  }
0x2ea: {  	v7 =	vld [tilespmem:$0x1FF50];
	v4 =	vmul.f32 v4, v3;
	_ =	sdelay $0x1  }
0x2eb: {  	[tilespmem:v5+s22+$0x0] =	vst.idx.msk $0xffff, v4  }
0x2ec: {  	v4 =	vld.idx.msk [tilespmem:v6+s16+$0x0], $0xffff;
	_ =	sdelay $0x1  }
0x2ed: {  	v5 =	vor.u32 s0, v7  }
0x2ee: {  	v6 =	vor.u32 v46, v2;
	_ =	sdelay $0x1  }
0x2ef: {  	v4 =	vmul.f32 v4, v3;
	_ =	sdelay $0x1  }
0x2f0: {  	[tilespmem:v5+s22+$0x0] =	vst.idx.msk $0xffff, v4  }
0x2f1: {  	v4 =	vld.idx.msk [tilespmem:v6+s16+$0x0], $0xffff;
	_ =	sdelay $0x1  }
0x2f2: {  	v5 =	vor.u32 s0, v56  }
0x2f3: {  	v6 =	vor.u32 v57, v2;
	_ =	sdelay $0x1  }
0x2f4: {  	v4 =	vmul.f32 v4, v3;
	_ =	sdelay $0x1  }
0x2f5: {  	[tilespmem:v5+s22+$0x0] =	vst.idx.msk $0xffff, v4  }
0x2f6: {  	v4 =	vld.idx.msk [tilespmem:v6+s16+$0x0], $0xffff;
	_ =	sdelay $0x1  }
0x2f7: {  	v5 =	vor.u32 s0, v44  }
0x2f8: {  	v6 =	vor.u32 v45, v2;
	_ =	sdelay $0x1  }
0x2f9: {  	v4 =	vmul.f32 v4, v3;
	_ =	sdelay $0x1  }
0x2fa: {  	[tilespmem:v5+s22+$0x0] =	vst.idx.msk $0xffff, v4  }
0x2fb: {  	v4 =	vld.idx.msk [tilespmem:v6+s16+$0x0], $0xffff;
	_ =	sdelay $0x1  }
0x2fc: {  	v5 =	vor.u32 s0, v48  }
0x2fd: {  	v6 =	vor.u32 v36, v2;
	_ =	sdelay $0x1  }
0x2fe: {  	v4 =	vmul.f32 v4, v3;
	_ =	sdelay $0x1  }
0x2ff: {  	[tilespmem:v5+s22+$0x0] =	vst.idx.msk $0xffff, v4  }
0x300: {  	v4 =	vld.idx.msk [tilespmem:v6+s16+$0x0], $0xffff;
	_ =	sdelay $0x1  }
0x301: {  	v5 =	vor.u32 s0, v26  }
0x302: {  	v6 =	vor.u32 v34, v2;
	_ =	sdelay $0x1  }
0x303: {  	v4 =	vmul.f32 v4, v3;
	_ =	sdelay $0x1  }
0x304: {  	[tilespmem:v5+s22+$0x0] =	vst.idx.msk $0xffff, v4  }
0x305: {  	v4 =	vld.idx.msk [tilespmem:v6+s16+$0x0], $0xffff;
	_ =	sdelay $0x1  }
0x306: {  	v5 =	vor.u32 s0, v28  }
0x307: {  	v6 =	vor.u32 v49, v2;
	_ =	sdelay $0x1  }
0x308: {  	v4 =	vmul.f32 v4, v3;
	_ =	sdelay $0x1  }
0x309: {  	[tilespmem:v5+s22+$0x0] =	vst.idx.msk $0xffff, v4  }
0x30a: {  	v4 =	vld.idx.msk [tilespmem:v6+s16+$0x0], $0xffff;
	_ =	sdelay $0x1  }
0x30b: {  	v5 =	vor.u32 s0, v31  }
0x30c: {  	v6 =	vor.u32 v50, v2;
	_ =	sdelay $0x1  }
0x30d: {  	v4 =	vmul.f32 v4, v3;
	_ =	sdelay $0x1  }
0x30e: {  	[tilespmem:v5+s22+$0x0] =	vst.idx.msk $0xffff, v4  }
0x30f: {  	v4 =	vld.idx.msk [tilespmem:v6+s16+$0x0], $0xffff;
	_ =	sdelay $0x1  }
0x310: {  	v5 =	vor.u32 s0, v41  }
0x311: {  	v6 =	vor.u32 v51, v2;
	_ =	sdelay $0x1  }
0x312: {  	v4 =	vmul.f32 v4, v3;
	_ =	sdelay $0x1  }
0x313: {  	[tilespmem:v5+s22+$0x0] =	vst.idx.msk $0xffff, v4  }
0x314: {  	v4 =	vld.idx.msk [tilespmem:v6+s16+$0x0], $0xffff;
	_ =	sdelay $0x1  }
0x315: {  	v5 =	vor.u32 s0, v1  }
0x316: {  	v6 =	vor.u32 v39, v2;
	_ =	sdelay $0x1  }
0x317: {  	v4 =	vmul.f32 v4, v3;
	_ =	sdelay $0x1  }
0x318: {  	[tilespmem:v5+s22+$0x0] =	vst.idx.msk $0xffff, v4  }
0x319: {  	v4 =	vld.idx.msk [tilespmem:v6+s16+$0x0], $0xffff;
	_ =	sdelay $0x1  }
0x31a: {  	v5 =	vor.u32 s0, v61  }
0x31b: {  	v6 =	vor.u32 v40, v2;
	_ =	sdelay $0x1  }
0x31c: {  	v4 =	vmul.f32 v4, v3;
	_ =	sdelay $0x1  }
0x31d: {  	[tilespmem:v5+s22+$0x0] =	vst.idx.msk $0xffff, v4  }
0x31e: {  	v4 =	vld.idx.msk [tilespmem:v6+s16+$0x0], $0xffff;
	_ =	sdelay $0x1  }
0x31f: {  	v5 =	vor.u32 s0, v33  }
0x320: {  	v0 =	vor.u32 v0, v2;
	_ =	sdelay $0x1  }
0x321: {  	v4 =	vmul.f32 v4, v3;
	_ =	sdelay $0x1  }
0x322: {  	[tilespmem:v5+s22+$0x0] =	vst.idx.msk $0xffff, v4  }
0x323: {  	v0 =	vld.idx.msk [tilespmem:v0+s16+$0x0], $0xffff;
	_ =	sdelay $0x1  }
0x324: {  	v4 =	vor.u32 s0, v60  }
0x325: {  	v1 =	vor.u32 v42, v2;
	_ =	sdelay $0x1  }
0x326: {  	v0 =	vmul.f32 v0, v3;
	_ =	sdelay $0x1  }
0x327: {  	[tilespmem:v4+s22+$0x0] =	vst.idx.msk $0xffff, v0  }
0x328: {  	v0 =	vld.idx.msk [tilespmem:v1+s16+$0x0], $0xffff;
	_ =	sdelay $0x1  }
0x329: {  	v1 =	vor.u32 s0, v63;
	_ =	sdelay $0x2  }
0x32a: {  	s20 =	sshll.u32 s28, $0x10;
	v0 =	vmul.f32 v0, v3  }
0x32b: {  	s0 =	sor.u32 s7, s20  }
0x32c: {  	s26 =	sadd.s32 $0xE800, s31;
	s21 =	sadd.s32 s2, s0;
	[tilespmem:v1+s22+$0x0] =	vst.idx.msk $0xffff, v0  }
0x32d: {  	[hbm4b:s21+s3] =	stream.linear.scatter [tilespmem:s26], [sflag:s30], $0x1000, $0x38;
	[tilespmem:$0x16800] =	vst v63  }
0x32e: {  	p0 =	sne.s32 s29, $0x1A;
	s20 =	sadd.s32 $0xF800, s31;
	s19 =	sadd.s32 s0, s8  }
0x32f: {  	[hbm4b:s19+s3] =	stream.linear.scatter [tilespmem:s20], [sflag:s30], $0x1000, $0x38;
	[tilespmem:$0x16800] =	vst v63  }
.Ltmp1:
0x330: {  	v52 =	vmov v37;
	v15 =	vmov v62;
	v57 =	vmov v26;
	(pc) =	sbr.rel @p0 .LBB2_2-.Ltmp1, $4  }
0x331: {  	s17 =	sadd.s32 $0x200, s17;
	v62 =	vmovc v59;
	v59 =	vmovc v29;
	v37 =	vmov v38;
	v46 =	vmov v30;
	v10 =	vmov v57;
	s21 =	sadd.s32 s0, s9;
	s26 =	sor.u32 $0x10800, s31  }
0x332: {  	v45 =	vmovc v14;
	v36 =	vld [tilespmem:$0x1FFB0];
	v26 =	vmovc v28;
	v49 =	vmov v21;
	v50 =	vmov v16;
	v16 =	vmov v8;
	[hbm4b:s21+s3] =	stream.linear.scatter [tilespmem:s26], [sflag:s30], $0x1000, $0x38  }
0x333: {  	s28 =	smov.u32 s29;
	v51 =	vmovc v32;
	v42 =	vmovc v27;
	v27 =	vmov v26;
	v39 =	vld [tilespmem:$0x1FFA0];
	v40 =	vmov v24;
	v24 =	vmov v31;
	s0 =	sadd.s32 s0, s10;
	s31 =	sor.u32 $0x11800, s31  }
0x334: {  	v6 =	vmovc v35;
	v60 =	vmovc v18;
	v18 =	vmov v7;
	v63 =	vmov v53;
	v3 =	vlaneseq.u32;
	v1 =	vld [tilespmem:$0x1FF10];
	[hbm4b:s0+s3] =	stream.linear.scatter [tilespmem:s31], [sflag:s30], $0x1000, $0x38  }
0x335: {  	_ =	swait.ge [sflag:s23], $0x1000  }
0x336: {  	[sflag:s23] =	ssyncset.done $0x0  }
0x337: {  	[sflag:s23] =	ssyncadd.s32 $0xFFFFF000  }
0x338: {  	_ =	swait.ge [sflag:s23], $0x1000  }
0x339: {  	[sflag:s23] =	ssyncset.done $0x0  }
0x33a: {  	[sflag:s23] =	ssyncadd.s32 $0xFFFFF000  }
0x33b: {  	_ =	swait.ge [sflag:s23], $0x1000  }
0x33c: {  	[sflag:s23] =	ssyncset.done $0x0  }
0x33d: {  	[sflag:s23] =	ssyncadd.s32 $0xFFFFF000  }
0x33e: {  	_ =	swait.ge [sflag:s23], $0x1000  }
0x33f: {  	[sflag:s23] =	ssyncset.done $0x0  }
0x340: {  	[sflag:s23] =	ssyncadd.s32 $0xFFFFF000  }
0x341: {  	_ =	swait.ge [sflag:s24], $0x1000  }
0x342: {  	[sflag:s24] =	ssyncset.done $0x0  }
0x343: {  	[sflag:s24] =	ssyncadd.s32 $0xFFFFF000  }
0x344: {  	_ =	swait.ge [sflag:s24], $0x1000  }
0x345: {  	[sflag:s24] =	ssyncset.done $0x0  }
0x346: {  	s25 =	sadd.s32 $0x1, s25;
	[sflag:s24] =	ssyncadd.s32 $0xFFFFF000  }
0x347: {  	p0 =	sne.s32 s25, s11;
	_ =	swait.ge [sflag:s24], $0x1000  }
.Ltmp2:
0x348: {  	[sflag:s24] =	ssyncset.done $0x0;
	(pc) =	sbr.rel @p0 .LBB2_1-.Ltmp2, $4  }
0x349: {  	[sflag:s24] =	ssyncadd.s32 $0xFFFFF000  }
0x34a: {  	_ =	swait.ge [sflag:s24], $0x1000  }
0x34b: {  	[sflag:s24] =	ssyncset.done $0x0  }
0x34c: {  	[sflag:s24] =	ssyncadd.s32 $0xFFFFF000  }
0x34d: {  	_ =	sfence.sel $0x180000  }
0x34e: {  	[bflag:$0x0] =	sbarrier.arrive $0xFFFF  }
0x34f: {  	_ =	strace $0x9000004A  }
0x350: {  	s0 =	stileid.u32;
	[bflag:$0x2] =	sbarrier.arrive $0xFFFF  }
0x351: {  	p0 =	sne.s32 s0, $0x0;
	s0 =	rddreg [dreg:$0x2]  }
0x352: {  	s0 =	sadd.s32 @!p0 $0x100000, s0  }
0x353: {  	[sflag:s0] =	ssyncadd.tile.s32 @!p0 $0x1;
	_ =	shalt  }
.Lfunc_end2:
_tile_overlayer_lowered:
.L_overlay_start_2:
0x354: {  	(tag) =	ssettag $0x2  }
0x355: {  	s0 =	rddreg [dreg:$0x0];
	s2 =	stileid.u32  }
0x356: {  	s1 =	rddreg [dreg:$0x1];
	p0 =	sne.s32 s2, $0x0  }
0x357: {  	s3 =	rddreg [dreg:$0x2];
	[bflag:$0x3] =	sbarrier.arrive $0xFFFF;
	s2 =	simm.s32 @!p0 $0x1C05  }
0x358: {  	[timem:s3], [sflag:s2] =	dma.local @!p0 [hbm:s0], s1  }
0x359: {  	s0 =	simm.s32 @!p0 $0x5  }
0x35a: {  	_ =	swait.ge @!p0 [sflag:s0], s1  }
0x35b: {  	s1 =	ssub.s32 @!p0 $0x0, s1;
	[sflag:s0] =	ssyncset.done @!p0 $0x0  }
0x35c: {  	[sflag:s0] =	ssyncadd.s32 @!p0 s1  }
0x35d: {  	[bflag:$0x3] =	sbarrier.arrive $0xFFFF  }
0x35e: {  	_ =	shalt  }

</sc_bundles>
